<compile_context>
chip_gen: v7x
topology: tpu7x:2x2x1
jax: 0.10.2.dev20260603
libtpu: 0.0.44.dev20260713+nightly
codegen_flags: <defaults>
</compile_context>

<pallas_src>
import functools

import jax
import jax.numpy as jnp
from jax import lax
from jax.experimental import pallas as pl
from jax.experimental.pallas import tpu as pltpu
from jax.experimental.pallas import tpu_sc as plsc

N = 100000
E = 1600000
BS = 2048
NB = 49
NPAD = NB * BS
NW = 32
MB = 128
K = 8
TPT = 392
EPAD = NW * TPT * MB


def _edge_pass_grid(table, srcb, dstb, feat):
  vec = (NPAD, feat) if feat else (NPAD,)
  val_shape = (MB, feat) if feat else (MB,)
  rows_pb = K
  rows_pt = NPAD // 16
  nchunk = 16 if feat else 8
  zchunk = rows_pt // nchunk

  mesh = plsc.VectorSubcoreMesh(core_axis_name="c", subcore_axis_name="s")

  @functools.partial(
      pl.kernel,
      out_type=jax.ShapeDtypeStruct((2,) + vec, jnp.float32),
      mesh=mesh,
      compiler_params=pltpu.CompilerParams(use_tc_tiling_on_sc=False),
      scratch_types=(
          [pltpu.VMEM_SHARED(vec, jnp.float32)]
          + [pltpu.VMEM((2, K, MB), jnp.int32) for _ in range(2)]
          + [pltpu.VMEM(val_shape, jnp.float32) for _ in range(K)]
          + [pltpu.VMEM((zchunk, feat) if feat else (zchunk,), jnp.float32)]
          + [pltpu.SemaphoreType.DMA] * 3
      ),
  )
  def kfn(table_ref, src_ref, dst_ref, out_ref, acc, *rest):
    sidx, didx = rest[0], rest[1]
    vals = rest[2:2 + K]
    bounce = rest[2 + K]
    isem = rest[3 + K]
    gsem = rest[4 + K]
    ssem = rest[5 + K]
    cid = lax.axis_index("c")
    sid = lax.axis_index("s")
    wid = cid * 16 + sid

    def _zero(i, _):
      if feat:
        bounce[i, :] = jnp.zeros((16,), jnp.float32)
      else:
        bounce[pl.ds(i * 16, 16)] = jnp.zeros((16,), jnp.float32)
      return _
    lax.fori_loop(0, zchunk if feat else zchunk // 16, _zero, None)
    row0 = sid * rows_pt
    for j in range(nchunk):
      pltpu.sync_copy(bounce, acc.at[pl.ds(row0 + j * zchunk, zchunk)])
    plsc.subcore_barrier()

    rbase = wid * TPT
    nblk = TPT // K
    pltpu.async_copy(src_ref.at[pl.ds(rbase, rows_pb)], sidx.at[0], isem)
    pltpu.async_copy(dst_ref.at[pl.ds(rbase, rows_pb)], didx.at[0], isem)

    def _blk(b, _):
      p = lax.rem(b, 2)
      r0 = rbase + b * rows_pb
      pltpu.make_async_copy(
          src_ref.at[pl.ds(r0, rows_pb)], sidx.at[p], isem).wait()
      pltpu.make_async_copy(
          dst_ref.at[pl.ds(r0, rows_pb)], didx.at[p], isem).wait()

      @pl.when(b < nblk - 1)
      def _():
        r1 = r0 + rows_pb
        pltpu.async_copy(src_ref.at[pl.ds(r1, rows_pb)], sidx.at[1 - p], isem)
        pltpu.async_copy(dst_ref.at[pl.ds(r1, rows_pb)], didx.at[1 - p], isem)

      descs = []
      for k in range(K):
        descs.append(
            pltpu.async_copy(table_ref.at[sidx.at[p, k]], vals[k], gsem))
      sdescs = []
      for k in range(K):
        descs[k].wait()
        sdescs.append(pltpu.async_copy(
            vals[k],
            acc.at[plsc.Indices(didx.at[p, k], ignored_value=-1)],
            ssem,
            add=True,
        ))
      for k in range(K):
        sdescs[k].wait()
      return _
    lax.fori_loop(0, nblk, _blk, None)
    plsc.subcore_barrier()

    for j in range(nchunk):
      r = row0 + j * zchunk
      pltpu.sync_copy(acc.at[pl.ds(r, zchunk)], bounce)
      pltpu.sync_copy(bounce, out_ref.at[cid, pl.ds(r, zchunk)])

  return kfn(table, srcb, dstb)


def _node_stage1(xpad, pa, pb, wvecs, consts):
  def body(x_ref, pa_ref, pb_ref, w_ref, c_ref, s_ref, a0_ref, inv_ref):
    xb = x_ref[...]
    p = pa_ref[...] + pb_ref[...]
    deg = p[:, 11]
    mask = deg > 0.5
    inv = jnp.where(mask, 1.0 / jnp.where(mask, deg, 1.0), 0.0)
    w = w_ref[...]
    c = c_ref[...]
    hu1 = jnp.sum(xb * w[0:1, :], axis=1) + c[0, 0] \
        + jnp.sum(p * w[1:2, :], axis=1) * inv
    hu2 = jnp.sum(xb * w[2:3, :], axis=1) + c[0, 1] \
        + jnp.sum(p * w[3:4, :], axis=1) * inv
    hu1 = jnp.where(mask, hu1, 0.0)
    hu2 = jnp.where(mask, hu2, 0.0)
    s_ref[...] = (hu2 + c[0, 3]).reshape(1, 1, BS)
    a0_ref[...] = (hu1 + c[0, 2]).reshape(1, 1, BS)
    inv_ref[...] = inv.reshape(1, 1, BS)

  out = jax.ShapeDtypeStruct((NB, 1, BS), jnp.float32)
  return pl.pallas_call(
      body,
      grid=(NB,),
      in_specs=[
          pl.BlockSpec((BS, 16), lambda i: (i, 0)),
          pl.BlockSpec((BS, 16), lambda i: (i, 0)),
          pl.BlockSpec((BS, 16), lambda i: (i, 0)),
          pl.BlockSpec((4, 16), lambda i: (0, 0)),
          pl.BlockSpec((1, 16), lambda i: (0, 0)),
      ],
      out_specs=[
          pl.BlockSpec((1, 1, BS), lambda i: (i, 0, 0)),
          pl.BlockSpec((1, 1, BS), lambda i: (i, 0, 0)),
          pl.BlockSpec((1, 1, BS), lambda i: (i, 0, 0)),
      ],
      out_shape=[out, out, out],
  )(xpad.reshape(NPAD, 16), pa, pb, wvecs, consts)


def _node_stage2(a0, inv, qa, qb, batch2, consts):
  def body(a0_ref, inv_ref, qa_ref, qb_ref, b_ref, c_ref, out_ref):
    i = pl.program_id(0)
    inv = inv_ref[...].reshape(1, BS)
    val = jnp.where(
        inv > 0.0,
        a0_ref[...].reshape(1, BS)
        + (qa_ref[...].reshape(1, BS) + qb_ref[...].reshape(1, BS)) * inv,
        0.0,
    ) + c_ref[0, 0]
    bids = b_ref[...].reshape(1, BS)
    seg = lax.broadcasted_iota(jnp.int32, (64, BS), 0)
    masked = jnp.where(bids == seg, val, -jnp.inf)
    part = jnp.max(masked, axis=1, keepdims=True)

    @pl.when(i == 0)
    def _():
      out_ref[...] = jnp.full((64, 1), -jnp.inf, jnp.float32)
    out_ref[...] = jnp.maximum(out_ref[...], part)

  spec = pl.BlockSpec((1, 1, BS), lambda i: (i, 0, 0))
  return pl.pallas_call(
      body,
      grid=(NB,),
      in_specs=[spec, spec, spec, spec, spec,
                pl.BlockSpec((1, 16), lambda i: (0, 0))],
      out_specs=pl.BlockSpec((64, 1), lambda i: (0, 0)),
      out_shape=jax.ShapeDtypeStruct((64, 1), jnp.float32),
  )(a0, inv, qa, qb, batch2, consts)


def kernel(x, edge_index, batch, W_vertex, b_vertex, W_edge1, b_edge1,
           W_x, b_x, W_edge2, b_edge2, W_out, b_out):
  f32 = jnp.float32
  hdot = functools.partial(jnp.dot, precision=jax.lax.Precision.HIGHEST)
  wo = W_out[:, 0]
  w1 = hdot(W_edge2[:64], wo)
  w2 = hdot(W_edge2[64:], wo)
  u1 = hdot(W_x, w1)
  u2 = hdot(W_x, w2)

  def vecs(u):
    a1u = hdot(W_edge1[:64], u)
    b1u = hdot(W_edge1[64:128], u)
    p = hdot(W_vertex, a1u).at[9:11].add(hdot(W_edge1[128:130], u))
    q = hdot(W_vertex, b1u).at[9:11].add(hdot(W_edge1[130:132], u))
    pv = jnp.concatenate([p, jnp.zeros((5,), f32)])
    qv = jnp.concatenate([q, hdot(b_vertex, b1u)[None],
                          jnp.zeros((4,), f32)])
    cu = hdot(b_vertex, a1u) + hdot(b_edge1, u)
    return pv, qv, cu

  pv1, qv1, c1 = vecs(u1)
  pv2, qv2, c2 = vecs(u2)
  wvecs = jnp.stack([pv1, qv1, pv2, qv2])
  e1g = hdot(b_x, w1) + hdot(b_edge2, wo)
  e2 = hdot(b_x, w2)
  consts1 = jnp.zeros((1, 16), f32).at[0, :4].set(
      jnp.stack([c1, c2, e1g, e2]))
  consts2 = jnp.zeros((1, 16), f32).at[0, 0].set(b_out[0])

  xpad = jnp.concatenate(
      [x, jnp.ones((N, 1), f32), jnp.zeros((N, 4), f32)], axis=1)
  xpad = jnp.concatenate([xpad, jnp.zeros((NPAD - N, 16), f32)])
  src = jnp.concatenate(
      [edge_index[0], jnp.zeros((EPAD - E,), jnp.int32)]).reshape(-1, MB)
  dst = jnp.concatenate(
      [edge_index[1], jnp.full((EPAD - E,), -1, jnp.int32)]).reshape(-1, MB)
  batch2 = jnp.concatenate(
      [batch, jnp.full((NPAD - N,), 64, jnp.int32)]).reshape(NB, 1, BS)

  part1 = _edge_pass_grid(xpad, src, dst, 16)
  s2, a0, inv = _node_stage1(xpad, part1[0], part1[1], wvecs, consts1)
  part2 = _edge_pass_grid(s2.reshape(NPAD), src, dst, 0)
  return _node_stage2(a0, inv, part2[0].reshape(NB, 1, BS),
                      part2[1].reshape(NB, 1, BS), batch2, consts2)

# --- scband reference (transcript-rebuilt; emitter-appended) ---
"""Pipeline reference for scband-gnnreachability-net-44109314130516 (READ-ONLY COPY).

The authoritative reference and input builder live on the scoring server;
editing this copy changes nothing except your own understanding.
"""

import jax, jax.numpy as jnp
import numpy as np

N = 100000
E = 1600000
B = 64

def setup_inputs(seed: int = 0) -> dict:
    key = jax.random.key(seed)
    ks = jax.random.split(key, 12)
    x = jax.random.normal(ks[0], (N, 11), dtype=jnp.float32)
    edge_index = jax.random.randint(ks[1], (2, E), 0, N, dtype=jnp.int32)
    batch = jnp.sort(jax.random.randint(ks[2], (N,), 0, B, dtype=jnp.int32))
    s = 0.05
    W_vertex = jax.random.normal(ks[3], (11, 64), dtype=jnp.float32) * s
    b_vertex = jax.random.normal(ks[4], (64,), dtype=jnp.float32) * s
    W_edge1 = jax.random.normal(ks[5], (132, 128), dtype=jnp.float32) * s
    b_edge1 = jax.random.normal(ks[6], (128,), dtype=jnp.float32) * s
    W_x = jax.random.normal(ks[7], (128, 64), dtype=jnp.float32) * s
    b_x = jax.random.normal(ks[8], (64,), dtype=jnp.float32) * s
    W_edge2 = jax.random.normal(ks[9], (128, 64), dtype=jnp.float32) * s
    b_edge2 = jax.random.normal(ks[10], (64,), dtype=jnp.float32) * s
    W_out = jax.random.normal(ks[11], (64, 1), dtype=jnp.float32) * s
    b_out = jnp.zeros((1,), dtype=jnp.float32)
    return {"x": x, "edge_index": edge_index, "batch": batch,
            "W_vertex": W_vertex, "b_vertex": b_vertex,
            "W_edge1": W_edge1, "b_edge1": b_edge1,
            "W_x": W_x, "b_x": b_x,
            "W_edge2": W_edge2, "b_edge2": b_edge2,
            "W_out": W_out, "b_out": b_out}

def reference(x, edge_index, batch, W_vertex, b_vertex, W_edge1, b_edge1,
              W_x, b_x, W_edge2, b_edge2, W_out, b_out):
    src = edge_index[0]
    dst = edge_index[1]
    # FirstGraphNet: vertex_lin, then message = edge_lin(cat(x_i, x_j, col_i, col_j)), mean aggr to target
    f = x @ W_vertex + b_vertex          # [N, 64]
    col = x[:, 9:]                       # [N, 2]
    edge_in1 = jnp.concatenate([f[dst], f[src], col[dst], col[src]], axis=-1)  # [E, 132]
    msg1 = edge_in1 @ W_edge1 + b_edge1  # [E, 128]
    deg = jax.ops.segment_sum(jnp.ones((E,), dtype=jnp.float32), dst, num_segments=N)
    deg = jnp.maximum(deg, 1.0)[:, None]
    h = jax.ops.segment_sum(msg1, dst, num_segments=N) / deg  # [N, 128]
    # FinalGraphNet: x_lin, message = edge_lin(cat(x_i, x_j)), mean aggr, output_lin in update
    xv = h @ W_x + b_x                   # [N, 64]
    edge_in2 = jnp.concatenate([xv[dst], xv[src]], axis=-1)   # [E, 128]
    msg2 = edge_in2 @ W_edge2 + b_edge2  # [E, 64]
    agg2 = jax.ops.segment_sum(msg2, dst, num_segments=N) / deg  # [N, 64]
    out = agg2 @ W_out + b_out           # [N, 1]
    # global_max_pool over batch assignment
    return jax.ops.segment_max(out, batch, num_segments=B)  # [B, 1]

if __name__ == "__main__":
    import jax
    _d = setup_inputs()
    print(jax.jit(kernel)(*tuple(_d.values())))

</pallas_src>

<mosaic_0001>
#map = affine_map<(d0, d1) -> (0)>
#map1 = affine_map<(d0, d1) -> (0, 0)>
module attributes {stable_mosaic.version = 14 : i64} {
  func.func @kfn(%arg0: i32, %arg1: i32, %arg2: memref<100352xf32, #tpu.memory_space<hbm>>, %arg3: memref<12544x128xi32, #tpu.memory_space<hbm>>, %arg4: memref<12544x128xi32, #tpu.memory_space<hbm>>, %arg5: memref<2x100352xf32, #tpu.memory_space<hbm>>, %arg6: memref<100352xf32, #tpu.memory_space<vmem_shared>>, %arg7: memref<2x8x128xi32, #tpu.memory_space<vmem>>, %arg8: memref<2x8x128xi32, #tpu.memory_space<vmem>>, %arg9: memref<128xf32, #tpu.memory_space<vmem>>, %arg10: memref<128xf32, #tpu.memory_space<vmem>>, %arg11: memref<128xf32, #tpu.memory_space<vmem>>, %arg12: memref<128xf32, #tpu.memory_space<vmem>>, %arg13: memref<128xf32, #tpu.memory_space<vmem>>, %arg14: memref<128xf32, #tpu.memory_space<vmem>>, %arg15: memref<128xf32, #tpu.memory_space<vmem>>, %arg16: memref<128xf32, #tpu.memory_space<vmem>>, %arg17: memref<784xf32, #tpu.memory_space<vmem>>, %arg18: memref<!tpu.dma_semaphore, #tpu.memory_space<semaphore_mem>>, %arg19: memref<!tpu.dma_semaphore, #tpu.memory_space<semaphore_mem>>, %arg20: memref<!tpu.dma_semaphore, #tpu.memory_space<semaphore_mem>>) attributes {dimension_semantics = [#tpu.dimension_semantics<core_parallel>, #tpu.dimension_semantics<subcore_parallel>], iteration_bounds = array<i64: 2, 16>, scalar_prefetch = 0 : i64, scratch_operands = 15 : i64, tpu.core_type = #tpu.core_type<sc_vector_subcore>, window_params = [{transform_indices = #map}, {transform_indices = #map1}, {transform_indices = #map1}, {transform_indices = #map1}]} {
    %mul3A = arith.constant 16 : i32
    %mul3A_0 = arith.muli %arg0, %mul3A : i32
    %add3A = arith.addi %mul3A_0, %arg1 : i32
    %scan3A = arith.constant 0 : i32
    %scan3A_1 = arith.constant 49 : i32
    %scan3A_2 = arith.addi %scan3A, %scan3A_1 : i32
    %scan3A_3 = arith.constant 1 : i32
    scf.for %scan3A_72 = %scan3A to %scan3A_2 step %scan3A_3  : i32 {
      %broadcast_in_dim3A = arith.constant 0.000000e+00 : f32
      %broadcast_in_dim3A_73 = vector.broadcast %broadcast_in_dim3A : f32 to vector<16xf32>
      %mul3A_74 = arith.constant 16 : i32
      %mul3A_75 = arith.muli %scan3A_72, %mul3A_74 : i32
      %swap3A = arith.index_cast %mul3A_75 : i32 to index
      %swap3A_76 = tpu.vector_load %arg17[%swap3A] {strides = array<i32>} : memref<784xf32, #tpu.memory_space<vmem>>, vector<16xf32>,
      %swap3A_77 = vector.shape_cast %swap3A_76 : vector<16xf32> to vector<16xf32>
      %swap3A_78 = vector.shape_cast %broadcast_in_dim3A_73 : vector<16xf32> to vector<16xf32>
      tpu.vector_store %arg17[%swap3A], %swap3A_78 {strides = array<i32>} : memref<784xf32, #tpu.memory_space<vmem>>, vector<16xf32>,
    }
    %scan3A_4 = arith.constant 49 : i32
    %mul3A_5 = arith.constant 6272 : i32
    %mul3A_6 = arith.muli %arg1, %mul3A_5 : i32
    %add3A_7 = arith.constant 0 : i32
    %add3A_8 = arith.addi %mul3A_6, %add3A_7 : i32
    "tpu.region"() ({
      %run_scoped3A = tpu.sem_alloc : memref<!tpu.dma_semaphore, #tpu.memory_space<semaphore_mem>>
      %dma_start3A_72 = tpu.memref_slice %arg6[%add3A_8] : memref<100352xf32, #tpu.memory_space<vmem_shared>> -> memref<784xf32, #tpu.memory_space<vmem_shared>>
      %dma_start3A_73 = tpu.memref_slice %arg6[%add3A_8] : memref<100352xf32, #tpu.memory_space<vmem_shared>> -> memref<784xf32, #tpu.memory_space<vmem_shared>>
      tpu.enqueue_dma source(%arg17 : memref<784xf32, #tpu.memory_space<vmem>>) target(%dma_start3A_73 : memref<784xf32, #tpu.memory_space<vmem_shared>>) target_semaphore(%run_scoped3A : memref<!tpu.dma_semaphore, #tpu.memory_space<semaphore_mem>>)
      %dma_wait3A = tpu.memref_slice %arg6[%add3A_8] : memref<100352xf32, #tpu.memory_space<vmem_shared>> -> memref<784xf32, #tpu.memory_space<vmem_shared>>
      %dma_wait3A_74 = tpu.memref_slice %arg6[%add3A_8] : memref<100352xf32, #tpu.memory_space<vmem_shared>> -> memref<784xf32, #tpu.memory_space<vmem_shared>>
      tpu.wait_dma2 semaphore(%run_scoped3A : memref<!tpu.dma_semaphore, #tpu.memory_space<semaphore_mem>>) src(%arg17 : memref<784xf32, #tpu.memory_space<vmem>>) dst(%dma_wait3A_74 : memref<784xf32, #tpu.memory_space<vmem_shared>>)
      tpu.yield
    }) : () -> ()
    %add3A_9 = arith.constant 784 : i32
    %add3A_10 = arith.addi %mul3A_6, %add3A_9 : i32
    "tpu.region"() ({
      %run_scoped3A = tpu.sem_alloc : memref<!tpu.dma_semaphore, #tpu.memory_space<semaphore_mem>>
      %dma_start3A_72 = tpu.memref_slice %arg6[%add3A_10] : memref<100352xf32, #tpu.memory_space<vmem_shared>> -> memref<784xf32, #tpu.memory_space<vmem_shared>>
      %dma_start3A_73 = tpu.memref_slice %arg6[%add3A_10] : memref<100352xf32, #tpu.memory_space<vmem_shared>> -> memref<784xf32, #tpu.memory_space<vmem_shared>>
      tpu.enqueue_dma source(%arg17 : memref<784xf32, #tpu.memory_space<vmem>>) target(%dma_start3A_73 : memref<784xf32, #tpu.memory_space<vmem_shared>>) target_semaphore(%run_scoped3A : memref<!tpu.dma_semaphore, #tpu.memory_space<semaphore_mem>>)
      %dma_wait3A = tpu.memref_slice %arg6[%add3A_10] : memref<100352xf32, #tpu.memory_space<vmem_shared>> -> memref<784xf32, #tpu.memory_space<vmem_shared>>
      %dma_wait3A_74 = tpu.memref_slice %arg6[%add3A_10] : memref<100352xf32, #tpu.memory_space<vmem_shared>> -> memref<784xf32, #tpu.memory_space<vmem_shared>>
      tpu.wait_dma2 semaphore(%run_scoped3A : memref<!tpu.dma_semaphore, #tpu.memory_space<semaphore_mem>>) src(%arg17 : memref<784xf32, #tpu.memory_space<vmem>>) dst(%dma_wait3A_74 : memref<784xf32, #tpu.memory_space<vmem_shared>>)
      tpu.yield
    }) : () -> ()
    %add3A_11 = arith.constant 1568 : i32
    %add3A_12 = arith.addi %mul3A_6, %add3A_11 : i32
    "tpu.region"() ({
      %run_scoped3A = tpu.sem_alloc : memref<!tpu.dma_semaphore, #tpu.memory_space<semaphore_mem>>
      %dma_start3A_72 = tpu.memref_slice %arg6[%add3A_12] : memref<100352xf32, #tpu.memory_space<vmem_shared>> -> memref<784xf32, #tpu.memory_space<vmem_shared>>
      %dma_start3A_73 = tpu.memref_slice %arg6[%add3A_12] : memref<100352xf32, #tpu.memory_space<vmem_shared>> -> memref<784xf32, #tpu.memory_space<vmem_shared>>
      tpu.enqueue_dma source(%arg17 : memref<784xf32, #tpu.memory_space<vmem>>) target(%dma_start3A_73 : memref<784xf32, #tpu.memory_space<vmem_shared>>) target_semaphore(%run_scoped3A : memref<!tpu.dma_semaphore, #tpu.memory_space<semaphore_mem>>)
      %dma_wait3A = tpu.memref_slice %arg6[%add3A_12] : memref<100352xf32, #tpu.memory_space<vmem_shared>> -> memref<784xf32, #tpu.memory_space<vmem_shared>>
      %dma_wait3A_74 = tpu.memref_slice %arg6[%add3A_12] : memref<100352xf32, #tpu.memory_space<vmem_shared>> -> memref<784xf32, #tpu.memory_space<vmem_shared>>
      tpu.wait_dma2 semaphore(%run_scoped3A : memref<!tpu.dma_semaphore, #tpu.memory_space<semaphore_mem>>) src(%arg17 : memref<784xf32, #tpu.memory_space<vmem>>) dst(%dma_wait3A_74 : memref<784xf32, #tpu.memory_space<vmem_shared>>)
      tpu.yield
    }) : () -> ()
    %add3A_13 = arith.constant 2352 : i32
    %add3A_14 = arith.addi %mul3A_6, %add3A_13 : i32
    "tpu.region"() ({
      %run_scoped3A = tpu.sem_alloc : memref<!tpu.dma_semaphore, #tpu.memory_space<semaphore_mem>>
      %dma_start3A_72 = tpu.memref_slice %arg6[%add3A_14] : memref<100352xf32, #tpu.memory_space<vmem_shared>> -> memref<784xf32, #tpu.memory_space<vmem_shared>>
      %dma_start3A_73 = tpu.memref_slice %arg6[%add3A_14] : memref<100352xf32, #tpu.memory_space<vmem_shared>> -> memref<784xf32, #tpu.memory_space<vmem_shared>>
      tpu.enqueue_dma source(%arg17 : memref<784xf32, #tpu.memory_space<vmem>>) target(%dma_start3A_73 : memref<784xf32, #tpu.memory_space<vmem_shared>>) target_semaphore(%run_scoped3A : memref<!tpu.dma_semaphore, #tpu.memory_space<semaphore_mem>>)
      %dma_wait3A = tpu.memref_slice %arg6[%add3A_14] : memref<100352xf32, #tpu.memory_space<vmem_shared>> -> memref<784xf32, #tpu.memory_space<vmem_shared>>
      %dma_wait3A_74 = tpu.memref_slice %arg6[%add3A_14] : memref<100352xf32, #tpu.memory_space<vmem_shared>> -> memref<784xf32, #tpu.memory_space<vmem_shared>>
      tpu.wait_dma2 semaphore(%run_scoped3A : memref<!tpu.dma_semaphore, #tpu.memory_space<semaphore_mem>>) src(%arg17 : memref<784xf32, #tpu.memory_space<vmem>>) dst(%dma_wait3A_74 : memref<784xf32, #tpu.memory_space<vmem_shared>>)
      tpu.yield
    }) : () -> ()
    %add3A_15 = arith.constant 3136 : i32
    %add3A_16 = arith.addi %mul3A_6, %add3A_15 : i32
    "tpu.region"() ({
      %run_scoped3A = tpu.sem_alloc : memref<!tpu.dma_semaphore, #tpu.memory_space<semaphore_mem>>
      %dma_start3A_72 = tpu.memref_slice %arg6[%add3A_16] : memref<100352xf32, #tpu.memory_space<vmem_shared>> -> memref<784xf32, #tpu.memory_space<vmem_shared>>
      %dma_start3A_73 = tpu.memref_slice %arg6[%add3A_16] : memref<100352xf32, #tpu.memory_space<vmem_shared>> -> memref<784xf32, #tpu.memory_space<vmem_shared>>
      tpu.enqueue_dma source(%arg17 : memref<784xf32, #tpu.memory_space<vmem>>) target(%dma_start3A_73 : memref<784xf32, #tpu.memory_space<vmem_shared>>) target_semaphore(%run_scoped3A : memref<!tpu.dma_semaphore, #tpu.memory_space<semaphore_mem>>)
      %dma_wait3A = tpu.memref_slice %arg6[%add3A_16] : memref<100352xf32, #tpu.memory_space<vmem_shared>> -> memref<784xf32, #tpu.memory_space<vmem_shared>>
      %dma_wait3A_74 = tpu.memref_slice %arg6[%add3A_16] : memref<100352xf32, #tpu.memory_space<vmem_shared>> -> memref<784xf32, #tpu.memory_space<vmem_shared>>
      tpu.wait_dma2 semaphore(%run_scoped3A : memref<!tpu.dma_semaphore, #tpu.memory_space<semaphore_mem>>) src(%arg17 : memref<784xf32, #tpu.memory_space<vmem>>) dst(%dma_wait3A_74 : memref<784xf32, #tpu.memory_space<vmem_shared>>)
      tpu.yield
    }) : () -> ()
    %add3A_17 = arith.constant 3920 : i32
    %add3A_18 = arith.addi %mul3A_6, %add3A_17 : i32
    "tpu.region"() ({
      %run_scoped3A = tpu.sem_alloc : memref<!tpu.dma_semaphore, #tpu.memory_space<semaphore_mem>>
      %dma_start3A_72 = tpu.memref_slice %arg6[%add3A_18] : memref<100352xf32, #tpu.memory_space<vmem_shared>> -> memref<784xf32, #tpu.memory_space<vmem_shared>>
      %dma_start3A_73 = tpu.memref_slice %arg6[%add3A_18] : memref<100352xf32, #tpu.memory_space<vmem_shared>> -> memref<784xf32, #tpu.memory_space<vmem_shared>>
      tpu.enqueue_dma source(%arg17 : memref<784xf32, #tpu.memory_space<vmem>>) target(%dma_start3A_73 : memref<784xf32, #tpu.memory_space<vmem_shared>>) target_semaphore(%run_scoped3A : memref<!tpu.dma_semaphore, #tpu.memory_space<semaphore_mem>>)
      %dma_wait3A = tpu.memref_slice %arg6[%add3A_18] : memref<100352xf32, #tpu.memory_space<vmem_shared>> -> memref<784xf32, #tpu.memory_space<vmem_shared>>
      %dma_wait3A_74 = tpu.memref_slice %arg6[%add3A_18] : memref<100352xf32, #tpu.memory_space<vmem_shared>> -> memref<784xf32, #tpu.memory_space<vmem_shared>>
      tpu.wait_dma2 semaphore(%run_scoped3A : memref<!tpu.dma_semaphore, #tpu.memory_space<semaphore_mem>>) src(%arg17 : memref<784xf32, #tpu.memory_space<vmem>>) dst(%dma_wait3A_74 : memref<784xf32, #tpu.memory_space<vmem_shared>>)
      tpu.yield
    }) : () -> ()
    %add3A_19 = arith.constant 4704 : i32
    %add3A_20 = arith.addi %mul3A_6, %add3A_19 : i32
    "tpu.region"() ({
      %run_scoped3A = tpu.sem_alloc : memref<!tpu.dma_semaphore, #tpu.memory_space<semaphore_mem>>
      %dma_start3A_72 = tpu.memref_slice %arg6[%add3A_20] : memref<100352xf32, #tpu.memory_space<vmem_shared>> -> memref<784xf32, #tpu.memory_space<vmem_shared>>
      %dma_start3A_73 = tpu.memref_slice %arg6[%add3A_20] : memref<100352xf32, #tpu.memory_space<vmem_shared>> -> memref<784xf32, #tpu.memory_space<vmem_shared>>
      tpu.enqueue_dma source(%arg17 : memref<784xf32, #tpu.memory_space<vmem>>) target(%dma_start3A_73 : memref<784xf32, #tpu.memory_space<vmem_shared>>) target_semaphore(%run_scoped3A : memref<!tpu.dma_semaphore, #tpu.memory_space<semaphore_mem>>)
      %dma_wait3A = tpu.memref_slice %arg6[%add3A_20] : memref<100352xf32, #tpu.memory_space<vmem_shared>> -> memref<784xf32, #tpu.memory_space<vmem_shared>>
      %dma_wait3A_74 = tpu.memref_slice %arg6[%add3A_20] : memref<100352xf32, #tpu.memory_space<vmem_shared>> -> memref<784xf32, #tpu.memory_space<vmem_shared>>
      tpu.wait_dma2 semaphore(%run_scoped3A : memref<!tpu.dma_semaphore, #tpu.memory_space<semaphore_mem>>) src(%arg17 : memref<784xf32, #tpu.memory_space<vmem>>) dst(%dma_wait3A_74 : memref<784xf32, #tpu.memory_space<vmem_shared>>)
      tpu.yield
    }) : () -> ()
    %add3A_21 = arith.constant 5488 : i32
    %add3A_22 = arith.addi %mul3A_6, %add3A_21 : i32
    "tpu.region"() ({
      %run_scoped3A = tpu.sem_alloc : memref<!tpu.dma_semaphore, #tpu.memory_space<semaphore_mem>>
      %dma_start3A_72 = tpu.memref_slice %arg6[%add3A_22] : memref<100352xf32, #tpu.memory_space<vmem_shared>> -> memref<784xf32, #tpu.memory_space<vmem_shared>>
      %dma_start3A_73 = tpu.memref_slice %arg6[%add3A_22] : memref<100352xf32, #tpu.memory_space<vmem_shared>> -> memref<784xf32, #tpu.memory_space<vmem_shared>>
      tpu.enqueue_dma source(%arg17 : memref<784xf32, #tpu.memory_space<vmem>>) target(%dma_start3A_73 : memref<784xf32, #tpu.memory_space<vmem_shared>>) target_semaphore(%run_scoped3A : memref<!tpu.dma_semaphore, #tpu.memory_space<semaphore_mem>>)
      %dma_wait3A = tpu.memref_slice %arg6[%add3A_22] : memref<100352xf32, #tpu.memory_space<vmem_shared>> -> memref<784xf32, #tpu.memory_space<vmem_shared>>
      %dma_wait3A_74 = tpu.memref_slice %arg6[%add3A_22] : memref<100352xf32, #tpu.memory_space<vmem_shared>> -> memref<784xf32, #tpu.memory_space<vmem_shared>>
      tpu.wait_dma2 semaphore(%run_scoped3A : memref<!tpu.dma_semaphore, #tpu.memory_space<semaphore_mem>>) src(%arg17 : memref<784xf32, #tpu.memory_space<vmem>>) dst(%dma_wait3A_74 : memref<784xf32, #tpu.memory_space<vmem_shared>>)
      tpu.yield
    }) : () -> ()
    %barrier3A = arith.constant 0 : index
    tpu.barrier barrier_id(%barrier3A)
    %mul3A_23 = arith.constant 392 : i32
    %mul3A_24 = arith.muli %add3A, %mul3A_23 : i32
    %dma_start3A = arith.constant 0 : i32
    %dma_start3A_25 = arith.constant 0 : i32
    %dma_start3A_26 = arith.constant 0 : i32
    %dma_start3A_27 = tpu.memref_slice %arg7[%dma_start3A, %dma_start3A_25, %dma_start3A_26] : memref<2x8x128xi32, #tpu.memory_space<vmem>> -> memref<1x8x128xi32, #tpu.memory_space<vmem>>
    %dma_start3A_28 = tpu.memref_squeeze %dma_start3A_27 : memref<1x8x128xi32, #tpu.memory_space<vmem>> -> memref<8x128xi32, #tpu.memory_space<vmem>>
    %dma_start3A_29 = arith.constant 0 : i32
    %dma_start3A_30 = tpu.memref_slice %arg3[%mul3A_24, %dma_start3A_29] : memref<12544x128xi32, #tpu.memory_space<hbm>> -> memref<8x128xi32, #tpu.memory_space<hbm>>
    %dma_start3A_31 = arith.constant 0 : i32
    %dma_start3A_32 = arith.constant 0 : i32
    %dma_start3A_33 = tpu.memref_slice %arg7[%dma_start3A, %dma_start3A_31, %dma_start3A_32] : memref<2x8x128xi32, #tpu.memory_space<vmem>> -> memref<1x8x128xi32, #tpu.memory_space<vmem>>
    %dma_start3A_34 = tpu.memref_squeeze %dma_start3A_33 : memref<1x8x128xi32, #tpu.memory_space<vmem>> -> memref<8x128xi32, #tpu.memory_space<vmem>>
    %dma_start3A_35 = arith.constant 0 : i32
    %dma_start3A_36 = tpu.memref_slice %arg3[%mul3A_24, %dma_start3A_35] : memref<12544x128xi32, #tpu.memory_space<hbm>> -> memref<8x128xi32, #tpu.memory_space<hbm>>
    tpu.enqueue_dma source(%dma_start3A_36 : memref<8x128xi32, #tpu.memory_space<hbm>>) target(%dma_start3A_34 : memref<8x128xi32, #tpu.memory_space<vmem>>) target_semaphore(%arg18 : memref<!tpu.dma_semaphore, #tpu.memory_space<semaphore_mem>>)
    %dma_start3A_37 = arith.constant 0 : i32
    %dma_start3A_38 = arith.constant 0 : i32
    %dma_start3A_39 = arith.constant 0 : i32
    %dma_start3A_40 = tpu.memref_slice %arg8[%dma_start3A_37, %dma_start3A_38, %dma_start3A_39] : memref<2x8x128xi32, #tpu.memory_space<vmem>> -> memref<1x8x128xi32, #tpu.memory_space<vmem>>
    %dma_start3A_41 = tpu.memref_squeeze %dma_start3A_40 : memref<1x8x128xi32, #tpu.memory_space<vmem>> -> memref<8x128xi32, #tpu.memory_space<vmem>>
    %dma_start3A_42 = arith.constant 0 : i32
    %dma_start3A_43 = tpu.memref_slice %arg4[%mul3A_24, %dma_start3A_42] : memref<12544x128xi32, #tpu.memory_space<hbm>> -> memref<8x128xi32, #tpu.memory_space<hbm>>
    %dma_start3A_44 = arith.constant 0 : i32
    %dma_start3A_45 = arith.constant 0 : i32
    %dma_start3A_46 = tpu.memref_slice %arg8[%dma_start3A_37, %dma_start3A_44, %dma_start3A_45] : memref<2x8x128xi32, #tpu.memory_space<vmem>> -> memref<1x8x128xi32, #tpu.memory_space<vmem>>
    %dma_start3A_47 = tpu.memref_squeeze %dma_start3A_46 : memref<1x8x128xi32, #tpu.memory_space<vmem>> -> memref<8x128xi32, #tpu.memory_space<vmem>>
    %dma_start3A_48 = arith.constant 0 : i32
    %dma_start3A_49 = tpu.memref_slice %arg4[%mul3A_24, %dma_start3A_48] : memref<12544x128xi32, #tpu.memory_space<hbm>> -> memref<8x128xi32, #tpu.memory_space<hbm>>
    tpu.enqueue_dma source(%dma_start3A_49 : memref<8x128xi32, #tpu.memory_space<hbm>>) target(%dma_start3A_47 : memref<8x128xi32, #tpu.memory_space<vmem>>) target_semaphore(%arg18 : memref<!tpu.dma_semaphore, #tpu.memory_space<semaphore_mem>>)
    %scan3A_50 = arith.constant 0 : i32
    %scan3A_51 = arith.constant 49 : i32
    %scan3A_52 = arith.addi %scan3A_50, %scan3A_51 : i32
    %scan3A_53 = arith.constant 1 : i32
    scf.for %scan3A_72 = %scan3A_50 to %scan3A_52 step %scan3A_53  : i32 {
      %rem3A = arith.constant 2 : i32
      %rem3A_73 = arith.remsi %scan3A_72, %rem3A : i32
      %mul3A_74 = arith.constant 8 : i32
      %mul3A_75 = arith.muli %scan3A_72, %mul3A_74 : i32
      %add3A_76 = arith.addi %mul3A_24, %mul3A_75 : i32
      %dma_wait3A = arith.constant 0 : i32
      %dma_wait3A_77 = arith.constant 0 : i32
      %dma_wait3A_78 = tpu.memref_slice %arg7[%rem3A_73, %dma_wait3A, %dma_wait3A_77] : memref<2x8x128xi32, #tpu.memory_space<vmem>> -> memref<1x8x128xi32, #tpu.memory_space<vmem>>
      %dma_wait3A_79 = tpu.memref_squeeze %dma_wait3A_78 : memref<1x8x128xi32, #tpu.memory_space<vmem>> -> memref<8x128xi32, #tpu.memory_space<vmem>>
      %dma_wait3A_80 = arith.constant 0 : i32
      %dma_wait3A_81 = tpu.memref_slice %arg3[%add3A_76, %dma_wait3A_80] : memref<12544x128xi32, #tpu.memory_space<hbm>> -> memref<8x128xi32, #tpu.memory_space<hbm>>
      %dma_wait3A_82 = arith.constant 0 : i32
      %dma_wait3A_83 = arith.constant 0 : i32
      %dma_wait3A_84 = tpu.memref_slice %arg7[%rem3A_73, %dma_wait3A_82, %dma_wait3A_83] : memref<2x8x128xi32, #tpu.memory_space<vmem>> -> memref<1x8x128xi32, #tpu.memory_space<vmem>>
      %dma_wait3A_85 = tpu.memref_squeeze %dma_wait3A_84 : memref<1x8x128xi32, #tpu.memory_space<vmem>> -> memref<8x128xi32, #tpu.memory_space<vmem>>
      %dma_wait3A_86 = arith.constant 0 : i32
      %dma_wait3A_87 = tpu.memref_slice %arg3[%add3A_76, %dma_wait3A_86] : memref<12544x128xi32, #tpu.memory_space<hbm>> -> memref<8x128xi32, #tpu.memory_space<hbm>>
      tpu.wait_dma2 semaphore(%arg18 : memref<!tpu.dma_semaphore, #tpu.memory_space<semaphore_mem>>) src(%dma_wait3A_87 : memref<8x128xi32, #tpu.memory_space<hbm>>) dst(%dma_wait3A_85 : memref<8x128xi32, #tpu.memory_space<vmem>>)
      %dma_wait3A_88 = arith.constant 0 : i32
      %dma_wait3A_89 = arith.constant 0 : i32
      %dma_wait3A_90 = tpu.memref_slice %arg8[%rem3A_73, %dma_wait3A_88, %dma_wait3A_89] : memref<2x8x128xi32, #tpu.memory_space<vmem>> -> memref<1x8x128xi32, #tpu.memory_space<vmem>>
      %dma_wait3A_91 = tpu.memref_squeeze %dma_wait3A_90 : memref<1x8x128xi32, #tpu.memory_space<vmem>> -> memref<8x128xi32, #tpu.memory_space<vmem>>
      %dma_wait3A_92 = arith.constant 0 : i32
      %dma_wait3A_93 = tpu.memref_slice %arg4[%add3A_76, %dma_wait3A_92] : memref<12544x128xi32, #tpu.memory_space<hbm>> -> memref<8x128xi32, #tpu.memory_space<hbm>>
      %dma_wait3A_94 = arith.constant 0 : i32
      %dma_wait3A_95 = arith.constant 0 : i32
      %dma_wait3A_96 = tpu.memref_slice %arg8[%rem3A_73, %dma_wait3A_94, %dma_wait3A_95] : memref<2x8x128xi32, #tpu.memory_space<vmem>> -> memref<1x8x128xi32, #tpu.memory_space<vmem>>
      %dma_wait3A_97 = tpu.memref_squeeze %dma_wait3A_96 : memref<1x8x128xi32, #tpu.memory_space<vmem>> -> memref<8x128xi32, #tpu.memory_space<vmem>>
      %dma_wait3A_98 = arith.constant 0 : i32
      %dma_wait3A_99 = tpu.memref_slice %arg4[%add3A_76, %dma_wait3A_98] : memref<12544x128xi32, #tpu.memory_space<hbm>> -> memref<8x128xi32, #tpu.memory_space<hbm>>
      tpu.wait_dma2 semaphore(%arg18 : memref<!tpu.dma_semaphore, #tpu.memory_space<semaphore_mem>>) src(%dma_wait3A_99 : memref<8x128xi32, #tpu.memory_space<hbm>>) dst(%dma_wait3A_97 : memref<8x128xi32, #tpu.memory_space<vmem>>)
      %lt3A = arith.constant 48 : i32
      %lt3A_100 = arith.cmpi slt, %scan3A_72, %lt3A : i32
      %convert_element_type3A = arith.extui %lt3A_100 : i1 to i32
      %cond3A = arith.constant 0 : i32
      %cond3A_101 = arith.cmpi ne, %convert_element_type3A, %cond3A : i32
      scf.if %cond3A_101 {
        %add3A_302 = arith.constant 8 : i32
        %add3A_303 = arith.addi %add3A_76, %add3A_302 : i32
        %sub3A = arith.constant 1 : i32
        %sub3A_304 = arith.subi %sub3A, %rem3A_73 : i32
        %dma_start3A_305 = arith.constant 0 : i32
        %dma_start3A_306 = arith.constant 0 : i32
        %dma_start3A_307 = tpu.memref_slice %arg7[%sub3A_304, %dma_start3A_305, %dma_start3A_306] : memref<2x8x128xi32, #tpu.memory_space<vmem>> -> memref<1x8x128xi32, #tpu.memory_space<vmem>>
        %dma_start3A_308 = tpu.memref_squeeze %dma_start3A_307 : memref<1x8x128xi32, #tpu.memory_space<vmem>> -> memref<8x128xi32, #tpu.memory_space<vmem>>
        %dma_start3A_309 = arith.constant 0 : i32
        %dma_start3A_310 = tpu.memref_slice %arg3[%add3A_303, %dma_start3A_309] : memref<12544x128xi32, #tpu.memory_space<hbm>> -> memref<8x128xi32, #tpu.memory_space<hbm>>
        %dma_start3A_311 = arith.constant 0 : i32
        %dma_start3A_312 = arith.constant 0 : i32
        %dma_start3A_313 = tpu.memref_slice %arg7[%sub3A_304, %dma_start3A_311, %dma_start3A_312] : memref<2x8x128xi32, #tpu.memory_space<vmem>> -> memref<1x8x128xi32, #tpu.memory_space<vmem>>
        %dma_start3A_314 = tpu.memref_squeeze %dma_start3A_313 : memref<1x8x128xi32, #tpu.memory_space<vmem>> -> memref<8x128xi32, #tpu.memory_space<vmem>>
        %dma_start3A_315 = arith.constant 0 : i32
        %dma_start3A_316 = tpu.memref_slice %arg3[%add3A_303, %dma_start3A_315] : memref<12544x128xi32, #tpu.memory_space<hbm>> -> memref<8x128xi32, #tpu.memory_space<hbm>>
        tpu.enqueue_dma source(%dma_start3A_316 : memref<8x128xi32, #tpu.memory_space<hbm>>) target(%dma_start3A_314 : memref<8x128xi32, #tpu.memory_space<vmem>>) target_semaphore(%arg18 : memref<!tpu.dma_semaphore, #tpu.memory_space<semaphore_mem>>)
        %sub3A_317 = arith.constant 1 : i32
        %sub3A_318 = arith.subi %sub3A_317, %rem3A_73 : i32
        %dma_start3A_319 = arith.constant 0 : i32
        %dma_start3A_320 = arith.constant 0 : i32
        %dma_start3A_321 = tpu.memref_slice %arg8[%sub3A_318, %dma_start3A_319, %dma_start3A_320] : memref<2x8x128xi32, #tpu.memory_space<vmem>> -> memref<1x8x128xi32, #tpu.memory_space<vmem>>
        %dma_start3A_322 = tpu.memref_squeeze %dma_start3A_321 : memref<1x8x128xi32, #tpu.memory_space<vmem>> -> memref<8x128xi32, #tpu.memory_space<vmem>>
        %dma_start3A_323 = arith.constant 0 : i32
        %dma_start3A_324 = tpu.memref_slice %arg4[%add3A_303, %dma_start3A_323] : memref<12544x128xi32, #tpu.memory_space<hbm>> -> memref<8x128xi32, #tpu.memory_space<hbm>>
        %dma_start3A_325 = arith.constant 0 : i32
        %dma_start3A_326 = arith.constant 0 : i32
        %dma_start3A_327 = tpu.memref_slice %arg8[%sub3A_318, %dma_start3A_325, %dma_start3A_326] : memref<2x8x128xi32, #tpu.memory_space<vmem>> -> memref<1x8x128xi32, #tpu.memory_space<vmem>>
        %dma_start3A_328 = tpu.memref_squeeze %dma_start3A_327 : memref<1x8x128xi32, #tpu.memory_space<vmem>> -> memref<8x128xi32, #tpu.memory_space<vmem>>
        %dma_start3A_329 = arith.constant 0 : i32
        %dma_start3A_330 = tpu.memref_slice %arg4[%add3A_303, %dma_start3A_329] : memref<12544x128xi32, #tpu.memory_space<hbm>> -> memref<8x128xi32, #tpu.memory_space<hbm>>
        tpu.enqueue_dma source(%dma_start3A_330 : memref<8x128xi32, #tpu.memory_space<hbm>>) target(%dma_start3A_328 : memref<8x128xi32, #tpu.memory_space<vmem>>) target_semaphore(%arg18 : memref<!tpu.dma_semaphore, #tpu.memory_space<semaphore_mem>>)
      } else {
      }
      %dma_start3A_102 = arith.constant 0 : i32
      %dma_start3A_103 = arith.constant 0 : i32
      %dma_start3A_104 = tpu.memref_slice %arg7[%rem3A_73, %dma_start3A_102, %dma_start3A_103] : memref<2x8x128xi32, #tpu.memory_space<vmem>> -> memref<1x1x128xi32, #tpu.memory_space<vmem>>
      %dma_start3A_105 = tpu.memref_squeeze %dma_start3A_104 : memref<1x1x128xi32, #tpu.memory_space<vmem>> -> memref<128xi32, #tpu.memory_space<vmem>>
      %dma_start3A_106 = arith.constant 0 : i32
      %dma_start3A_107 = tpu.memref_slice %arg2[%dma_start3A_106] : memref<100352xf32, #tpu.memory_space<hbm>> -> memref<100352xf32, #tpu.memory_space<hbm>>
      tpu.enqueue_indirect_dma source(%dma_start3A_107 : memref<100352xf32, #tpu.memory_space<hbm>>) target(%arg9 : memref<128xf32, #tpu.memory_space<vmem>>) offsets(%dma_start3A_105 : memref<128xi32, #tpu.memory_space<vmem>>) semaphore(%arg19 : memref<!tpu.dma_semaphore, #tpu.memory_space<semaphore_mem>>)
      %dma_start3A_108 = arith.constant 1 : i32
      %dma_start3A_109 = arith.constant 0 : i32
      %dma_start3A_110 = tpu.memref_slice %arg7[%rem3A_73, %dma_start3A_108, %dma_start3A_109] : memref<2x8x128xi32, #tpu.memory_space<vmem>> -> memref<1x1x128xi32, #tpu.memory_space<vmem>>
      %dma_start3A_111 = tpu.memref_squeeze %dma_start3A_110 : memref<1x1x128xi32, #tpu.memory_space<vmem>> -> memref<128xi32, #tpu.memory_space<vmem>>
      %dma_start3A_112 = arith.constant 0 : i32
      %dma_start3A_113 = tpu.memref_slice %arg2[%dma_start3A_112] : memref<100352xf32, #tpu.memory_space<hbm>> -> memref<100352xf32, #tpu.memory_space<hbm>>
      tpu.enqueue_indirect_dma source(%dma_start3A_113 : memref<100352xf32, #tpu.memory_space<hbm>>) target(%arg10 : memref<128xf32, #tpu.memory_space<vmem>>) offsets(%dma_start3A_111 : memref<128xi32, #tpu.memory_space<vmem>>) semaphore(%arg19 : memref<!tpu.dma_semaphore, #tpu.memory_space<semaphore_mem>>)
      %dma_start3A_114 = arith.constant 2 : i32
      %dma_start3A_115 = arith.constant 0 : i32
      %dma_start3A_116 = tpu.memref_slice %arg7[%rem3A_73, %dma_start3A_114, %dma_start3A_115] : memref<2x8x128xi32, #tpu.memory_space<vmem>> -> memref<1x1x128xi32, #tpu.memory_space<vmem>>
      %dma_start3A_117 = tpu.memref_squeeze %dma_start3A_116 : memref<1x1x128xi32, #tpu.memory_space<vmem>> -> memref<128xi32, #tpu.memory_space<vmem>>
      %dma_start3A_118 = arith.constant 0 : i32
      %dma_start3A_119 = tpu.memref_slice %arg2[%dma_start3A_118] : memref<100352xf32, #tpu.memory_space<hbm>> -> memref<100352xf32, #tpu.memory_space<hbm>>
      tpu.enqueue_indirect_dma source(%dma_start3A_119 : memref<100352xf32, #tpu.memory_space<hbm>>) target(%arg11 : memref<128xf32, #tpu.memory_space<vmem>>) offsets(%dma_start3A_117 : memref<128xi32, #tpu.memory_space<vmem>>) semaphore(%arg19 : memref<!tpu.dma_semaphore, #tpu.memory_space<semaphore_mem>>)
      %dma_start3A_120 = arith.constant 3 : i32
      %dma_start3A_121 = arith.constant 0 : i32
      %dma_start3A_122 = tpu.memref_slice %arg7[%rem3A_73, %dma_start3A_120, %dma_start3A_121] : memref<2x8x128xi32, #tpu.memory_space<vmem>> -> memref<1x1x128xi32, #tpu.memory_space<vmem>>
      %dma_start3A_123 = tpu.memref_squeeze %dma_start3A_122 : memref<1x1x128xi32, #tpu.memory_space<vmem>> -> memref<128xi32, #tpu.memory_space<vmem>>
      %dma_start3A_124 = arith.constant 0 : i32
      %dma_start3A_125 = tpu.memref_slice %arg2[%dma_start3A_124] : memref<100352xf32, #tpu.memory_space<hbm>> -> memref<100352xf32, #tpu.memory_space<hbm>>
      tpu.enqueue_indirect_dma source(%dma_start3A_125 : memref<100352xf32, #tpu.memory_space<hbm>>) target(%arg12 : memref<128xf32, #tpu.memory_space<vmem>>) offsets(%dma_start3A_123 : memref<128xi32, #tpu.memory_space<vmem>>) semaphore(%arg19 : memref<!tpu.dma_semaphore, #tpu.memory_space<semaphore_mem>>)
      %dma_start3A_126 = arith.constant 4 : i32
      %dma_start3A_127 = arith.constant 0 : i32
      %dma_start3A_128 = tpu.memref_slice %arg7[%rem3A_73, %dma_start3A_126, %dma_start3A_127] : memref<2x8x128xi32, #tpu.memory_space<vmem>> -> memref<1x1x128xi32, #tpu.memory_space<vmem>>
      %dma_start3A_129 = tpu.memref_squeeze %dma_start3A_128 : memref<1x1x128xi32, #tpu.memory_space<vmem>> -> memref<128xi32, #tpu.memory_space<vmem>>
      %dma_start3A_130 = arith.constant 0 : i32
      %dma_start3A_131 = tpu.memref_slice %arg2[%dma_start3A_130] : memref<100352xf32, #tpu.memory_space<hbm>> -> memref<100352xf32, #tpu.memory_space<hbm>>
      tpu.enqueue_indirect_dma source(%dma_start3A_131 : memref<100352xf32, #tpu.memory_space<hbm>>) target(%arg13 : memref<128xf32, #tpu.memory_space<vmem>>) offsets(%dma_start3A_129 : memref<128xi32, #tpu.memory_space<vmem>>) semaphore(%arg19 : memref<!tpu.dma_semaphore, #tpu.memory_space<semaphore_mem>>)
      %dma_start3A_132 = arith.constant 5 : i32
      %dma_start3A_133 = arith.constant 0 : i32
      %dma_start3A_134 = tpu.memref_slice %arg7[%rem3A_73, %dma_start3A_132, %dma_start3A_133] : memref<2x8x128xi32, #tpu.memory_space<vmem>> -> memref<1x1x128xi32, #tpu.memory_space<vmem>>
      %dma_start3A_135 = tpu.memref_squeeze %dma_start3A_134 : memref<1x1x128xi32, #tpu.memory_space<vmem>> -> memref<128xi32, #tpu.memory_space<vmem>>
      %dma_start3A_136 = arith.constant 0 : i32
      %dma_start3A_137 = tpu.memref_slice %arg2[%dma_start3A_136] : memref<100352xf32, #tpu.memory_space<hbm>> -> memref<100352xf32, #tpu.memory_space<hbm>>
      tpu.enqueue_indirect_dma source(%dma_start3A_137 : memref<100352xf32, #tpu.memory_space<hbm>>) target(%arg14 : memref<128xf32, #tpu.memory_space<vmem>>) offsets(%dma_start3A_135 : memref<128xi32, #tpu.memory_space<vmem>>) semaphore(%arg19 : memref<!tpu.dma_semaphore, #tpu.memory_space<semaphore_mem>>)
      %dma_start3A_138 = arith.constant 6 : i32
      %dma_start3A_139 = arith.constant 0 : i32
      %dma_start3A_140 = tpu.memref_slice %arg7[%rem3A_73, %dma_start3A_138, %dma_start3A_139] : memref<2x8x128xi32, #tpu.memory_space<vmem>> -> memref<1x1x128xi32, #tpu.memory_space<vmem>>
      %dma_start3A_141 = tpu.memref_squeeze %dma_start3A_140 : memref<1x1x128xi32, #tpu.memory_space<vmem>> -> memref<128xi32, #tpu.memory_space<vmem>>
      %dma_start3A_142 = arith.constant 0 : i32
      %dma_start3A_143 = tpu.memref_slice %arg2[%dma_start3A_142] : memref<100352xf32, #tpu.memory_space<hbm>> -> memref<100352xf32, #tpu.memory_space<hbm>>
      tpu.enqueue_indirect_dma source(%dma_start3A_143 : memref<100352xf32, #tpu.memory_space<hbm>>) target(%arg15 : memref<128xf32, #tpu.memory_space<vmem>>) offsets(%dma_start3A_141 : memref<128xi32, #tpu.memory_space<vmem>>) semaphore(%arg19 : memref<!tpu.dma_semaphore, #tpu.memory_space<semaphore_mem>>)
      %dma_start3A_144 = arith.constant 7 : i32
      %dma_start3A_145 = arith.constant 0 : i32
      %dma_start3A_146 = tpu.memref_slice %arg7[%rem3A_73, %dma_start3A_144, %dma_start3A_145] : memref<2x8x128xi32, #tpu.memory_space<vmem>> -> memref<1x1x128xi32, #tpu.memory_space<vmem>>
      %dma_start3A_147 = tpu.memref_squeeze %dma_start3A_146 : memref<1x1x128xi32, #tpu.memory_space<vmem>> -> memref<128xi32, #tpu.memory_space<vmem>>
      %dma_start3A_148 = arith.constant 0 : i32
      %dma_start3A_149 = tpu.memref_slice %arg2[%dma_start3A_148] : memref<100352xf32, #tpu.memory_space<hbm>> -> memref<100352xf32, #tpu.memory_space<hbm>>
      tpu.enqueue_indirect_dma source(%dma_start3A_149 : memref<100352xf32, #tpu.memory_space<hbm>>) target(%arg16 : memref<128xf32, #tpu.memory_space<vmem>>) offsets(%dma_start3A_147 : memref<128xi32, #tpu.memory_space<vmem>>) semaphore(%arg19 : memref<!tpu.dma_semaphore, #tpu.memory_space<semaphore_mem>>)
      %dma_wait3A_150 = arith.constant 0 : i32
      %dma_wait3A_151 = arith.constant 0 : i32
      %dma_wait3A_152 = tpu.memref_slice %arg7[%rem3A_73, %dma_wait3A_150, %dma_wait3A_151] : memref<2x8x128xi32, #tpu.memory_space<vmem>> -> memref<1x1x128xi32, #tpu.memory_space<vmem>>
      %dma_wait3A_153 = tpu.memref_squeeze %dma_wait3A_152 : memref<1x1x128xi32, #tpu.memory_space<vmem>> -> memref<128xi32, #tpu.memory_space<vmem>>
      %dma_wait3A_154 = arith.constant 0 : i32
      %dma_wait3A_155 = tpu.memref_slice %arg2[%dma_wait3A_154] : memref<100352xf32, #tpu.memory_space<hbm>> -> memref<100352xf32, #tpu.memory_space<hbm>>
      tpu.wait_indirect_dma semaphore(%arg19 : memref<!tpu.dma_semaphore, #tpu.memory_space<semaphore_mem>>) src(%dma_wait3A_155 : memref<100352xf32, #tpu.memory_space<hbm>>) dst(%arg9 : memref<128xf32, #tpu.memory_space<vmem>>)
      %dma_start3A_156 = arith.constant 0 : i32
      %dma_start3A_157 = arith.constant 0 : i32
      %dma_start3A_158 = tpu.memref_slice %arg8[%rem3A_73, %dma_start3A_156, %dma_start3A_157] : memref<2x8x128xi32, #tpu.memory_space<vmem>> -> memref<1x1x128xi32, #tpu.memory_space<vmem>>
      %dma_start3A_159 = tpu.memref_squeeze %dma_start3A_158 : memref<1x1x128xi32, #tpu.memory_space<vmem>> -> memref<128xi32, #tpu.memory_space<vmem>>
      %dma_start3A_160 = arith.constant 0 : i32
      %dma_start3A_161 = tpu.memref_slice %arg6[%dma_start3A_160] : memref<100352xf32, #tpu.memory_space<vmem_shared>> -> memref<100352xf32, #tpu.memory_space<vmem_shared>>
      %dma_start3A_162 = arith.constant -1 : i32
      tpu.enqueue_indirect_dma source(%arg9 : memref<128xf32, #tpu.memory_space<vmem>>) target(%dma_start3A_161 : memref<100352xf32, #tpu.memory_space<vmem_shared>>) offsets(%dma_start3A_159 : memref<128xi32, #tpu.memory_space<vmem>>) offset_filter(%dma_start3A_162) semaphore(%arg20 : memref<!tpu.dma_semaphore, #tpu.memory_space<semaphore_mem>>) {add = true}
      %dma_wait3A_163 = arith.constant 1 : i32
      %dma_wait3A_164 = arith.constant 0 : i32
      %dma_wait3A_165 = tpu.memref_slice %arg7[%rem3A_73, %dma_wait3A_163, %dma_wait3A_164] : memref<2x8x128xi32, #tpu.memory_space<vmem>> -> memref<1x1x128xi32, #tpu.memory_space<vmem>>
      %dma_wait3A_166 = tpu.memref_squeeze %dma_wait3A_165 : memref<1x1x128xi32, #tpu.memory_space<vmem>> -> memref<128xi32, #tpu.memory_space<vmem>>
      %dma_wait3A_167 = arith.constant 0 : i32
      %dma_wait3A_168 = tpu.memref_slice %arg2[%dma_wait3A_167] : memref<100352xf32, #tpu.memory_space<hbm>> -> memref<100352xf32, #tpu.memory_space<hbm>>
      tpu.wait_indirect_dma semaphore(%arg19 : memref<!tpu.dma_semaphore, #tpu.memory_space<semaphore_mem>>) src(%dma_wait3A_168 : memref<100352xf32, #tpu.memory_space<hbm>>) dst(%arg10 : memref<128xf32, #tpu.memory_space<vmem>>)
      %dma_start3A_169 = arith.constant 1 : i32
      %dma_start3A_170 = arith.constant 0 : i32
      %dma_start3A_171 = tpu.memref_slice %arg8[%rem3A_73, %dma_start3A_169, %dma_start3A_170] : memref<2x8x128xi32, #tpu.memory_space<vmem>> -> memref<1x1x128xi32, #tpu.memory_space<vmem>>
      %dma_start3A_172 = tpu.memref_squeeze %dma_start3A_171 : memref<1x1x128xi32, #tpu.memory_space<vmem>> -> memref<128xi32, #tpu.memory_space<vmem>>
      %dma_start3A_173 = arith.constant 0 : i32
      %dma_start3A_174 = tpu.memref_slice %arg6[%dma_start3A_173] : memref<100352xf32, #tpu.memory_space<vmem_shared>> -> memref<100352xf32, #tpu.memory_space<vmem_shared>>
      %dma_start3A_175 = arith.constant -1 : i32
      tpu.enqueue_indirect_dma source(%arg10 : memref<128xf32, #tpu.memory_space<vmem>>) target(%dma_start3A_174 : memref<100352xf32, #tpu.memory_space<vmem_shared>>) offsets(%dma_start3A_172 : memref<128xi32, #tpu.memory_space<vmem>>) offset_filter(%dma_start3A_175) semaphore(%arg20 : memref<!tpu.dma_semaphore, #tpu.memory_space<semaphore_mem>>) {add = true}
      %dma_wait3A_176 = arith.constant 2 : i32
      %dma_wait3A_177 = arith.constant 0 : i32
      %dma_wait3A_178 = tpu.memref_slice %arg7[%rem3A_73, %dma_wait3A_176, %dma_wait3A_177] : memref<2x8x128xi32, #tpu.memory_space<vmem>> -> memref<1x1x128xi32, #tpu.memory_space<vmem>>
      %dma_wait3A_179 = tpu.memref_squeeze %dma_wait3A_178 : memref<1x1x128xi32, #tpu.memory_space<vmem>> -> memref<128xi32, #tpu.memory_space<vmem>>
      %dma_wait3A_180 = arith.constant 0 : i32
      %dma_wait3A_181 = tpu.memref_slice %arg2[%dma_wait3A_180] : memref<100352xf32, #tpu.memory_space<hbm>> -> memref<100352xf32, #tpu.memory_space<hbm>>
      tpu.wait_indirect_dma semaphore(%arg19 : memref<!tpu.dma_semaphore, #tpu.memory_space<semaphore_mem>>) src(%dma_wait3A_181 : memref<100352xf32, #tpu.memory_space<hbm>>) dst(%arg11 : memref<128xf32, #tpu.memory_space<vmem>>)
      %dma_start3A_182 = arith.constant 2 : i32
      %dma_start3A_183 = arith.constant 0 : i32
      %dma_start3A_184 = tpu.memref_slice %arg8[%rem3A_73, %dma_start3A_182, %dma_start3A_183] : memref<2x8x128xi32, #tpu.memory_space<vmem>> -> memref<1x1x128xi32, #tpu.memory_space<vmem>>
      %dma_start3A_185 = tpu.memref_squeeze %dma_start3A_184 : memref<1x1x128xi32, #tpu.memory_space<vmem>> -> memref<128xi32, #tpu.memory_space<vmem>>
      %dma_start3A_186 = arith.constant 0 : i32
      %dma_start3A_187 = tpu.memref_slice %arg6[%dma_start3A_186] : memref<100352xf32, #tpu.memory_space<vmem_shared>> -> memref<100352xf32, #tpu.memory_space<vmem_shared>>
      %dma_start3A_188 = arith.constant -1 : i32
      tpu.enqueue_indirect_dma source(%arg11 : memref<128xf32, #tpu.memory_space<vmem>>) target(%dma_start3A_187 : memref<100352xf32, #tpu.memory_space<vmem_shared>>) offsets(%dma_start3A_185 : memref<128xi32, #tpu.memory_space<vmem>>) offset_filter(%dma_start3A_188) semaphore(%arg20 : memref<!tpu.dma_semaphore, #tpu.memory_space<semaphore_mem>>) {add = true}
      %dma_wait3A_189 = arith.constant 3 : i32
      %dma_wait3A_190 = arith.constant 0 : i32
      %dma_wait3A_191 = tpu.memref_slice %arg7[%rem3A_73, %dma_wait3A_189, %dma_wait3A_190] : memref<2x8x128xi32, #tpu.memory_space<vmem>> -> memref<1x1x128xi32, #tpu.memory_space<vmem>>
      %dma_wait3A_192 = tpu.memref_squeeze %dma_wait3A_191 : memref<1x1x128xi32, #tpu.memory_space<vmem>> -> memref<128xi32, #tpu.memory_space<vmem>>
      %dma_wait3A_193 = arith.constant 0 : i32
      %dma_wait3A_194 = tpu.memref_slice %arg2[%dma_wait3A_193] : memref<100352xf32, #tpu.memory_space<hbm>> -> memref<100352xf32, #tpu.memory_space<hbm>>
      tpu.wait_indirect_dma semaphore(%arg19 : memref<!tpu.dma_semaphore, #tpu.memory_space<semaphore_mem>>) src(%dma_wait3A_194 : memref<100352xf32, #tpu.memory_space<hbm>>) dst(%arg12 : memref<128xf32, #tpu.memory_space<vmem>>)
      %dma_start3A_195 = arith.constant 3 : i32
      %dma_start3A_196 = arith.constant 0 : i32
      %dma_start3A_197 = tpu.memref_slice %arg8[%rem3A_73, %dma_start3A_195, %dma_start3A_196] : memref<2x8x128xi32, #tpu.memory_space<vmem>> -> memref<1x1x128xi32, #tpu.memory_space<vmem>>
      %dma_start3A_198 = tpu.memref_squeeze %dma_start3A_197 : memref<1x1x128xi32, #tpu.memory_space<vmem>> -> memref<128xi32, #tpu.memory_space<vmem>>
      %dma_start3A_199 = arith.constant 0 : i32
      %dma_start3A_200 = tpu.memref_slice %arg6[%dma_start3A_199] : memref<100352xf32, #tpu.memory_space<vmem_shared>> -> memref<100352xf32, #tpu.memory_space<vmem_shared>>
      %dma_start3A_201 = arith.constant -1 : i32
      tpu.enqueue_indirect_dma source(%arg12 : memref<128xf32, #tpu.memory_space<vmem>>) target(%dma_start3A_200 : memref<100352xf32, #tpu.memory_space<vmem_shared>>) offsets(%dma_start3A_198 : memref<128xi32, #tpu.memory_space<vmem>>) offset_filter(%dma_start3A_201) semaphore(%arg20 : memref<!tpu.dma_semaphore, #tpu.memory_space<semaphore_mem>>) {add = true}
      %dma_wait3A_202 = arith.constant 4 : i32
      %dma_wait3A_203 = arith.constant 0 : i32
      %dma_wait3A_204 = tpu.memref_slice %arg7[%rem3A_73, %dma_wait3A_202, %dma_wait3A_203] : memref<2x8x128xi32, #tpu.memory_space<vmem>> -> memref<1x1x128xi32, #tpu.memory_space<vmem>>
      %dma_wait3A_205 = tpu.memref_squeeze %dma_wait3A_204 : memref<1x1x128xi32, #tpu.memory_space<vmem>> -> memref<128xi32, #tpu.memory_space<vmem>>
      %dma_wait3A_206 = arith.constant 0 : i32
      %dma_wait3A_207 = tpu.memref_slice %arg2[%dma_wait3A_206] : memref<100352xf32, #tpu.memory_space<hbm>> -> memref<100352xf32, #tpu.memory_space<hbm>>
      tpu.wait_indirect_dma semaphore(%arg19 : memref<!tpu.dma_semaphore, #tpu.memory_space<semaphore_mem>>) src(%dma_wait3A_207 : memref<100352xf32, #tpu.memory_space<hbm>>) dst(%arg13 : memref<128xf32, #tpu.memory_space<vmem>>)
      %dma_start3A_208 = arith.constant 4 : i32
      %dma_start3A_209 = arith.constant 0 : i32
      %dma_start3A_210 = tpu.memref_slice %arg8[%rem3A_73, %dma_start3A_208, %dma_start3A_209] : memref<2x8x128xi32, #tpu.memory_space<vmem>> -> memref<1x1x128xi32, #tpu.memory_space<vmem>>
      %dma_start3A_211 = tpu.memref_squeeze %dma_start3A_210 : memref<1x1x128xi32, #tpu.memory_space<vmem>> -> memref<128xi32, #tpu.memory_space<vmem>>
      %dma_start3A_212 = arith.constant 0 : i32
      %dma_start3A_213 = tpu.memref_slice %arg6[%dma_start3A_212] : memref<100352xf32, #tpu.memory_space<vmem_shared>> -> memref<100352xf32, #tpu.memory_space<vmem_shared>>
      %dma_start3A_214 = arith.constant -1 : i32
      tpu.enqueue_indirect_dma source(%arg13 : memref<128xf32, #tpu.memory_space<vmem>>) target(%dma_start3A_213 : memref<100352xf32, #tpu.memory_space<vmem_shared>>) offsets(%dma_start3A_211 : memref<128xi32, #tpu.memory_space<vmem>>) offset_filter(%dma_start3A_214) semaphore(%arg20 : memref<!tpu.dma_semaphore, #tpu.memory_space<semaphore_mem>>) {add = true}
      %dma_wait3A_215 = arith.constant 5 : i32
      %dma_wait3A_216 = arith.constant 0 : i32
      %dma_wait3A_217 = tpu.memref_slice %arg7[%rem3A_73, %dma_wait3A_215, %dma_wait3A_216] : memref<2x8x128xi32, #tpu.memory_space<vmem>> -> memref<1x1x128xi32, #tpu.memory_space<vmem>>
      %dma_wait3A_218 = tpu.memref_squeeze %dma_wait3A_217 : memref<1x1x128xi32, #tpu.memory_space<vmem>> -> memref<128xi32, #tpu.memory_space<vmem>>
      %dma_wait3A_219 = arith.constant 0 : i32
      %dma_wait3A_220 = tpu.memref_slice %arg2[%dma_wait3A_219] : memref<100352xf32, #tpu.memory_space<hbm>> -> memref<100352xf32, #tpu.memory_space<hbm>>
      tpu.wait_indirect_dma semaphore(%arg19 : memref<!tpu.dma_semaphore, #tpu.memory_space<semaphore_mem>>) src(%dma_wait3A_220 : memref<100352xf32, #tpu.memory_space<hbm>>) dst(%arg14 : memref<128xf32, #tpu.memory_space<vmem>>)
      %dma_start3A_221 = arith.constant 5 : i32
      %dma_start3A_222 = arith.constant 0 : i32
      %dma_start3A_223 = tpu.memref_slice %arg8[%rem3A_73, %dma_start3A_221, %dma_start3A_222] : memref<2x8x128xi32, #tpu.memory_space<vmem>> -> memref<1x1x128xi32, #tpu.memory_space<vmem>>
      %dma_start3A_224 = tpu.memref_squeeze %dma_start3A_223 : memref<1x1x128xi32, #tpu.memory_space<vmem>> -> memref<128xi32, #tpu.memory_space<vmem>>
      %dma_start3A_225 = arith.constant 0 : i32
      %dma_start3A_226 = tpu.memref_slice %arg6[%dma_start3A_225] : memref<100352xf32, #tpu.memory_space<vmem_shared>> -> memref<100352xf32, #tpu.memory_space<vmem_shared>>
      %dma_start3A_227 = arith.constant -1 : i32
      tpu.enqueue_indirect_dma source(%arg14 : memref<128xf32, #tpu.memory_space<vmem>>) target(%dma_start3A_226 : memref<100352xf32, #tpu.memory_space<vmem_shared>>) offsets(%dma_start3A_224 : memref<128xi32, #tpu.memory_space<vmem>>) offset_filter(%dma_start3A_227) semaphore(%arg20 : memref<!tpu.dma_semaphore, #tpu.memory_space<semaphore_mem>>) {add = true}
      %dma_wait3A_228 = arith.constant 6 : i32
      %dma_wait3A_229 = arith.constant 0 : i32
      %dma_wait3A_230 = tpu.memref_slice %arg7[%rem3A_73, %dma_wait3A_228, %dma_wait3A_229] : memref<2x8x128xi32, #tpu.memory_space<vmem>> -> memref<1x1x128xi32, #tpu.memory_space<vmem>>
      %dma_wait3A_231 = tpu.memref_squeeze %dma_wait3A_230 : memref<1x1x128xi32, #tpu.memory_space<vmem>> -> memref<128xi32, #tpu.memory_space<vmem>>
      %dma_wait3A_232 = arith.constant 0 : i32
      %dma_wait3A_233 = tpu.memref_slice %arg2[%dma_wait3A_232] : memref<100352xf32, #tpu.memory_space<hbm>> -> memref<100352xf32, #tpu.memory_space<hbm>>
      tpu.wait_indirect_dma semaphore(%arg19 : memref<!tpu.dma_semaphore, #tpu.memory_space<semaphore_mem>>) src(%dma_wait3A_233 : memref<100352xf32, #tpu.memory_space<hbm>>) dst(%arg15 : memref<128xf32, #tpu.memory_space<vmem>>)
      %dma_start3A_234 = arith.constant 6 : i32
      %dma_start3A_235 = arith.constant 0 : i32
      %dma_start3A_236 = tpu.memref_slice %arg8[%rem3A_73, %dma_start3A_234, %dma_start3A_235] : memref<2x8x128xi32, #tpu.memory_space<vmem>> -> memref<1x1x128xi32, #tpu.memory_space<vmem>>
      %dma_start3A_237 = tpu.memref_squeeze %dma_start3A_236 : memref<1x1x128xi32, #tpu.memory_space<vmem>> -> memref<128xi32, #tpu.memory_space<vmem>>
      %dma_start3A_238 = arith.constant 0 : i32
      %dma_start3A_239 = tpu.memref_slice %arg6[%dma_start3A_238] : memref<100352xf32, #tpu.memory_space<vmem_shared>> -> memref<100352xf32, #tpu.memory_space<vmem_shared>>
      %dma_start3A_240 = arith.constant -1 : i32
      tpu.enqueue_indirect_dma source(%arg15 : memref<128xf32, #tpu.memory_space<vmem>>) target(%dma_start3A_239 : memref<100352xf32, #tpu.memory_space<vmem_shared>>) offsets(%dma_start3A_237 : memref<128xi32, #tpu.memory_space<vmem>>) offset_filter(%dma_start3A_240) semaphore(%arg20 : memref<!tpu.dma_semaphore, #tpu.memory_space<semaphore_mem>>) {add = true}
      %dma_wait3A_241 = arith.constant 7 : i32
      %dma_wait3A_242 = arith.constant 0 : i32
      %dma_wait3A_243 = tpu.memref_slice %arg7[%rem3A_73, %dma_wait3A_241, %dma_wait3A_242] : memref<2x8x128xi32, #tpu.memory_space<vmem>> -> memref<1x1x128xi32, #tpu.memory_space<vmem>>
      %dma_wait3A_244 = tpu.memref_squeeze %dma_wait3A_243 : memref<1x1x128xi32, #tpu.memory_space<vmem>> -> memref<128xi32, #tpu.memory_space<vmem>>
      %dma_wait3A_245 = arith.constant 0 : i32
      %dma_wait3A_246 = tpu.memref_slice %arg2[%dma_wait3A_245] : memref<100352xf32, #tpu.memory_space<hbm>> -> memref<100352xf32, #tpu.memory_space<hbm>>
      tpu.wait_indirect_dma semaphore(%arg19 : memref<!tpu.dma_semaphore, #tpu.memory_space<semaphore_mem>>) src(%dma_wait3A_246 : memref<100352xf32, #tpu.memory_space<hbm>>) dst(%arg16 : memref<128xf32, #tpu.memory_space<vmem>>)
      %dma_start3A_247 = arith.constant 7 : i32
      %dma_start3A_248 = arith.constant 0 : i32
      %dma_start3A_249 = tpu.memref_slice %arg8[%rem3A_73, %dma_start3A_247, %dma_start3A_248] : memref<2x8x128xi32, #tpu.memory_space<vmem>> -> memref<1x1x128xi32, #tpu.memory_space<vmem>>
      %dma_start3A_250 = tpu.memref_squeeze %dma_start3A_249 : memref<1x1x128xi32, #tpu.memory_space<vmem>> -> memref<128xi32, #tpu.memory_space<vmem>>
      %dma_start3A_251 = arith.constant 0 : i32
      %dma_start3A_252 = tpu.memref_slice %arg6[%dma_start3A_251] : memref<100352xf32, #tpu.memory_space<vmem_shared>> -> memref<100352xf32, #tpu.memory_space<vmem_shared>>
      %dma_start3A_253 = arith.constant -1 : i32
      tpu.enqueue_indirect_dma source(%arg16 : memref<128xf32, #tpu.memory_space<vmem>>) target(%dma_start3A_252 : memref<100352xf32, #tpu.memory_space<vmem_shared>>) offsets(%dma_start3A_250 : memref<128xi32, #tpu.memory_space<vmem>>) offset_filter(%dma_start3A_253) semaphore(%arg20 : memref<!tpu.dma_semaphore, #tpu.memory_space<semaphore_mem>>) {add = true}
      %dma_wait3A_254 = arith.constant 0 : i32
      %dma_wait3A_255 = arith.constant 0 : i32
      %dma_wait3A_256 = tpu.memref_slice %arg8[%rem3A_73, %dma_wait3A_254, %dma_wait3A_255] : memref<2x8x128xi32, #tpu.memory_space<vmem>> -> memref<1x1x128xi32, #tpu.memory_space<vmem>>
      %dma_wait3A_257 = tpu.memref_squeeze %dma_wait3A_256 : memref<1x1x128xi32, #tpu.memory_space<vmem>> -> memref<128xi32, #tpu.memory_space<vmem>>
      %dma_wait3A_258 = arith.constant 0 : i32
      %dma_wait3A_259 = tpu.memref_slice %arg6[%dma_wait3A_258] : memref<100352xf32, #tpu.memory_space<vmem_shared>> -> memref<100352xf32, #tpu.memory_space<vmem_shared>>
      tpu.wait_indirect_dma semaphore(%arg20 : memref<!tpu.dma_semaphore, #tpu.memory_space<semaphore_mem>>) src(%arg9 : memref<128xf32, #tpu.memory_space<vmem>>) dst(%dma_wait3A_259 : memref<100352xf32, #tpu.memory_space<vmem_shared>>)
      %dma_wait3A_260 = arith.constant 1 : i32
      %dma_wait3A_261 = arith.constant 0 : i32
      %dma_wait3A_262 = tpu.memref_slice %arg8[%rem3A_73, %dma_wait3A_260, %dma_wait3A_261] : memref<2x8x128xi32, #tpu.memory_space<vmem>> -> memref<1x1x128xi32, #tpu.memory_space<vmem>>
      %dma_wait3A_263 = tpu.memref_squeeze %dma_wait3A_262 : memref<1x1x128xi32, #tpu.memory_space<vmem>> -> memref<128xi32, #tpu.memory_space<vmem>>
      %dma_wait3A_264 = arith.constant 0 : i32
      %dma_wait3A_265 = tpu.memref_slice %arg6[%dma_wait3A_264] : memref<100352xf32, #tpu.memory_space<vmem_shared>> -> memref<100352xf32, #tpu.memory_space<vmem_shared>>
      tpu.wait_indirect_dma semaphore(%arg20 : memref<!tpu.dma_semaphore, #tpu.memory_space<semaphore_mem>>) src(%arg10 : memref<128xf32, #tpu.memory_space<vmem>>) dst(%dma_wait3A_265 : memref<100352xf32, #tpu.memory_space<vmem_shared>>)
      %dma_wait3A_266 = arith.constant 2 : i32
      %dma_wait3A_267 = arith.constant 0 : i32
      %dma_wait3A_268 = tpu.memref_slice %arg8[%rem3A_73, %dma_wait3A_266, %dma_wait3A_267] : memref<2x8x128xi32, #tpu.memory_space<vmem>> -> memref<1x1x128xi32, #tpu.memory_space<vmem>>
      %dma_wait3A_269 = tpu.memref_squeeze %dma_wait3A_268 : memref<1x1x128xi32, #tpu.memory_space<vmem>> -> memref<128xi32, #tpu.memory_space<vmem>>
      %dma_wait3A_270 = arith.constant 0 : i32
      %dma_wait3A_271 = tpu.memref_slice %arg6[%dma_wait3A_270] : memref<100352xf32, #tpu.memory_space<vmem_shared>> -> memref<100352xf32, #tpu.memory_space<vmem_shared>>
      tpu.wait_indirect_dma semaphore(%arg20 : memref<!tpu.dma_semaphore, #tpu.memory_space<semaphore_mem>>) src(%arg11 : memref<128xf32, #tpu.memory_space<vmem>>) dst(%dma_wait3A_271 : memref<100352xf32, #tpu.memory_space<vmem_shared>>)
      %dma_wait3A_272 = arith.constant 3 : i32
      %dma_wait3A_273 = arith.constant 0 : i32
      %dma_wait3A_274 = tpu.memref_slice %arg8[%rem3A_73, %dma_wait3A_272, %dma_wait3A_273] : memref<2x8x128xi32, #tpu.memory_space<vmem>> -> memref<1x1x128xi32, #tpu.memory_space<vmem>>
      %dma_wait3A_275 = tpu.memref_squeeze %dma_wait3A_274 : memref<1x1x128xi32, #tpu.memory_space<vmem>> -> memref<128xi32, #tpu.memory_space<vmem>>
      %dma_wait3A_276 = arith.constant 0 : i32
      %dma_wait3A_277 = tpu.memref_slice %arg6[%dma_wait3A_276] : memref<100352xf32, #tpu.memory_space<vmem_shared>> -> memref<100352xf32, #tpu.memory_space<vmem_shared>>
      tpu.wait_indirect_dma semaphore(%arg20 : memref<!tpu.dma_semaphore, #tpu.memory_space<semaphore_mem>>) src(%arg12 : memref<128xf32, #tpu.memory_space<vmem>>) dst(%dma_wait3A_277 : memref<100352xf32, #tpu.memory_space<vmem_shared>>)
      %dma_wait3A_278 = arith.constant 4 : i32
      %dma_wait3A_279 = arith.constant 0 : i32
      %dma_wait3A_280 = tpu.memref_slice %arg8[%rem3A_73, %dma_wait3A_278, %dma_wait3A_279] : memref<2x8x128xi32, #tpu.memory_space<vmem>> -> memref<1x1x128xi32, #tpu.memory_space<vmem>>
      %dma_wait3A_281 = tpu.memref_squeeze %dma_wait3A_280 : memref<1x1x128xi32, #tpu.memory_space<vmem>> -> memref<128xi32, #tpu.memory_space<vmem>>
      %dma_wait3A_282 = arith.constant 0 : i32
      %dma_wait3A_283 = tpu.memref_slice %arg6[%dma_wait3A_282] : memref<100352xf32, #tpu.memory_space<vmem_shared>> -> memref<100352xf32, #tpu.memory_space<vmem_shared>>
      tpu.wait_indirect_dma semaphore(%arg20 : memref<!tpu.dma_semaphore, #tpu.memory_space<semaphore_mem>>) src(%arg13 : memref<128xf32, #tpu.memory_space<vmem>>) dst(%dma_wait3A_283 : memref<100352xf32, #tpu.memory_space<vmem_shared>>)
      %dma_wait3A_284 = arith.constant 5 : i32
      %dma_wait3A_285 = arith.constant 0 : i32
      %dma_wait3A_286 = tpu.memref_slice %arg8[%rem3A_73, %dma_wait3A_284, %dma_wait3A_285] : memref<2x8x128xi32, #tpu.memory_space<vmem>> -> memref<1x1x128xi32, #tpu.memory_space<vmem>>
      %dma_wait3A_287 = tpu.memref_squeeze %dma_wait3A_286 : memref<1x1x128xi32, #tpu.memory_space<vmem>> -> memref<128xi32, #tpu.memory_space<vmem>>
      %dma_wait3A_288 = arith.constant 0 : i32
      %dma_wait3A_289 = tpu.memref_slice %arg6[%dma_wait3A_288] : memref<100352xf32, #tpu.memory_space<vmem_shared>> -> memref<100352xf32, #tpu.memory_space<vmem_shared>>
      tpu.wait_indirect_dma semaphore(%arg20 : memref<!tpu.dma_semaphore, #tpu.memory_space<semaphore_mem>>) src(%arg14 : memref<128xf32, #tpu.memory_space<vmem>>) dst(%dma_wait3A_289 : memref<100352xf32, #tpu.memory_space<vmem_shared>>)
      %dma_wait3A_290 = arith.constant 6 : i32
      %dma_wait3A_291 = arith.constant 0 : i32
      %dma_wait3A_292 = tpu.memref_slice %arg8[%rem3A_73, %dma_wait3A_290, %dma_wait3A_291] : memref<2x8x128xi32, #tpu.memory_space<vmem>> -> memref<1x1x128xi32, #tpu.memory_space<vmem>>
      %dma_wait3A_293 = tpu.memref_squeeze %dma_wait3A_292 : memref<1x1x128xi32, #tpu.memory_space<vmem>> -> memref<128xi32, #tpu.memory_space<vmem>>
      %dma_wait3A_294 = arith.constant 0 : i32
      %dma_wait3A_295 = tpu.memref_slice %arg6[%dma_wait3A_294] : memref<100352xf32, #tpu.memory_space<vmem_shared>> -> memref<100352xf32, #tpu.memory_space<vmem_shared>>
      tpu.wait_indirect_dma semaphore(%arg20 : memref<!tpu.dma_semaphore, #tpu.memory_space<semaphore_mem>>) src(%arg15 : memref<128xf32, #tpu.memory_space<vmem>>) dst(%dma_wait3A_295 : memref<100352xf32, #tpu.memory_space<vmem_shared>>)
      %dma_wait3A_296 = arith.constant 7 : i32
      %dma_wait3A_297 = arith.constant 0 : i32
      %dma_wait3A_298 = tpu.memref_slice %arg8[%rem3A_73, %dma_wait3A_296, %dma_wait3A_297] : memref<2x8x128xi32, #tpu.memory_space<vmem>> -> memref<1x1x128xi32, #tpu.memory_space<vmem>>
      %dma_wait3A_299 = tpu.memref_squeeze %dma_wait3A_298 : memref<1x1x128xi32, #tpu.memory_space<vmem>> -> memref<128xi32, #tpu.memory_space<vmem>>
      %dma_wait3A_300 = arith.constant 0 : i32
      %dma_wait3A_301 = tpu.memref_slice %arg6[%dma_wait3A_300] : memref<100352xf32, #tpu.memory_space<vmem_shared>> -> memref<100352xf32, #tpu.memory_space<vmem_shared>>
      tpu.wait_indirect_dma semaphore(%arg20 : memref<!tpu.dma_semaphore, #tpu.memory_space<semaphore_mem>>) src(%arg16 : memref<128xf32, #tpu.memory_space<vmem>>) dst(%dma_wait3A_301 : memref<100352xf32, #tpu.memory_space<vmem_shared>>)
    }
    %scan3A_54 = arith.constant 49 : i32
    %barrier3A_55 = arith.constant 0 : index
    tpu.barrier barrier_id(%barrier3A_55)
    %add3A_56 = arith.constant 0 : i32
    %add3A_57 = arith.addi %mul3A_6, %add3A_56 : i32
    "tpu.region"() ({
      %run_scoped3A = tpu.sem_alloc : memref<!tpu.dma_semaphore, #tpu.memory_space<semaphore_mem>>
      %dma_start3A_72 = tpu.memref_slice %arg6[%add3A_57] : memref<100352xf32, #tpu.memory_space<vmem_shared>> -> memref<784xf32, #tpu.memory_space<vmem_shared>>
      %dma_start3A_73 = tpu.memref_slice %arg6[%add3A_57] : memref<100352xf32, #tpu.memory_space<vmem_shared>> -> memref<784xf32, #tpu.memory_space<vmem_shared>>
      tpu.enqueue_dma source(%dma_start3A_73 : memref<784xf32, #tpu.memory_space<vmem_shared>>) target(%arg17 : memref<784xf32, #tpu.memory_space<vmem>>) target_semaphore(%run_scoped3A : memref<!tpu.dma_semaphore, #tpu.memory_space<semaphore_mem>>)
      %dma_wait3A = tpu.memref_slice %arg6[%add3A_57] : memref<100352xf32, #tpu.memory_space<vmem_shared>> -> memref<784xf32, #tpu.memory_space<vmem_shared>>
      %dma_wait3A_74 = tpu.memref_slice %arg6[%add3A_57] : memref<100352xf32, #tpu.memory_space<vmem_shared>> -> memref<784xf32, #tpu.memory_space<vmem_shared>>
      tpu.wait_dma2 semaphore(%run_scoped3A : memref<!tpu.dma_semaphore, #tpu.memory_space<semaphore_mem>>) src(%dma_wait3A_74 : memref<784xf32, #tpu.memory_space<vmem_shared>>) dst(%arg17 : memref<784xf32, #tpu.memory_space<vmem>>)
      tpu.yield
    }) : () -> ()
    "tpu.region"() ({
      %run_scoped3A = tpu.sem_alloc : memref<!tpu.dma_semaphore, #tpu.memory_space<semaphore_mem>>
      %dma_start3A_72 = tpu.memref_slice %arg5[%arg0, %add3A_57] : memref<2x100352xf32, #tpu.memory_space<hbm>> -> memref<1x784xf32, #tpu.memory_space<hbm>>
      %dma_start3A_73 = tpu.memref_squeeze %dma_start3A_72 : memref<1x784xf32, #tpu.memory_space<hbm>> -> memref<784xf32, #tpu.memory_space<hbm>>
      %dma_start3A_74 = tpu.memref_slice %arg5[%arg0, %add3A_57] : memref<2x100352xf32, #tpu.memory_space<hbm>> -> memref<1x784xf32, #tpu.memory_space<hbm>>
      %dma_start3A_75 = tpu.memref_squeeze %dma_start3A_74 : memref<1x784xf32, #tpu.memory_space<hbm>> -> memref<784xf32, #tpu.memory_space<hbm>>
      tpu.enqueue_dma source(%arg17 : memref<784xf32, #tpu.memory_space<vmem>>) target(%dma_start3A_75 : memref<784xf32, #tpu.memory_space<hbm>>) target_semaphore(%run_scoped3A : memref<!tpu.dma_semaphore, #tpu.memory_space<semaphore_mem>>)
      %dma_wait3A = tpu.memref_slice %arg5[%arg0, %add3A_57] : memref<2x100352xf32, #tpu.memory_space<hbm>> -> memref<1x784xf32, #tpu.memory_space<hbm>>
      %dma_wait3A_76 = tpu.memref_squeeze %dma_wait3A : memref<1x784xf32, #tpu.memory_space<hbm>> -> memref<784xf32, #tpu.memory_space<hbm>>
      %dma_wait3A_77 = tpu.memref_slice %arg5[%arg0, %add3A_57] : memref<2x100352xf32, #tpu.memory_space<hbm>> -> memref<1x784xf32, #tpu.memory_space<hbm>>
      %dma_wait3A_78 = tpu.memref_squeeze %dma_wait3A_77 : memref<1x784xf32, #tpu.memory_space<hbm>> -> memref<784xf32, #tpu.memory_space<hbm>>
      tpu.wait_dma2 semaphore(%run_scoped3A : memref<!tpu.dma_semaphore, #tpu.memory_space<semaphore_mem>>) src(%arg17 : memref<784xf32, #tpu.memory_space<vmem>>) dst(%dma_wait3A_78 : memref<784xf32, #tpu.memory_space<hbm>>)
      tpu.yield
    }) : () -> ()
    %add3A_58 = arith.constant 784 : i32
    %add3A_59 = arith.addi %mul3A_6, %add3A_58 : i32
    "tpu.region"() ({
      %run_scoped3A = tpu.sem_alloc : memref<!tpu.dma_semaphore, #tpu.memory_space<semaphore_mem>>
      %dma_start3A_72 = tpu.memref_slice %arg6[%add3A_59] : memref<100352xf32, #tpu.memory_space<vmem_shared>> -> memref<784xf32, #tpu.memory_space<vmem_shared>>
      %dma_start3A_73 = tpu.memref_slice %arg6[%add3A_59] : memref<100352xf32, #tpu.memory_space<vmem_shared>> -> memref<784xf32, #tpu.memory_space<vmem_shared>>
      tpu.enqueue_dma source(%dma_start3A_73 : memref<784xf32, #tpu.memory_space<vmem_shared>>) target(%arg17 : memref<784xf32, #tpu.memory_space<vmem>>) target_semaphore(%run_scoped3A : memref<!tpu.dma_semaphore, #tpu.memory_space<semaphore_mem>>)
      %dma_wait3A = tpu.memref_slice %arg6[%add3A_59] : memref<100352xf32, #tpu.memory_space<vmem_shared>> -> memref<784xf32, #tpu.memory_space<vmem_shared>>
      %dma_wait3A_74 = tpu.memref_slice %arg6[%add3A_59] : memref<100352xf32, #tpu.memory_space<vmem_shared>> -> memref<784xf32, #tpu.memory_space<vmem_shared>>
      tpu.wait_dma2 semaphore(%run_scoped3A : memref<!tpu.dma_semaphore, #tpu.memory_space<semaphore_mem>>) src(%dma_wait3A_74 : memref<784xf32, #tpu.memory_space<vmem_shared>>) dst(%arg17 : memref<784xf32, #tpu.memory_space<vmem>>)
      tpu.yield
    }) : () -> ()
    "tpu.region"() ({
      %run_scoped3A = tpu.sem_alloc : memref<!tpu.dma_semaphore, #tpu.memory_space<semaphore_mem>>
      %dma_start3A_72 = tpu.memref_slice %arg5[%arg0, %add3A_59] : memref<2x100352xf32, #tpu.memory_space<hbm>> -> memref<1x784xf32, #tpu.memory_space<hbm>>
      %dma_start3A_73 = tpu.memref_squeeze %dma_start3A_72 : memref<1x784xf32, #tpu.memory_space<hbm>> -> memref<784xf32, #tpu.memory_space<hbm>>
      %dma_start3A_74 = tpu.memref_slice %arg5[%arg0, %add3A_59] : memref<2x100352xf32, #tpu.memory_space<hbm>> -> memref<1x784xf32, #tpu.memory_space<hbm>>
      %dma_start3A_75 = tpu.memref_squeeze %dma_start3A_74 : memref<1x784xf32, #tpu.memory_space<hbm>> -> memref<784xf32, #tpu.memory_space<hbm>>
      tpu.enqueue_dma source(%arg17 : memref<784xf32, #tpu.memory_space<vmem>>) target(%dma_start3A_75 : memref<784xf32, #tpu.memory_space<hbm>>) target_semaphore(%run_scoped3A : memref<!tpu.dma_semaphore, #tpu.memory_space<semaphore_mem>>)
      %dma_wait3A = tpu.memref_slice %arg5[%arg0, %add3A_59] : memref<2x100352xf32, #tpu.memory_space<hbm>> -> memref<1x784xf32, #tpu.memory_space<hbm>>
      %dma_wait3A_76 = tpu.memref_squeeze %dma_wait3A : memref<1x784xf32, #tpu.memory_space<hbm>> -> memref<784xf32, #tpu.memory_space<hbm>>
      %dma_wait3A_77 = tpu.memref_slice %arg5[%arg0, %add3A_59] : memref<2x100352xf32, #tpu.memory_space<hbm>> -> memref<1x784xf32, #tpu.memory_space<hbm>>
      %dma_wait3A_78 = tpu.memref_squeeze %dma_wait3A_77 : memref<1x784xf32, #tpu.memory_space<hbm>> -> memref<784xf32, #tpu.memory_space<hbm>>
      tpu.wait_dma2 semaphore(%run_scoped3A : memref<!tpu.dma_semaphore, #tpu.memory_space<semaphore_mem>>) src(%arg17 : memref<784xf32, #tpu.memory_space<vmem>>) dst(%dma_wait3A_78 : memref<784xf32, #tpu.memory_space<hbm>>)
      tpu.yield
    }) : () -> ()
    %add3A_60 = arith.constant 1568 : i32
    %add3A_61 = arith.addi %mul3A_6, %add3A_60 : i32
    "tpu.region"() ({
      %run_scoped3A = tpu.sem_alloc : memref<!tpu.dma_semaphore, #tpu.memory_space<semaphore_mem>>
      %dma_start3A_72 = tpu.memref_slice %arg6[%add3A_61] : memref<100352xf32, #tpu.memory_space<vmem_shared>> -> memref<784xf32, #tpu.memory_space<vmem_shared>>
      %dma_start3A_73 = tpu.memref_slice %arg6[%add3A_61] : memref<100352xf32, #tpu.memory_space<vmem_shared>> -> memref<784xf32, #tpu.memory_space<vmem_shared>>
      tpu.enqueue_dma source(%dma_start3A_73 : memref<784xf32, #tpu.memory_space<vmem_shared>>) target(%arg17 : memref<784xf32, #tpu.memory_space<vmem>>) target_semaphore(%run_scoped3A : memref<!tpu.dma_semaphore, #tpu.memory_space<semaphore_mem>>)
      %dma_wait3A = tpu.memref_slice %arg6[%add3A_61] : memref<100352xf32, #tpu.memory_space<vmem_shared>> -> memref<784xf32, #tpu.memory_space<vmem_shared>>
      %dma_wait3A_74 = tpu.memref_slice %arg6[%add3A_61] : memref<100352xf32, #tpu.memory_space<vmem_shared>> -> memref<784xf32, #tpu.memory_space<vmem_shared>>
      tpu.wait_dma2 semaphore(%run_scoped3A : memref<!tpu.dma_semaphore, #tpu.memory_space<semaphore_mem>>) src(%dma_wait3A_74 : memref<784xf32, #tpu.memory_space<vmem_shared>>) dst(%arg17 : memref<784xf32, #tpu.memory_space<vmem>>)
      tpu.yield
    }) : () -> ()
    "tpu.region"() ({
      %run_scoped3A = tpu.sem_alloc : memref<!tpu.dma_semaphore, #tpu.memory_space<semaphore_mem>>
      %dma_start3A_72 = tpu.memref_slice %arg5[%arg0, %add3A_61] : memref<2x100352xf32, #tpu.memory_space<hbm>> -> memref<1x784xf32, #tpu.memory_space<hbm>>
      %dma_start3A_73 = tpu.memref_squeeze %dma_start3A_72 : memref<1x784xf32, #tpu.memory_space<hbm>> -> memref<784xf32, #tpu.memory_space<hbm>>
      %dma_start3A_74 = tpu.memref_slice %arg5[%arg0, %add3A_61] : memref<2x100352xf32, #tpu.memory_space<hbm>> -> memref<1x784xf32, #tpu.memory_space<hbm>>
      %dma_start3A_75 = tpu.memref_squeeze %dma_start3A_74 : memref<1x784xf32, #tpu.memory_space<hbm>> -> memref<784xf32, #tpu.memory_space<hbm>>
      tpu.enqueue_dma source(%arg17 : memref<784xf32, #tpu.memory_space<vmem>>) target(%dma_start3A_75 : memref<784xf32, #tpu.memory_space<hbm>>) target_semaphore(%run_scoped3A : memref<!tpu.dma_semaphore, #tpu.memory_space<semaphore_mem>>)
      %dma_wait3A = tpu.memref_slice %arg5[%arg0, %add3A_61] : memref<2x100352xf32, #tpu.memory_space<hbm>> -> memref<1x784xf32, #tpu.memory_space<hbm>>
      %dma_wait3A_76 = tpu.memref_squeeze %dma_wait3A : memref<1x784xf32, #tpu.memory_space<hbm>> -> memref<784xf32, #tpu.memory_space<hbm>>
      %dma_wait3A_77 = tpu.memref_slice %arg5[%arg0, %add3A_61] : memref<2x100352xf32, #tpu.memory_space<hbm>> -> memref<1x784xf32, #tpu.memory_space<hbm>>
      %dma_wait3A_78 = tpu.memref_squeeze %dma_wait3A_77 : memref<1x784xf32, #tpu.memory_space<hbm>> -> memref<784xf32, #tpu.memory_space<hbm>>
      tpu.wait_dma2 semaphore(%run_scoped3A : memref<!tpu.dma_semaphore, #tpu.memory_space<semaphore_mem>>) src(%arg17 : memref<784xf32, #tpu.memory_space<vmem>>) dst(%dma_wait3A_78 : memref<784xf32, #tpu.memory_space<hbm>>)
      tpu.yield
    }) : () -> ()
    %add3A_62 = arith.constant 2352 : i32
    %add3A_63 = arith.addi %mul3A_6, %add3A_62 : i32
    "tpu.region"() ({
      %run_scoped3A = tpu.sem_alloc : memref<!tpu.dma_semaphore, #tpu.memory_space<semaphore_mem>>
      %dma_start3A_72 = tpu.memref_slice %arg6[%add3A_63] : memref<100352xf32, #tpu.memory_space<vmem_shared>> -> memref<784xf32, #tpu.memory_space<vmem_shared>>
      %dma_start3A_73 = tpu.memref_slice %arg6[%add3A_63] : memref<100352xf32, #tpu.memory_space<vmem_shared>> -> memref<784xf32, #tpu.memory_space<vmem_shared>>
      tpu.enqueue_dma source(%dma_start3A_73 : memref<784xf32, #tpu.memory_space<vmem_shared>>) target(%arg17 : memref<784xf32, #tpu.memory_space<vmem>>) target_semaphore(%run_scoped3A : memref<!tpu.dma_semaphore, #tpu.memory_space<semaphore_mem>>)
      %dma_wait3A = tpu.memref_slice %arg6[%add3A_63] : memref<100352xf32, #tpu.memory_space<vmem_shared>> -> memref<784xf32, #tpu.memory_space<vmem_shared>>
      %dma_wait3A_74 = tpu.memref_slice %arg6[%add3A_63] : memref<100352xf32, #tpu.memory_space<vmem_shared>> -> memref<784xf32, #tpu.memory_space<vmem_shared>>
      tpu.wait_dma2 semaphore(%run_scoped3A : memref<!tpu.dma_semaphore, #tpu.memory_space<semaphore_mem>>) src(%dma_wait3A_74 : memref<784xf32, #tpu.memory_space<vmem_shared>>) dst(%arg17 : memref<784xf32, #tpu.memory_space<vmem>>)
      tpu.yield
    }) : () -> ()
    "tpu.region"() ({
      %run_scoped3A = tpu.sem_alloc : memref<!tpu.dma_semaphore, #tpu.memory_space<semaphore_mem>>
      %dma_start3A_72 = tpu.memref_slice %arg5[%arg0, %add3A_63] : memref<2x100352xf32, #tpu.memory_space<hbm>> -> memref<1x784xf32, #tpu.memory_space<hbm>>
      %dma_start3A_73 = tpu.memref_squeeze %dma_start3A_72 : memref<1x784xf32, #tpu.memory_space<hbm>> -> memref<784xf32, #tpu.memory_space<hbm>>
      %dma_start3A_74 = tpu.memref_slice %arg5[%arg0, %add3A_63] : memref<2x100352xf32, #tpu.memory_space<hbm>> -> memref<1x784xf32, #tpu.memory_space<hbm>>
      %dma_start3A_75 = tpu.memref_squeeze %dma_start3A_74 : memref<1x784xf32, #tpu.memory_space<hbm>> -> memref<784xf32, #tpu.memory_space<hbm>>
      tpu.enqueue_dma source(%arg17 : memref<784xf32, #tpu.memory_space<vmem>>) target(%dma_start3A_75 : memref<784xf32, #tpu.memory_space<hbm>>) target_semaphore(%run_scoped3A : memref<!tpu.dma_semaphore, #tpu.memory_space<semaphore_mem>>)
      %dma_wait3A = tpu.memref_slice %arg5[%arg0, %add3A_63] : memref<2x100352xf32, #tpu.memory_space<hbm>> -> memref<1x784xf32, #tpu.memory_space<hbm>>
      %dma_wait3A_76 = tpu.memref_squeeze %dma_wait3A : memref<1x784xf32, #tpu.memory_space<hbm>> -> memref<784xf32, #tpu.memory_space<hbm>>
      %dma_wait3A_77 = tpu.memref_slice %arg5[%arg0, %add3A_63] : memref<2x100352xf32, #tpu.memory_space<hbm>> -> memref<1x784xf32, #tpu.memory_space<hbm>>
      %dma_wait3A_78 = tpu.memref_squeeze %dma_wait3A_77 : memref<1x784xf32, #tpu.memory_space<hbm>> -> memref<784xf32, #tpu.memory_space<hbm>>
      tpu.wait_dma2 semaphore(%run_scoped3A : memref<!tpu.dma_semaphore, #tpu.memory_space<semaphore_mem>>) src(%arg17 : memref<784xf32, #tpu.memory_space<vmem>>) dst(%dma_wait3A_78 : memref<784xf32, #tpu.memory_space<hbm>>)
      tpu.yield
    }) : () -> ()
    %add3A_64 = arith.constant 3136 : i32
    %add3A_65 = arith.addi %mul3A_6, %add3A_64 : i32
    "tpu.region"() ({
      %run_scoped3A = tpu.sem_alloc : memref<!tpu.dma_semaphore, #tpu.memory_space<semaphore_mem>>
      %dma_start3A_72 = tpu.memref_slice %arg6[%add3A_65] : memref<100352xf32, #tpu.memory_space<vmem_shared>> -> memref<784xf32, #tpu.memory_space<vmem_shared>>
      %dma_start3A_73 = tpu.memref_slice %arg6[%add3A_65] : memref<100352xf32, #tpu.memory_space<vmem_shared>> -> memref<784xf32, #tpu.memory_space<vmem_shared>>
      tpu.enqueue_dma source(%dma_start3A_73 : memref<784xf32, #tpu.memory_space<vmem_shared>>) target(%arg17 : memref<784xf32, #tpu.memory_space<vmem>>) target_semaphore(%run_scoped3A : memref<!tpu.dma_semaphore, #tpu.memory_space<semaphore_mem>>)
      %dma_wait3A = tpu.memref_slice %arg6[%add3A_65] : memref<100352xf32, #tpu.memory_space<vmem_shared>> -> memref<784xf32, #tpu.memory_space<vmem_shared>>
      %dma_wait3A_74 = tpu.memref_slice %arg6[%add3A_65] : memref<100352xf32, #tpu.memory_space<vmem_shared>> -> memref<784xf32, #tpu.memory_space<vmem_shared>>
      tpu.wait_dma2 semaphore(%run_scoped3A : memref<!tpu.dma_semaphore, #tpu.memory_space<semaphore_mem>>) src(%dma_wait3A_74 : memref<784xf32, #tpu.memory_space<vmem_shared>>) dst(%arg17 : memref<784xf32, #tpu.memory_space<vmem>>)
      tpu.yield
    }) : () -> ()
    "tpu.region"() ({
      %run_scoped3A = tpu.sem_alloc : memref<!tpu.dma_semaphore, #tpu.memory_space<semaphore_mem>>
      %dma_start3A_72 = tpu.memref_slice %arg5[%arg0, %add3A_65] : memref<2x100352xf32, #tpu.memory_space<hbm>> -> memref<1x784xf32, #tpu.memory_space<hbm>>
      %dma_start3A_73 = tpu.memref_squeeze %dma_start3A_72 : memref<1x784xf32, #tpu.memory_space<hbm>> -> memref<784xf32, #tpu.memory_space<hbm>>
      %dma_start3A_74 = tpu.memref_slice %arg5[%arg0, %add3A_65] : memref<2x100352xf32, #tpu.memory_space<hbm>> -> memref<1x784xf32, #tpu.memory_space<hbm>>
      %dma_start3A_75 = tpu.memref_squeeze %dma_start3A_74 : memref<1x784xf32, #tpu.memory_space<hbm>> -> memref<784xf32, #tpu.memory_space<hbm>>
      tpu.enqueue_dma source(%arg17 : memref<784xf32, #tpu.memory_space<vmem>>) target(%dma_start3A_75 : memref<784xf32, #tpu.memory_space<hbm>>) target_semaphore(%run_scoped3A : memref<!tpu.dma_semaphore, #tpu.memory_space<semaphore_mem>>)
      %dma_wait3A = tpu.memref_slice %arg5[%arg0, %add3A_65] : memref<2x100352xf32, #tpu.memory_space<hbm>> -> memref<1x784xf32, #tpu.memory_space<hbm>>
      %dma_wait3A_76 = tpu.memref_squeeze %dma_wait3A : memref<1x784xf32, #tpu.memory_space<hbm>> -> memref<784xf32, #tpu.memory_space<hbm>>
      %dma_wait3A_77 = tpu.memref_slice %arg5[%arg0, %add3A_65] : memref<2x100352xf32, #tpu.memory_space<hbm>> -> memref<1x784xf32, #tpu.memory_space<hbm>>
      %dma_wait3A_78 = tpu.memref_squeeze %dma_wait3A_77 : memref<1x784xf32, #tpu.memory_space<hbm>> -> memref<784xf32, #tpu.memory_space<hbm>>
      tpu.wait_dma2 semaphore(%run_scoped3A : memref<!tpu.dma_semaphore, #tpu.memory_space<semaphore_mem>>) src(%arg17 : memref<784xf32, #tpu.memory_space<vmem>>) dst(%dma_wait3A_78 : memref<784xf32, #tpu.memory_space<hbm>>)
      tpu.yield
    }) : () -> ()
    %add3A_66 = arith.constant 3920 : i32
    %add3A_67 = arith.addi %mul3A_6, %add3A_66 : i32
    "tpu.region"() ({
      %run_scoped3A = tpu.sem_alloc : memref<!tpu.dma_semaphore, #tpu.memory_space<semaphore_mem>>
      %dma_start3A_72 = tpu.memref_slice %arg6[%add3A_67] : memref<100352xf32, #tpu.memory_space<vmem_shared>> -> memref<784xf32, #tpu.memory_space<vmem_shared>>
      %dma_start3A_73 = tpu.memref_slice %arg6[%add3A_67] : memref<100352xf32, #tpu.memory_space<vmem_shared>> -> memref<784xf32, #tpu.memory_space<vmem_shared>>
      tpu.enqueue_dma source(%dma_start3A_73 : memref<784xf32, #tpu.memory_space<vmem_shared>>) target(%arg17 : memref<784xf32, #tpu.memory_space<vmem>>) target_semaphore(%run_scoped3A : memref<!tpu.dma_semaphore, #tpu.memory_space<semaphore_mem>>)
      %dma_wait3A = tpu.memref_slice %arg6[%add3A_67] : memref<100352xf32, #tpu.memory_space<vmem_shared>> -> memref<784xf32, #tpu.memory_space<vmem_shared>>
      %dma_wait3A_74 = tpu.memref_slice %arg6[%add3A_67] : memref<100352xf32, #tpu.memory_space<vmem_shared>> -> memref<784xf32, #tpu.memory_space<vmem_shared>>
      tpu.wait_dma2 semaphore(%run_scoped3A : memref<!tpu.dma_semaphore, #tpu.memory_space<semaphore_mem>>) src(%dma_wait3A_74 : memref<784xf32, #tpu.memory_space<vmem_shared>>) dst(%arg17 : memref<784xf32, #tpu.memory_space<vmem>>)
      tpu.yield
    }) : () -> ()
    "tpu.region"() ({
      %run_scoped3A = tpu.sem_alloc : memref<!tpu.dma_semaphore, #tpu.memory_space<semaphore_mem>>
      %dma_start3A_72 = tpu.memref_slice %arg5[%arg0, %add3A_67] : memref<2x100352xf32, #tpu.memory_space<hbm>> -> memref<1x784xf32, #tpu.memory_space<hbm>>
      %dma_start3A_73 = tpu.memref_squeeze %dma_start3A_72 : memref<1x784xf32, #tpu.memory_space<hbm>> -> memref<784xf32, #tpu.memory_space<hbm>>
      %dma_start3A_74 = tpu.memref_slice %arg5[%arg0, %add3A_67] : memref<2x100352xf32, #tpu.memory_space<hbm>> -> memref<1x784xf32, #tpu.memory_space<hbm>>
      %dma_start3A_75 = tpu.memref_squeeze %dma_start3A_74 : memref<1x784xf32, #tpu.memory_space<hbm>> -> memref<784xf32, #tpu.memory_space<hbm>>
      tpu.enqueue_dma source(%arg17 : memref<784xf32, #tpu.memory_space<vmem>>) target(%dma_start3A_75 : memref<784xf32, #tpu.memory_space<hbm>>) target_semaphore(%run_scoped3A : memref<!tpu.dma_semaphore, #tpu.memory_space<semaphore_mem>>)
      %dma_wait3A = tpu.memref_slice %arg5[%arg0, %add3A_67] : memref<2x100352xf32, #tpu.memory_space<hbm>> -> memref<1x784xf32, #tpu.memory_space<hbm>>
      %dma_wait3A_76 = tpu.memref_squeeze %dma_wait3A : memref<1x784xf32, #tpu.memory_space<hbm>> -> memref<784xf32, #tpu.memory_space<hbm>>
      %dma_wait3A_77 = tpu.memref_slice %arg5[%arg0, %add3A_67] : memref<2x100352xf32, #tpu.memory_space<hbm>> -> memref<1x784xf32, #tpu.memory_space<hbm>>
      %dma_wait3A_78 = tpu.memref_squeeze %dma_wait3A_77 : memref<1x784xf32, #tpu.memory_space<hbm>> -> memref<784xf32, #tpu.memory_space<hbm>>
      tpu.wait_dma2 semaphore(%run_scoped3A : memref<!tpu.dma_semaphore, #tpu.memory_space<semaphore_mem>>) src(%arg17 : memref<784xf32, #tpu.memory_space<vmem>>) dst(%dma_wait3A_78 : memref<784xf32, #tpu.memory_space<hbm>>)
      tpu.yield
    }) : () -> ()
    %add3A_68 = arith.constant 4704 : i32
    %add3A_69 = arith.addi %mul3A_6, %add3A_68 : i32
    "tpu.region"() ({
      %run_scoped3A = tpu.sem_alloc : memref<!tpu.dma_semaphore, #tpu.memory_space<semaphore_mem>>
      %dma_start3A_72 = tpu.memref_slice %arg6[%add3A_69] : memref<100352xf32, #tpu.memory_space<vmem_shared>> -> memref<784xf32, #tpu.memory_space<vmem_shared>>
      %dma_start3A_73 = tpu.memref_slice %arg6[%add3A_69] : memref<100352xf32, #tpu.memory_space<vmem_shared>> -> memref<784xf32, #tpu.memory_space<vmem_shared>>
      tpu.enqueue_dma source(%dma_start3A_73 : memref<784xf32, #tpu.memory_space<vmem_shared>>) target(%arg17 : memref<784xf32, #tpu.memory_space<vmem>>) target_semaphore(%run_scoped3A : memref<!tpu.dma_semaphore, #tpu.memory_space<semaphore_mem>>)
      %dma_wait3A = tpu.memref_slice %arg6[%add3A_69] : memref<100352xf32, #tpu.memory_space<vmem_shared>> -> memref<784xf32, #tpu.memory_space<vmem_shared>>
      %dma_wait3A_74 = tpu.memref_slice %arg6[%add3A_69] : memref<100352xf32, #tpu.memory_space<vmem_shared>> -> memref<784xf32, #tpu.memory_space<vmem_shared>>
      tpu.wait_dma2 semaphore(%run_scoped3A : memref<!tpu.dma_semaphore, #tpu.memory_space<semaphore_mem>>) src(%dma_wait3A_74 : memref<784xf32, #tpu.memory_space<vmem_shared>>) dst(%arg17 : memref<784xf32, #tpu.memory_space<vmem>>)
      tpu.yield
    }) : () -> ()
    "tpu.region"() ({
      %run_scoped3A = tpu.sem_alloc : memref<!tpu.dma_semaphore, #tpu.memory_space<semaphore_mem>>
      %dma_start3A_72 = tpu.memref_slice %arg5[%arg0, %add3A_69] : memref<2x100352xf32, #tpu.memory_space<hbm>> -> memref<1x784xf32, #tpu.memory_space<hbm>>
      %dma_start3A_73 = tpu.memref_squeeze %dma_start3A_72 : memref<1x784xf32, #tpu.memory_space<hbm>> -> memref<784xf32, #tpu.memory_space<hbm>>
      %dma_start3A_74 = tpu.memref_slice %arg5[%arg0, %add3A_69] : memref<2x100352xf32, #tpu.memory_space<hbm>> -> memref<1x784xf32, #tpu.memory_space<hbm>>
      %dma_start3A_75 = tpu.memref_squeeze %dma_start3A_74 : memref<1x784xf32, #tpu.memory_space<hbm>> -> memref<784xf32, #tpu.memory_space<hbm>>
      tpu.enqueue_dma source(%arg17 : memref<784xf32, #tpu.memory_space<vmem>>) target(%dma_start3A_75 : memref<784xf32, #tpu.memory_space<hbm>>) target_semaphore(%run_scoped3A : memref<!tpu.dma_semaphore, #tpu.memory_space<semaphore_mem>>)
      %dma_wait3A = tpu.memref_slice %arg5[%arg0, %add3A_69] : memref<2x100352xf32, #tpu.memory_space<hbm>> -> memref<1x784xf32, #tpu.memory_space<hbm>>
      %dma_wait3A_76 = tpu.memref_squeeze %dma_wait3A : memref<1x784xf32, #tpu.memory_space<hbm>> -> memref<784xf32, #tpu.memory_space<hbm>>
      %dma_wait3A_77 = tpu.memref_slice %arg5[%arg0, %add3A_69] : memref<2x100352xf32, #tpu.memory_space<hbm>> -> memref<1x784xf32, #tpu.memory_space<hbm>>
      %dma_wait3A_78 = tpu.memref_squeeze %dma_wait3A_77 : memref<1x784xf32, #tpu.memory_space<hbm>> -> memref<784xf32, #tpu.memory_space<hbm>>
      tpu.wait_dma2 semaphore(%run_scoped3A : memref<!tpu.dma_semaphore, #tpu.memory_space<semaphore_mem>>) src(%arg17 : memref<784xf32, #tpu.memory_space<vmem>>) dst(%dma_wait3A_78 : memref<784xf32, #tpu.memory_space<hbm>>)
      tpu.yield
    }) : () -> ()
    %add3A_70 = arith.constant 5488 : i32
    %add3A_71 = arith.addi %mul3A_6, %add3A_70 : i32
    "tpu.region"() ({
      %run_scoped3A = tpu.sem_alloc : memref<!tpu.dma_semaphore, #tpu.memory_space<semaphore_mem>>
      %dma_start3A_72 = tpu.memref_slice %arg6[%add3A_71] : memref<100352xf32, #tpu.memory_space<vmem_shared>> -> memref<784xf32, #tpu.memory_space<vmem_shared>>
      %dma_start3A_73 = tpu.memref_slice %arg6[%add3A_71] : memref<100352xf32, #tpu.memory_space<vmem_shared>> -> memref<784xf32, #tpu.memory_space<vmem_shared>>
      tpu.enqueue_dma source(%dma_start3A_73 : memref<784xf32, #tpu.memory_space<vmem_shared>>) target(%arg17 : memref<784xf32, #tpu.memory_space<vmem>>) target_semaphore(%run_scoped3A : memref<!tpu.dma_semaphore, #tpu.memory_space<semaphore_mem>>)
      %dma_wait3A = tpu.memref_slice %arg6[%add3A_71] : memref<100352xf32, #tpu.memory_space<vmem_shared>> -> memref<784xf32, #tpu.memory_space<vmem_shared>>
      %dma_wait3A_74 = tpu.memref_slice %arg6[%add3A_71] : memref<100352xf32, #tpu.memory_space<vmem_shared>> -> memref<784xf32, #tpu.memory_space<vmem_shared>>
      tpu.wait_dma2 semaphore(%run_scoped3A : memref<!tpu.dma_semaphore, #tpu.memory_space<semaphore_mem>>) src(%dma_wait3A_74 : memref<784xf32, #tpu.memory_space<vmem_shared>>) dst(%arg17 : memref<784xf32, #tpu.memory_space<vmem>>)
      tpu.yield
    }) : () -> ()
    "tpu.region"() ({
      %run_scoped3A = tpu.sem_alloc : memref<!tpu.dma_semaphore, #tpu.memory_space<semaphore_mem>>
      %dma_start3A_72 = tpu.memref_slice %arg5[%arg0, %add3A_71] : memref<2x100352xf32, #tpu.memory_space<hbm>> -> memref<1x784xf32, #tpu.memory_space<hbm>>
      %dma_start3A_73 = tpu.memref_squeeze %dma_start3A_72 : memref<1x784xf32, #tpu.memory_space<hbm>> -> memref<784xf32, #tpu.memory_space<hbm>>
      %dma_start3A_74 = tpu.memref_slice %arg5[%arg0, %add3A_71] : memref<2x100352xf32, #tpu.memory_space<hbm>> -> memref<1x784xf32, #tpu.memory_space<hbm>>
      %dma_start3A_75 = tpu.memref_squeeze %dma_start3A_74 : memref<1x784xf32, #tpu.memory_space<hbm>> -> memref<784xf32, #tpu.memory_space<hbm>>
      tpu.enqueue_dma source(%arg17 : memref<784xf32, #tpu.memory_space<vmem>>) target(%dma_start3A_75 : memref<784xf32, #tpu.memory_space<hbm>>) target_semaphore(%run_scoped3A : memref<!tpu.dma_semaphore, #tpu.memory_space<semaphore_mem>>)
      %dma_wait3A = tpu.memref_slice %arg5[%arg0, %add3A_71] : memref<2x100352xf32, #tpu.memory_space<hbm>> -> memref<1x784xf32, #tpu.memory_space<hbm>>
      %dma_wait3A_76 = tpu.memref_squeeze %dma_wait3A : memref<1x784xf32, #tpu.memory_space<hbm>> -> memref<784xf32, #tpu.memory_space<hbm>>
      %dma_wait3A_77 = tpu.memref_slice %arg5[%arg0, %add3A_71] : memref<2x100352xf32, #tpu.memory_space<hbm>> -> memref<1x784xf32, #tpu.memory_space<hbm>>
      %dma_wait3A_78 = tpu.memref_squeeze %dma_wait3A_77 : memref<1x784xf32, #tpu.memory_space<hbm>> -> memref<784xf32, #tpu.memory_space<hbm>>
      tpu.wait_dma2 semaphore(%run_scoped3A : memref<!tpu.dma_semaphore, #tpu.memory_space<semaphore_mem>>) src(%arg17 : memref<784xf32, #tpu.memory_space<vmem>>) dst(%dma_wait3A_78 : memref<784xf32, #tpu.memory_space<hbm>>)
      tpu.yield
    }) : () -> ()
    return
  }
}

#map = affine_map<(d0, d1) -> (0, 0)>
#map1 = affine_map<(d0, d1) -> (0, 0, 0)>
module attributes {stable_mosaic.version = 14 : i64} {
  func.func @kfn(%arg0: i32, %arg1: i32, %arg2: memref<100352x16xf32, #tpu.memory_space<hbm>>, %arg3: memref<12544x128xi32, #tpu.memory_space<hbm>>, %arg4: memref<12544x128xi32, #tpu.memory_space<hbm>>, %arg5: memref<2x100352x16xf32, #tpu.memory_space<hbm>>, %arg6: memref<100352x16xf32, #tpu.memory_space<vmem_shared>>, %arg7: memref<2x8x128xi32, #tpu.memory_space<vmem>>, %arg8: memref<2x8x128xi32, #tpu.memory_space<vmem>>, %arg9: memref<128x16xf32, #tpu.memory_space<vmem>>, %arg10: memref<128x16xf32, #tpu.memory_space<vmem>>, %arg11: memref<128x16xf32, #tpu.memory_space<vmem>>, %arg12: memref<128x16xf32, #tpu.memory_space<vmem>>, %arg13: memref<128x16xf32, #tpu.memory_space<vmem>>, %arg14: memref<128x16xf32, #tpu.memory_space<vmem>>, %arg15: memref<128x16xf32, #tpu.memory_space<vmem>>, %arg16: memref<128x16xf32, #tpu.memory_space<vmem>>, %arg17: memref<392x16xf32, #tpu.memory_space<vmem>>, %arg18: memref<!tpu.dma_semaphore, #tpu.memory_space<semaphore_mem>>, %arg19: memref<!tpu.dma_semaphore, #tpu.memory_space<semaphore_mem>>, %arg20: memref<!tpu.dma_semaphore, #tpu.memory_space<semaphore_mem>>) attributes {dimension_semantics = [#tpu.dimension_semantics<core_parallel>, #tpu.dimension_semantics<subcore_parallel>], iteration_bounds = array<i64: 2, 16>, scalar_prefetch = 0 : i64, scratch_operands = 15 : i64, tpu.core_type = #tpu.core_type<sc_vector_subcore>, window_params = [{transform_indices = #map}, {transform_indices = #map}, {transform_indices = #map}, {transform_indices = #map1}]} {
    %mul3A = arith.constant 16 : i32
    %mul3A_0 = arith.muli %arg0, %mul3A : i32
    %add3A = arith.addi %mul3A_0, %arg1 : i32
    %scan3A = arith.constant 0 : i32
    %scan3A_1 = arith.constant 392 : i32
    %scan3A_2 = arith.addi %scan3A, %scan3A_1 : i32
    %scan3A_3 = arith.constant 1 : i32
    scf.for %scan3A_104 = %scan3A to %scan3A_2 step %scan3A_3  : i32 {
      %broadcast_in_dim3A = arith.constant 0.000000e+00 : f32
      %broadcast_in_dim3A_105 = vector.broadcast %broadcast_in_dim3A : f32 to vector<16xf32>
      %swap3A = arith.index_cast %scan3A_104 : i32 to index
      %swap3A_106 = arith.constant 0 : index
      %swap3A_107 = tpu.vector_load %arg17[%swap3A, %swap3A_106] {strides = array<i32>} : memref<392x16xf32, #tpu.memory_space<vmem>>, vector<1x16xf32>,
      %swap3A_108 = vector.shape_cast %swap3A_107 : vector<1x16xf32> to vector<16xf32>
      %swap3A_109 = vector.shape_cast %broadcast_in_dim3A_105 : vector<16xf32> to vector<1x16xf32>
      tpu.vector_store %arg17[%swap3A, %swap3A_106], %swap3A_109 {strides = array<i32>} : memref<392x16xf32, #tpu.memory_space<vmem>>, vector<1x16xf32>,
    }
    %scan3A_4 = arith.constant 392 : i32
    %mul3A_5 = arith.constant 6272 : i32
    %mul3A_6 = arith.muli %arg1, %mul3A_5 : i32
    %add3A_7 = arith.constant 0 : i32
    %add3A_8 = arith.addi %mul3A_6, %add3A_7 : i32
    "tpu.region"() ({
      %run_scoped3A = tpu.sem_alloc : memref<!tpu.dma_semaphore, #tpu.memory_space<semaphore_mem>>
      %dma_start3A_104 = arith.constant 0 : i32
      %dma_start3A_105 = tpu.memref_slice %arg6[%add3A_8, %dma_start3A_104] : memref<100352x16xf32, #tpu.memory_space<vmem_shared>> -> memref<392x16xf32, #tpu.memory_space<vmem_shared>>
      %dma_start3A_106 = arith.constant 0 : i32
      %dma_start3A_107 = tpu.memref_slice %arg6[%add3A_8, %dma_start3A_106] : memref<100352x16xf32, #tpu.memory_space<vmem_shared>> -> memref<392x16xf32, #tpu.memory_space<vmem_shared>>
      tpu.enqueue_dma source(%arg17 : memref<392x16xf32, #tpu.memory_space<vmem>>) target(%dma_start3A_107 : memref<392x16xf32, #tpu.memory_space<vmem_shared>>) target_semaphore(%run_scoped3A : memref<!tpu.dma_semaphore, #tpu.memory_space<semaphore_mem>>)
      %dma_wait3A = arith.constant 0 : i32
      %dma_wait3A_108 = tpu.memref_slice %arg6[%add3A_8, %dma_wait3A] : memref<100352x16xf32, #tpu.memory_space<vmem_shared>> -> memref<392x16xf32, #tpu.memory_space<vmem_shared>>
      %dma_wait3A_109 = arith.constant 0 : i32
      %dma_wait3A_110 = tpu.memref_slice %arg6[%add3A_8, %dma_wait3A_109] : memref<100352x16xf32, #tpu.memory_space<vmem_shared>> -> memref<392x16xf32, #tpu.memory_space<vmem_shared>>
      tpu.wait_dma2 semaphore(%run_scoped3A : memref<!tpu.dma_semaphore, #tpu.memory_space<semaphore_mem>>) src(%arg17 : memref<392x16xf32, #tpu.memory_space<vmem>>) dst(%dma_wait3A_110 : memref<392x16xf32, #tpu.memory_space<vmem_shared>>)
      tpu.yield
    }) : () -> ()
    %add3A_9 = arith.constant 392 : i32
    %add3A_10 = arith.addi %mul3A_6, %add3A_9 : i32
    "tpu.region"() ({
      %run_scoped3A = tpu.sem_alloc : memref<!tpu.dma_semaphore, #tpu.memory_space<semaphore_mem>>
      %dma_start3A_104 = arith.constant 0 : i32
      %dma_start3A_105 = tpu.memref_slice %arg6[%add3A_10, %dma_start3A_104] : memref<100352x16xf32, #tpu.memory_space<vmem_shared>> -> memref<392x16xf32, #tpu.memory_space<vmem_shared>>
      %dma_start3A_106 = arith.constant 0 : i32
      %dma_start3A_107 = tpu.memref_slice %arg6[%add3A_10, %dma_start3A_106] : memref<100352x16xf32, #tpu.memory_space<vmem_shared>> -> memref<392x16xf32, #tpu.memory_space<vmem_shared>>
      tpu.enqueue_dma source(%arg17 : memref<392x16xf32, #tpu.memory_space<vmem>>) target(%dma_start3A_107 : memref<392x16xf32, #tpu.memory_space<vmem_shared>>) target_semaphore(%run_scoped3A : memref<!tpu.dma_semaphore, #tpu.memory_space<semaphore_mem>>)
      %dma_wait3A = arith.constant 0 : i32
      %dma_wait3A_108 = tpu.memref_slice %arg6[%add3A_10, %dma_wait3A] : memref<100352x16xf32, #tpu.memory_space<vmem_shared>> -> memref<392x16xf32, #tpu.memory_space<vmem_shared>>
      %dma_wait3A_109 = arith.constant 0 : i32
      %dma_wait3A_110 = tpu.memref_slice %arg6[%add3A_10, %dma_wait3A_109] : memref<100352x16xf32, #tpu.memory_space<vmem_shared>> -> memref<392x16xf32, #tpu.memory_space<vmem_shared>>
      tpu.wait_dma2 semaphore(%run_scoped3A : memref<!tpu.dma_semaphore, #tpu.memory_space<semaphore_mem>>) src(%arg17 : memref<392x16xf32, #tpu.memory_space<vmem>>) dst(%dma_wait3A_110 : memref<392x16xf32, #tpu.memory_space<vmem_shared>>)
      tpu.yield
    }) : () -> ()
    %add3A_11 = arith.constant 784 : i32
    %add3A_12 = arith.addi %mul3A_6, %add3A_11 : i32
    "tpu.region"() ({
      %run_scoped3A = tpu.sem_alloc : memref<!tpu.dma_semaphore, #tpu.memory_space<semaphore_mem>>
      %dma_start3A_104 = arith.constant 0 : i32
      %dma_start3A_105 = tpu.memref_slice %arg6[%add3A_12, %dma_start3A_104] : memref<100352x16xf32, #tpu.memory_space<vmem_shared>> -> memref<392x16xf32, #tpu.memory_space<vmem_shared>>
      %dma_start3A_106 = arith.constant 0 : i32
      %dma_start3A_107 = tpu.memref_slice %arg6[%add3A_12, %dma_start3A_106] : memref<100352x16xf32, #tpu.memory_space<vmem_shared>> -> memref<392x16xf32, #tpu.memory_space<vmem_shared>>
      tpu.enqueue_dma source(%arg17 : memref<392x16xf32, #tpu.memory_space<vmem>>) target(%dma_start3A_107 : memref<392x16xf32, #tpu.memory_space<vmem_shared>>) target_semaphore(%run_scoped3A : memref<!tpu.dma_semaphore, #tpu.memory_space<semaphore_mem>>)
      %dma_wait3A = arith.constant 0 : i32
      %dma_wait3A_108 = tpu.memref_slice %arg6[%add3A_12, %dma_wait3A] : memref<100352x16xf32, #tpu.memory_space<vmem_shared>> -> memref<392x16xf32, #tpu.memory_space<vmem_shared>>
      %dma_wait3A_109 = arith.constant 0 : i32
      %dma_wait3A_110 = tpu.memref_slice %arg6[%add3A_12, %dma_wait3A_109] : memref<100352x16xf32, #tpu.memory_space<vmem_shared>> -> memref<392x16xf32, #tpu.memory_space<vmem_shared>>
      tpu.wait_dma2 semaphore(%run_scoped3A : memref<!tpu.dma_semaphore, #tpu.memory_space<semaphore_mem>>) src(%arg17 : memref<392x16xf32, #tpu.memory_space<vmem>>) dst(%dma_wait3A_110 : memref<392x16xf32, #tpu.memory_space<vmem_shared>>)
      tpu.yield
    }) : () -> ()
    %add3A_13 = arith.constant 1176 : i32
    %add3A_14 = arith.addi %mul3A_6, %add3A_13 : i32
    "tpu.region"() ({
      %run_scoped3A = tpu.sem_alloc : memref<!tpu.dma_semaphore, #tpu.memory_space<semaphore_mem>>
      %dma_start3A_104 = arith.constant 0 : i32
      %dma_start3A_105 = tpu.memref_slice %arg6[%add3A_14, %dma_start3A_104] : memref<100352x16xf32, #tpu.memory_space<vmem_shared>> -> memref<392x16xf32, #tpu.memory_space<vmem_shared>>
      %dma_start3A_106 = arith.constant 0 : i32
      %dma_start3A_107 = tpu.memref_slice %arg6[%add3A_14, %dma_start3A_106] : memref<100352x16xf32, #tpu.memory_space<vmem_shared>> -> memref<392x16xf32, #tpu.memory_space<vmem_shared>>
      tpu.enqueue_dma source(%arg17 : memref<392x16xf32, #tpu.memory_space<vmem>>) target(%dma_start3A_107 : memref<392x16xf32, #tpu.memory_space<vmem_shared>>) target_semaphore(%run_scoped3A : memref<!tpu.dma_semaphore, #tpu.memory_space<semaphore_mem>>)
      %dma_wait3A = arith.constant 0 : i32
      %dma_wait3A_108 = tpu.memref_slice %arg6[%add3A_14, %dma_wait3A] : memref<100352x16xf32, #tpu.memory_space<vmem_shared>> -> memref<392x16xf32, #tpu.memory_space<vmem_shared>>
      %dma_wait3A_109 = arith.constant 0 : i32
      %dma_wait3A_110 = tpu.memref_slice %arg6[%add3A_14, %dma_wait3A_109] : memref<100352x16xf32, #tpu.memory_space<vmem_shared>> -> memref<392x16xf32, #tpu.memory_space<vmem_shared>>
      tpu.wait_dma2 semaphore(%run_scoped3A : memref<!tpu.dma_semaphore, #tpu.memory_space<semaphore_mem>>) src(%arg17 : memref<392x16xf32, #tpu.memory_space<vmem>>) dst(%dma_wait3A_110 : memref<392x16xf32, #tpu.memory_space<vmem_shared>>)
      tpu.yield
    }) : () -> ()
    %add3A_15 = arith.constant 1568 : i32
    %add3A_16 = arith.addi %mul3A_6, %add3A_15 : i32
    "tpu.region"() ({
      %run_scoped3A = tpu.sem_alloc : memref<!tpu.dma_semaphore, #tpu.memory_space<semaphore_mem>>
      %dma_start3A_104 = arith.constant 0 : i32
      %dma_start3A_105 = tpu.memref_slice %arg6[%add3A_16, %dma_start3A_104] : memref<100352x16xf32, #tpu.memory_space<vmem_shared>> -> memref<392x16xf32, #tpu.memory_space<vmem_shared>>
      %dma_start3A_106 = arith.constant 0 : i32
      %dma_start3A_107 = tpu.memref_slice %arg6[%add3A_16, %dma_start3A_106] : memref<100352x16xf32, #tpu.memory_space<vmem_shared>> -> memref<392x16xf32, #tpu.memory_space<vmem_shared>>
      tpu.enqueue_dma source(%arg17 : memref<392x16xf32, #tpu.memory_space<vmem>>) target(%dma_start3A_107 : memref<392x16xf32, #tpu.memory_space<vmem_shared>>) target_semaphore(%run_scoped3A : memref<!tpu.dma_semaphore, #tpu.memory_space<semaphore_mem>>)
      %dma_wait3A = arith.constant 0 : i32
      %dma_wait3A_108 = tpu.memref_slice %arg6[%add3A_16, %dma_wait3A] : memref<100352x16xf32, #tpu.memory_space<vmem_shared>> -> memref<392x16xf32, #tpu.memory_space<vmem_shared>>
      %dma_wait3A_109 = arith.constant 0 : i32
      %dma_wait3A_110 = tpu.memref_slice %arg6[%add3A_16, %dma_wait3A_109] : memref<100352x16xf32, #tpu.memory_space<vmem_shared>> -> memref<392x16xf32, #tpu.memory_space<vmem_shared>>
      tpu.wait_dma2 semaphore(%run_scoped3A : memref<!tpu.dma_semaphore, #tpu.memory_space<semaphore_mem>>) src(%arg17 : memref<392x16xf32, #tpu.memory_space<vmem>>) dst(%dma_wait3A_110 : memref<392x16xf32, #tpu.memory_space<vmem_shared>>)
      tpu.yield
    }) : () -> ()
    %add3A_17 = arith.constant 1960 : i32
    %add3A_18 = arith.addi %mul3A_6, %add3A_17 : i32
    "tpu.region"() ({
      %run_scoped3A = tpu.sem_alloc : memref<!tpu.dma_semaphore, #tpu.memory_space<semaphore_mem>>
      %dma_start3A_104 = arith.constant 0 : i32
      %dma_start3A_105 = tpu.memref_slice %arg6[%add3A_18, %dma_start3A_104] : memref<100352x16xf32, #tpu.memory_space<vmem_shared>> -> memref<392x16xf32, #tpu.memory_space<vmem_shared>>
      %dma_start3A_106 = arith.constant 0 : i32
      %dma_start3A_107 = tpu.memref_slice %arg6[%add3A_18, %dma_start3A_106] : memref<100352x16xf32, #tpu.memory_space<vmem_shared>> -> memref<392x16xf32, #tpu.memory_space<vmem_shared>>
      tpu.enqueue_dma source(%arg17 : memref<392x16xf32, #tpu.memory_space<vmem>>) target(%dma_start3A_107 : memref<392x16xf32, #tpu.memory_space<vmem_shared>>) target_semaphore(%run_scoped3A : memref<!tpu.dma_semaphore, #tpu.memory_space<semaphore_mem>>)
      %dma_wait3A = arith.constant 0 : i32
      %dma_wait3A_108 = tpu.memref_slice %arg6[%add3A_18, %dma_wait3A] : memref<100352x16xf32, #tpu.memory_space<vmem_shared>> -> memref<392x16xf32, #tpu.memory_space<vmem_shared>>
      %dma_wait3A_109 = arith.constant 0 : i32
      %dma_wait3A_110 = tpu.memref_slice %arg6[%add3A_18, %dma_wait3A_109] : memref<100352x16xf32, #tpu.memory_space<vmem_shared>> -> memref<392x16xf32, #tpu.memory_space<vmem_shared>>
      tpu.wait_dma2 semaphore(%run_scoped3A : memref<!tpu.dma_semaphore, #tpu.memory_space<semaphore_mem>>) src(%arg17 : memref<392x16xf32, #tpu.memory_space<vmem>>) dst(%dma_wait3A_110 : memref<392x16xf32, #tpu.memory_space<vmem_shared>>)
      tpu.yield
    }) : () -> ()
    %add3A_19 = arith.constant 2352 : i32
    %add3A_20 = arith.addi %mul3A_6, %add3A_19 : i32
    "tpu.region"() ({
      %run_scoped3A = tpu.sem_alloc : memref<!tpu.dma_semaphore, #tpu.memory_space<semaphore_mem>>
      %dma_start3A_104 = arith.constant 0 : i32
      %dma_start3A_105 = tpu.memref_slice %arg6[%add3A_20, %dma_start3A_104] : memref<100352x16xf32, #tpu.memory_space<vmem_shared>> -> memref<392x16xf32, #tpu.memory_space<vmem_shared>>
      %dma_start3A_106 = arith.constant 0 : i32
      %dma_start3A_107 = tpu.memref_slice %arg6[%add3A_20, %dma_start3A_106] : memref<100352x16xf32, #tpu.memory_space<vmem_shared>> -> memref<392x16xf32, #tpu.memory_space<vmem_shared>>
      tpu.enqueue_dma source(%arg17 : memref<392x16xf32, #tpu.memory_space<vmem>>) target(%dma_start3A_107 : memref<392x16xf32, #tpu.memory_space<vmem_shared>>) target_semaphore(%run_scoped3A : memref<!tpu.dma_semaphore, #tpu.memory_space<semaphore_mem>>)
      %dma_wait3A = arith.constant 0 : i32
      %dma_wait3A_108 = tpu.memref_slice %arg6[%add3A_20, %dma_wait3A] : memref<100352x16xf32, #tpu.memory_space<vmem_shared>> -> memref<392x16xf32, #tpu.memory_space<vmem_shared>>
      %dma_wait3A_109 = arith.constant 0 : i32
      %dma_wait3A_110 = tpu.memref_slice %arg6[%add3A_20, %dma_wait3A_109] : memref<100352x16xf32, #tpu.memory_space<vmem_shared>> -> memref<392x16xf32, #tpu.memory_space<vmem_shared>>
      tpu.wait_dma2 semaphore(%run_scoped3A : memref<!tpu.dma_semaphore, #tpu.memory_space<semaphore_mem>>) src(%arg17 : memref<392x16xf32, #tpu.memory_space<vmem>>) dst(%dma_wait3A_110 : memref<392x16xf32, #tpu.memory_space<vmem_shared>>)
      tpu.yield
    }) : () -> ()
    %add3A_21 = arith.constant 2744 : i32
    %add3A_22 = arith.addi %mul3A_6, %add3A_21 : i32
    "tpu.region"() ({
      %run_scoped3A = tpu.sem_alloc : memref<!tpu.dma_semaphore, #tpu.memory_space<semaphore_mem>>
      %dma_start3A_104 = arith.constant 0 : i32
      %dma_start3A_105 = tpu.memref_slice %arg6[%add3A_22, %dma_start3A_104] : memref<100352x16xf32, #tpu.memory_space<vmem_shared>> -> memref<392x16xf32, #tpu.memory_space<vmem_shared>>
      %dma_start3A_106 = arith.constant 0 : i32
      %dma_start3A_107 = tpu.memref_slice %arg6[%add3A_22, %dma_start3A_106] : memref<100352x16xf32, #tpu.memory_space<vmem_shared>> -> memref<392x16xf32, #tpu.memory_space<vmem_shared>>
      tpu.enqueue_dma source(%arg17 : memref<392x16xf32, #tpu.memory_space<vmem>>) target(%dma_start3A_107 : memref<392x16xf32, #tpu.memory_space<vmem_shared>>) target_semaphore(%run_scoped3A : memref<!tpu.dma_semaphore, #tpu.memory_space<semaphore_mem>>)
      %dma_wait3A = arith.constant 0 : i32
      %dma_wait3A_108 = tpu.memref_slice %arg6[%add3A_22, %dma_wait3A] : memref<100352x16xf32, #tpu.memory_space<vmem_shared>> -> memref<392x16xf32, #tpu.memory_space<vmem_shared>>
      %dma_wait3A_109 = arith.constant 0 : i32
      %dma_wait3A_110 = tpu.memref_slice %arg6[%add3A_22, %dma_wait3A_109] : memref<100352x16xf32, #tpu.memory_space<vmem_shared>> -> memref<392x16xf32, #tpu.memory_space<vmem_shared>>
      tpu.wait_dma2 semaphore(%run_scoped3A : memref<!tpu.dma_semaphore, #tpu.memory_space<semaphore_mem>>) src(%arg17 : memref<392x16xf32, #tpu.memory_space<vmem>>) dst(%dma_wait3A_110 : memref<392x16xf32, #tpu.memory_space<vmem_shared>>)
      tpu.yield
    }) : () -> ()
    %add3A_23 = arith.constant 3136 : i32
    %add3A_24 = arith.addi %mul3A_6, %add3A_23 : i32
    "tpu.region"() ({
      %run_scoped3A = tpu.sem_alloc : memref<!tpu.dma_semaphore, #tpu.memory_space<semaphore_mem>>
      %dma_start3A_104 = arith.constant 0 : i32
      %dma_start3A_105 = tpu.memref_slice %arg6[%add3A_24, %dma_start3A_104] : memref<100352x16xf32, #tpu.memory_space<vmem_shared>> -> memref<392x16xf32, #tpu.memory_space<vmem_shared>>
      %dma_start3A_106 = arith.constant 0 : i32
      %dma_start3A_107 = tpu.memref_slice %arg6[%add3A_24, %dma_start3A_106] : memref<100352x16xf32, #tpu.memory_space<vmem_shared>> -> memref<392x16xf32, #tpu.memory_space<vmem_shared>>
      tpu.enqueue_dma source(%arg17 : memref<392x16xf32, #tpu.memory_space<vmem>>) target(%dma_start3A_107 : memref<392x16xf32, #tpu.memory_space<vmem_shared>>) target_semaphore(%run_scoped3A : memref<!tpu.dma_semaphore, #tpu.memory_space<semaphore_mem>>)
      %dma_wait3A = arith.constant 0 : i32
      %dma_wait3A_108 = tpu.memref_slice %arg6[%add3A_24, %dma_wait3A] : memref<100352x16xf32, #tpu.memory_space<vmem_shared>> -> memref<392x16xf32, #tpu.memory_space<vmem_shared>>
      %dma_wait3A_109 = arith.constant 0 : i32
      %dma_wait3A_110 = tpu.memref_slice %arg6[%add3A_24, %dma_wait3A_109] : memref<100352x16xf32, #tpu.memory_space<vmem_shared>> -> memref<392x16xf32, #tpu.memory_space<vmem_shared>>
      tpu.wait_dma2 semaphore(%run_scoped3A : memref<!tpu.dma_semaphore, #tpu.memory_space<semaphore_mem>>) src(%arg17 : memref<392x16xf32, #tpu.memory_space<vmem>>) dst(%dma_wait3A_110 : memref<392x16xf32, #tpu.memory_space<vmem_shared>>)
      tpu.yield
    }) : () -> ()
    %add3A_25 = arith.constant 3528 : i32
    %add3A_26 = arith.addi %mul3A_6, %add3A_25 : i32
    "tpu.region"() ({
      %run_scoped3A = tpu.sem_alloc : memref<!tpu.dma_semaphore, #tpu.memory_space<semaphore_mem>>
      %dma_start3A_104 = arith.constant 0 : i32
      %dma_start3A_105 = tpu.memref_slice %arg6[%add3A_26, %dma_start3A_104] : memref<100352x16xf32, #tpu.memory_space<vmem_shared>> -> memref<392x16xf32, #tpu.memory_space<vmem_shared>>
      %dma_start3A_106 = arith.constant 0 : i32
      %dma_start3A_107 = tpu.memref_slice %arg6[%add3A_26, %dma_start3A_106] : memref<100352x16xf32, #tpu.memory_space<vmem_shared>> -> memref<392x16xf32, #tpu.memory_space<vmem_shared>>
      tpu.enqueue_dma source(%arg17 : memref<392x16xf32, #tpu.memory_space<vmem>>) target(%dma_start3A_107 : memref<392x16xf32, #tpu.memory_space<vmem_shared>>) target_semaphore(%run_scoped3A : memref<!tpu.dma_semaphore, #tpu.memory_space<semaphore_mem>>)
      %dma_wait3A = arith.constant 0 : i32
      %dma_wait3A_108 = tpu.memref_slice %arg6[%add3A_26, %dma_wait3A] : memref<100352x16xf32, #tpu.memory_space<vmem_shared>> -> memref<392x16xf32, #tpu.memory_space<vmem_shared>>
      %dma_wait3A_109 = arith.constant 0 : i32
      %dma_wait3A_110 = tpu.memref_slice %arg6[%add3A_26, %dma_wait3A_109] : memref<100352x16xf32, #tpu.memory_space<vmem_shared>> -> memref<392x16xf32, #tpu.memory_space<vmem_shared>>
      tpu.wait_dma2 semaphore(%run_scoped3A : memref<!tpu.dma_semaphore, #tpu.memory_space<semaphore_mem>>) src(%arg17 : memref<392x16xf32, #tpu.memory_space<vmem>>) dst(%dma_wait3A_110 : memref<392x16xf32, #tpu.memory_space<vmem_shared>>)
      tpu.yield
    }) : () -> ()
    %add3A_27 = arith.constant 3920 : i32
    %add3A_28 = arith.addi %mul3A_6, %add3A_27 : i32
    "tpu.region"() ({
      %run_scoped3A = tpu.sem_alloc : memref<!tpu.dma_semaphore, #tpu.memory_space<semaphore_mem>>
      %dma_start3A_104 = arith.constant 0 : i32
      %dma_start3A_105 = tpu.memref_slice %arg6[%add3A_28, %dma_start3A_104] : memref<100352x16xf32, #tpu.memory_space<vmem_shared>> -> memref<392x16xf32, #tpu.memory_space<vmem_shared>>
      %dma_start3A_106 = arith.constant 0 : i32
      %dma_start3A_107 = tpu.memref_slice %arg6[%add3A_28, %dma_start3A_106] : memref<100352x16xf32, #tpu.memory_space<vmem_shared>> -> memref<392x16xf32, #tpu.memory_space<vmem_shared>>
      tpu.enqueue_dma source(%arg17 : memref<392x16xf32, #tpu.memory_space<vmem>>) target(%dma_start3A_107 : memref<392x16xf32, #tpu.memory_space<vmem_shared>>) target_semaphore(%run_scoped3A : memref<!tpu.dma_semaphore, #tpu.memory_space<semaphore_mem>>)
      %dma_wait3A = arith.constant 0 : i32
      %dma_wait3A_108 = tpu.memref_slice %arg6[%add3A_28, %dma_wait3A] : memref<100352x16xf32, #tpu.memory_space<vmem_shared>> -> memref<392x16xf32, #tpu.memory_space<vmem_shared>>
      %dma_wait3A_109 = arith.constant 0 : i32
      %dma_wait3A_110 = tpu.memref_slice %arg6[%add3A_28, %dma_wait3A_109] : memref<100352x16xf32, #tpu.memory_space<vmem_shared>> -> memref<392x16xf32, #tpu.memory_space<vmem_shared>>
      tpu.wait_dma2 semaphore(%run_scoped3A : memref<!tpu.dma_semaphore, #tpu.memory_space<semaphore_mem>>) src(%arg17 : memref<392x16xf32, #tpu.memory_space<vmem>>) dst(%dma_wait3A_110 : memref<392x16xf32, #tpu.memory_space<vmem_shared>>)
      tpu.yield
    }) : () -> ()
    %add3A_29 = arith.constant 4312 : i32
    %add3A_30 = arith.addi %mul3A_6, %add3A_29 : i32
    "tpu.region"() ({
      %run_scoped3A = tpu.sem_alloc : memref<!tpu.dma_semaphore, #tpu.memory_space<semaphore_mem>>
      %dma_start3A_104 = arith.constant 0 : i32
      %dma_start3A_105 = tpu.memref_slice %arg6[%add3A_30, %dma_start3A_104] : memref<100352x16xf32, #tpu.memory_space<vmem_shared>> -> memref<392x16xf32, #tpu.memory_space<vmem_shared>>
      %dma_start3A_106 = arith.constant 0 : i32
      %dma_start3A_107 = tpu.memref_slice %arg6[%add3A_30, %dma_start3A_106] : memref<100352x16xf32, #tpu.memory_space<vmem_shared>> -> memref<392x16xf32, #tpu.memory_space<vmem_shared>>
      tpu.enqueue_dma source(%arg17 : memref<392x16xf32, #tpu.memory_space<vmem>>) target(%dma_start3A_107 : memref<392x16xf32, #tpu.memory_space<vmem_shared>>) target_semaphore(%run_scoped3A : memref<!tpu.dma_semaphore, #tpu.memory_space<semaphore_mem>>)
      %dma_wait3A = arith.constant 0 : i32
      %dma_wait3A_108 = tpu.memref_slice %arg6[%add3A_30, %dma_wait3A] : memref<100352x16xf32, #tpu.memory_space<vmem_shared>> -> memref<392x16xf32, #tpu.memory_space<vmem_shared>>
      %dma_wait3A_109 = arith.constant 0 : i32
      %dma_wait3A_110 = tpu.memref_slice %arg6[%add3A_30, %dma_wait3A_109] : memref<100352x16xf32, #tpu.memory_space<vmem_shared>> -> memref<392x16xf32, #tpu.memory_space<vmem_shared>>
      tpu.wait_dma2 semaphore(%run_scoped3A : memref<!tpu.dma_semaphore, #tpu.memory_space<semaphore_mem>>) src(%arg17 : memref<392x16xf32, #tpu.memory_space<vmem>>) dst(%dma_wait3A_110 : memref<392x16xf32, #tpu.memory_space<vmem_shared>>)
      tpu.yield
    }) : () -> ()
    %add3A_31 = arith.constant 4704 : i32
    %add3A_32 = arith.addi %mul3A_6, %add3A_31 : i32
    "tpu.region"() ({
      %run_scoped3A = tpu.sem_alloc : memref<!tpu.dma_semaphore, #tpu.memory_space<semaphore_mem>>
      %dma_start3A_104 = arith.constant 0 : i32
      %dma_start3A_105 = tpu.memref_slice %arg6[%add3A_32, %dma_start3A_104] : memref<100352x16xf32, #tpu.memory_space<vmem_shared>> -> memref<392x16xf32, #tpu.memory_space<vmem_shared>>
      %dma_start3A_106 = arith.constant 0 : i32
      %dma_start3A_107 = tpu.memref_slice %arg6[%add3A_32, %dma_start3A_106] : memref<100352x16xf32, #tpu.memory_space<vmem_shared>> -> memref<392x16xf32, #tpu.memory_space<vmem_shared>>
      tpu.enqueue_dma source(%arg17 : memref<392x16xf32, #tpu.memory_space<vmem>>) target(%dma_start3A_107 : memref<392x16xf32, #tpu.memory_space<vmem_shared>>) target_semaphore(%run_scoped3A : memref<!tpu.dma_semaphore, #tpu.memory_space<semaphore_mem>>)
      %dma_wait3A = arith.constant 0 : i32
      %dma_wait3A_108 = tpu.memref_slice %arg6[%add3A_32, %dma_wait3A] : memref<100352x16xf32, #tpu.memory_space<vmem_shared>> -> memref<392x16xf32, #tpu.memory_space<vmem_shared>>
      %dma_wait3A_109 = arith.constant 0 : i32
      %dma_wait3A_110 = tpu.memref_slice %arg6[%add3A_32, %dma_wait3A_109] : memref<100352x16xf32, #tpu.memory_space<vmem_shared>> -> memref<392x16xf32, #tpu.memory_space<vmem_shared>>
      tpu.wait_dma2 semaphore(%run_scoped3A : memref<!tpu.dma_semaphore, #tpu.memory_space<semaphore_mem>>) src(%arg17 : memref<392x16xf32, #tpu.memory_space<vmem>>) dst(%dma_wait3A_110 : memref<392x16xf32, #tpu.memory_space<vmem_shared>>)
      tpu.yield
    }) : () -> ()
    %add3A_33 = arith.constant 5096 : i32
    %add3A_34 = arith.addi %mul3A_6, %add3A_33 : i32
    "tpu.region"() ({
      %run_scoped3A = tpu.sem_alloc : memref<!tpu.dma_semaphore, #tpu.memory_space<semaphore_mem>>
      %dma_start3A_104 = arith.constant 0 : i32
      %dma_start3A_105 = tpu.memref_slice %arg6[%add3A_34, %dma_start3A_104] : memref<100352x16xf32, #tpu.memory_space<vmem_shared>> -> memref<392x16xf32, #tpu.memory_space<vmem_shared>>
      %dma_start3A_106 = arith.constant 0 : i32
      %dma_start3A_107 = tpu.memref_slice %arg6[%add3A_34, %dma_start3A_106] : memref<100352x16xf32, #tpu.memory_space<vmem_shared>> -> memref<392x16xf32, #tpu.memory_space<vmem_shared>>
      tpu.enqueue_dma source(%arg17 : memref<392x16xf32, #tpu.memory_space<vmem>>) target(%dma_start3A_107 : memref<392x16xf32, #tpu.memory_space<vmem_shared>>) target_semaphore(%run_scoped3A : memref<!tpu.dma_semaphore, #tpu.memory_space<semaphore_mem>>)
      %dma_wait3A = arith.constant 0 : i32
      %dma_wait3A_108 = tpu.memref_slice %arg6[%add3A_34, %dma_wait3A] : memref<100352x16xf32, #tpu.memory_space<vmem_shared>> -> memref<392x16xf32, #tpu.memory_space<vmem_shared>>
      %dma_wait3A_109 = arith.constant 0 : i32
      %dma_wait3A_110 = tpu.memref_slice %arg6[%add3A_34, %dma_wait3A_109] : memref<100352x16xf32, #tpu.memory_space<vmem_shared>> -> memref<392x16xf32, #tpu.memory_space<vmem_shared>>
      tpu.wait_dma2 semaphore(%run_scoped3A : memref<!tpu.dma_semaphore, #tpu.memory_space<semaphore_mem>>) src(%arg17 : memref<392x16xf32, #tpu.memory_space<vmem>>) dst(%dma_wait3A_110 : memref<392x16xf32, #tpu.memory_space<vmem_shared>>)
      tpu.yield
    }) : () -> ()
    %add3A_35 = arith.constant 5488 : i32
    %add3A_36 = arith.addi %mul3A_6, %add3A_35 : i32
    "tpu.region"() ({
      %run_scoped3A = tpu.sem_alloc : memref<!tpu.dma_semaphore, #tpu.memory_space<semaphore_mem>>
      %dma_start3A_104 = arith.constant 0 : i32
      %dma_start3A_105 = tpu.memref_slice %arg6[%add3A_36, %dma_start3A_104] : memref<100352x16xf32, #tpu.memory_space<vmem_shared>> -> memref<392x16xf32, #tpu.memory_space<vmem_shared>>
      %dma_start3A_106 = arith.constant 0 : i32
      %dma_start3A_107 = tpu.memref_slice %arg6[%add3A_36, %dma_start3A_106] : memref<100352x16xf32, #tpu.memory_space<vmem_shared>> -> memref<392x16xf32, #tpu.memory_space<vmem_shared>>
      tpu.enqueue_dma source(%arg17 : memref<392x16xf32, #tpu.memory_space<vmem>>) target(%dma_start3A_107 : memref<392x16xf32, #tpu.memory_space<vmem_shared>>) target_semaphore(%run_scoped3A : memref<!tpu.dma_semaphore, #tpu.memory_space<semaphore_mem>>)
      %dma_wait3A = arith.constant 0 : i32
      %dma_wait3A_108 = tpu.memref_slice %arg6[%add3A_36, %dma_wait3A] : memref<100352x16xf32, #tpu.memory_space<vmem_shared>> -> memref<392x16xf32, #tpu.memory_space<vmem_shared>>
      %dma_wait3A_109 = arith.constant 0 : i32
      %dma_wait3A_110 = tpu.memref_slice %arg6[%add3A_36, %dma_wait3A_109] : memref<100352x16xf32, #tpu.memory_space<vmem_shared>> -> memref<392x16xf32, #tpu.memory_space<vmem_shared>>
      tpu.wait_dma2 semaphore(%run_scoped3A : memref<!tpu.dma_semaphore, #tpu.memory_space<semaphore_mem>>) src(%arg17 : memref<392x16xf32, #tpu.memory_space<vmem>>) dst(%dma_wait3A_110 : memref<392x16xf32, #tpu.memory_space<vmem_shared>>)
      tpu.yield
    }) : () -> ()
    %add3A_37 = arith.constant 5880 : i32
    %add3A_38 = arith.addi %mul3A_6, %add3A_37 : i32
    "tpu.region"() ({
      %run_scoped3A = tpu.sem_alloc : memref<!tpu.dma_semaphore, #tpu.memory_space<semaphore_mem>>
      %dma_start3A_104 = arith.constant 0 : i32
      %dma_start3A_105 = tpu.memref_slice %arg6[%add3A_38, %dma_start3A_104] : memref<100352x16xf32, #tpu.memory_space<vmem_shared>> -> memref<392x16xf32, #tpu.memory_space<vmem_shared>>
      %dma_start3A_106 = arith.constant 0 : i32
      %dma_start3A_107 = tpu.memref_slice %arg6[%add3A_38, %dma_start3A_106] : memref<100352x16xf32, #tpu.memory_space<vmem_shared>> -> memref<392x16xf32, #tpu.memory_space<vmem_shared>>
      tpu.enqueue_dma source(%arg17 : memref<392x16xf32, #tpu.memory_space<vmem>>) target(%dma_start3A_107 : memref<392x16xf32, #tpu.memory_space<vmem_shared>>) target_semaphore(%run_scoped3A : memref<!tpu.dma_semaphore, #tpu.memory_space<semaphore_mem>>)
      %dma_wait3A = arith.constant 0 : i32
      %dma_wait3A_108 = tpu.memref_slice %arg6[%add3A_38, %dma_wait3A] : memref<100352x16xf32, #tpu.memory_space<vmem_shared>> -> memref<392x16xf32, #tpu.memory_space<vmem_shared>>
      %dma_wait3A_109 = arith.constant 0 : i32
      %dma_wait3A_110 = tpu.memref_slice %arg6[%add3A_38, %dma_wait3A_109] : memref<100352x16xf32, #tpu.memory_space<vmem_shared>> -> memref<392x16xf32, #tpu.memory_space<vmem_shared>>
      tpu.wait_dma2 semaphore(%run_scoped3A : memref<!tpu.dma_semaphore, #tpu.memory_space<semaphore_mem>>) src(%arg17 : memref<392x16xf32, #tpu.memory_space<vmem>>) dst(%dma_wait3A_110 : memref<392x16xf32, #tpu.memory_space<vmem_shared>>)
      tpu.yield
    }) : () -> ()
    %barrier3A = arith.constant 0 : index
    tpu.barrier barrier_id(%barrier3A)
    %mul3A_39 = arith.constant 392 : i32
    %mul3A_40 = arith.muli %add3A, %mul3A_39 : i32
    %dma_start3A = arith.constant 0 : i32
    %dma_start3A_41 = arith.constant 0 : i32
    %dma_start3A_42 = arith.constant 0 : i32
    %dma_start3A_43 = tpu.memref_slice %arg7[%dma_start3A, %dma_start3A_41, %dma_start3A_42] : memref<2x8x128xi32, #tpu.memory_space<vmem>> -> memref<1x8x128xi32, #tpu.memory_space<vmem>>
    %dma_start3A_44 = tpu.memref_squeeze %dma_start3A_43 : memref<1x8x128xi32, #tpu.memory_space<vmem>> -> memref<8x128xi32, #tpu.memory_space<vmem>>
    %dma_start3A_45 = arith.constant 0 : i32
    %dma_start3A_46 = tpu.memref_slice %arg3[%mul3A_40, %dma_start3A_45] : memref<12544x128xi32, #tpu.memory_space<hbm>> -> memref<8x128xi32, #tpu.memory_space<hbm>>
    %dma_start3A_47 = arith.constant 0 : i32
    %dma_start3A_48 = arith.constant 0 : i32
    %dma_start3A_49 = tpu.memref_slice %arg7[%dma_start3A, %dma_start3A_47, %dma_start3A_48] : memref<2x8x128xi32, #tpu.memory_space<vmem>> -> memref<1x8x128xi32, #tpu.memory_space<vmem>>
    %dma_start3A_50 = tpu.memref_squeeze %dma_start3A_49 : memref<1x8x128xi32, #tpu.memory_space<vmem>> -> memref<8x128xi32, #tpu.memory_space<vmem>>
    %dma_start3A_51 = arith.constant 0 : i32
    %dma_start3A_52 = tpu.memref_slice %arg3[%mul3A_40, %dma_start3A_51] : memref<12544x128xi32, #tpu.memory_space<hbm>> -> memref<8x128xi32, #tpu.memory_space<hbm>>
    tpu.enqueue_dma source(%dma_start3A_52 : memref<8x128xi32, #tpu.memory_space<hbm>>) target(%dma_start3A_50 : memref<8x128xi32, #tpu.memory_space<vmem>>) target_semaphore(%arg18 : memref<!tpu.dma_semaphore, #tpu.memory_space<semaphore_mem>>)
    %dma_start3A_53 = arith.constant 0 : i32
    %dma_start3A_54 = arith.constant 0 : i32
    %dma_start3A_55 = arith.constant 0 : i32
    %dma_start3A_56 = tpu.memref_slice %arg8[%dma_start3A_53, %dma_start3A_54, %dma_start3A_55] : memref<2x8x128xi32, #tpu.memory_space<vmem>> -> memref<1x8x128xi32, #tpu.memory_space<vmem>>
    %dma_start3A_57 = tpu.memref_squeeze %dma_start3A_56 : memref<1x8x128xi32, #tpu.memory_space<vmem>> -> memref<8x128xi32, #tpu.memory_space<vmem>>
    %dma_start3A_58 = arith.constant 0 : i32
    %dma_start3A_59 = tpu.memref_slice %arg4[%mul3A_40, %dma_start3A_58] : memref<12544x128xi32, #tpu.memory_space<hbm>> -> memref<8x128xi32, #tpu.memory_space<hbm>>
    %dma_start3A_60 = arith.constant 0 : i32
    %dma_start3A_61 = arith.constant 0 : i32
    %dma_start3A_62 = tpu.memref_slice %arg8[%dma_start3A_53, %dma_start3A_60, %dma_start3A_61] : memref<2x8x128xi32, #tpu.memory_space<vmem>> -> memref<1x8x128xi32, #tpu.memory_space<vmem>>
    %dma_start3A_63 = tpu.memref_squeeze %dma_start3A_62 : memref<1x8x128xi32, #tpu.memory_space<vmem>> -> memref<8x128xi32, #tpu.memory_space<vmem>>
    %dma_start3A_64 = arith.constant 0 : i32
    %dma_start3A_65 = tpu.memref_slice %arg4[%mul3A_40, %dma_start3A_64] : memref<12544x128xi32, #tpu.memory_space<hbm>> -> memref<8x128xi32, #tpu.memory_space<hbm>>
    tpu.enqueue_dma source(%dma_start3A_65 : memref<8x128xi32, #tpu.memory_space<hbm>>) target(%dma_start3A_63 : memref<8x128xi32, #tpu.memory_space<vmem>>) target_semaphore(%arg18 : memref<!tpu.dma_semaphore, #tpu.memory_space<semaphore_mem>>)
    %scan3A_66 = arith.constant 0 : i32
    %scan3A_67 = arith.constant 49 : i32
    %scan3A_68 = arith.addi %scan3A_66, %scan3A_67 : i32
    %scan3A_69 = arith.constant 1 : i32
    scf.for %scan3A_104 = %scan3A_66 to %scan3A_68 step %scan3A_69  : i32 {
      %rem3A = arith.constant 2 : i32
      %rem3A_105 = arith.remsi %scan3A_104, %rem3A : i32
      %mul3A_106 = arith.constant 8 : i32
      %mul3A_107 = arith.muli %scan3A_104, %mul3A_106 : i32
      %add3A_108 = arith.addi %mul3A_40, %mul3A_107 : i32
      %dma_wait3A = arith.constant 0 : i32
      %dma_wait3A_109 = arith.constant 0 : i32
      %dma_wait3A_110 = tpu.memref_slice %arg7[%rem3A_105, %dma_wait3A, %dma_wait3A_109] : memref<2x8x128xi32, #tpu.memory_space<vmem>> -> memref<1x8x128xi32, #tpu.memory_space<vmem>>
      %dma_wait3A_111 = tpu.memref_squeeze %dma_wait3A_110 : memref<1x8x128xi32, #tpu.memory_space<vmem>> -> memref<8x128xi32, #tpu.memory_space<vmem>>
      %dma_wait3A_112 = arith.constant 0 : i32
      %dma_wait3A_113 = tpu.memref_slice %arg3[%add3A_108, %dma_wait3A_112] : memref<12544x128xi32, #tpu.memory_space<hbm>> -> memref<8x128xi32, #tpu.memory_space<hbm>>
      %dma_wait3A_114 = arith.constant 0 : i32
      %dma_wait3A_115 = arith.constant 0 : i32
      %dma_wait3A_116 = tpu.memref_slice %arg7[%rem3A_105, %dma_wait3A_114, %dma_wait3A_115] : memref<2x8x128xi32, #tpu.memory_space<vmem>> -> memref<1x8x128xi32, #tpu.memory_space<vmem>>
      %dma_wait3A_117 = tpu.memref_squeeze %dma_wait3A_116 : memref<1x8x128xi32, #tpu.memory_space<vmem>> -> memref<8x128xi32, #tpu.memory_space<vmem>>
      %dma_wait3A_118 = arith.constant 0 : i32
      %dma_wait3A_119 = tpu.memref_slice %arg3[%add3A_108, %dma_wait3A_118] : memref<12544x128xi32, #tpu.memory_space<hbm>> -> memref<8x128xi32, #tpu.memory_space<hbm>>
      tpu.wait_dma2 semaphore(%arg18 : memref<!tpu.dma_semaphore, #tpu.memory_space<semaphore_mem>>) src(%dma_wait3A_119 : memref<8x128xi32, #tpu.memory_space<hbm>>) dst(%dma_wait3A_117 : memref<8x128xi32, #tpu.memory_space<vmem>>)
      %dma_wait3A_120 = arith.constant 0 : i32
      %dma_wait3A_121 = arith.constant 0 : i32
      %dma_wait3A_122 = tpu.memref_slice %arg8[%rem3A_105, %dma_wait3A_120, %dma_wait3A_121] : memref<2x8x128xi32, #tpu.memory_space<vmem>> -> memref<1x8x128xi32, #tpu.memory_space<vmem>>
      %dma_wait3A_123 = tpu.memref_squeeze %dma_wait3A_122 : memref<1x8x128xi32, #tpu.memory_space<vmem>> -> memref<8x128xi32, #tpu.memory_space<vmem>>
      %dma_wait3A_124 = arith.constant 0 : i32
      %dma_wait3A_125 = tpu.memref_slice %arg4[%add3A_108, %dma_wait3A_124] : memref<12544x128xi32, #tpu.memory_space<hbm>> -> memref<8x128xi32, #tpu.memory_space<hbm>>
      %dma_wait3A_126 = arith.constant 0 : i32
      %dma_wait3A_127 = arith.constant 0 : i32
      %dma_wait3A_128 = tpu.memref_slice %arg8[%rem3A_105, %dma_wait3A_126, %dma_wait3A_127] : memref<2x8x128xi32, #tpu.memory_space<vmem>> -> memref<1x8x128xi32, #tpu.memory_space<vmem>>
      %dma_wait3A_129 = tpu.memref_squeeze %dma_wait3A_128 : memref<1x8x128xi32, #tpu.memory_space<vmem>> -> memref<8x128xi32, #tpu.memory_space<vmem>>
      %dma_wait3A_130 = arith.constant 0 : i32
      %dma_wait3A_131 = tpu.memref_slice %arg4[%add3A_108, %dma_wait3A_130] : memref<12544x128xi32, #tpu.memory_space<hbm>> -> memref<8x128xi32, #tpu.memory_space<hbm>>
      tpu.wait_dma2 semaphore(%arg18 : memref<!tpu.dma_semaphore, #tpu.memory_space<semaphore_mem>>) src(%dma_wait3A_131 : memref<8x128xi32, #tpu.memory_space<hbm>>) dst(%dma_wait3A_129 : memref<8x128xi32, #tpu.memory_space<vmem>>)
      %lt3A = arith.constant 48 : i32
      %lt3A_132 = arith.cmpi slt, %scan3A_104, %lt3A : i32
      %convert_element_type3A = arith.extui %lt3A_132 : i1 to i32
      %cond3A = arith.constant 0 : i32
      %cond3A_133 = arith.cmpi ne, %convert_element_type3A, %cond3A : i32
      scf.if %cond3A_133 {
        %add3A_366 = arith.constant 8 : i32
        %add3A_367 = arith.addi %add3A_108, %add3A_366 : i32
        %sub3A = arith.constant 1 : i32
        %sub3A_368 = arith.subi %sub3A, %rem3A_105 : i32
        %dma_start3A_369 = arith.constant 0 : i32
        %dma_start3A_370 = arith.constant 0 : i32
        %dma_start3A_371 = tpu.memref_slice %arg7[%sub3A_368, %dma_start3A_369, %dma_start3A_370] : memref<2x8x128xi32, #tpu.memory_space<vmem>> -> memref<1x8x128xi32, #tpu.memory_space<vmem>>
        %dma_start3A_372 = tpu.memref_squeeze %dma_start3A_371 : memref<1x8x128xi32, #tpu.memory_space<vmem>> -> memref<8x128xi32, #tpu.memory_space<vmem>>
        %dma_start3A_373 = arith.constant 0 : i32
        %dma_start3A_374 = tpu.memref_slice %arg3[%add3A_367, %dma_start3A_373] : memref<12544x128xi32, #tpu.memory_space<hbm>> -> memref<8x128xi32, #tpu.memory_space<hbm>>
        %dma_start3A_375 = arith.constant 0 : i32
        %dma_start3A_376 = arith.constant 0 : i32
        %dma_start3A_377 = tpu.memref_slice %arg7[%sub3A_368, %dma_start3A_375, %dma_start3A_376] : memref<2x8x128xi32, #tpu.memory_space<vmem>> -> memref<1x8x128xi32, #tpu.memory_space<vmem>>
        %dma_start3A_378 = tpu.memref_squeeze %dma_start3A_377 : memref<1x8x128xi32, #tpu.memory_space<vmem>> -> memref<8x128xi32, #tpu.memory_space<vmem>>
        %dma_start3A_379 = arith.constant 0 : i32
        %dma_start3A_380 = tpu.memref_slice %arg3[%add3A_367, %dma_start3A_379] : memref<12544x128xi32, #tpu.memory_space<hbm>> -> memref<8x128xi32, #tpu.memory_space<hbm>>
        tpu.enqueue_dma source(%dma_start3A_380 : memref<8x128xi32, #tpu.memory_space<hbm>>) target(%dma_start3A_378 : memref<8x128xi32, #tpu.memory_space<vmem>>) target_semaphore(%arg18 : memref<!tpu.dma_semaphore, #tpu.memory_space<semaphore_mem>>)
        %sub3A_381 = arith.constant 1 : i32
        %sub3A_382 = arith.subi %sub3A_381, %rem3A_105 : i32
        %dma_start3A_383 = arith.constant 0 : i32
        %dma_start3A_384 = arith.constant 0 : i32
        %dma_start3A_385 = tpu.memref_slice %arg8[%sub3A_382, %dma_start3A_383, %dma_start3A_384] : memref<2x8x128xi32, #tpu.memory_space<vmem>> -> memref<1x8x128xi32, #tpu.memory_space<vmem>>
        %dma_start3A_386 = tpu.memref_squeeze %dma_start3A_385 : memref<1x8x128xi32, #tpu.memory_space<vmem>> -> memref<8x128xi32, #tpu.memory_space<vmem>>
        %dma_start3A_387 = arith.constant 0 : i32
        %dma_start3A_388 = tpu.memref_slice %arg4[%add3A_367, %dma_start3A_387] : memref<12544x128xi32, #tpu.memory_space<hbm>> -> memref<8x128xi32, #tpu.memory_space<hbm>>
        %dma_start3A_389 = arith.constant 0 : i32
        %dma_start3A_390 = arith.constant 0 : i32
        %dma_start3A_391 = tpu.memref_slice %arg8[%sub3A_382, %dma_start3A_389, %dma_start3A_390] : memref<2x8x128xi32, #tpu.memory_space<vmem>> -> memref<1x8x128xi32, #tpu.memory_space<vmem>>
        %dma_start3A_392 = tpu.memref_squeeze %dma_start3A_391 : memref<1x8x128xi32, #tpu.memory_space<vmem>> -> memref<8x128xi32, #tpu.memory_space<vmem>>
        %dma_start3A_393 = arith.constant 0 : i32
        %dma_start3A_394 = tpu.memref_slice %arg4[%add3A_367, %dma_start3A_393] : memref<12544x128xi32, #tpu.memory_space<hbm>> -> memref<8x128xi32, #tpu.memory_space<hbm>>
        tpu.enqueue_dma source(%dma_start3A_394 : memref<8x128xi32, #tpu.memory_space<hbm>>) target(%dma_start3A_392 : memref<8x128xi32, #tpu.memory_space<vmem>>) target_semaphore(%arg18 : memref<!tpu.dma_semaphore, #tpu.memory_space<semaphore_mem>>)
      } else {
      }
      %dma_start3A_134 = arith.constant 0 : i32
      %dma_start3A_135 = arith.constant 0 : i32
      %dma_start3A_136 = tpu.memref_slice %arg7[%rem3A_105, %dma_start3A_134, %dma_start3A_135] : memref<2x8x128xi32, #tpu.memory_space<vmem>> -> memref<1x1x128xi32, #tpu.memory_space<vmem>>
      %dma_start3A_137 = tpu.memref_squeeze %dma_start3A_136 : memref<1x1x128xi32, #tpu.memory_space<vmem>> -> memref<128xi32, #tpu.memory_space<vmem>>
      %dma_start3A_138 = arith.constant 0 : i32
      %dma_start3A_139 = arith.constant 0 : i32
      %dma_start3A_140 = tpu.memref_slice %arg2[%dma_start3A_138, %dma_start3A_139] : memref<100352x16xf32, #tpu.memory_space<hbm>> -> memref<100352x16xf32, #tpu.memory_space<hbm>>
      tpu.enqueue_indirect_dma source(%dma_start3A_140 : memref<100352x16xf32, #tpu.memory_space<hbm>>) target(%arg9 : memref<128x16xf32, #tpu.memory_space<vmem>>) offsets(%dma_start3A_137 : memref<128xi32, #tpu.memory_space<vmem>>) semaphore(%arg19 : memref<!tpu.dma_semaphore, #tpu.memory_space<semaphore_mem>>)
      %dma_start3A_141 = arith.constant 1 : i32
      %dma_start3A_142 = arith.constant 0 : i32
      %dma_start3A_143 = tpu.memref_slice %arg7[%rem3A_105, %dma_start3A_141, %dma_start3A_142] : memref<2x8x128xi32, #tpu.memory_space<vmem>> -> memref<1x1x128xi32, #tpu.memory_space<vmem>>
      %dma_start3A_144 = tpu.memref_squeeze %dma_start3A_143 : memref<1x1x128xi32, #tpu.memory_space<vmem>> -> memref<128xi32, #tpu.memory_space<vmem>>
      %dma_start3A_145 = arith.constant 0 : i32
      %dma_start3A_146 = arith.constant 0 : i32
      %dma_start3A_147 = tpu.memref_slice %arg2[%dma_start3A_145, %dma_start3A_146] : memref<100352x16xf32, #tpu.memory_space<hbm>> -> memref<100352x16xf32, #tpu.memory_space<hbm>>
      tpu.enqueue_indirect_dma source(%dma_start3A_147 : memref<100352x16xf32, #tpu.memory_space<hbm>>) target(%arg10 : memref<128x16xf32, #tpu.memory_space<vmem>>) offsets(%dma_start3A_144 : memref<128xi32, #tpu.memory_space<vmem>>) semaphore(%arg19 : memref<!tpu.dma_semaphore, #tpu.memory_space<semaphore_mem>>)
      %dma_start3A_148 = arith.constant 2 : i32
      %dma_start3A_149 = arith.constant 0 : i32
      %dma_start3A_150 = tpu.memref_slice %arg7[%rem3A_105, %dma_start3A_148, %dma_start3A_149] : memref<2x8x128xi32, #tpu.memory_space<vmem>> -> memref<1x1x128xi32, #tpu.memory_space<vmem>>
      %dma_start3A_151 = tpu.memref_squeeze %dma_start3A_150 : memref<1x1x128xi32, #tpu.memory_space<vmem>> -> memref<128xi32, #tpu.memory_space<vmem>>
      %dma_start3A_152 = arith.constant 0 : i32
      %dma_start3A_153 = arith.constant 0 : i32
      %dma_start3A_154 = tpu.memref_slice %arg2[%dma_start3A_152, %dma_start3A_153] : memref<100352x16xf32, #tpu.memory_space<hbm>> -> memref<100352x16xf32, #tpu.memory_space<hbm>>
      tpu.enqueue_indirect_dma source(%dma_start3A_154 : memref<100352x16xf32, #tpu.memory_space<hbm>>) target(%arg11 : memref<128x16xf32, #tpu.memory_space<vmem>>) offsets(%dma_start3A_151 : memref<128xi32, #tpu.memory_space<vmem>>) semaphore(%arg19 : memref<!tpu.dma_semaphore, #tpu.memory_space<semaphore_mem>>)
      %dma_start3A_155 = arith.constant 3 : i32
      %dma_start3A_156 = arith.constant 0 : i32
      %dma_start3A_157 = tpu.memref_slice %arg7[%rem3A_105, %dma_start3A_155, %dma_start3A_156] : memref<2x8x128xi32, #tpu.memory_space<vmem>> -> memref<1x1x128xi32, #tpu.memory_space<vmem>>
      %dma_start3A_158 = tpu.memref_squeeze %dma_start3A_157 : memref<1x1x128xi32, #tpu.memory_space<vmem>> -> memref<128xi32, #tpu.memory_space<vmem>>
      %dma_start3A_159 = arith.constant 0 : i32
      %dma_start3A_160 = arith.constant 0 : i32
      %dma_start3A_161 = tpu.memref_slice %arg2[%dma_start3A_159, %dma_start3A_160] : memref<100352x16xf32, #tpu.memory_space<hbm>> -> memref<100352x16xf32, #tpu.memory_space<hbm>>
      tpu.enqueue_indirect_dma source(%dma_start3A_161 : memref<100352x16xf32, #tpu.memory_space<hbm>>) target(%arg12 : memref<128x16xf32, #tpu.memory_space<vmem>>) offsets(%dma_start3A_158 : memref<128xi32, #tpu.memory_space<vmem>>) semaphore(%arg19 : memref<!tpu.dma_semaphore, #tpu.memory_space<semaphore_mem>>)
      %dma_start3A_162 = arith.constant 4 : i32
      %dma_start3A_163 = arith.constant 0 : i32
      %dma_start3A_164 = tpu.memref_slice %arg7[%rem3A_105, %dma_start3A_162, %dma_start3A_163] : memref<2x8x128xi32, #tpu.memory_space<vmem>> -> memref<1x1x128xi32, #tpu.memory_space<vmem>>
      %dma_start3A_165 = tpu.memref_squeeze %dma_start3A_164 : memref<1x1x128xi32, #tpu.memory_space<vmem>> -> memref<128xi32, #tpu.memory_space<vmem>>
      %dma_start3A_166 = arith.constant 0 : i32
      %dma_start3A_167 = arith.constant 0 : i32
      %dma_start3A_168 = tpu.memref_slice %arg2[%dma_start3A_166, %dma_start3A_167] : memref<100352x16xf32, #tpu.memory_space<hbm>> -> memref<100352x16xf32, #tpu.memory_space<hbm>>
      tpu.enqueue_indirect_dma source(%dma_start3A_168 : memref<100352x16xf32, #tpu.memory_space<hbm>>) target(%arg13 : memref<128x16xf32, #tpu.memory_space<vmem>>) offsets(%dma_start3A_165 : memref<128xi32, #tpu.memory_space<vmem>>) semaphore(%arg19 : memref<!tpu.dma_semaphore, #tpu.memory_space<semaphore_mem>>)
      %dma_start3A_169 = arith.constant 5 : i32
      %dma_start3A_170 = arith.constant 0 : i32
      %dma_start3A_171 = tpu.memref_slice %arg7[%rem3A_105, %dma_start3A_169, %dma_start3A_170] : memref<2x8x128xi32, #tpu.memory_space<vmem>> -> memref<1x1x128xi32, #tpu.memory_space<vmem>>
      %dma_start3A_172 = tpu.memref_squeeze %dma_start3A_171 : memref<1x1x128xi32, #tpu.memory_space<vmem>> -> memref<128xi32, #tpu.memory_space<vmem>>
      %dma_start3A_173 = arith.constant 0 : i32
      %dma_start3A_174 = arith.constant 0 : i32
      %dma_start3A_175 = tpu.memref_slice %arg2[%dma_start3A_173, %dma_start3A_174] : memref<100352x16xf32, #tpu.memory_space<hbm>> -> memref<100352x16xf32, #tpu.memory_space<hbm>>
      tpu.enqueue_indirect_dma source(%dma_start3A_175 : memref<100352x16xf32, #tpu.memory_space<hbm>>) target(%arg14 : memref<128x16xf32, #tpu.memory_space<vmem>>) offsets(%dma_start3A_172 : memref<128xi32, #tpu.memory_space<vmem>>) semaphore(%arg19 : memref<!tpu.dma_semaphore, #tpu.memory_space<semaphore_mem>>)
      %dma_start3A_176 = arith.constant 6 : i32
      %dma_start3A_177 = arith.constant 0 : i32
      %dma_start3A_178 = tpu.memref_slice %arg7[%rem3A_105, %dma_start3A_176, %dma_start3A_177] : memref<2x8x128xi32, #tpu.memory_space<vmem>> -> memref<1x1x128xi32, #tpu.memory_space<vmem>>
      %dma_start3A_179 = tpu.memref_squeeze %dma_start3A_178 : memref<1x1x128xi32, #tpu.memory_space<vmem>> -> memref<128xi32, #tpu.memory_space<vmem>>
      %dma_start3A_180 = arith.constant 0 : i32
      %dma_start3A_181 = arith.constant 0 : i32
      %dma_start3A_182 = tpu.memref_slice %arg2[%dma_start3A_180, %dma_start3A_181] : memref<100352x16xf32, #tpu.memory_space<hbm>> -> memref<100352x16xf32, #tpu.memory_space<hbm>>
      tpu.enqueue_indirect_dma source(%dma_start3A_182 : memref<100352x16xf32, #tpu.memory_space<hbm>>) target(%arg15 : memref<128x16xf32, #tpu.memory_space<vmem>>) offsets(%dma_start3A_179 : memref<128xi32, #tpu.memory_space<vmem>>) semaphore(%arg19 : memref<!tpu.dma_semaphore, #tpu.memory_space<semaphore_mem>>)
      %dma_start3A_183 = arith.constant 7 : i32
      %dma_start3A_184 = arith.constant 0 : i32
      %dma_start3A_185 = tpu.memref_slice %arg7[%rem3A_105, %dma_start3A_183, %dma_start3A_184] : memref<2x8x128xi32, #tpu.memory_space<vmem>> -> memref<1x1x128xi32, #tpu.memory_space<vmem>>
      %dma_start3A_186 = tpu.memref_squeeze %dma_start3A_185 : memref<1x1x128xi32, #tpu.memory_space<vmem>> -> memref<128xi32, #tpu.memory_space<vmem>>
      %dma_start3A_187 = arith.constant 0 : i32
      %dma_start3A_188 = arith.constant 0 : i32
      %dma_start3A_189 = tpu.memref_slice %arg2[%dma_start3A_187, %dma_start3A_188] : memref<100352x16xf32, #tpu.memory_space<hbm>> -> memref<100352x16xf32, #tpu.memory_space<hbm>>
      tpu.enqueue_indirect_dma source(%dma_start3A_189 : memref<100352x16xf32, #tpu.memory_space<hbm>>) target(%arg16 : memref<128x16xf32, #tpu.memory_space<vmem>>) offsets(%dma_start3A_186 : memref<128xi32, #tpu.memory_space<vmem>>) semaphore(%arg19 : memref<!tpu.dma_semaphore, #tpu.memory_space<semaphore_mem>>)
      %dma_wait3A_190 = arith.constant 0 : i32
      %dma_wait3A_191 = arith.constant 0 : i32
      %dma_wait3A_192 = tpu.memref_slice %arg7[%rem3A_105, %dma_wait3A_190, %dma_wait3A_191] : memref<2x8x128xi32, #tpu.memory_space<vmem>> -> memref<1x1x128xi32, #tpu.memory_space<vmem>>
      %dma_wait3A_193 = tpu.memref_squeeze %dma_wait3A_192 : memref<1x1x128xi32, #tpu.memory_space<vmem>> -> memref<128xi32, #tpu.memory_space<vmem>>
      %dma_wait3A_194 = arith.constant 0 : i32
      %dma_wait3A_195 = arith.constant 0 : i32
      %dma_wait3A_196 = tpu.memref_slice %arg2[%dma_wait3A_194, %dma_wait3A_195] : memref<100352x16xf32, #tpu.memory_space<hbm>> -> memref<100352x16xf32, #tpu.memory_space<hbm>>
      tpu.wait_indirect_dma semaphore(%arg19 : memref<!tpu.dma_semaphore, #tpu.memory_space<semaphore_mem>>) src(%dma_wait3A_196 : memref<100352x16xf32, #tpu.memory_space<hbm>>) dst(%arg9 : memref<128x16xf32, #tpu.memory_space<vmem>>)
      %dma_start3A_197 = arith.constant 0 : i32
      %dma_start3A_198 = arith.constant 0 : i32
      %dma_start3A_199 = tpu.memref_slice %arg8[%rem3A_105, %dma_start3A_197, %dma_start3A_198] : memref<2x8x128xi32, #tpu.memory_space<vmem>> -> memref<1x1x128xi32, #tpu.memory_space<vmem>>
      %dma_start3A_200 = tpu.memref_squeeze %dma_start3A_199 : memref<1x1x128xi32, #tpu.memory_space<vmem>> -> memref<128xi32, #tpu.memory_space<vmem>>
      %dma_start3A_201 = arith.constant 0 : i32
      %dma_start3A_202 = arith.constant 0 : i32
      %dma_start3A_203 = tpu.memref_slice %arg6[%dma_start3A_201, %dma_start3A_202] : memref<100352x16xf32, #tpu.memory_space<vmem_shared>> -> memref<100352x16xf32, #tpu.memory_space<vmem_shared>>
      %dma_start3A_204 = arith.constant -1 : i32
      tpu.enqueue_indirect_dma source(%arg9 : memref<128x16xf32, #tpu.memory_space<vmem>>) target(%dma_start3A_203 : memref<100352x16xf32, #tpu.memory_space<vmem_shared>>) offsets(%dma_start3A_200 : memref<128xi32, #tpu.memory_space<vmem>>) offset_filter(%dma_start3A_204) semaphore(%arg20 : memref<!tpu.dma_semaphore, #tpu.memory_space<semaphore_mem>>) {add = true}
      %dma_wait3A_205 = arith.constant 1 : i32
      %dma_wait3A_206 = arith.constant 0 : i32
      %dma_wait3A_207 = tpu.memref_slice %arg7[%rem3A_105, %dma_wait3A_205, %dma_wait3A_206] : memref<2x8x128xi32, #tpu.memory_space<vmem>> -> memref<1x1x128xi32, #tpu.memory_space<vmem>>
      %dma_wait3A_208 = tpu.memref_squeeze %dma_wait3A_207 : memref<1x1x128xi32, #tpu.memory_space<vmem>> -> memref<128xi32, #tpu.memory_space<vmem>>
      %dma_wait3A_209 = arith.constant 0 : i32
      %dma_wait3A_210 = arith.constant 0 : i32
      %dma_wait3A_211 = tpu.memref_slice %arg2[%dma_wait3A_209, %dma_wait3A_210] : memref<100352x16xf32, #tpu.memory_space<hbm>> -> memref<100352x16xf32, #tpu.memory_space<hbm>>
      tpu.wait_indirect_dma semaphore(%arg19 : memref<!tpu.dma_semaphore, #tpu.memory_space<semaphore_mem>>) src(%dma_wait3A_211 : memref<100352x16xf32, #tpu.memory_space<hbm>>) dst(%arg10 : memref<128x16xf32, #tpu.memory_space<vmem>>)
      %dma_start3A_212 = arith.constant 1 : i32
      %dma_start3A_213 = arith.constant 0 : i32
      %dma_start3A_214 = tpu.memref_slice %arg8[%rem3A_105, %dma_start3A_212, %dma_start3A_213] : memref<2x8x128xi32, #tpu.memory_space<vmem>> -> memref<1x1x128xi32, #tpu.memory_space<vmem>>
      %dma_start3A_215 = tpu.memref_squeeze %dma_start3A_214 : memref<1x1x128xi32, #tpu.memory_space<vmem>> -> memref<128xi32, #tpu.memory_space<vmem>>
      %dma_start3A_216 = arith.constant 0 : i32
      %dma_start3A_217 = arith.constant 0 : i32
      %dma_start3A_218 = tpu.memref_slice %arg6[%dma_start3A_216, %dma_start3A_217] : memref<100352x16xf32, #tpu.memory_space<vmem_shared>> -> memref<100352x16xf32, #tpu.memory_space<vmem_shared>>
      %dma_start3A_219 = arith.constant -1 : i32
      tpu.enqueue_indirect_dma source(%arg10 : memref<128x16xf32, #tpu.memory_space<vmem>>) target(%dma_start3A_218 : memref<100352x16xf32, #tpu.memory_space<vmem_shared>>) offsets(%dma_start3A_215 : memref<128xi32, #tpu.memory_space<vmem>>) offset_filter(%dma_start3A_219) semaphore(%arg20 : memref<!tpu.dma_semaphore, #tpu.memory_space<semaphore_mem>>) {add = true}
      %dma_wait3A_220 = arith.constant 2 : i32
      %dma_wait3A_221 = arith.constant 0 : i32
      %dma_wait3A_222 = tpu.memref_slice %arg7[%rem3A_105, %dma_wait3A_220, %dma_wait3A_221] : memref<2x8x128xi32, #tpu.memory_space<vmem>> -> memref<1x1x128xi32, #tpu.memory_space<vmem>>
      %dma_wait3A_223 = tpu.memref_squeeze %dma_wait3A_222 : memref<1x1x128xi32, #tpu.memory_space<vmem>> -> memref<128xi32, #tpu.memory_space<vmem>>
      %dma_wait3A_224 = arith.constant 0 : i32
      %dma_wait3A_225 = arith.constant 0 : i32
      %dma_wait3A_226 = tpu.memref_slice %arg2[%dma_wait3A_224, %dma_wait3A_225] : memref<100352x16xf32, #tpu.memory_space<hbm>> -> memref<100352x16xf32, #tpu.memory_space<hbm>>
      tpu.wait_indirect_dma semaphore(%arg19 : memref<!tpu.dma_semaphore, #tpu.memory_space<semaphore_mem>>) src(%dma_wait3A_226 : memref<100352x16xf32, #tpu.memory_space<hbm>>) dst(%arg11 : memref<128x16xf32, #tpu.memory_space<vmem>>)
      %dma_start3A_227 = arith.constant 2 : i32
      %dma_start3A_228 = arith.constant 0 : i32
      %dma_start3A_229 = tpu.memref_slice %arg8[%rem3A_105, %dma_start3A_227, %dma_start3A_228] : memref<2x8x128xi32, #tpu.memory_space<vmem>> -> memref<1x1x128xi32, #tpu.memory_space<vmem>>
      %dma_start3A_230 = tpu.memref_squeeze %dma_start3A_229 : memref<1x1x128xi32, #tpu.memory_space<vmem>> -> memref<128xi32, #tpu.memory_space<vmem>>
      %dma_start3A_231 = arith.constant 0 : i32
      %dma_start3A_232 = arith.constant 0 : i32
      %dma_start3A_233 = tpu.memref_slice %arg6[%dma_start3A_231, %dma_start3A_232] : memref<100352x16xf32, #tpu.memory_space<vmem_shared>> -> memref<100352x16xf32, #tpu.memory_space<vmem_shared>>
      %dma_start3A_234 = arith.constant -1 : i32
      tpu.enqueue_indirect_dma source(%arg11 : memref<128x16xf32, #tpu.memory_space<vmem>>) target(%dma_start3A_233 : memref<100352x16xf32, #tpu.memory_space<vmem_shared>>) offsets(%dma_start3A_230 : memref<128xi32, #tpu.memory_space<vmem>>) offset_filter(%dma_start3A_234) semaphore(%arg20 : memref<!tpu.dma_semaphore, #tpu.memory_space<semaphore_mem>>) {add = true}
      %dma_wait3A_235 = arith.constant 3 : i32
      %dma_wait3A_236 = arith.constant 0 : i32
      %dma_wait3A_237 = tpu.memref_slice %arg7[%rem3A_105, %dma_wait3A_235, %dma_wait3A_236] : memref<2x8x128xi32, #tpu.memory_space<vmem>> -> memref<1x1x128xi32, #tpu.memory_space<vmem>>
      %dma_wait3A_238 = tpu.memref_squeeze %dma_wait3A_237 : memref<1x1x128xi32, #tpu.memory_space<vmem>> -> memref<128xi32, #tpu.memory_space<vmem>>
      %dma_wait3A_239 = arith.constant 0 : i32
      %dma_wait3A_240 = arith.constant 0 : i32
      %dma_wait3A_241 = tpu.memref_slice %arg2[%dma_wait3A_239, %dma_wait3A_240] : memref<100352x16xf32, #tpu.memory_space<hbm>> -> memref<100352x16xf32, #tpu.memory_space<hbm>>
      tpu.wait_indirect_dma semaphore(%arg19 : memref<!tpu.dma_semaphore, #tpu.memory_space<semaphore_mem>>) src(%dma_wait3A_241 : memref<100352x16xf32, #tpu.memory_space<hbm>>) dst(%arg12 : memref<128x16xf32, #tpu.memory_space<vmem>>)
      %dma_start3A_242 = arith.constant 3 : i32
      %dma_start3A_243 = arith.constant 0 : i32
      %dma_start3A_244 = tpu.memref_slice %arg8[%rem3A_105, %dma_start3A_242, %dma_start3A_243] : memref<2x8x128xi32, #tpu.memory_space<vmem>> -> memref<1x1x128xi32, #tpu.memory_space<vmem>>
      %dma_start3A_245 = tpu.memref_squeeze %dma_start3A_244 : memref<1x1x128xi32, #tpu.memory_space<vmem>> -> memref<128xi32, #tpu.memory_space<vmem>>
      %dma_start3A_246 = arith.constant 0 : i32
      %dma_start3A_247 = arith.constant 0 : i32
      %dma_start3A_248 = tpu.memref_slice %arg6[%dma_start3A_246, %dma_start3A_247] : memref<100352x16xf32, #tpu.memory_space<vmem_shared>> -> memref<100352x16xf32, #tpu.memory_space<vmem_shared>>
      %dma_start3A_249 = arith.constant -1 : i32
      tpu.enqueue_indirect_dma source(%arg12 : memref<128x16xf32, #tpu.memory_space<vmem>>) target(%dma_start3A_248 : memref<100352x16xf32, #tpu.memory_space<vmem_shared>>) offsets(%dma_start3A_245 : memref<128xi32, #tpu.memory_space<vmem>>) offset_filter(%dma_start3A_249) semaphore(%arg20 : memref<!tpu.dma_semaphore, #tpu.memory_space<semaphore_mem>>) {add = true}
      %dma_wait3A_250 = arith.constant 4 : i32
      %dma_wait3A_251 = arith.constant 0 : i32
      %dma_wait3A_252 = tpu.memref_slice %arg7[%rem3A_105, %dma_wait3A_250, %dma_wait3A_251] : memref<2x8x128xi32, #tpu.memory_space<vmem>> -> memref<1x1x128xi32, #tpu.memory_space<vmem>>
      %dma_wait3A_253 = tpu.memref_squeeze %dma_wait3A_252 : memref<1x1x128xi32, #tpu.memory_space<vmem>> -> memref<128xi32, #tpu.memory_space<vmem>>
      %dma_wait3A_254 = arith.constant 0 : i32
      %dma_wait3A_255 = arith.constant 0 : i32
      %dma_wait3A_256 = tpu.memref_slice %arg2[%dma_wait3A_254, %dma_wait3A_255] : memref<100352x16xf32, #tpu.memory_space<hbm>> -> memref<100352x16xf32, #tpu.memory_space<hbm>>
      tpu.wait_indirect_dma semaphore(%arg19 : memref<!tpu.dma_semaphore, #tpu.memory_space<semaphore_mem>>) src(%dma_wait3A_256 : memref<100352x16xf32, #tpu.memory_space<hbm>>) dst(%arg13 : memref<128x16xf32, #tpu.memory_space<vmem>>)
      %dma_start3A_257 = arith.constant 4 : i32
      %dma_start3A_258 = arith.constant 0 : i32
      %dma_start3A_259 = tpu.memref_slice %arg8[%rem3A_105, %dma_start3A_257, %dma_start3A_258] : memref<2x8x128xi32, #tpu.memory_space<vmem>> -> memref<1x1x128xi32, #tpu.memory_space<vmem>>
      %dma_start3A_260 = tpu.memref_squeeze %dma_start3A_259 : memref<1x1x128xi32, #tpu.memory_space<vmem>> -> memref<128xi32, #tpu.memory_space<vmem>>
      %dma_start3A_261 = arith.constant 0 : i32
      %dma_start3A_262 = arith.constant 0 : i32
      %dma_start3A_263 = tpu.memref_slice %arg6[%dma_start3A_261, %dma_start3A_262] : memref<100352x16xf32, #tpu.memory_space<vmem_shared>> -> memref<100352x16xf32, #tpu.memory_space<vmem_shared>>
      %dma_start3A_264 = arith.constant -1 : i32
      tpu.enqueue_indirect_dma source(%arg13 : memref<128x16xf32, #tpu.memory_space<vmem>>) target(%dma_start3A_263 : memref<100352x16xf32, #tpu.memory_space<vmem_shared>>) offsets(%dma_start3A_260 : memref<128xi32, #tpu.memory_space<vmem>>) offset_filter(%dma_start3A_264) semaphore(%arg20 : memref<!tpu.dma_semaphore, #tpu.memory_space<semaphore_mem>>) {add = true}
      %dma_wait3A_265 = arith.constant 5 : i32
      %dma_wait3A_266 = arith.constant 0 : i32
      %dma_wait3A_267 = tpu.memref_slice %arg7[%rem3A_105, %dma_wait3A_265, %dma_wait3A_266] : memref<2x8x128xi32, #tpu.memory_space<vmem>> -> memref<1x1x128xi32, #tpu.memory_space<vmem>>
      %dma_wait3A_268 = tpu.memref_squeeze %dma_wait3A_267 : memref<1x1x128xi32, #tpu.memory_space<vmem>> -> memref<128xi32, #tpu.memory_space<vmem>>
      %dma_wait3A_269 = arith.constant 0 : i32
      %dma_wait3A_270 = arith.constant 0 : i32
      %dma_wait3A_271 = tpu.memref_slice %arg2[%dma_wait3A_269, %dma_wait3A_270] : memref<100352x16xf32, #tpu.memory_space<hbm>> -> memref<100352x16xf32, #tpu.memory_space<hbm>>
      tpu.wait_indirect_dma semaphore(%arg19 : memref<!tpu.dma_semaphore, #tpu.memory_space<semaphore_mem>>) src(%dma_wait3A_271 : memref<100352x16xf32, #tpu.memory_space<hbm>>) dst(%arg14 : memref<128x16xf32, #tpu.memory_space<vmem>>)
      %dma_start3A_272 = arith.constant 5 : i32
      %dma_start3A_273 = arith.constant 0 : i32
      %dma_start3A_274 = tpu.memref_slice %arg8[%rem3A_105, %dma_start3A_272, %dma_start3A_273] : memref<2x8x128xi32, #tpu.memory_space<vmem>> -> memref<1x1x128xi32, #tpu.memory_space<vmem>>
      %dma_start3A_275 = tpu.memref_squeeze %dma_start3A_274 : memref<1x1x128xi32, #tpu.memory_space<vmem>> -> memref<128xi32, #tpu.memory_space<vmem>>
      %dma_start3A_276 = arith.constant 0 : i32
      %dma_start3A_277 = arith.constant 0 : i32
      %dma_start3A_278 = tpu.memref_slice %arg6[%dma_start3A_276, %dma_start3A_277] : memref<100352x16xf32, #tpu.memory_space<vmem_shared>> -> memref<100352x16xf32, #tpu.memory_space<vmem_shared>>
      %dma_start3A_279 = arith.constant -1 : i32
      tpu.enqueue_indirect_dma source(%arg14 : memref<128x16xf32, #tpu.memory_space<vmem>>) target(%dma_start3A_278 : memref<100352x16xf32, #tpu.memory_space<vmem_shared>>) offsets(%dma_start3A_275 : memref<128xi32, #tpu.memory_space<vmem>>) offset_filter(%dma_start3A_279) semaphore(%arg20 : memref<!tpu.dma_semaphore, #tpu.memory_space<semaphore_mem>>) {add = true}
      %dma_wait3A_280 = arith.constant 6 : i32
      %dma_wait3A_281 = arith.constant 0 : i32
      %dma_wait3A_282 = tpu.memref_slice %arg7[%rem3A_105, %dma_wait3A_280, %dma_wait3A_281] : memref<2x8x128xi32, #tpu.memory_space<vmem>> -> memref<1x1x128xi32, #tpu.memory_space<vmem>>
      %dma_wait3A_283 = tpu.memref_squeeze %dma_wait3A_282 : memref<1x1x128xi32, #tpu.memory_space<vmem>> -> memref<128xi32, #tpu.memory_space<vmem>>
      %dma_wait3A_284 = arith.constant 0 : i32
      %dma_wait3A_285 = arith.constant 0 : i32
      %dma_wait3A_286 = tpu.memref_slice %arg2[%dma_wait3A_284, %dma_wait3A_285] : memref<100352x16xf32, #tpu.memory_space<hbm>> -> memref<100352x16xf32, #tpu.memory_space<hbm>>
      tpu.wait_indirect_dma semaphore(%arg19 : memref<!tpu.dma_semaphore, #tpu.memory_space<semaphore_mem>>) src(%dma_wait3A_286 : memref<100352x16xf32, #tpu.memory_space<hbm>>) dst(%arg15 : memref<128x16xf32, #tpu.memory_space<vmem>>)
      %dma_start3A_287 = arith.constant 6 : i32
      %dma_start3A_288 = arith.constant 0 : i32
      %dma_start3A_289 = tpu.memref_slice %arg8[%rem3A_105, %dma_start3A_287, %dma_start3A_288] : memref<2x8x128xi32, #tpu.memory_space<vmem>> -> memref<1x1x128xi32, #tpu.memory_space<vmem>>
      %dma_start3A_290 = tpu.memref_squeeze %dma_start3A_289 : memref<1x1x128xi32, #tpu.memory_space<vmem>> -> memref<128xi32, #tpu.memory_space<vmem>>
      %dma_start3A_291 = arith.constant 0 : i32
      %dma_start3A_292 = arith.constant 0 : i32
      %dma_start3A_293 = tpu.memref_slice %arg6[%dma_start3A_291, %dma_start3A_292] : memref<100352x16xf32, #tpu.memory_space<vmem_shared>> -> memref<100352x16xf32, #tpu.memory_space<vmem_shared>>
      %dma_start3A_294 = arith.constant -1 : i32
      tpu.enqueue_indirect_dma source(%arg15 : memref<128x16xf32, #tpu.memory_space<vmem>>) target(%dma_start3A_293 : memref<100352x16xf32, #tpu.memory_space<vmem_shared>>) offsets(%dma_start3A_290 : memref<128xi32, #tpu.memory_space<vmem>>) offset_filter(%dma_start3A_294) semaphore(%arg20 : memref<!tpu.dma_semaphore, #tpu.memory_space<semaphore_mem>>) {add = true}
      %dma_wait3A_295 = arith.constant 7 : i32
      %dma_wait3A_296 = arith.constant 0 : i32
      %dma_wait3A_297 = tpu.memref_slice %arg7[%rem3A_105, %dma_wait3A_295, %dma_wait3A_296] : memref<2x8x128xi32, #tpu.memory_space<vmem>> -> memref<1x1x128xi32, #tpu.memory_space<vmem>>
      %dma_wait3A_298 = tpu.memref_squeeze %dma_wait3A_297 : memref<1x1x128xi32, #tpu.memory_space<vmem>> -> memref<128xi32, #tpu.memory_space<vmem>>
      %dma_wait3A_299 = arith.constant 0 : i32
      %dma_wait3A_300 = arith.constant 0 : i32
      %dma_wait3A_301 = tpu.memref_slice %arg2[%dma_wait3A_299, %dma_wait3A_300] : memref<100352x16xf32, #tpu.memory_space<hbm>> -> memref<100352x16xf32, #tpu.memory_space<hbm>>
      tpu.wait_indirect_dma semaphore(%arg19 : memref<!tpu.dma_semaphore, #tpu.memory_space<semaphore_mem>>) src(%dma_wait3A_301 : memref<100352x16xf32, #tpu.memory_space<hbm>>) dst(%arg16 : memref<128x16xf32, #tpu.memory_space<vmem>>)
      %dma_start3A_302 = arith.constant 7 : i32
      %dma_start3A_303 = arith.constant 0 : i32
      %dma_start3A_304 = tpu.memref_slice %arg8[%rem3A_105, %dma_start3A_302, %dma_start3A_303] : memref<2x8x128xi32, #tpu.memory_space<vmem>> -> memref<1x1x128xi32, #tpu.memory_space<vmem>>
      %dma_start3A_305 = tpu.memref_squeeze %dma_start3A_304 : memref<1x1x128xi32, #tpu.memory_space<vmem>> -> memref<128xi32, #tpu.memory_space<vmem>>
      %dma_start3A_306 = arith.constant 0 : i32
      %dma_start3A_307 = arith.constant 0 : i32
      %dma_start3A_308 = tpu.memref_slice %arg6[%dma_start3A_306, %dma_start3A_307] : memref<100352x16xf32, #tpu.memory_space<vmem_shared>> -> memref<100352x16xf32, #tpu.memory_space<vmem_shared>>
      %dma_start3A_309 = arith.constant -1 : i32
      tpu.enqueue_indirect_dma source(%arg16 : memref<128x16xf32, #tpu.memory_space<vmem>>) target(%dma_start3A_308 : memref<100352x16xf32, #tpu.memory_space<vmem_shared>>) offsets(%dma_start3A_305 : memref<128xi32, #tpu.memory_space<vmem>>) offset_filter(%dma_start3A_309) semaphore(%arg20 : memref<!tpu.dma_semaphore, #tpu.memory_space<semaphore_mem>>) {add = true}
      %dma_wait3A_310 = arith.constant 0 : i32
      %dma_wait3A_311 = arith.constant 0 : i32
      %dma_wait3A_312 = tpu.memref_slice %arg8[%rem3A_105, %dma_wait3A_310, %dma_wait3A_311] : memref<2x8x128xi32, #tpu.memory_space<vmem>> -> memref<1x1x128xi32, #tpu.memory_space<vmem>>
      %dma_wait3A_313 = tpu.memref_squeeze %dma_wait3A_312 : memref<1x1x128xi32, #tpu.memory_space<vmem>> -> memref<128xi32, #tpu.memory_space<vmem>>
      %dma_wait3A_314 = arith.constant 0 : i32
      %dma_wait3A_315 = arith.constant 0 : i32
      %dma_wait3A_316 = tpu.memref_slice %arg6[%dma_wait3A_314, %dma_wait3A_315] : memref<100352x16xf32, #tpu.memory_space<vmem_shared>> -> memref<100352x16xf32, #tpu.memory_space<vmem_shared>>
      tpu.wait_indirect_dma semaphore(%arg20 : memref<!tpu.dma_semaphore, #tpu.memory_space<semaphore_mem>>) src(%arg9 : memref<128x16xf32, #tpu.memory_space<vmem>>) dst(%dma_wait3A_316 : memref<100352x16xf32, #tpu.memory_space<vmem_shared>>)
      %dma_wait3A_317 = arith.constant 1 : i32
      %dma_wait3A_318 = arith.constant 0 : i32
      %dma_wait3A_319 = tpu.memref_slice %arg8[%rem3A_105, %dma_wait3A_317, %dma_wait3A_318] : memref<2x8x128xi32, #tpu.memory_space<vmem>> -> memref<1x1x128xi32, #tpu.memory_space<vmem>>
      %dma_wait3A_320 = tpu.memref_squeeze %dma_wait3A_319 : memref<1x1x128xi32, #tpu.memory_space<vmem>> -> memref<128xi32, #tpu.memory_space<vmem>>
      %dma_wait3A_321 = arith.constant 0 : i32
      %dma_wait3A_322 = arith.constant 0 : i32
      %dma_wait3A_323 = tpu.memref_slice %arg6[%dma_wait3A_321, %dma_wait3A_322] : memref<100352x16xf32, #tpu.memory_space<vmem_shared>> -> memref<100352x16xf32, #tpu.memory_space<vmem_shared>>
      tpu.wait_indirect_dma semaphore(%arg20 : memref<!tpu.dma_semaphore, #tpu.memory_space<semaphore_mem>>) src(%arg10 : memref<128x16xf32, #tpu.memory_space<vmem>>) dst(%dma_wait3A_323 : memref<100352x16xf32, #tpu.memory_space<vmem_shared>>)
      %dma_wait3A_324 = arith.constant 2 : i32
      %dma_wait3A_325 = arith.constant 0 : i32
      %dma_wait3A_326 = tpu.memref_slice %arg8[%rem3A_105, %dma_wait3A_324, %dma_wait3A_325] : memref<2x8x128xi32, #tpu.memory_space<vmem>> -> memref<1x1x128xi32, #tpu.memory_space<vmem>>
      %dma_wait3A_327 = tpu.memref_squeeze %dma_wait3A_326 : memref<1x1x128xi32, #tpu.memory_space<vmem>> -> memref<128xi32, #tpu.memory_space<vmem>>
      %dma_wait3A_328 = arith.constant 0 : i32
      %dma_wait3A_329 = arith.constant 0 : i32
      %dma_wait3A_330 = tpu.memref_slice %arg6[%dma_wait3A_328, %dma_wait3A_329] : memref<100352x16xf32, #tpu.memory_space<vmem_shared>> -> memref<100352x16xf32, #tpu.memory_space<vmem_shared>>
      tpu.wait_indirect_dma semaphore(%arg20 : memref<!tpu.dma_semaphore, #tpu.memory_space<semaphore_mem>>) src(%arg11 : memref<128x16xf32, #tpu.memory_space<vmem>>) dst(%dma_wait3A_330 : memref<100352x16xf32, #tpu.memory_space<vmem_shared>>)
      %dma_wait3A_331 = arith.constant 3 : i32
      %dma_wait3A_332 = arith.constant 0 : i32
      %dma_wait3A_333 = tpu.memref_slice %arg8[%rem3A_105, %dma_wait3A_331, %dma_wait3A_332] : memref<2x8x128xi32, #tpu.memory_space<vmem>> -> memref<1x1x128xi32, #tpu.memory_space<vmem>>
      %dma_wait3A_334 = tpu.memref_squeeze %dma_wait3A_333 : memref<1x1x128xi32, #tpu.memory_space<vmem>> -> memref<128xi32, #tpu.memory_space<vmem>>
      %dma_wait3A_335 = arith.constant 0 : i32
      %dma_wait3A_336 = arith.constant 0 : i32
      %dma_wait3A_337 = tpu.memref_slice %arg6[%dma_wait3A_335, %dma_wait3A_336] : memref<100352x16xf32, #tpu.memory_space<vmem_shared>> -> memref<100352x16xf32, #tpu.memory_space<vmem_shared>>
      tpu.wait_indirect_dma semaphore(%arg20 : memref<!tpu.dma_semaphore, #tpu.memory_space<semaphore_mem>>) src(%arg12 : memref<128x16xf32, #tpu.memory_space<vmem>>) dst(%dma_wait3A_337 : memref<100352x16xf32, #tpu.memory_space<vmem_shared>>)
      %dma_wait3A_338 = arith.constant 4 : i32
      %dma_wait3A_339 = arith.constant 0 : i32
      %dma_wait3A_340 = tpu.memref_slice %arg8[%rem3A_105, %dma_wait3A_338, %dma_wait3A_339] : memref<2x8x128xi32, #tpu.memory_space<vmem>> -> memref<1x1x128xi32, #tpu.memory_space<vmem>>
      %dma_wait3A_341 = tpu.memref_squeeze %dma_wait3A_340 : memref<1x1x128xi32, #tpu.memory_space<vmem>> -> memref<128xi32, #tpu.memory_space<vmem>>
      %dma_wait3A_342 = arith.constant 0 : i32
      %dma_wait3A_343 = arith.constant 0 : i32
      %dma_wait3A_344 = tpu.memref_slice %arg6[%dma_wait3A_342, %dma_wait3A_343] : memref<100352x16xf32, #tpu.memory_space<vmem_shared>> -> memref<100352x16xf32, #tpu.memory_space<vmem_shared>>
      tpu.wait_indirect_dma semaphore(%arg20 : memref<!tpu.dma_semaphore, #tpu.memory_space<semaphore_mem>>) src(%arg13 : memref<128x16xf32, #tpu.memory_space<vmem>>) dst(%dma_wait3A_344 : memref<100352x16xf32, #tpu.memory_space<vmem_shared>>)
      %dma_wait3A_345 = arith.constant 5 : i32
      %dma_wait3A_346 = arith.constant 0 : i32
      %dma_wait3A_347 = tpu.memref_slice %arg8[%rem3A_105, %dma_wait3A_345, %dma_wait3A_346] : memref<2x8x128xi32, #tpu.memory_space<vmem>> -> memref<1x1x128xi32, #tpu.memory_space<vmem>>
      %dma_wait3A_348 = tpu.memref_squeeze %dma_wait3A_347 : memref<1x1x128xi32, #tpu.memory_space<vmem>> -> memref<128xi32, #tpu.memory_space<vmem>>
      %dma_wait3A_349 = arith.constant 0 : i32
      %dma_wait3A_350 = arith.constant 0 : i32
      %dma_wait3A_351 = tpu.memref_slice %arg6[%dma_wait3A_349, %dma_wait3A_350] : memref<100352x16xf32, #tpu.memory_space<vmem_shared>> -> memref<100352x16xf32, #tpu.memory_space<vmem_shared>>
      tpu.wait_indirect_dma semaphore(%arg20 : memref<!tpu.dma_semaphore, #tpu.memory_space<semaphore_mem>>) src(%arg14 : memref<128x16xf32, #tpu.memory_space<vmem>>) dst(%dma_wait3A_351 : memref<100352x16xf32, #tpu.memory_space<vmem_shared>>)
      %dma_wait3A_352 = arith.constant 6 : i32
      %dma_wait3A_353 = arith.constant 0 : i32
      %dma_wait3A_354 = tpu.memref_slice %arg8[%rem3A_105, %dma_wait3A_352, %dma_wait3A_353] : memref<2x8x128xi32, #tpu.memory_space<vmem>> -> memref<1x1x128xi32, #tpu.memory_space<vmem>>
      %dma_wait3A_355 = tpu.memref_squeeze %dma_wait3A_354 : memref<1x1x128xi32, #tpu.memory_space<vmem>> -> memref<128xi32, #tpu.memory_space<vmem>>
      %dma_wait3A_356 = arith.constant 0 : i32
      %dma_wait3A_357 = arith.constant 0 : i32
      %dma_wait3A_358 = tpu.memref_slice %arg6[%dma_wait3A_356, %dma_wait3A_357] : memref<100352x16xf32, #tpu.memory_space<vmem_shared>> -> memref<100352x16xf32, #tpu.memory_space<vmem_shared>>
      tpu.wait_indirect_dma semaphore(%arg20 : memref<!tpu.dma_semaphore, #tpu.memory_space<semaphore_mem>>) src(%arg15 : memref<128x16xf32, #tpu.memory_space<vmem>>) dst(%dma_wait3A_358 : memref<100352x16xf32, #tpu.memory_space<vmem_shared>>)
      %dma_wait3A_359 = arith.constant 7 : i32
      %dma_wait3A_360 = arith.constant 0 : i32
      %dma_wait3A_361 = tpu.memref_slice %arg8[%rem3A_105, %dma_wait3A_359, %dma_wait3A_360] : memref<2x8x128xi32, #tpu.memory_space<vmem>> -> memref<1x1x128xi32, #tpu.memory_space<vmem>>
      %dma_wait3A_362 = tpu.memref_squeeze %dma_wait3A_361 : memref<1x1x128xi32, #tpu.memory_space<vmem>> -> memref<128xi32, #tpu.memory_space<vmem>>
      %dma_wait3A_363 = arith.constant 0 : i32
      %dma_wait3A_364 = arith.constant 0 : i32
      %dma_wait3A_365 = tpu.memref_slice %arg6[%dma_wait3A_363, %dma_wait3A_364] : memref<100352x16xf32, #tpu.memory_space<vmem_shared>> -> memref<100352x16xf32, #tpu.memory_space<vmem_shared>>
      tpu.wait_indirect_dma semaphore(%arg20 : memref<!tpu.dma_semaphore, #tpu.memory_space<semaphore_mem>>) src(%arg16 : memref<128x16xf32, #tpu.memory_space<vmem>>) dst(%dma_wait3A_365 : memref<100352x16xf32, #tpu.memory_space<vmem_shared>>)
    }
    %scan3A_70 = arith.constant 49 : i32
    %barrier3A_71 = arith.constant 0 : index
    tpu.barrier barrier_id(%barrier3A_71)
    %add3A_72 = arith.constant 0 : i32
    %add3A_73 = arith.addi %mul3A_6, %add3A_72 : i32
    "tpu.region"() ({
      %run_scoped3A = tpu.sem_alloc : memref<!tpu.dma_semaphore, #tpu.memory_space<semaphore_mem>>
      %dma_start3A_104 = arith.constant 0 : i32
      %dma_start3A_105 = tpu.memref_slice %arg6[%add3A_73, %dma_start3A_104] : memref<100352x16xf32, #tpu.memory_space<vmem_shared>> -> memref<392x16xf32, #tpu.memory_space<vmem_shared>>
      %dma_start3A_106 = arith.constant 0 : i32
      %dma_start3A_107 = tpu.memref_slice %arg6[%add3A_73, %dma_start3A_106] : memref<100352x16xf32, #tpu.memory_space<vmem_shared>> -> memref<392x16xf32, #tpu.memory_space<vmem_shared>>
      tpu.enqueue_dma source(%dma_start3A_107 : memref<392x16xf32, #tpu.memory_space<vmem_shared>>) target(%arg17 : memref<392x16xf32, #tpu.memory_space<vmem>>) target_semaphore(%run_scoped3A : memref<!tpu.dma_semaphore, #tpu.memory_space<semaphore_mem>>)
      %dma_wait3A = arith.constant 0 : i32
      %dma_wait3A_108 = tpu.memref_slice %arg6[%add3A_73, %dma_wait3A] : memref<100352x16xf32, #tpu.memory_space<vmem_shared>> -> memref<392x16xf32, #tpu.memory_space<vmem_shared>>
      %dma_wait3A_109 = arith.constant 0 : i32
      %dma_wait3A_110 = tpu.memref_slice %arg6[%add3A_73, %dma_wait3A_109] : memref<100352x16xf32, #tpu.memory_space<vmem_shared>> -> memref<392x16xf32, #tpu.memory_space<vmem_shared>>
      tpu.wait_dma2 semaphore(%run_scoped3A : memref<!tpu.dma_semaphore, #tpu.memory_space<semaphore_mem>>) src(%dma_wait3A_110 : memref<392x16xf32, #tpu.memory_space<vmem_shared>>) dst(%arg17 : memref<392x16xf32, #tpu.memory_space<vmem>>)
      tpu.yield
    }) : () -> ()
    "tpu.region"() ({
      %run_scoped3A = tpu.sem_alloc : memref<!tpu.dma_semaphore, #tpu.memory_space<semaphore_mem>>
      %dma_start3A_104 = arith.constant 0 : i32
      %dma_start3A_105 = tpu.memref_slice %arg5[%arg0, %add3A_73, %dma_start3A_104] : memref<2x100352x16xf32, #tpu.memory_space<hbm>> -> memref<1x392x16xf32, #tpu.memory_space<hbm>>
      %dma_start3A_106 = tpu.memref_squeeze %dma_start3A_105 : memref<1x392x16xf32, #tpu.memory_space<hbm>> -> memref<392x16xf32, #tpu.memory_space<hbm>>
      %dma_start3A_107 = arith.constant 0 : i32
      %dma_start3A_108 = tpu.memref_slice %arg5[%arg0, %add3A_73, %dma_start3A_107] : memref<2x100352x16xf32, #tpu.memory_space<hbm>> -> memref<1x392x16xf32, #tpu.memory_space<hbm>>
      %dma_start3A_109 = tpu.memref_squeeze %dma_start3A_108 : memref<1x392x16xf32, #tpu.memory_space<hbm>> -> memref<392x16xf32, #tpu.memory_space<hbm>>
      tpu.enqueue_dma source(%arg17 : memref<392x16xf32, #tpu.memory_space<vmem>>) target(%dma_start3A_109 : memref<392x16xf32, #tpu.memory_space<hbm>>) target_semaphore(%run_scoped3A : memref<!tpu.dma_semaphore, #tpu.memory_space<semaphore_mem>>)
      %dma_wait3A = arith.constant 0 : i32
      %dma_wait3A_110 = tpu.memref_slice %arg5[%arg0, %add3A_73, %dma_wait3A] : memref<2x100352x16xf32, #tpu.memory_space<hbm>> -> memref<1x392x16xf32, #tpu.memory_space<hbm>>
      %dma_wait3A_111 = tpu.memref_squeeze %dma_wait3A_110 : memref<1x392x16xf32, #tpu.memory_space<hbm>> -> memref<392x16xf32, #tpu.memory_space<hbm>>
      %dma_wait3A_112 = arith.constant 0 : i32
      %dma_wait3A_113 = tpu.memref_slice %arg5[%arg0, %add3A_73, %dma_wait3A_112] : memref<2x100352x16xf32, #tpu.memory_space<hbm>> -> memref<1x392x16xf32, #tpu.memory_space<hbm>>
      %dma_wait3A_114 = tpu.memref_squeeze %dma_wait3A_113 : memref<1x392x16xf32, #tpu.memory_space<hbm>> -> memref<392x16xf32, #tpu.memory_space<hbm>>
      tpu.wait_dma2 semaphore(%run_scoped3A : memref<!tpu.dma_semaphore, #tpu.memory_space<semaphore_mem>>) src(%arg17 : memref<392x16xf32, #tpu.memory_space<vmem>>) dst(%dma_wait3A_114 : memref<392x16xf32, #tpu.memory_space<hbm>>)
      tpu.yield
    }) : () -> ()
    %add3A_74 = arith.constant 392 : i32
    %add3A_75 = arith.addi %mul3A_6, %add3A_74 : i32
    "tpu.region"() ({
      %run_scoped3A = tpu.sem_alloc : memref<!tpu.dma_semaphore, #tpu.memory_space<semaphore_mem>>
      %dma_start3A_104 = arith.constant 0 : i32
      %dma_start3A_105 = tpu.memref_slice %arg6[%add3A_75, %dma_start3A_104] : memref<100352x16xf32, #tpu.memory_space<vmem_shared>> -> memref<392x16xf32, #tpu.memory_space<vmem_shared>>
      %dma_start3A_106 = arith.constant 0 : i32
      %dma_start3A_107 = tpu.memref_slice %arg6[%add3A_75, %dma_start3A_106] : memref<100352x16xf32, #tpu.memory_space<vmem_shared>> -> memref<392x16xf32, #tpu.memory_space<vmem_shared>>
      tpu.enqueue_dma source(%dma_start3A_107 : memref<392x16xf32, #tpu.memory_space<vmem_shared>>) target(%arg17 : memref<392x16xf32, #tpu.memory_space<vmem>>) target_semaphore(%run_scoped3A : memref<!tpu.dma_semaphore, #tpu.memory_space<semaphore_mem>>)
      %dma_wait3A = arith.constant 0 : i32
      %dma_wait3A_108 = tpu.memref_slice %arg6[%add3A_75, %dma_wait3A] : memref<100352x16xf32, #tpu.memory_space<vmem_shared>> -> memref<392x16xf32, #tpu.memory_space<vmem_shared>>
      %dma_wait3A_109 = arith.constant 0 : i32
      %dma_wait3A_110 = tpu.memref_slice %arg6[%add3A_75, %dma_wait3A_109] : memref<100352x16xf32, #tpu.memory_space<vmem_shared>> -> memref<392x16xf32, #tpu.memory_space<vmem_shared>>
      tpu.wait_dma2 semaphore(%run_scoped3A : memref<!tpu.dma_semaphore, #tpu.memory_space<semaphore_mem>>) src(%dma_wait3A_110 : memref<392x16xf32, #tpu.memory_space<vmem_shared>>) dst(%arg17 : memref<392x16xf32, #tpu.memory_space<vmem>>)
      tpu.yield
    }) : () -> ()
    "tpu.region"() ({
      %run_scoped3A = tpu.sem_alloc : memref<!tpu.dma_semaphore, #tpu.memory_space<semaphore_mem>>
      %dma_start3A_104 = arith.constant 0 : i32
      %dma_start3A_105 = tpu.memref_slice %arg5[%arg0, %add3A_75, %dma_start3A_104] : memref<2x100352x16xf32, #tpu.memory_space<hbm>> -> memref<1x392x16xf32, #tpu.memory_space<hbm>>
      %dma_start3A_106 = tpu.memref_squeeze %dma_start3A_105 : memref<1x392x16xf32, #tpu.memory_space<hbm>> -> memref<392x16xf32, #tpu.memory_space<hbm>>
      %dma_start3A_107 = arith.constant 0 : i32
      %dma_start3A_108 = tpu.memref_slice %arg5[%arg0, %add3A_75, %dma_start3A_107] : memref<2x100352x16xf32, #tpu.memory_space<hbm>> -> memref<1x392x16xf32, #tpu.memory_space<hbm>>
      %dma_start3A_109 = tpu.memref_squeeze %dma_start3A_108 : memref<1x392x16xf32, #tpu.memory_space<hbm>> -> memref<392x16xf32, #tpu.memory_space<hbm>>
      tpu.enqueue_dma source(%arg17 : memref<392x16xf32, #tpu.memory_space<vmem>>) target(%dma_start3A_109 : memref<392x16xf32, #tpu.memory_space<hbm>>) target_semaphore(%run_scoped3A : memref<!tpu.dma_semaphore, #tpu.memory_space<semaphore_mem>>)
      %dma_wait3A = arith.constant 0 : i32
      %dma_wait3A_110 = tpu.memref_slice %arg5[%arg0, %add3A_75, %dma_wait3A] : memref<2x100352x16xf32, #tpu.memory_space<hbm>> -> memref<1x392x16xf32, #tpu.memory_space<hbm>>
      %dma_wait3A_111 = tpu.memref_squeeze %dma_wait3A_110 : memref<1x392x16xf32, #tpu.memory_space<hbm>> -> memref<392x16xf32, #tpu.memory_space<hbm>>
      %dma_wait3A_112 = arith.constant 0 : i32
      %dma_wait3A_113 = tpu.memref_slice %arg5[%arg0, %add3A_75, %dma_wait3A_112] : memref<2x100352x16xf32, #tpu.memory_space<hbm>> -> memref<1x392x16xf32, #tpu.memory_space<hbm>>
      %dma_wait3A_114 = tpu.memref_squeeze %dma_wait3A_113 : memref<1x392x16xf32, #tpu.memory_space<hbm>> -> memref<392x16xf32, #tpu.memory_space<hbm>>
      tpu.wait_dma2 semaphore(%run_scoped3A : memref<!tpu.dma_semaphore, #tpu.memory_space<semaphore_mem>>) src(%arg17 : memref<392x16xf32, #tpu.memory_space<vmem>>) dst(%dma_wait3A_114 : memref<392x16xf32, #tpu.memory_space<hbm>>)
      tpu.yield
    }) : () -> ()
    %add3A_76 = arith.constant 784 : i32
    %add3A_77 = arith.addi %mul3A_6, %add3A_76 : i32
    "tpu.region"() ({
      %run_scoped3A = tpu.sem_alloc : memref<!tpu.dma_semaphore, #tpu.memory_space<semaphore_mem>>
      %dma_start3A_104 = arith.constant 0 : i32
      %dma_start3A_105 = tpu.memref_slice %arg6[%add3A_77, %dma_start3A_104] : memref<100352x16xf32, #tpu.memory_space<vmem_shared>> -> memref<392x16xf32, #tpu.memory_space<vmem_shared>>
      %dma_start3A_106 = arith.constant 0 : i32
      %dma_start3A_107 = tpu.memref_slice %arg6[%add3A_77, %dma_start3A_106] : memref<100352x16xf32, #tpu.memory_space<vmem_shared>> -> memref<392x16xf32, #tpu.memory_space<vmem_shared>>
      tpu.enqueue_dma source(%dma_start3A_107 : memref<392x16xf32, #tpu.memory_space<vmem_shared>>) target(%arg17 : memref<392x16xf32, #tpu.memory_space<vmem>>) target_semaphore(%run_scoped3A : memref<!tpu.dma_semaphore, #tpu.memory_space<semaphore_mem>>)
      %dma_wait3A = arith.constant 0 : i32
      %dma_wait3A_108 = tpu.memref_slice %arg6[%add3A_77, %dma_wait3A] : memref<100352x16xf32, #tpu.memory_space<vmem_shared>> -> memref<392x16xf32, #tpu.memory_space<vmem_shared>>
      %dma_wait3A_109 = arith.constant 0 : i32
      %dma_wait3A_110 = tpu.memref_slice %arg6[%add3A_77, %dma_wait3A_109] : memref<100352x16xf32, #tpu.memory_space<vmem_shared>> -> memref<392x16xf32, #tpu.memory_space<vmem_shared>>
      tpu.wait_dma2 semaphore(%run_scoped3A : memref<!tpu.dma_semaphore, #tpu.memory_space<semaphore_mem>>) src(%dma_wait3A_110 : memref<392x16xf32, #tpu.memory_space<vmem_shared>>) dst(%arg17 : memref<392x16xf32, #tpu.memory_space<vmem>>)
      tpu.yield
    }) : () -> ()
    "tpu.region"() ({
      %run_scoped3A = tpu.sem_alloc : memref<!tpu.dma_semaphore, #tpu.memory_space<semaphore_mem>>
      %dma_start3A_104 = arith.constant 0 : i32
      %dma_start3A_105 = tpu.memref_slice %arg5[%arg0, %add3A_77, %dma_start3A_104] : memref<2x100352x16xf32, #tpu.memory_space<hbm>> -> memref<1x392x16xf32, #tpu.memory_space<hbm>>
      %dma_start3A_106 = tpu.memref_squeeze %dma_start3A_105 : memref<1x392x16xf32, #tpu.memory_space<hbm>> -> memref<392x16xf32, #tpu.memory_space<hbm>>
      %dma_start3A_107 = arith.constant 0 : i32
      %dma_start3A_108 = tpu.memref_slice %arg5[%arg0, %add3A_77, %dma_start3A_107] : memref<2x100352x16xf32, #tpu.memory_space<hbm>> -> memref<1x392x16xf32, #tpu.memory_space<hbm>>
      %dma_start3A_109 = tpu.memref_squeeze %dma_start3A_108 : memref<1x392x16xf32, #tpu.memory_space<hbm>> -> memref<392x16xf32, #tpu.memory_space<hbm>>
      tpu.enqueue_dma source(%arg17 : memref<392x16xf32, #tpu.memory_space<vmem>>) target(%dma_start3A_109 : memref<392x16xf32, #tpu.memory_space<hbm>>) target_semaphore(%run_scoped3A : memref<!tpu.dma_semaphore, #tpu.memory_space<semaphore_mem>>)
      %dma_wait3A = arith.constant 0 : i32
      %dma_wait3A_110 = tpu.memref_slice %arg5[%arg0, %add3A_77, %dma_wait3A] : memref<2x100352x16xf32, #tpu.memory_space<hbm>> -> memref<1x392x16xf32, #tpu.memory_space<hbm>>
      %dma_wait3A_111 = tpu.memref_squeeze %dma_wait3A_110 : memref<1x392x16xf32, #tpu.memory_space<hbm>> -> memref<392x16xf32, #tpu.memory_space<hbm>>
      %dma_wait3A_112 = arith.constant 0 : i32
      %dma_wait3A_113 = tpu.memref_slice %arg5[%arg0, %add3A_77, %dma_wait3A_112] : memref<2x100352x16xf32, #tpu.memory_space<hbm>> -> memref<1x392x16xf32, #tpu.memory_space<hbm>>
      %dma_wait3A_114 = tpu.memref_squeeze %dma_wait3A_113 : memref<1x392x16xf32, #tpu.memory_space<hbm>> -> memref<392x16xf32, #tpu.memory_space<hbm>>
      tpu.wait_dma2 semaphore(%run_scoped3A : memref<!tpu.dma_semaphore, #tpu.memory_space<semaphore_mem>>) src(%arg17 : memref<392x16xf32, #tpu.memory_space<vmem>>) dst(%dma_wait3A_114 : memref<392x16xf32, #tpu.memory_space<hbm>>)
      tpu.yield
    }) : () -> ()
    %add3A_78 = arith.constant 1176 : i32
    %add3A_79 = arith.addi %mul3A_6, %add3A_78 : i32
    "tpu.region"() ({
      %run_scoped3A = tpu.sem_alloc : memref<!tpu.dma_semaphore, #tpu.memory_space<semaphore_mem>>
      %dma_start3A_104 = arith.constant 0 : i32
      %dma_start3A_105 = tpu.memref_slice %arg6[%add3A_79, %dma_start3A_104] : memref<100352x16xf32, #tpu.memory_space<vmem_shared>> -> memref<392x16xf32, #tpu.memory_space<vmem_shared>>
      %dma_start3A_106 = arith.constant 0 : i32
      %dma_start3A_107 = tpu.memref_slice %arg6[%add3A_79, %dma_start3A_106] : memref<100352x16xf32, #tpu.memory_space<vmem_shared>> -> memref<392x16xf32, #tpu.memory_space<vmem_shared>>
      tpu.enqueue_dma source(%dma_start3A_107 : memref<392x16xf32, #tpu.memory_space<vmem_shared>>) target(%arg17 : memref<392x16xf32, #tpu.memory_space<vmem>>) target_semaphore(%run_scoped3A : memref<!tpu.dma_semaphore, #tpu.memory_space<semaphore_mem>>)
      %dma_wait3A = arith.constant 0 : i32
      %dma_wait3A_108 = tpu.memref_slice %arg6[%add3A_79, %dma_wait3A] : memref<100352x16xf32, #tpu.memory_space<vmem_shared>> -> memref<392x16xf32, #tpu.memory_space<vmem_shared>>
      %dma_wait3A_109 = arith.constant 0 : i32
      %dma_wait3A_110 = tpu.memref_slice %arg6[%add3A_79, %dma_wait3A_109] : memref<100352x16xf32, #tpu.memory_space<vmem_shared>> -> memref<392x16xf32, #tpu.memory_space<vmem_shared>>
      tpu.wait_dma2 semaphore(%run_scoped3A : memref<!tpu.dma_semaphore, #tpu.memory_space<semaphore_mem>>) src(%dma_wait3A_110 : memref<392x16xf32, #tpu.memory_space<vmem_shared>>) dst(%arg17 : memref<392x16xf32, #tpu.memory_space<vmem>>)
      tpu.yield
    }) : () -> ()
    "tpu.region"() ({
      %run_scoped3A = tpu.sem_alloc : memref<!tpu.dma_semaphore, #tpu.memory_space<semaphore_mem>>
      %dma_start3A_104 = arith.constant 0 : i32
      %dma_start3A_105 = tpu.memref_slice %arg5[%arg0, %add3A_79, %dma_start3A_104] : memref<2x100352x16xf32, #tpu.memory_space<hbm>> -> memref<1x392x16xf32, #tpu.memory_space<hbm>>
      %dma_start3A_106 = tpu.memref_squeeze %dma_start3A_105 : memref<1x392x16xf32, #tpu.memory_space<hbm>> -> memref<392x16xf32, #tpu.memory_space<hbm>>
      %dma_start3A_107 = arith.constant 0 : i32
      %dma_start3A_108 = tpu.memref_slice %arg5[%arg0, %add3A_79, %dma_start3A_107] : memref<2x100352x16xf32, #tpu.memory_space<hbm>> -> memref<1x392x16xf32, #tpu.memory_space<hbm>>
      %dma_start3A_109 = tpu.memref_squeeze %dma_start3A_108 : memref<1x392x16xf32, #tpu.memory_space<hbm>> -> memref<392x16xf32, #tpu.memory_space<hbm>>
      tpu.enqueue_dma source(%arg17 : memref<392x16xf32, #tpu.memory_space<vmem>>) target(%dma_start3A_109 : memref<392x16xf32, #tpu.memory_space<hbm>>) target_semaphore(%run_scoped3A : memref<!tpu.dma_semaphore, #tpu.memory_space<semaphore_mem>>)
      %dma_wait3A = arith.constant 0 : i32
      %dma_wait3A_110 = tpu.memref_slice %arg5[%arg0, %add3A_79, %dma_wait3A] : memref<2x100352x16xf32, #tpu.memory_space<hbm>> -> memref<1x392x16xf32, #tpu.memory_space<hbm>>
      %dma_wait3A_111 = tpu.memref_squeeze %dma_wait3A_110 : memref<1x392x16xf32, #tpu.memory_space<hbm>> -> memref<392x16xf32, #tpu.memory_space<hbm>>
      %dma_wait3A_112 = arith.constant 0 : i32
      %dma_wait3A_113 = tpu.memref_slice %arg5[%arg0, %add3A_79, %dma_wait3A_112] : memref<2x100352x16xf32, #tpu.memory_space<hbm>> -> memref<1x392x16xf32, #tpu.memory_space<hbm>>
      %dma_wait3A_114 = tpu.memref_squeeze %dma_wait3A_113 : memref<1x392x16xf32, #tpu.memory_space<hbm>> -> memref<392x16xf32, #tpu.memory_space<hbm>>
      tpu.wait_dma2 semaphore(%run_scoped3A : memref<!tpu.dma_semaphore, #tpu.memory_space<semaphore_mem>>) src(%arg17 : memref<392x16xf32, #tpu.memory_space<vmem>>) dst(%dma_wait3A_114 : memref<392x16xf32, #tpu.memory_space<hbm>>)
      tpu.yield
    }) : () -> ()
    %add3A_80 = arith.constant 1568 : i32
    %add3A_81 = arith.addi %mul3A_6, %add3A_80 : i32
    "tpu.region"() ({
      %run_scoped3A = tpu.sem_alloc : memref<!tpu.dma_semaphore, #tpu.memory_space<semaphore_mem>>
      %dma_start3A_104 = arith.constant 0 : i32
      %dma_start3A_105 = tpu.memref_slice %arg6[%add3A_81, %dma_start3A_104] : memref<100352x16xf32, #tpu.memory_space<vmem_shared>> -> memref<392x16xf32, #tpu.memory_space<vmem_shared>>
      %dma_start3A_106 = arith.constant 0 : i32
      %dma_start3A_107 = tpu.memref_slice %arg6[%add3A_81, %dma_start3A_106] : memref<100352x16xf32, #tpu.memory_space<vmem_shared>> -> memref<392x16xf32, #tpu.memory_space<vmem_shared>>
      tpu.enqueue_dma source(%dma_start3A_107 : memref<392x16xf32, #tpu.memory_space<vmem_shared>>) target(%arg17 : memref<392x16xf32, #tpu.memory_space<vmem>>) target_semaphore(%run_scoped3A : memref<!tpu.dma_semaphore, #tpu.memory_space<semaphore_mem>>)
      %dma_wait3A = arith.constant 0 : i32
      %dma_wait3A_108 = tpu.memref_slice %arg6[%add3A_81, %dma_wait3A] : memref<100352x16xf32, #tpu.memory_space<vmem_shared>> -> memref<392x16xf32, #tpu.memory_space<vmem_shared>>
      %dma_wait3A_109 = arith.constant 0 : i32
      %dma_wait3A_110 = tpu.memref_slice %arg6[%add3A_81, %dma_wait3A_109] : memref<100352x16xf32, #tpu.memory_space<vmem_shared>> -> memref<392x16xf32, #tpu.memory_space<vmem_shared>>
      tpu.wait_dma2 semaphore(%run_scoped3A : memref<!tpu.dma_semaphore, #tpu.memory_space<semaphore_mem>>) src(%dma_wait3A_110 : memref<392x16xf32, #tpu.memory_space<vmem_shared>>) dst(%arg17 : memref<392x16xf32, #tpu.memory_space<vmem>>)
      tpu.yield
    }) : () -> ()
    "tpu.region"() ({
      %run_scoped3A = tpu.sem_alloc : memref<!tpu.dma_semaphore, #tpu.memory_space<semaphore_mem>>
      %dma_start3A_104 = arith.constant 0 : i32
      %dma_start3A_105 = tpu.memref_slice %arg5[%arg0, %add3A_81, %dma_start3A_104] : memref<2x100352x16xf32, #tpu.memory_space<hbm>> -> memref<1x392x16xf32, #tpu.memory_space<hbm>>
      %dma_start3A_106 = tpu.memref_squeeze %dma_start3A_105 : memref<1x392x16xf32, #tpu.memory_space<hbm>> -> memref<392x16xf32, #tpu.memory_space<hbm>>
      %dma_start3A_107 = arith.constant 0 : i32
      %dma_start3A_108 = tpu.memref_slice %arg5[%arg0, %add3A_81, %dma_start3A_107] : memref<2x100352x16xf32, #tpu.memory_space<hbm>> -> memref<1x392x16xf32, #tpu.memory_space<hbm>>
      %dma_start3A_109 = tpu.memref_squeeze %dma_start3A_108 : memref<1x392x16xf32, #tpu.memory_space<hbm>> -> memref<392x16xf32, #tpu.memory_space<hbm>>
      tpu.enqueue_dma source(%arg17 : memref<392x16xf32, #tpu.memory_space<vmem>>) target(%dma_start3A_109 : memref<392x16xf32, #tpu.memory_space<hbm>>) target_semaphore(%run_scoped3A : memref<!tpu.dma_semaphore, #tpu.memory_space<semaphore_mem>>)
      %dma_wait3A = arith.constant 0 : i32
      %dma_wait3A_110 = tpu.memref_slice %arg5[%arg0, %add3A_81, %dma_wait3A] : memref<2x100352x16xf32, #tpu.memory_space<hbm>> -> memref<1x392x16xf32, #tpu.memory_space<hbm>>
      %dma_wait3A_111 = tpu.memref_squeeze %dma_wait3A_110 : memref<1x392x16xf32, #tpu.memory_space<hbm>> -> memref<392x16xf32, #tpu.memory_space<hbm>>
      %dma_wait3A_112 = arith.constant 0 : i32
      %dma_wait3A_113 = tpu.memref_slice %arg5[%arg0, %add3A_81, %dma_wait3A_112] : memref<2x100352x16xf32, #tpu.memory_space<hbm>> -> memref<1x392x16xf32, #tpu.memory_space<hbm>>
      %dma_wait3A_114 = tpu.memref_squeeze %dma_wait3A_113 : memref<1x392x16xf32, #tpu.memory_space<hbm>> -> memref<392x16xf32, #tpu.memory_space<hbm>>
      tpu.wait_dma2 semaphore(%run_scoped3A : memref<!tpu.dma_semaphore, #tpu.memory_space<semaphore_mem>>) src(%arg17 : memref<392x16xf32, #tpu.memory_space<vmem>>) dst(%dma_wait3A_114 : memref<392x16xf32, #tpu.memory_space<hbm>>)
      tpu.yield
    }) : () -> ()
    %add3A_82 = arith.constant 1960 : i32
    %add3A_83 = arith.addi %mul3A_6, %add3A_82 : i32
    "tpu.region"() ({
      %run_scoped3A = tpu.sem_alloc : memref<!tpu.dma_semaphore, #tpu.memory_space<semaphore_mem>>
      %dma_start3A_104 = arith.constant 0 : i32
      %dma_start3A_105 = tpu.memref_slice %arg6[%add3A_83, %dma_start3A_104] : memref<100352x16xf32, #tpu.memory_space<vmem_shared>> -> memref<392x16xf32, #tpu.memory_space<vmem_shared>>
      %dma_start3A_106 = arith.constant 0 : i32
      %dma_start3A_107 = tpu.memref_slice %arg6[%add3A_83, %dma_start3A_106] : memref<100352x16xf32, #tpu.memory_space<vmem_shared>> -> memref<392x16xf32, #tpu.memory_space<vmem_shared>>
      tpu.enqueue_dma source(%dma_start3A_107 : memref<392x16xf32, #tpu.memory_space<vmem_shared>>) target(%arg17 : memref<392x16xf32, #tpu.memory_space<vmem>>) target_semaphore(%run_scoped3A : memref<!tpu.dma_semaphore, #tpu.memory_space<semaphore_mem>>)
      %dma_wait3A = arith.constant 0 : i32
      %dma_wait3A_108 = tpu.memref_slice %arg6[%add3A_83, %dma_wait3A] : memref<100352x16xf32, #tpu.memory_space<vmem_shared>> -> memref<392x16xf32, #tpu.memory_space<vmem_shared>>
      %dma_wait3A_109 = arith.constant 0 : i32
      %dma_wait3A_110 = tpu.memref_slice %arg6[%add3A_83, %dma_wait3A_109] : memref<100352x16xf32, #tpu.memory_space<vmem_shared>> -> memref<392x16xf32, #tpu.memory_space<vmem_shared>>
      tpu.wait_dma2 semaphore(%run_scoped3A : memref<!tpu.dma_semaphore, #tpu.memory_space<semaphore_mem>>) src(%dma_wait3A_110 : memref<392x16xf32, #tpu.memory_space<vmem_shared>>) dst(%arg17 : memref<392x16xf32, #tpu.memory_space<vmem>>)
      tpu.yield
    }) : () -> ()
    "tpu.region"() ({
      %run_scoped3A = tpu.sem_alloc : memref<!tpu.dma_semaphore, #tpu.memory_space<semaphore_mem>>
      %dma_start3A_104 = arith.constant 0 : i32
      %dma_start3A_105 = tpu.memref_slice %arg5[%arg0, %add3A_83, %dma_start3A_104] : memref<2x100352x16xf32, #tpu.memory_space<hbm>> -> memref<1x392x16xf32, #tpu.memory_space<hbm>>
      %dma_start3A_106 = tpu.memref_squeeze %dma_start3A_105 : memref<1x392x16xf32, #tpu.memory_space<hbm>> -> memref<392x16xf32, #tpu.memory_space<hbm>>
      %dma_start3A_107 = arith.constant 0 : i32
      %dma_start3A_108 = tpu.memref_slice %arg5[%arg0, %add3A_83, %dma_start3A_107] : memref<2x100352x16xf32, #tpu.memory_space<hbm>> -> memref<1x392x16xf32, #tpu.memory_space<hbm>>
      %dma_start3A_109 = tpu.memref_squeeze %dma_start3A_108 : memref<1x392x16xf32, #tpu.memory_space<hbm>> -> memref<392x16xf32, #tpu.memory_space<hbm>>
      tpu.enqueue_dma source(%arg17 : memref<392x16xf32, #tpu.memory_space<vmem>>) target(%dma_start3A_109 : memref<392x16xf32, #tpu.memory_space<hbm>>) target_semaphore(%run_scoped3A : memref<!tpu.dma_semaphore, #tpu.memory_space<semaphore_mem>>)
      %dma_wait3A = arith.constant 0 : i32
      %dma_wait3A_110 = tpu.memref_slice %arg5[%arg0, %add3A_83, %dma_wait3A] : memref<2x100352x16xf32, #tpu.memory_space<hbm>> -> memref<1x392x16xf32, #tpu.memory_space<hbm>>
      %dma_wait3A_111 = tpu.memref_squeeze %dma_wait3A_110 : memref<1x392x16xf32, #tpu.memory_space<hbm>> -> memref<392x16xf32, #tpu.memory_space<hbm>>
      %dma_wait3A_112 = arith.constant 0 : i32
      %dma_wait3A_113 = tpu.memref_slice %arg5[%arg0, %add3A_83, %dma_wait3A_112] : memref<2x100352x16xf32, #tpu.memory_space<hbm>> -> memref<1x392x16xf32, #tpu.memory_space<hbm>>
      %dma_wait3A_114 = tpu.memref_squeeze %dma_wait3A_113 : memref<1x392x16xf32, #tpu.memory_space<hbm>> -> memref<392x16xf32, #tpu.memory_space<hbm>>
      tpu.wait_dma2 semaphore(%run_scoped3A : memref<!tpu.dma_semaphore, #tpu.memory_space<semaphore_mem>>) src(%arg17 : memref<392x16xf32, #tpu.memory_space<vmem>>) dst(%dma_wait3A_114 : memref<392x16xf32, #tpu.memory_space<hbm>>)
      tpu.yield
    }) : () -> ()
    %add3A_84 = arith.constant 2352 : i32
    %add3A_85 = arith.addi %mul3A_6, %add3A_84 : i32
    "tpu.region"() ({
      %run_scoped3A = tpu.sem_alloc : memref<!tpu.dma_semaphore, #tpu.memory_space<semaphore_mem>>
      %dma_start3A_104 = arith.constant 0 : i32
      %dma_start3A_105 = tpu.memref_slice %arg6[%add3A_85, %dma_start3A_104] : memref<100352x16xf32, #tpu.memory_space<vmem_shared>> -> memref<392x16xf32, #tpu.memory_space<vmem_shared>>
      %dma_start3A_106 = arith.constant 0 : i32
      %dma_start3A_107 = tpu.memref_slice %arg6[%add3A_85, %dma_start3A_106] : memref<100352x16xf32, #tpu.memory_space<vmem_shared>> -> memref<392x16xf32, #tpu.memory_space<vmem_shared>>
      tpu.enqueue_dma source(%dma_start3A_107 : memref<392x16xf32, #tpu.memory_space<vmem_shared>>) target(%arg17 : memref<392x16xf32, #tpu.memory_space<vmem>>) target_semaphore(%run_scoped3A : memref<!tpu.dma_semaphore, #tpu.memory_space<semaphore_mem>>)
      %dma_wait3A = arith.constant 0 : i32
      %dma_wait3A_108 = tpu.memref_slice %arg6[%add3A_85, %dma_wait3A] : memref<100352x16xf32, #tpu.memory_space<vmem_shared>> -> memref<392x16xf32, #tpu.memory_space<vmem_shared>>
      %dma_wait3A_109 = arith.constant 0 : i32
      %dma_wait3A_110 = tpu.memref_slice %arg6[%add3A_85, %dma_wait3A_109] : memref<100352x16xf32, #tpu.memory_space<vmem_shared>> -> memref<392x16xf32, #tpu.memory_space<vmem_shared>>
      tpu.wait_dma2 semaphore(%run_scoped3A : memref<!tpu.dma_semaphore, #tpu.memory_space<semaphore_mem>>) src(%dma_wait3A_110 : memref<392x16xf32, #tpu.memory_space<vmem_shared>>) dst(%arg17 : memref<392x16xf32, #tpu.memory_space<vmem>>)
      tpu.yield
    }) : () -> ()
    "tpu.region"() ({
      %run_scoped3A = tpu.sem_alloc : memref<!tpu.dma_semaphore, #tpu.memory_space<semaphore_mem>>
      %dma_start3A_104 = arith.constant 0 : i32
      %dma_start3A_105 = tpu.memref_slice %arg5[%arg0, %add3A_85, %dma_start3A_104] : memref<2x100352x16xf32, #tpu.memory_space<hbm>> -> memref<1x392x16xf32, #tpu.memory_space<hbm>>
      %dma_start3A_106 = tpu.memref_squeeze %dma_start3A_105 : memref<1x392x16xf32, #tpu.memory_space<hbm>> -> memref<392x16xf32, #tpu.memory_space<hbm>>
      %dma_start3A_107 = arith.constant 0 : i32
      %dma_start3A_108 = tpu.memref_slice %arg5[%arg0, %add3A_85, %dma_start3A_107] : memref<2x100352x16xf32, #tpu.memory_space<hbm>> -> memref<1x392x16xf32, #tpu.memory_space<hbm>>
      %dma_start3A_109 = tpu.memref_squeeze %dma_start3A_108 : memref<1x392x16xf32, #tpu.memory_space<hbm>> -> memref<392x16xf32, #tpu.memory_space<hbm>>
      tpu.enqueue_dma source(%arg17 : memref<392x16xf32, #tpu.memory_space<vmem>>) target(%dma_start3A_109 : memref<392x16xf32, #tpu.memory_space<hbm>>) target_semaphore(%run_scoped3A : memref<!tpu.dma_semaphore, #tpu.memory_space<semaphore_mem>>)
      %dma_wait3A = arith.constant 0 : i32
      %dma_wait3A_110 = tpu.memref_slice %arg5[%arg0, %add3A_85, %dma_wait3A] : memref<2x100352x16xf32, #tpu.memory_space<hbm>> -> memref<1x392x16xf32, #tpu.memory_space<hbm>>
      %dma_wait3A_111 = tpu.memref_squeeze %dma_wait3A_110 : memref<1x392x16xf32, #tpu.memory_space<hbm>> -> memref<392x16xf32, #tpu.memory_space<hbm>>
      %dma_wait3A_112 = arith.constant 0 : i32
      %dma_wait3A_113 = tpu.memref_slice %arg5[%arg0, %add3A_85, %dma_wait3A_112] : memref<2x100352x16xf32, #tpu.memory_space<hbm>> -> memref<1x392x16xf32, #tpu.memory_space<hbm>>
      %dma_wait3A_114 = tpu.memref_squeeze %dma_wait3A_113 : memref<1x392x16xf32, #tpu.memory_space<hbm>> -> memref<392x16xf32, #tpu.memory_space<hbm>>
      tpu.wait_dma2 semaphore(%run_scoped3A : memref<!tpu.dma_semaphore, #tpu.memory_space<semaphore_mem>>) src(%arg17 : memref<392x16xf32, #tpu.memory_space<vmem>>) dst(%dma_wait3A_114 : memref<392x16xf32, #tpu.memory_space<hbm>>)
      tpu.yield
    }) : () -> ()
    %add3A_86 = arith.constant 2744 : i32
    %add3A_87 = arith.addi %mul3A_6, %add3A_86 : i32
    "tpu.region"() ({
      %run_scoped3A = tpu.sem_alloc : memref<!tpu.dma_semaphore, #tpu.memory_space<semaphore_mem>>
      %dma_start3A_104 = arith.constant 0 : i32
      %dma_start3A_105 = tpu.memref_slice %arg6[%add3A_87, %dma_start3A_104] : memref<100352x16xf32, #tpu.memory_space<vmem_shared>> -> memref<392x16xf32, #tpu.memory_space<vmem_shared>>
      %dma_start3A_106 = arith.constant 0 : i32
      %dma_start3A_107 = tpu.memref_slice %arg6[%add3A_87, %dma_start3A_106] : memref<100352x16xf32, #tpu.memory_space<vmem_shared>> -> memref<392x16xf32, #tpu.memory_space<vmem_shared>>
      tpu.enqueue_dma source(%dma_start3A_107 : memref<392x16xf32, #tpu.memory_space<vmem_shared>>) target(%arg17 : memref<392x16xf32, #tpu.memory_space<vmem>>) target_semaphore(%run_scoped3A : memref<!tpu.dma_semaphore, #tpu.memory_space<semaphore_mem>>)
      %dma_wait3A = arith.constant 0 : i32
      %dma_wait3A_108 = tpu.memref_slice %arg6[%add3A_87, %dma_wait3A] : memref<100352x16xf32, #tpu.memory_space<vmem_shared>> -> memref<392x16xf32, #tpu.memory_space<vmem_shared>>
      %dma_wait3A_109 = arith.constant 0 : i32
      %dma_wait3A_110 = tpu.memref_slice %arg6[%add3A_87, %dma_wait3A_109] : memref<100352x16xf32, #tpu.memory_space<vmem_shared>> -> memref<392x16xf32, #tpu.memory_space<vmem_shared>>
      tpu.wait_dma2 semaphore(%run_scoped3A : memref<!tpu.dma_semaphore, #tpu.memory_space<semaphore_mem>>) src(%dma_wait3A_110 : memref<392x16xf32, #tpu.memory_space<vmem_shared>>) dst(%arg17 : memref<392x16xf32, #tpu.memory_space<vmem>>)
      tpu.yield
    }) : () -> ()
    "tpu.region"() ({
      %run_scoped3A = tpu.sem_alloc : memref<!tpu.dma_semaphore, #tpu.memory_space<semaphore_mem>>
      %dma_start3A_104 = arith.constant 0 : i32
      %dma_start3A_105 = tpu.memref_slice %arg5[%arg0, %add3A_87, %dma_start3A_104] : memref<2x100352x16xf32, #tpu.memory_space<hbm>> -> memref<1x392x16xf32, #tpu.memory_space<hbm>>
      %dma_start3A_106 = tpu.memref_squeeze %dma_start3A_105 : memref<1x392x16xf32, #tpu.memory_space<hbm>> -> memref<392x16xf32, #tpu.memory_space<hbm>>
      %dma_start3A_107 = arith.constant 0 : i32
      %dma_start3A_108 = tpu.memref_slice %arg5[%arg0, %add3A_87, %dma_start3A_107] : memref<2x100352x16xf32, #tpu.memory_space<hbm>> -> memref<1x392x16xf32, #tpu.memory_space<hbm>>
      %dma_start3A_109 = tpu.memref_squeeze %dma_start3A_108 : memref<1x392x16xf32, #tpu.memory_space<hbm>> -> memref<392x16xf32, #tpu.memory_space<hbm>>
      tpu.enqueue_dma source(%arg17 : memref<392x16xf32, #tpu.memory_space<vmem>>) target(%dma_start3A_109 : memref<392x16xf32, #tpu.memory_space<hbm>>) target_semaphore(%run_scoped3A : memref<!tpu.dma_semaphore, #tpu.memory_space<semaphore_mem>>)
      %dma_wait3A = arith.constant 0 : i32
      %dma_wait3A_110 = tpu.memref_slice %arg5[%arg0, %add3A_87, %dma_wait3A] : memref<2x100352x16xf32, #tpu.memory_space<hbm>> -> memref<1x392x16xf32, #tpu.memory_space<hbm>>
      %dma_wait3A_111 = tpu.memref_squeeze %dma_wait3A_110 : memref<1x392x16xf32, #tpu.memory_space<hbm>> -> memref<392x16xf32, #tpu.memory_space<hbm>>
      %dma_wait3A_112 = arith.constant 0 : i32
      %dma_wait3A_113 = tpu.memref_slice %arg5[%arg0, %add3A_87, %dma_wait3A_112] : memref<2x100352x16xf32, #tpu.memory_space<hbm>> -> memref<1x392x16xf32, #tpu.memory_space<hbm>>
      %dma_wait3A_114 = tpu.memref_squeeze %dma_wait3A_113 : memref<1x392x16xf32, #tpu.memory_space<hbm>> -> memref<392x16xf32, #tpu.memory_space<hbm>>
      tpu.wait_dma2 semaphore(%run_scoped3A : memref<!tpu.dma_semaphore, #tpu.memory_space<semaphore_mem>>) src(%arg17 : memref<392x16xf32, #tpu.memory_space<vmem>>) dst(%dma_wait3A_114 : memref<392x16xf32, #tpu.memory_space<hbm>>)
      tpu.yield
    }) : () -> ()
    %add3A_88 = arith.constant 3136 : i32
    %add3A_89 = arith.addi %mul3A_6, %add3A_88 : i32
    "tpu.region"() ({
      %run_scoped3A = tpu.sem_alloc : memref<!tpu.dma_semaphore, #tpu.memory_space<semaphore_mem>>
      %dma_start3A_104 = arith.constant 0 : i32
      %dma_start3A_105 = tpu.memref_slice %arg6[%add3A_89, %dma_start3A_104] : memref<100352x16xf32, #tpu.memory_space<vmem_shared>> -> memref<392x16xf32, #tpu.memory_space<vmem_shared>>
      %dma_start3A_106 = arith.constant 0 : i32
      %dma_start3A_107 = tpu.memref_slice %arg6[%add3A_89, %dma_start3A_106] : memref<100352x16xf32, #tpu.memory_space<vmem_shared>> -> memref<392x16xf32, #tpu.memory_space<vmem_shared>>
      tpu.enqueue_dma source(%dma_start3A_107 : memref<392x16xf32, #tpu.memory_space<vmem_shared>>) target(%arg17 : memref<392x16xf32, #tpu.memory_space<vmem>>) target_semaphore(%run_scoped3A : memref<!tpu.dma_semaphore, #tpu.memory_space<semaphore_mem>>)
      %dma_wait3A = arith.constant 0 : i32
      %dma_wait3A_108 = tpu.memref_slice %arg6[%add3A_89, %dma_wait3A] : memref<100352x16xf32, #tpu.memory_space<vmem_shared>> -> memref<392x16xf32, #tpu.memory_space<vmem_shared>>
      %dma_wait3A_109 = arith.constant 0 : i32
      %dma_wait3A_110 = tpu.memref_slice %arg6[%add3A_89, %dma_wait3A_109] : memref<100352x16xf32, #tpu.memory_space<vmem_shared>> -> memref<392x16xf32, #tpu.memory_space<vmem_shared>>
      tpu.wait_dma2 semaphore(%run_scoped3A : memref<!tpu.dma_semaphore, #tpu.memory_space<semaphore_mem>>) src(%dma_wait3A_110 : memref<392x16xf32, #tpu.memory_space<vmem_shared>>) dst(%arg17 : memref<392x16xf32, #tpu.memory_space<vmem>>)
      tpu.yield
    }) : () -> ()
    "tpu.region"() ({
      %run_scoped3A = tpu.sem_alloc : memref<!tpu.dma_semaphore, #tpu.memory_space<semaphore_mem>>
      %dma_start3A_104 = arith.constant 0 : i32
      %dma_start3A_105 = tpu.memref_slice %arg5[%arg0, %add3A_89, %dma_start3A_104] : memref<2x100352x16xf32, #tpu.memory_space<hbm>> -> memref<1x392x16xf32, #tpu.memory_space<hbm>>
      %dma_start3A_106 = tpu.memref_squeeze %dma_start3A_105 : memref<1x392x16xf32, #tpu.memory_space<hbm>> -> memref<392x16xf32, #tpu.memory_space<hbm>>
      %dma_start3A_107 = arith.constant 0 : i32
      %dma_start3A_108 = tpu.memref_slice %arg5[%arg0, %add3A_89, %dma_start3A_107] : memref<2x100352x16xf32, #tpu.memory_space<hbm>> -> memref<1x392x16xf32, #tpu.memory_space<hbm>>
      %dma_start3A_109 = tpu.memref_squeeze %dma_start3A_108 : memref<1x392x16xf32, #tpu.memory_space<hbm>> -> memref<392x16xf32, #tpu.memory_space<hbm>>
      tpu.enqueue_dma source(%arg17 : memref<392x16xf32, #tpu.memory_space<vmem>>) target(%dma_start3A_109 : memref<392x16xf32, #tpu.memory_space<hbm>>) target_semaphore(%run_scoped3A : memref<!tpu.dma_semaphore, #tpu.memory_space<semaphore_mem>>)
      %dma_wait3A = arith.constant 0 : i32
      %dma_wait3A_110 = tpu.memref_slice %arg5[%arg0, %add3A_89, %dma_wait3A] : memref<2x100352x16xf32, #tpu.memory_space<hbm>> -> memref<1x392x16xf32, #tpu.memory_space<hbm>>
      %dma_wait3A_111 = tpu.memref_squeeze %dma_wait3A_110 : memref<1x392x16xf32, #tpu.memory_space<hbm>> -> memref<392x16xf32, #tpu.memory_space<hbm>>
      %dma_wait3A_112 = arith.constant 0 : i32
      %dma_wait3A_113 = tpu.memref_slice %arg5[%arg0, %add3A_89, %dma_wait3A_112] : memref<2x100352x16xf32, #tpu.memory_space<hbm>> -> memref<1x392x16xf32, #tpu.memory_space<hbm>>
      %dma_wait3A_114 = tpu.memref_squeeze %dma_wait3A_113 : memref<1x392x16xf32, #tpu.memory_space<hbm>> -> memref<392x16xf32, #tpu.memory_space<hbm>>
      tpu.wait_dma2 semaphore(%run_scoped3A : memref<!tpu.dma_semaphore, #tpu.memory_space<semaphore_mem>>) src(%arg17 : memref<392x16xf32, #tpu.memory_space<vmem>>) dst(%dma_wait3A_114 : memref<392x16xf32, #tpu.memory_space<hbm>>)
      tpu.yield
    }) : () -> ()
    %add3A_90 = arith.constant 3528 : i32
    %add3A_91 = arith.addi %mul3A_6, %add3A_90 : i32
    "tpu.region"() ({
      %run_scoped3A = tpu.sem_alloc : memref<!tpu.dma_semaphore, #tpu.memory_space<semaphore_mem>>
      %dma_start3A_104 = arith.constant 0 : i32
      %dma_start3A_105 = tpu.memref_slice %arg6[%add3A_91, %dma_start3A_104] : memref<100352x16xf32, #tpu.memory_space<vmem_shared>> -> memref<392x16xf32, #tpu.memory_space<vmem_shared>>
      %dma_start3A_106 = arith.constant 0 : i32
      %dma_start3A_107 = tpu.memref_slice %arg6[%add3A_91, %dma_start3A_106] : memref<100352x16xf32, #tpu.memory_space<vmem_shared>> -> memref<392x16xf32, #tpu.memory_space<vmem_shared>>
      tpu.enqueue_dma source(%dma_start3A_107 : memref<392x16xf32, #tpu.memory_space<vmem_shared>>) target(%arg17 : memref<392x16xf32, #tpu.memory_space<vmem>>) target_semaphore(%run_scoped3A : memref<!tpu.dma_semaphore, #tpu.memory_space<semaphore_mem>>)
      %dma_wait3A = arith.constant 0 : i32
      %dma_wait3A_108 = tpu.memref_slice %arg6[%add3A_91, %dma_wait3A] : memref<100352x16xf32, #tpu.memory_space<vmem_shared>> -> memref<392x16xf32, #tpu.memory_space<vmem_shared>>
      %dma_wait3A_109 = arith.constant 0 : i32
      %dma_wait3A_110 = tpu.memref_slice %arg6[%add3A_91, %dma_wait3A_109] : memref<100352x16xf32, #tpu.memory_space<vmem_shared>> -> memref<392x16xf32, #tpu.memory_space<vmem_shared>>
      tpu.wait_dma2 semaphore(%run_scoped3A : memref<!tpu.dma_semaphore, #tpu.memory_space<semaphore_mem>>) src(%dma_wait3A_110 : memref<392x16xf32, #tpu.memory_space<vmem_shared>>) dst(%arg17 : memref<392x16xf32, #tpu.memory_space<vmem>>)
      tpu.yield
    }) : () -> ()
    "tpu.region"() ({
      %run_scoped3A = tpu.sem_alloc : memref<!tpu.dma_semaphore, #tpu.memory_space<semaphore_mem>>
      %dma_start3A_104 = arith.constant 0 : i32
      %dma_start3A_105 = tpu.memref_slice %arg5[%arg0, %add3A_91, %dma_start3A_104] : memref<2x100352x16xf32, #tpu.memory_space<hbm>> -> memref<1x392x16xf32, #tpu.memory_space<hbm>>
      %dma_start3A_106 = tpu.memref_squeeze %dma_start3A_105 : memref<1x392x16xf32, #tpu.memory_space<hbm>> -> memref<392x16xf32, #tpu.memory_space<hbm>>
      %dma_start3A_107 = arith.constant 0 : i32
      %dma_start3A_108 = tpu.memref_slice %arg5[%arg0, %add3A_91, %dma_start3A_107] : memref<2x100352x16xf32, #tpu.memory_space<hbm>> -> memref<1x392x16xf32, #tpu.memory_space<hbm>>
      %dma_start3A_109 = tpu.memref_squeeze %dma_start3A_108 : memref<1x392x16xf32, #tpu.memory_space<hbm>> -> memref<392x16xf32, #tpu.memory_space<hbm>>
      tpu.enqueue_dma source(%arg17 : memref<392x16xf32, #tpu.memory_space<vmem>>) target(%dma_start3A_109 : memref<392x16xf32, #tpu.memory_space<hbm>>) target_semaphore(%run_scoped3A : memref<!tpu.dma_semaphore, #tpu.memory_space<semaphore_mem>>)
      %dma_wait3A = arith.constant 0 : i32
      %dma_wait3A_110 = tpu.memref_slice %arg5[%arg0, %add3A_91, %dma_wait3A] : memref<2x100352x16xf32, #tpu.memory_space<hbm>> -> memref<1x392x16xf32, #tpu.memory_space<hbm>>
      %dma_wait3A_111 = tpu.memref_squeeze %dma_wait3A_110 : memref<1x392x16xf32, #tpu.memory_space<hbm>> -> memref<392x16xf32, #tpu.memory_space<hbm>>
      %dma_wait3A_112 = arith.constant 0 : i32
      %dma_wait3A_113 = tpu.memref_slice %arg5[%arg0, %add3A_91, %dma_wait3A_112] : memref<2x100352x16xf32, #tpu.memory_space<hbm>> -> memref<1x392x16xf32, #tpu.memory_space<hbm>>
      %dma_wait3A_114 = tpu.memref_squeeze %dma_wait3A_113 : memref<1x392x16xf32, #tpu.memory_space<hbm>> -> memref<392x16xf32, #tpu.memory_space<hbm>>
      tpu.wait_dma2 semaphore(%run_scoped3A : memref<!tpu.dma_semaphore, #tpu.memory_space<semaphore_mem>>) src(%arg17 : memref<392x16xf32, #tpu.memory_space<vmem>>) dst(%dma_wait3A_114 : memref<392x16xf32, #tpu.memory_space<hbm>>)
      tpu.yield
    }) : () -> ()
    %add3A_92 = arith.constant 3920 : i32
    %add3A_93 = arith.addi %mul3A_6, %add3A_92 : i32
    "tpu.region"() ({
      %run_scoped3A = tpu.sem_alloc : memref<!tpu.dma_semaphore, #tpu.memory_space<semaphore_mem>>
      %dma_start3A_104 = arith.constant 0 : i32
      %dma_start3A_105 = tpu.memref_slice %arg6[%add3A_93, %dma_start3A_104] : memref<100352x16xf32, #tpu.memory_space<vmem_shared>> -> memref<392x16xf32, #tpu.memory_space<vmem_shared>>
      %dma_start3A_106 = arith.constant 0 : i32
      %dma_start3A_107 = tpu.memref_slice %arg6[%add3A_93, %dma_start3A_106] : memref<100352x16xf32, #tpu.memory_space<vmem_shared>> -> memref<392x16xf32, #tpu.memory_space<vmem_shared>>
      tpu.enqueue_dma source(%dma_start3A_107 : memref<392x16xf32, #tpu.memory_space<vmem_shared>>) target(%arg17 : memref<392x16xf32, #tpu.memory_space<vmem>>) target_semaphore(%run_scoped3A : memref<!tpu.dma_semaphore, #tpu.memory_space<semaphore_mem>>)
      %dma_wait3A = arith.constant 0 : i32
      %dma_wait3A_108 = tpu.memref_slice %arg6[%add3A_93, %dma_wait3A] : memref<100352x16xf32, #tpu.memory_space<vmem_shared>> -> memref<392x16xf32, #tpu.memory_space<vmem_shared>>
      %dma_wait3A_109 = arith.constant 0 : i32
      %dma_wait3A_110 = tpu.memref_slice %arg6[%add3A_93, %dma_wait3A_109] : memref<100352x16xf32, #tpu.memory_space<vmem_shared>> -> memref<392x16xf32, #tpu.memory_space<vmem_shared>>
      tpu.wait_dma2 semaphore(%run_scoped3A : memref<!tpu.dma_semaphore, #tpu.memory_space<semaphore_mem>>) src(%dma_wait3A_110 : memref<392x16xf32, #tpu.memory_space<vmem_shared>>) dst(%arg17 : memref<392x16xf32, #tpu.memory_space<vmem>>)
      tpu.yield
    }) : () -> ()
    "tpu.region"() ({
      %run_scoped3A = tpu.sem_alloc : memref<!tpu.dma_semaphore, #tpu.memory_space<semaphore_mem>>
      %dma_start3A_104 = arith.constant 0 : i32
      %dma_start3A_105 = tpu.memref_slice %arg5[%arg0, %add3A_93, %dma_start3A_104] : memref<2x100352x16xf32, #tpu.memory_space<hbm>> -> memref<1x392x16xf32, #tpu.memory_space<hbm>>
      %dma_start3A_106 = tpu.memref_squeeze %dma_start3A_105 : memref<1x392x16xf32, #tpu.memory_space<hbm>> -> memref<392x16xf32, #tpu.memory_space<hbm>>
      %dma_start3A_107 = arith.constant 0 : i32
      %dma_start3A_108 = tpu.memref_slice %arg5[%arg0, %add3A_93, %dma_start3A_107] : memref<2x100352x16xf32, #tpu.memory_space<hbm>> -> memref<1x392x16xf32, #tpu.memory_space<hbm>>
      %dma_start3A_109 = tpu.memref_squeeze %dma_start3A_108 : memref<1x392x16xf32, #tpu.memory_space<hbm>> -> memref<392x16xf32, #tpu.memory_space<hbm>>
      tpu.enqueue_dma source(%arg17 : memref<392x16xf32, #tpu.memory_space<vmem>>) target(%dma_start3A_109 : memref<392x16xf32, #tpu.memory_space<hbm>>) target_semaphore(%run_scoped3A : memref<!tpu.dma_semaphore, #tpu.memory_space<semaphore_mem>>)
      %dma_wait3A = arith.constant 0 : i32
      %dma_wait3A_110 = tpu.memref_slice %arg5[%arg0, %add3A_93, %dma_wait3A] : memref<2x100352x16xf32, #tpu.memory_space<hbm>> -> memref<1x392x16xf32, #tpu.memory_space<hbm>>
      %dma_wait3A_111 = tpu.memref_squeeze %dma_wait3A_110 : memref<1x392x16xf32, #tpu.memory_space<hbm>> -> memref<392x16xf32, #tpu.memory_space<hbm>>
      %dma_wait3A_112 = arith.constant 0 : i32
      %dma_wait3A_113 = tpu.memref_slice %arg5[%arg0, %add3A_93, %dma_wait3A_112] : memref<2x100352x16xf32, #tpu.memory_space<hbm>> -> memref<1x392x16xf32, #tpu.memory_space<hbm>>
      %dma_wait3A_114 = tpu.memref_squeeze %dma_wait3A_113 : memref<1x392x16xf32, #tpu.memory_space<hbm>> -> memref<392x16xf32, #tpu.memory_space<hbm>>
      tpu.wait_dma2 semaphore(%run_scoped3A : memref<!tpu.dma_semaphore, #tpu.memory_space<semaphore_mem>>) src(%arg17 : memref<392x16xf32, #tpu.memory_space<vmem>>) dst(%dma_wait3A_114 : memref<392x16xf32, #tpu.memory_space<hbm>>)
      tpu.yield
    }) : () -> ()
    %add3A_94 = arith.constant 4312 : i32
    %add3A_95 = arith.addi %mul3A_6, %add3A_94 : i32
    "tpu.region"() ({
      %run_scoped3A = tpu.sem_alloc : memref<!tpu.dma_semaphore, #tpu.memory_space<semaphore_mem>>
      %dma_start3A_104 = arith.constant 0 : i32
      %dma_start3A_105 = tpu.memref_slice %arg6[%add3A_95, %dma_start3A_104] : memref<100352x16xf32, #tpu.memory_space<vmem_shared>> -> memref<392x16xf32, #tpu.memory_space<vmem_shared>>
      %dma_start3A_106 = arith.constant 0 : i32
      %dma_start3A_107 = tpu.memref_slice %arg6[%add3A_95, %dma_start3A_106] : memref<100352x16xf32, #tpu.memory_space<vmem_shared>> -> memref<392x16xf32, #tpu.memory_space<vmem_shared>>
      tpu.enqueue_dma source(%dma_start3A_107 : memref<392x16xf32, #tpu.memory_space<vmem_shared>>) target(%arg17 : memref<392x16xf32, #tpu.memory_space<vmem>>) target_semaphore(%run_scoped3A : memref<!tpu.dma_semaphore, #tpu.memory_space<semaphore_mem>>)
      %dma_wait3A = arith.constant 0 : i32
      %dma_wait3A_108 = tpu.memref_slice %arg6[%add3A_95, %dma_wait3A] : memref<100352x16xf32, #tpu.memory_space<vmem_shared>> -> memref<392x16xf32, #tpu.memory_space<vmem_shared>>
      %dma_wait3A_109 = arith.constant 0 : i32
      %dma_wait3A_110 = tpu.memref_slice %arg6[%add3A_95, %dma_wait3A_109] : memref<100352x16xf32, #tpu.memory_space<vmem_shared>> -> memref<392x16xf32, #tpu.memory_space<vmem_shared>>
      tpu.wait_dma2 semaphore(%run_scoped3A : memref<!tpu.dma_semaphore, #tpu.memory_space<semaphore_mem>>) src(%dma_wait3A_110 : memref<392x16xf32, #tpu.memory_space<vmem_shared>>) dst(%arg17 : memref<392x16xf32, #tpu.memory_space<vmem>>)
      tpu.yield
    }) : () -> ()
    "tpu.region"() ({
      %run_scoped3A = tpu.sem_alloc : memref<!tpu.dma_semaphore, #tpu.memory_space<semaphore_mem>>
      %dma_start3A_104 = arith.constant 0 : i32
      %dma_start3A_105 = tpu.memref_slice %arg5[%arg0, %add3A_95, %dma_start3A_104] : memref<2x100352x16xf32, #tpu.memory_space<hbm>> -> memref<1x392x16xf32, #tpu.memory_space<hbm>>
      %dma_start3A_106 = tpu.memref_squeeze %dma_start3A_105 : memref<1x392x16xf32, #tpu.memory_space<hbm>> -> memref<392x16xf32, #tpu.memory_space<hbm>>
      %dma_start3A_107 = arith.constant 0 : i32
      %dma_start3A_108 = tpu.memref_slice %arg5[%arg0, %add3A_95, %dma_start3A_107] : memref<2x100352x16xf32, #tpu.memory_space<hbm>> -> memref<1x392x16xf32, #tpu.memory_space<hbm>>
      %dma_start3A_109 = tpu.memref_squeeze %dma_start3A_108 : memref<1x392x16xf32, #tpu.memory_space<hbm>> -> memref<392x16xf32, #tpu.memory_space<hbm>>
      tpu.enqueue_dma source(%arg17 : memref<392x16xf32, #tpu.memory_space<vmem>>) target(%dma_start3A_109 : memref<392x16xf32, #tpu.memory_space<hbm>>) target_semaphore(%run_scoped3A : memref<!tpu.dma_semaphore, #tpu.memory_space<semaphore_mem>>)
      %dma_wait3A = arith.constant 0 : i32
      %dma_wait3A_110 = tpu.memref_slice %arg5[%arg0, %add3A_95, %dma_wait3A] : memref<2x100352x16xf32, #tpu.memory_space<hbm>> -> memref<1x392x16xf32, #tpu.memory_space<hbm>>
      %dma_wait3A_111 = tpu.memref_squeeze %dma_wait3A_110 : memref<1x392x16xf32, #tpu.memory_space<hbm>> -> memref<392x16xf32, #tpu.memory_space<hbm>>
      %dma_wait3A_112 = arith.constant 0 : i32
      %dma_wait3A_113 = tpu.memref_slice %arg5[%arg0, %add3A_95, %dma_wait3A_112] : memref<2x100352x16xf32, #tpu.memory_space<hbm>> -> memref<1x392x16xf32, #tpu.memory_space<hbm>>
      %dma_wait3A_114 = tpu.memref_squeeze %dma_wait3A_113 : memref<1x392x16xf32, #tpu.memory_space<hbm>> -> memref<392x16xf32, #tpu.memory_space<hbm>>
      tpu.wait_dma2 semaphore(%run_scoped3A : memref<!tpu.dma_semaphore, #tpu.memory_space<semaphore_mem>>) src(%arg17 : memref<392x16xf32, #tpu.memory_space<vmem>>) dst(%dma_wait3A_114 : memref<392x16xf32, #tpu.memory_space<hbm>>)
      tpu.yield
    }) : () -> ()
    %add3A_96 = arith.constant 4704 : i32
    %add3A_97 = arith.addi %mul3A_6, %add3A_96 : i32
    "tpu.region"() ({
      %run_scoped3A = tpu.sem_alloc : memref<!tpu.dma_semaphore, #tpu.memory_space<semaphore_mem>>
      %dma_start3A_104 = arith.constant 0 : i32
      %dma_start3A_105 = tpu.memref_slice %arg6[%add3A_97, %dma_start3A_104] : memref<100352x16xf32, #tpu.memory_space<vmem_shared>> -> memref<392x16xf32, #tpu.memory_space<vmem_shared>>
      %dma_start3A_106 = arith.constant 0 : i32
      %dma_start3A_107 = tpu.memref_slice %arg6[%add3A_97, %dma_start3A_106] : memref<100352x16xf32, #tpu.memory_space<vmem_shared>> -> memref<392x16xf32, #tpu.memory_space<vmem_shared>>
      tpu.enqueue_dma source(%dma_start3A_107 : memref<392x16xf32, #tpu.memory_space<vmem_shared>>) target(%arg17 : memref<392x16xf32, #tpu.memory_space<vmem>>) target_semaphore(%run_scoped3A : memref<!tpu.dma_semaphore, #tpu.memory_space<semaphore_mem>>)
      %dma_wait3A = arith.constant 0 : i32
      %dma_wait3A_108 = tpu.memref_slice %arg6[%add3A_97, %dma_wait3A] : memref<100352x16xf32, #tpu.memory_space<vmem_shared>> -> memref<392x16xf32, #tpu.memory_space<vmem_shared>>
      %dma_wait3A_109 = arith.constant 0 : i32
      %dma_wait3A_110 = tpu.memref_slice %arg6[%add3A_97, %dma_wait3A_109] : memref<100352x16xf32, #tpu.memory_space<vmem_shared>> -> memref<392x16xf32, #tpu.memory_space<vmem_shared>>
      tpu.wait_dma2 semaphore(%run_scoped3A : memref<!tpu.dma_semaphore, #tpu.memory_space<semaphore_mem>>) src(%dma_wait3A_110 : memref<392x16xf32, #tpu.memory_space<vmem_shared>>) dst(%arg17 : memref<392x16xf32, #tpu.memory_space<vmem>>)
      tpu.yield
    }) : () -> ()
    "tpu.region"() ({
      %run_scoped3A = tpu.sem_alloc : memref<!tpu.dma_semaphore, #tpu.memory_space<semaphore_mem>>
      %dma_start3A_104 = arith.constant 0 : i32
      %dma_start3A_105 = tpu.memref_slice %arg5[%arg0, %add3A_97, %dma_start3A_104] : memref<2x100352x16xf32, #tpu.memory_space<hbm>> -> memref<1x392x16xf32, #tpu.memory_space<hbm>>
      %dma_start3A_106 = tpu.memref_squeeze %dma_start3A_105 : memref<1x392x16xf32, #tpu.memory_space<hbm>> -> memref<392x16xf32, #tpu.memory_space<hbm>>
      %dma_start3A_107 = arith.constant 0 : i32
      %dma_start3A_108 = tpu.memref_slice %arg5[%arg0, %add3A_97, %dma_start3A_107] : memref<2x100352x16xf32, #tpu.memory_space<hbm>> -> memref<1x392x16xf32, #tpu.memory_space<hbm>>
      %dma_start3A_109 = tpu.memref_squeeze %dma_start3A_108 : memref<1x392x16xf32, #tpu.memory_space<hbm>> -> memref<392x16xf32, #tpu.memory_space<hbm>>
      tpu.enqueue_dma source(%arg17 : memref<392x16xf32, #tpu.memory_space<vmem>>) target(%dma_start3A_109 : memref<392x16xf32, #tpu.memory_space<hbm>>) target_semaphore(%run_scoped3A : memref<!tpu.dma_semaphore, #tpu.memory_space<semaphore_mem>>)
      %dma_wait3A = arith.constant 0 : i32
      %dma_wait3A_110 = tpu.memref_slice %arg5[%arg0, %add3A_97, %dma_wait3A] : memref<2x100352x16xf32, #tpu.memory_space<hbm>> -> memref<1x392x16xf32, #tpu.memory_space<hbm>>
      %dma_wait3A_111 = tpu.memref_squeeze %dma_wait3A_110 : memref<1x392x16xf32, #tpu.memory_space<hbm>> -> memref<392x16xf32, #tpu.memory_space<hbm>>
      %dma_wait3A_112 = arith.constant 0 : i32
      %dma_wait3A_113 = tpu.memref_slice %arg5[%arg0, %add3A_97, %dma_wait3A_112] : memref<2x100352x16xf32, #tpu.memory_space<hbm>> -> memref<1x392x16xf32, #tpu.memory_space<hbm>>
      %dma_wait3A_114 = tpu.memref_squeeze %dma_wait3A_113 : memref<1x392x16xf32, #tpu.memory_space<hbm>> -> memref<392x16xf32, #tpu.memory_space<hbm>>
      tpu.wait_dma2 semaphore(%run_scoped3A : memref<!tpu.dma_semaphore, #tpu.memory_space<semaphore_mem>>) src(%arg17 : memref<392x16xf32, #tpu.memory_space<vmem>>) dst(%dma_wait3A_114 : memref<392x16xf32, #tpu.memory_space<hbm>>)
      tpu.yield
    }) : () -> ()
    %add3A_98 = arith.constant 5096 : i32
    %add3A_99 = arith.addi %mul3A_6, %add3A_98 : i32
    "tpu.region"() ({
      %run_scoped3A = tpu.sem_alloc : memref<!tpu.dma_semaphore, #tpu.memory_space<semaphore_mem>>
      %dma_start3A_104 = arith.constant 0 : i32
      %dma_start3A_105 = tpu.memref_slice %arg6[%add3A_99, %dma_start3A_104] : memref<100352x16xf32, #tpu.memory_space<vmem_shared>> -> memref<392x16xf32, #tpu.memory_space<vmem_shared>>
      %dma_start3A_106 = arith.constant 0 : i32
      %dma_start3A_107 = tpu.memref_slice %arg6[%add3A_99, %dma_start3A_106] : memref<100352x16xf32, #tpu.memory_space<vmem_shared>> -> memref<392x16xf32, #tpu.memory_space<vmem_shared>>
      tpu.enqueue_dma source(%dma_start3A_107 : memref<392x16xf32, #tpu.memory_space<vmem_shared>>) target(%arg17 : memref<392x16xf32, #tpu.memory_space<vmem>>) target_semaphore(%run_scoped3A : memref<!tpu.dma_semaphore, #tpu.memory_space<semaphore_mem>>)
      %dma_wait3A = arith.constant 0 : i32
      %dma_wait3A_108 = tpu.memref_slice %arg6[%add3A_99, %dma_wait3A] : memref<100352x16xf32, #tpu.memory_space<vmem_shared>> -> memref<392x16xf32, #tpu.memory_space<vmem_shared>>
      %dma_wait3A_109 = arith.constant 0 : i32
      %dma_wait3A_110 = tpu.memref_slice %arg6[%add3A_99, %dma_wait3A_109] : memref<100352x16xf32, #tpu.memory_space<vmem_shared>> -> memref<392x16xf32, #tpu.memory_space<vmem_shared>>
      tpu.wait_dma2 semaphore(%run_scoped3A : memref<!tpu.dma_semaphore, #tpu.memory_space<semaphore_mem>>) src(%dma_wait3A_110 : memref<392x16xf32, #tpu.memory_space<vmem_shared>>) dst(%arg17 : memref<392x16xf32, #tpu.memory_space<vmem>>)
      tpu.yield
    }) : () -> ()
    "tpu.region"() ({
      %run_scoped3A = tpu.sem_alloc : memref<!tpu.dma_semaphore, #tpu.memory_space<semaphore_mem>>
      %dma_start3A_104 = arith.constant 0 : i32
      %dma_start3A_105 = tpu.memref_slice %arg5[%arg0, %add3A_99, %dma_start3A_104] : memref<2x100352x16xf32, #tpu.memory_space<hbm>> -> memref<1x392x16xf32, #tpu.memory_space<hbm>>
      %dma_start3A_106 = tpu.memref_squeeze %dma_start3A_105 : memref<1x392x16xf32, #tpu.memory_space<hbm>> -> memref<392x16xf32, #tpu.memory_space<hbm>>
      %dma_start3A_107 = arith.constant 0 : i32
      %dma_start3A_108 = tpu.memref_slice %arg5[%arg0, %add3A_99, %dma_start3A_107] : memref<2x100352x16xf32, #tpu.memory_space<hbm>> -> memref<1x392x16xf32, #tpu.memory_space<hbm>>
      %dma_start3A_109 = tpu.memref_squeeze %dma_start3A_108 : memref<1x392x16xf32, #tpu.memory_space<hbm>> -> memref<392x16xf32, #tpu.memory_space<hbm>>
      tpu.enqueue_dma source(%arg17 : memref<392x16xf32, #tpu.memory_space<vmem>>) target(%dma_start3A_109 : memref<392x16xf32, #tpu.memory_space<hbm>>) target_semaphore(%run_scoped3A : memref<!tpu.dma_semaphore, #tpu.memory_space<semaphore_mem>>)
      %dma_wait3A = arith.constant 0 : i32
      %dma_wait3A_110 = tpu.memref_slice %arg5[%arg0, %add3A_99, %dma_wait3A] : memref<2x100352x16xf32, #tpu.memory_space<hbm>> -> memref<1x392x16xf32, #tpu.memory_space<hbm>>
      %dma_wait3A_111 = tpu.memref_squeeze %dma_wait3A_110 : memref<1x392x16xf32, #tpu.memory_space<hbm>> -> memref<392x16xf32, #tpu.memory_space<hbm>>
      %dma_wait3A_112 = arith.constant 0 : i32
      %dma_wait3A_113 = tpu.memref_slice %arg5[%arg0, %add3A_99, %dma_wait3A_112] : memref<2x100352x16xf32, #tpu.memory_space<hbm>> -> memref<1x392x16xf32, #tpu.memory_space<hbm>>
      %dma_wait3A_114 = tpu.memref_squeeze %dma_wait3A_113 : memref<1x392x16xf32, #tpu.memory_space<hbm>> -> memref<392x16xf32, #tpu.memory_space<hbm>>
      tpu.wait_dma2 semaphore(%run_scoped3A : memref<!tpu.dma_semaphore, #tpu.memory_space<semaphore_mem>>) src(%arg17 : memref<392x16xf32, #tpu.memory_space<vmem>>) dst(%dma_wait3A_114 : memref<392x16xf32, #tpu.memory_space<hbm>>)
      tpu.yield
    }) : () -> ()
    %add3A_100 = arith.constant 5488 : i32
    %add3A_101 = arith.addi %mul3A_6, %add3A_100 : i32
    "tpu.region"() ({
      %run_scoped3A = tpu.sem_alloc : memref<!tpu.dma_semaphore, #tpu.memory_space<semaphore_mem>>
      %dma_start3A_104 = arith.constant 0 : i32
      %dma_start3A_105 = tpu.memref_slice %arg6[%add3A_101, %dma_start3A_104] : memref<100352x16xf32, #tpu.memory_space<vmem_shared>> -> memref<392x16xf32, #tpu.memory_space<vmem_shared>>
      %dma_start3A_106 = arith.constant 0 : i32
      %dma_start3A_107 = tpu.memref_slice %arg6[%add3A_101, %dma_start3A_106] : memref<100352x16xf32, #tpu.memory_space<vmem_shared>> -> memref<392x16xf32, #tpu.memory_space<vmem_shared>>
      tpu.enqueue_dma source(%dma_start3A_107 : memref<392x16xf32, #tpu.memory_space<vmem_shared>>) target(%arg17 : memref<392x16xf32, #tpu.memory_space<vmem>>) target_semaphore(%run_scoped3A : memref<!tpu.dma_semaphore, #tpu.memory_space<semaphore_mem>>)
      %dma_wait3A = arith.constant 0 : i32
      %dma_wait3A_108 = tpu.memref_slice %arg6[%add3A_101, %dma_wait3A] : memref<100352x16xf32, #tpu.memory_space<vmem_shared>> -> memref<392x16xf32, #tpu.memory_space<vmem_shared>>
      %dma_wait3A_109 = arith.constant 0 : i32
      %dma_wait3A_110 = tpu.memref_slice %arg6[%add3A_101, %dma_wait3A_109] : memref<100352x16xf32, #tpu.memory_space<vmem_shared>> -> memref<392x16xf32, #tpu.memory_space<vmem_shared>>
      tpu.wait_dma2 semaphore(%run_scoped3A : memref<!tpu.dma_semaphore, #tpu.memory_space<semaphore_mem>>) src(%dma_wait3A_110 : memref<392x16xf32, #tpu.memory_space<vmem_shared>>) dst(%arg17 : memref<392x16xf32, #tpu.memory_space<vmem>>)
      tpu.yield
    }) : () -> ()
    "tpu.region"() ({
      %run_scoped3A = tpu.sem_alloc : memref<!tpu.dma_semaphore, #tpu.memory_space<semaphore_mem>>
      %dma_start3A_104 = arith.constant 0 : i32
      %dma_start3A_105 = tpu.memref_slice %arg5[%arg0, %add3A_101, %dma_start3A_104] : memref<2x100352x16xf32, #tpu.memory_space<hbm>> -> memref<1x392x16xf32, #tpu.memory_space<hbm>>
      %dma_start3A_106 = tpu.memref_squeeze %dma_start3A_105 : memref<1x392x16xf32, #tpu.memory_space<hbm>> -> memref<392x16xf32, #tpu.memory_space<hbm>>
      %dma_start3A_107 = arith.constant 0 : i32
      %dma_start3A_108 = tpu.memref_slice %arg5[%arg0, %add3A_101, %dma_start3A_107] : memref<2x100352x16xf32, #tpu.memory_space<hbm>> -> memref<1x392x16xf32, #tpu.memory_space<hbm>>
      %dma_start3A_109 = tpu.memref_squeeze %dma_start3A_108 : memref<1x392x16xf32, #tpu.memory_space<hbm>> -> memref<392x16xf32, #tpu.memory_space<hbm>>
      tpu.enqueue_dma source(%arg17 : memref<392x16xf32, #tpu.memory_space<vmem>>) target(%dma_start3A_109 : memref<392x16xf32, #tpu.memory_space<hbm>>) target_semaphore(%run_scoped3A : memref<!tpu.dma_semaphore, #tpu.memory_space<semaphore_mem>>)
      %dma_wait3A = arith.constant 0 : i32
      %dma_wait3A_110 = tpu.memref_slice %arg5[%arg0, %add3A_101, %dma_wait3A] : memref<2x100352x16xf32, #tpu.memory_space<hbm>> -> memref<1x392x16xf32, #tpu.memory_space<hbm>>
      %dma_wait3A_111 = tpu.memref_squeeze %dma_wait3A_110 : memref<1x392x16xf32, #tpu.memory_space<hbm>> -> memref<392x16xf32, #tpu.memory_space<hbm>>
      %dma_wait3A_112 = arith.constant 0 : i32
      %dma_wait3A_113 = tpu.memref_slice %arg5[%arg0, %add3A_101, %dma_wait3A_112] : memref<2x100352x16xf32, #tpu.memory_space<hbm>> -> memref<1x392x16xf32, #tpu.memory_space<hbm>>
      %dma_wait3A_114 = tpu.memref_squeeze %dma_wait3A_113 : memref<1x392x16xf32, #tpu.memory_space<hbm>> -> memref<392x16xf32, #tpu.memory_space<hbm>>
      tpu.wait_dma2 semaphore(%run_scoped3A : memref<!tpu.dma_semaphore, #tpu.memory_space<semaphore_mem>>) src(%arg17 : memref<392x16xf32, #tpu.memory_space<vmem>>) dst(%dma_wait3A_114 : memref<392x16xf32, #tpu.memory_space<hbm>>)
      tpu.yield
    }) : () -> ()
    %add3A_102 = arith.constant 5880 : i32
    %add3A_103 = arith.addi %mul3A_6, %add3A_102 : i32
    "tpu.region"() ({
      %run_scoped3A = tpu.sem_alloc : memref<!tpu.dma_semaphore, #tpu.memory_space<semaphore_mem>>
      %dma_start3A_104 = arith.constant 0 : i32
      %dma_start3A_105 = tpu.memref_slice %arg6[%add3A_103, %dma_start3A_104] : memref<100352x16xf32, #tpu.memory_space<vmem_shared>> -> memref<392x16xf32, #tpu.memory_space<vmem_shared>>
      %dma_start3A_106 = arith.constant 0 : i32
      %dma_start3A_107 = tpu.memref_slice %arg6[%add3A_103, %dma_start3A_106] : memref<100352x16xf32, #tpu.memory_space<vmem_shared>> -> memref<392x16xf32, #tpu.memory_space<vmem_shared>>
      tpu.enqueue_dma source(%dma_start3A_107 : memref<392x16xf32, #tpu.memory_space<vmem_shared>>) target(%arg17 : memref<392x16xf32, #tpu.memory_space<vmem>>) target_semaphore(%run_scoped3A : memref<!tpu.dma_semaphore, #tpu.memory_space<semaphore_mem>>)
      %dma_wait3A = arith.constant 0 : i32
      %dma_wait3A_108 = tpu.memref_slice %arg6[%add3A_103, %dma_wait3A] : memref<100352x16xf32, #tpu.memory_space<vmem_shared>> -> memref<392x16xf32, #tpu.memory_space<vmem_shared>>
      %dma_wait3A_109 = arith.constant 0 : i32
      %dma_wait3A_110 = tpu.memref_slice %arg6[%add3A_103, %dma_wait3A_109] : memref<100352x16xf32, #tpu.memory_space<vmem_shared>> -> memref<392x16xf32, #tpu.memory_space<vmem_shared>>
      tpu.wait_dma2 semaphore(%run_scoped3A : memref<!tpu.dma_semaphore, #tpu.memory_space<semaphore_mem>>) src(%dma_wait3A_110 : memref<392x16xf32, #tpu.memory_space<vmem_shared>>) dst(%arg17 : memref<392x16xf32, #tpu.memory_space<vmem>>)
      tpu.yield
    }) : () -> ()
    "tpu.region"() ({
      %run_scoped3A = tpu.sem_alloc : memref<!tpu.dma_semaphore, #tpu.memory_space<semaphore_mem>>
      %dma_start3A_104 = arith.constant 0 : i32
      %dma_start3A_105 = tpu.memref_slice %arg5[%arg0, %add3A_103, %dma_start3A_104] : memref<2x100352x16xf32, #tpu.memory_space<hbm>> -> memref<1x392x16xf32, #tpu.memory_space<hbm>>
      %dma_start3A_106 = tpu.memref_squeeze %dma_start3A_105 : memref<1x392x16xf32, #tpu.memory_space<hbm>> -> memref<392x16xf32, #tpu.memory_space<hbm>>
      %dma_start3A_107 = arith.constant 0 : i32
      %dma_start3A_108 = tpu.memref_slice %arg5[%arg0, %add3A_103, %dma_start3A_107] : memref<2x100352x16xf32, #tpu.memory_space<hbm>> -> memref<1x392x16xf32, #tpu.memory_space<hbm>>
      %dma_start3A_109 = tpu.memref_squeeze %dma_start3A_108 : memref<1x392x16xf32, #tpu.memory_space<hbm>> -> memref<392x16xf32, #tpu.memory_space<hbm>>
      tpu.enqueue_dma source(%arg17 : memref<392x16xf32, #tpu.memory_space<vmem>>) target(%dma_start3A_109 : memref<392x16xf32, #tpu.memory_space<hbm>>) target_semaphore(%run_scoped3A : memref<!tpu.dma_semaphore, #tpu.memory_space<semaphore_mem>>)
      %dma_wait3A = arith.constant 0 : i32
      %dma_wait3A_110 = tpu.memref_slice %arg5[%arg0, %add3A_103, %dma_wait3A] : memref<2x100352x16xf32, #tpu.memory_space<hbm>> -> memref<1x392x16xf32, #tpu.memory_space<hbm>>
      %dma_wait3A_111 = tpu.memref_squeeze %dma_wait3A_110 : memref<1x392x16xf32, #tpu.memory_space<hbm>> -> memref<392x16xf32, #tpu.memory_space<hbm>>
      %dma_wait3A_112 = arith.constant 0 : i32
      %dma_wait3A_113 = tpu.memref_slice %arg5[%arg0, %add3A_103, %dma_wait3A_112] : memref<2x100352x16xf32, #tpu.memory_space<hbm>> -> memref<1x392x16xf32, #tpu.memory_space<hbm>>
      %dma_wait3A_114 = tpu.memref_squeeze %dma_wait3A_113 : memref<1x392x16xf32, #tpu.memory_space<hbm>> -> memref<392x16xf32, #tpu.memory_space<hbm>>
      tpu.wait_dma2 semaphore(%run_scoped3A : memref<!tpu.dma_semaphore, #tpu.memory_space<semaphore_mem>>) src(%arg17 : memref<392x16xf32, #tpu.memory_space<vmem>>) dst(%dma_wait3A_114 : memref<392x16xf32, #tpu.memory_space<hbm>>)
      tpu.yield
    }) : () -> ()
    return
  }
}

module attributes {stable_mosaic.version = 14 : i64} {
  func.func @body(%arg0: i32, %arg1: memref<2048x16xf32, #tpu.memory_space<vmem>>, %arg2: memref<2048x16xf32, #tpu.memory_space<vmem>>, %arg3: memref<2048x16xf32, #tpu.memory_space<vmem>>, %arg4: memref<4x16xf32, #tpu.memory_space<vmem>>, %arg5: memref<1x16xf32, #tpu.memory_space<vmem>>, %arg6: memref<1x1x2048xf32, #tpu.memory_space<vmem>>, %arg7: memref<1x1x2048xf32, #tpu.memory_space<vmem>>, %arg8: memref<1x1x2048xf32, #tpu.memory_space<vmem>>) attributes {dimension_semantics = [#tpu.dimension_semantics<arbitrary>], iteration_bounds = array<i64: 49>, scalar_prefetch = 0 : i64, scratch_operands = 0 : i64, tpu.core_type = #tpu.core_type<tc>, window_params = [{transform_indices = @transform_0, window_bounds = array<i64: 2048, 16>}, {transform_indices = @transform_1, window_bounds = array<i64: 2048, 16>}, {transform_indices = @transform_2, window_bounds = array<i64: 2048, 16>}, {pipeline_mode = #tpu.pipeline_mode<synchronous>, transform_indices = @transform_3, window_bounds = array<i64: 4, 16>}, {pipeline_mode = #tpu.pipeline_mode<synchronous>, transform_indices = @transform_4, window_bounds = array<i64: 1, 16>}, {transform_indices = @transform_5, window_bounds = array<i64: 1, 1, 2048>}, {transform_indices = @transform_6, window_bounds = array<i64: 1, 1, 2048>}, {transform_indices = @transform_7, window_bounds = array<i64: 1, 1, 2048>}]} {
    %get3A = arith.constant 0 : index
    %get3A_0 = arith.constant 0 : index
    %get3A_1 = vector.load %arg1[%get3A, %get3A_0] : memref<2048x16xf32, #tpu.memory_space<vmem>>, vector<2048x16xf32>
    %get3A_2 = arith.constant 0 : index
    %get3A_3 = arith.constant 0 : index
    %get3A_4 = vector.load %arg2[%get3A_2, %get3A_3] : memref<2048x16xf32, #tpu.memory_space<vmem>>, vector<2048x16xf32>
    %get3A_5 = arith.constant 0 : index
    %get3A_6 = arith.constant 0 : index
    %get3A_7 = vector.load %arg3[%get3A_5, %get3A_6] : memref<2048x16xf32, #tpu.memory_space<vmem>>, vector<2048x16xf32>
    %add3A = arith.addf %get3A_4, %get3A_7 : vector<2048x16xf32>
    %slice3A = vector.extract_strided_slice %add3A {offsets = [0, 11], sizes = [2048, 1], strides = [1, 1]} : vector<2048x16xf32> to vector<2048x1xf32>
    %squeeze3A = vector.shape_cast %slice3A : vector<2048x1xf32> to vector<2048xf32>
    %gt3A = arith.constant 5.000000e-01 : f32
    %gt3A_8 = vector.broadcast %gt3A : f32 to vector<2048xf32>
    %gt3A_9 = arith.cmpf ogt, %squeeze3A, %gt3A_8 : vector<2048xf32>
    %jit3A = arith.constant 1.000000e+00 : f32
    %broadcast_in_dim3A = vector.broadcast %jit3A : f32 to vector<2048xf32>
    %select_n3A = arith.select %gt3A_9, %squeeze3A, %broadcast_in_dim3A : vector<2048xi1>, vector<2048xf32>
    %div3A = arith.constant 1.000000e+00 : f32
    %div3A_10 = vector.broadcast %div3A : f32 to vector<2048xf32>
    %div3A_11 = arith.divf %div3A_10, %select_n3A : vector<2048xf32>
    %jit3A_12 = arith.constant 0.000000e+00 : f32
    %broadcast_in_dim3A_13 = vector.broadcast %jit3A_12 : f32 to vector<2048xf32>
    %select_n3A_14 = arith.select %gt3A_9, %div3A_11, %broadcast_in_dim3A_13 : vector<2048xi1>, vector<2048xf32>
    %get3A_15 = arith.constant 0 : index
    %get3A_16 = arith.constant 0 : index
    %get3A_17 = vector.load %arg4[%get3A_15, %get3A_16] : memref<4x16xf32, #tpu.memory_space<vmem>>, vector<4x16xf32>
    %get3A_18 = arith.constant 0 : index
    %get3A_19 = arith.constant 0 : index
    %get3A_20 = vector.load %arg5[%get3A_18, %get3A_19] : memref<1x16xf32, #tpu.memory_space<vmem>>, vector<1x16xf32>
    %slice3A_21 = vector.extract_strided_slice %get3A_17 {offsets = [0, 0], sizes = [1, 16], strides = [1, 1]} : vector<4x16xf32> to vector<1x16xf32>
    %mul3A = vector.broadcast %slice3A_21 : vector<1x16xf32> to vector<2048x16xf32>
    %mul3A_22 = arith.mulf %get3A_1, %mul3A : vector<2048x16xf32>
    %reduce_sum3A = arith.constant dense<0.000000e+00> : vector<2048xf32>
    %reduce_sum3A_23 = vector.multi_reduction <add>, %mul3A_22, %reduce_sum3A [1] : vector<2048x16xf32> to vector<2048xf32>
    %slice3A_24 = vector.extract_strided_slice %get3A_20 {offsets = [0, 0], sizes = [1, 1], strides = [1, 1]} : vector<1x16xf32> to vector<1x1xf32>
    %squeeze3A_25 = vector.extract %slice3A_24[0, 0] : f32 from vector<1x1xf32>
    %add3A_26 = vector.broadcast %squeeze3A_25 : f32 to vector<2048xf32>
    %add3A_27 = arith.addf %reduce_sum3A_23, %add3A_26 : vector<2048xf32>
    %slice3A_28 = vector.extract_strided_slice %get3A_17 {offsets = [1, 0], sizes = [1, 16], strides = [1, 1]} : vector<4x16xf32> to vector<1x16xf32>
    %mul3A_29 = vector.broadcast %slice3A_28 : vector<1x16xf32> to vector<2048x16xf32>
    %mul3A_30 = arith.mulf %add3A, %mul3A_29 : vector<2048x16xf32>
    %reduce_sum3A_31 = arith.constant dense<0.000000e+00> : vector<2048xf32>
    %reduce_sum3A_32 = vector.multi_reduction <add>, %mul3A_30, %reduce_sum3A_31 [1] : vector<2048x16xf32> to vector<2048xf32>
    %mul3A_33 = arith.mulf %reduce_sum3A_32, %select_n3A_14 : vector<2048xf32>
    %add3A_34 = arith.addf %add3A_27, %mul3A_33 : vector<2048xf32>
    %slice3A_35 = vector.extract_strided_slice %get3A_17 {offsets = [2, 0], sizes = [1, 16], strides = [1, 1]} : vector<4x16xf32> to vector<1x16xf32>
    %mul3A_36 = vector.broadcast %slice3A_35 : vector<1x16xf32> to vector<2048x16xf32>
    %mul3A_37 = arith.mulf %get3A_1, %mul3A_36 : vector<2048x16xf32>
    %reduce_sum3A_38 = arith.constant dense<0.000000e+00> : vector<2048xf32>
    %reduce_sum3A_39 = vector.multi_reduction <add>, %mul3A_37, %reduce_sum3A_38 [1] : vector<2048x16xf32> to vector<2048xf32>
    %slice3A_40 = vector.extract_strided_slice %get3A_20 {offsets = [0, 1], sizes = [1, 1], strides = [1, 1]} : vector<1x16xf32> to vector<1x1xf32>
    %squeeze3A_41 = vector.extract %slice3A_40[0, 0] : f32 from vector<1x1xf32>
    %add3A_42 = vector.broadcast %squeeze3A_41 : f32 to vector<2048xf32>
    %add3A_43 = arith.addf %reduce_sum3A_39, %add3A_42 : vector<2048xf32>
    %slice3A_44 = vector.extract_strided_slice %get3A_17 {offsets = [3, 0], sizes = [1, 16], strides = [1, 1]} : vector<4x16xf32> to vector<1x16xf32>
    %mul3A_45 = vector.broadcast %slice3A_44 : vector<1x16xf32> to vector<2048x16xf32>
    %mul3A_46 = arith.mulf %add3A, %mul3A_45 : vector<2048x16xf32>
    %reduce_sum3A_47 = arith.constant dense<0.000000e+00> : vector<2048xf32>
    %reduce_sum3A_48 = vector.multi_reduction <add>, %mul3A_46, %reduce_sum3A_47 [1] : vector<2048x16xf32> to vector<2048xf32>
    %mul3A_49 = arith.mulf %reduce_sum3A_48, %select_n3A_14 : vector<2048xf32>
    %add3A_50 = arith.addf %add3A_43, %mul3A_49 : vector<2048xf32>
    %jit3A_51 = arith.constant 0.000000e+00 : f32
    %broadcast_in_dim3A_52 = vector.broadcast %jit3A_51 : f32 to vector<2048xf32>
    %select_n3A_53 = arith.select %gt3A_9, %add3A_34, %broadcast_in_dim3A_52 : vector<2048xi1>, vector<2048xf32>
    %jit3A_54 = arith.constant 0.000000e+00 : f32
    %broadcast_in_dim3A_55 = vector.broadcast %jit3A_54 : f32 to vector<2048xf32>
    %select_n3A_56 = arith.select %gt3A_9, %add3A_50, %broadcast_in_dim3A_55 : vector<2048xi1>, vector<2048xf32>
    %slice3A_57 = vector.extract_strided_slice %get3A_20 {offsets = [0, 3], sizes = [1, 1], strides = [1, 1]} : vector<1x16xf32> to vector<1x1xf32>
    %squeeze3A_58 = vector.extract %slice3A_57[0, 0] : f32 from vector<1x1xf32>
    %add3A_59 = vector.broadcast %squeeze3A_58 : f32 to vector<2048xf32>
    %add3A_60 = arith.addf %select_n3A_56, %add3A_59 : vector<2048xf32>
    %reshape3A = vector.shape_cast %add3A_60 : vector<2048xf32> to vector<1x1x2048xf32>
    %swap3A = arith.constant 0 : index
    %swap3A_61 = arith.constant 0 : index
    %swap3A_62 = arith.constant 0 : index
    %swap3A_63 = vector.load %arg6[%swap3A, %swap3A_61, %swap3A_62] : memref<1x1x2048xf32, #tpu.memory_space<vmem>>, vector<1x1x2048xf32>
    tpu.vector_store %arg6[%swap3A, %swap3A_61, %swap3A_62], %reshape3A {strides = array<i32>} : memref<1x1x2048xf32, #tpu.memory_space<vmem>>, vector<1x1x2048xf32>,
    %slice3A_64 = vector.extract_strided_slice %get3A_20 {offsets = [0, 2], sizes = [1, 1], strides = [1, 1]} : vector<1x16xf32> to vector<1x1xf32>
    %squeeze3A_65 = vector.extract %slice3A_64[0, 0] : f32 from vector<1x1xf32>
    %add3A_66 = vector.broadcast %squeeze3A_65 : f32 to vector<2048xf32>
    %add3A_67 = arith.addf %select_n3A_53, %add3A_66 : vector<2048xf32>
    %reshape3A_68 = vector.shape_cast %add3A_67 : vector<2048xf32> to vector<1x1x2048xf32>
    %swap3A_69 = arith.constant 0 : index
    %swap3A_70 = arith.constant 0 : index
    %swap3A_71 = arith.constant 0 : index
    %swap3A_72 = vector.load %arg7[%swap3A_69, %swap3A_70, %swap3A_71] : memref<1x1x2048xf32, #tpu.memory_space<vmem>>, vector<1x1x2048xf32>
    tpu.vector_store %arg7[%swap3A_69, %swap3A_70, %swap3A_71], %reshape3A_68 {strides = array<i32>} : memref<1x1x2048xf32, #tpu.memory_space<vmem>>, vector<1x1x2048xf32>,
    %reshape3A_73 = vector.shape_cast %select_n3A_14 : vector<2048xf32> to vector<1x1x2048xf32>
    %swap3A_74 = arith.constant 0 : index
    %swap3A_75 = arith.constant 0 : index
    %swap3A_76 = arith.constant 0 : index
    %swap3A_77 = vector.load %arg8[%swap3A_74, %swap3A_75, %swap3A_76] : memref<1x1x2048xf32, #tpu.memory_space<vmem>>, vector<1x1x2048xf32>
    tpu.vector_store %arg8[%swap3A_74, %swap3A_75, %swap3A_76], %reshape3A_73 {strides = array<i32>} : memref<1x1x2048xf32, #tpu.memory_space<vmem>>, vector<1x1x2048xf32>,
    return
  }
  func.func @transform_0(%arg0: i32) -> (i32, i32) {
    %c0_i32 = arith.constant 0 : i32
    %c0_i32_0 = arith.constant 0 : i32
    return %arg0, %c0_i32 : i32, i32
  }
  func.func @transform_1(%arg0: i32) -> (i32, i32) {
    %c0_i32 = arith.constant 0 : i32
    %c0_i32_0 = arith.constant 0 : i32
    return %arg0, %c0_i32 : i32, i32
  }
  func.func @transform_2(%arg0: i32) -> (i32, i32) {
    %c0_i32 = arith.constant 0 : i32
    %c0_i32_0 = arith.constant 0 : i32
    return %arg0, %c0_i32 : i32, i32
  }
  func.func @transform_3(%arg0: i32) -> (i32, i32) {
    %c0_i32 = arith.constant 0 : i32
    %c0_i32_0 = arith.constant 0 : i32
    %c0_i32_1 = arith.constant 0 : i32
    return %c0_i32, %c0_i32_0 : i32, i32
  }
  func.func @transform_4(%arg0: i32) -> (i32, i32) {
    %c0_i32 = arith.constant 0 : i32
    %c0_i32_0 = arith.constant 0 : i32
    %c0_i32_1 = arith.constant 0 : i32
    return %c0_i32, %c0_i32_0 : i32, i32
  }
  func.func @transform_5(%arg0: i32) -> (i32, i32, i32) {
    %c0_i32 = arith.constant 0 : i32
    %c0_i32_0 = arith.constant 0 : i32
    %c0_i32_1 = arith.constant 0 : i32
    return %arg0, %c0_i32, %c0_i32_0 : i32, i32, i32
  }
  func.func @transform_6(%arg0: i32) -> (i32, i32, i32) {
    %c0_i32 = arith.constant 0 : i32
    %c0_i32_0 = arith.constant 0 : i32
    %c0_i32_1 = arith.constant 0 : i32
    return %arg0, %c0_i32, %c0_i32_0 : i32, i32, i32
  }
  func.func @transform_7(%arg0: i32) -> (i32, i32, i32) {
    %c0_i32 = arith.constant 0 : i32
    %c0_i32_0 = arith.constant 0 : i32
    %c0_i32_1 = arith.constant 0 : i32
    return %arg0, %c0_i32, %c0_i32_0 : i32, i32, i32
  }
}

module attributes {stable_mosaic.version = 14 : i64} {
  func.func @body(%arg0: i32, %arg1: memref<1x1x2048xf32, #tpu.memory_space<vmem>>, %arg2: memref<1x1x2048xf32, #tpu.memory_space<vmem>>, %arg3: memref<1x1x2048xf32, #tpu.memory_space<vmem>>, %arg4: memref<1x1x2048xf32, #tpu.memory_space<vmem>>, %arg5: memref<1x1x2048xi32, #tpu.memory_space<vmem>>, %arg6: memref<1x16xf32, #tpu.memory_space<vmem>>, %arg7: memref<64x1xf32, #tpu.memory_space<vmem>>) attributes {dimension_semantics = [#tpu.dimension_semantics<arbitrary>], iteration_bounds = array<i64: 49>, scalar_prefetch = 0 : i64, scratch_operands = 0 : i64, tpu.core_type = #tpu.core_type<tc>, window_params = [{transform_indices = @transform_0, window_bounds = array<i64: 1, 1, 2048>}, {transform_indices = @transform_1, window_bounds = array<i64: 1, 1, 2048>}, {transform_indices = @transform_2, window_bounds = array<i64: 1, 1, 2048>}, {transform_indices = @transform_3, window_bounds = array<i64: 1, 1, 2048>}, {transform_indices = @transform_4, window_bounds = array<i64: 1, 1, 2048>}, {pipeline_mode = #tpu.pipeline_mode<synchronous>, transform_indices = @transform_5, window_bounds = array<i64: 1, 16>}, {pipeline_mode = #tpu.pipeline_mode<synchronous>, transform_indices = @transform_6, window_bounds = array<i64: 64, 1>}]} {
    %get3A = arith.constant 0 : index
    %get3A_0 = arith.constant 0 : index
    %get3A_1 = arith.constant 0 : index
    %get3A_2 = vector.load %arg2[%get3A, %get3A_0, %get3A_1] : memref<1x1x2048xf32, #tpu.memory_space<vmem>>, vector<1x1x2048xf32>
    %reshape3A = vector.shape_cast %get3A_2 : vector<1x1x2048xf32> to vector<1x2048xf32>
    %gt3A = arith.constant 0.000000e+00 : f32
    %gt3A_3 = vector.broadcast %gt3A : f32 to vector<1x2048xf32>
    %gt3A_4 = arith.cmpf ogt, %reshape3A, %gt3A_3 : vector<1x2048xf32>
    %get3A_5 = arith.constant 0 : index
    %get3A_6 = arith.constant 0 : index
    %get3A_7 = arith.constant 0 : index
    %get3A_8 = vector.load %arg1[%get3A_5, %get3A_6, %get3A_7] : memref<1x1x2048xf32, #tpu.memory_space<vmem>>, vector<1x1x2048xf32>
    %reshape3A_9 = vector.shape_cast %get3A_8 : vector<1x1x2048xf32> to vector<1x2048xf32>
    %get3A_10 = arith.constant 0 : index
    %get3A_11 = arith.constant 0 : index
    %get3A_12 = arith.constant 0 : index
    %get3A_13 = vector.load %arg3[%get3A_10, %get3A_11, %get3A_12] : memref<1x1x2048xf32, #tpu.memory_space<vmem>>, vector<1x1x2048xf32>
    %reshape3A_14 = vector.shape_cast %get3A_13 : vector<1x1x2048xf32> to vector<1x2048xf32>
    %get3A_15 = arith.constant 0 : index
    %get3A_16 = arith.constant 0 : index
    %get3A_17 = arith.constant 0 : index
    %get3A_18 = vector.load %arg4[%get3A_15, %get3A_16, %get3A_17] : memref<1x1x2048xf32, #tpu.memory_space<vmem>>, vector<1x1x2048xf32>
    %reshape3A_19 = vector.shape_cast %get3A_18 : vector<1x1x2048xf32> to vector<1x2048xf32>
    %add3A = arith.addf %reshape3A_14, %reshape3A_19 : vector<1x2048xf32>
    %mul3A = arith.mulf %add3A, %reshape3A : vector<1x2048xf32>
    %add3A_20 = arith.addf %reshape3A_9, %mul3A : vector<1x2048xf32>
    %jit3A = arith.constant 0.000000e+00 : f32
    %broadcast_in_dim3A = vector.broadcast %jit3A : f32 to vector<1x2048xf32>
    %select_n3A = arith.select %gt3A_4, %add3A_20, %broadcast_in_dim3A : vector<1x2048xi1>, vector<1x2048xf32>
    %get3A_21 = arith.constant 0 : index
    %get3A_22 = arith.constant 0 : index
    %get3A_23 = vector.load %arg6[%get3A_21, %get3A_22] : memref<1x16xf32, #tpu.memory_space<vmem>>, vector<1x1xf32>
    %get3A_24 = vector.extract %get3A_23[0, 0] : f32 from vector<1x1xf32>
    %add3A_25 = vector.broadcast %get3A_24 : f32 to vector<1x2048xf32>
    %add3A_26 = arith.addf %select_n3A, %add3A_25 : vector<1x2048xf32>
    %get3A_27 = arith.constant 0 : index
    %get3A_28 = arith.constant 0 : index
    %get3A_29 = arith.constant 0 : index
    %get3A_30 = vector.load %arg5[%get3A_27, %get3A_28, %get3A_29] : memref<1x1x2048xi32, #tpu.memory_space<vmem>>, vector<1x1x2048xi32>
    %reshape3A_31 = vector.shape_cast %get3A_30 : vector<1x1x2048xi32> to vector<1x2048xi32>
    %iota3A = tpu.iota {dimensions = array<i32: 0>} : vector<64x2048xi32>
    %eq3A = vector.broadcast %reshape3A_31 : vector<1x2048xi32> to vector<64x2048xi32>
    %eq3A_32 = arith.cmpi eq, %eq3A, %iota3A : vector<64x2048xi32>
    %jit3A_33 = arith.constant 0xFF800000 : f32
    %broadcast_in_dim3A_34 = vector.shape_cast %add3A_26 : vector<1x2048xf32> to vector<1x2048xf32>
    %broadcast_in_dim3A_35 = vector.broadcast %broadcast_in_dim3A_34 : vector<1x2048xf32> to vector<64x2048xf32>
    %broadcast_in_dim3A_36 = vector.broadcast %jit3A_33 : f32 to vector<64x2048xf32>
    %select_n3A_37 = arith.select %eq3A_32, %broadcast_in_dim3A_35, %broadcast_in_dim3A_36 : vector<64x2048xi1>, vector<64x2048xf32>
    %reduce_max3A = arith.constant dense<0xFF800000> : vector<64xf32>
    %reduce_max3A_38 = vector.multi_reduction <maximumf>, %select_n3A_37, %reduce_max3A [1] : vector<64x2048xf32> to vector<64xf32>
    %broadcast_in_dim3A_39 = vector.shape_cast %reduce_max3A_38 : vector<64xf32> to vector<64x1xf32>
    %eq3A_40 = arith.constant 0 : i32
    %eq3A_41 = arith.cmpi eq, %arg0, %eq3A_40 : i32
    %convert_element_type3A = arith.extui %eq3A_41 : i1 to i32
    %cond3A = arith.constant 0 : i32
    %cond3A_42 = arith.cmpi ne, %convert_element_type3A, %cond3A : i32
    scf.if %cond3A_42 {
      %broadcast_in_dim3A_48 = arith.constant 0xFF800000 : f32
      %broadcast_in_dim3A_49 = vector.broadcast %broadcast_in_dim3A_48 : f32 to vector<64x1xf32>
      %swap3A_50 = arith.constant 0 : index
      %swap3A_51 = arith.constant 0 : index
      %swap3A_52 = vector.load %arg7[%swap3A_50, %swap3A_51] : memref<64x1xf32, #tpu.memory_space<vmem>>, vector<64x1xf32>
      tpu.vector_store %arg7[%swap3A_50, %swap3A_51], %broadcast_in_dim3A_49 {strides = array<i32>} : memref<64x1xf32, #tpu.memory_space<vmem>>, vector<64x1xf32>,
    } else {
    }
    %get3A_43 = arith.constant 0 : index
    %get3A_44 = arith.constant 0 : index
    %get3A_45 = vector.load %arg7[%get3A_43, %get3A_44] : memref<64x1xf32, #tpu.memory_space<vmem>>, vector<64x1xf32>
    %max3A = arith.maximumf %get3A_45, %broadcast_in_dim3A_39 : vector<64x1xf32>
    %swap3A = arith.constant 0 : index
    %swap3A_46 = arith.constant 0 : index
    %swap3A_47 = vector.load %arg7[%swap3A, %swap3A_46] : memref<64x1xf32, #tpu.memory_space<vmem>>, vector<64x1xf32>
    tpu.vector_store %arg7[%swap3A, %swap3A_46], %max3A {strides = array<i32>} : memref<64x1xf32, #tpu.memory_space<vmem>>, vector<64x1xf32>,
    return
  }
  func.func @transform_0(%arg0: i32) -> (i32, i32, i32) {
    %c0_i32 = arith.constant 0 : i32
    %c0_i32_0 = arith.constant 0 : i32
    %c0_i32_1 = arith.constant 0 : i32
    return %arg0, %c0_i32, %c0_i32_0 : i32, i32, i32
  }
  func.func @transform_1(%arg0: i32) -> (i32, i32, i32) {
    %c0_i32 = arith.constant 0 : i32
    %c0_i32_0 = arith.constant 0 : i32
    %c0_i32_1 = arith.constant 0 : i32
    return %arg0, %c0_i32, %c0_i32_0 : i32, i32, i32
  }
  func.func @transform_2(%arg0: i32) -> (i32, i32, i32) {
    %c0_i32 = arith.constant 0 : i32
    %c0_i32_0 = arith.constant 0 : i32
    %c0_i32_1 = arith.constant 0 : i32
    return %arg0, %c0_i32, %c0_i32_0 : i32, i32, i32
  }
  func.func @transform_3(%arg0: i32) -> (i32, i32, i32) {
    %c0_i32 = arith.constant 0 : i32
    %c0_i32_0 = arith.constant 0 : i32
    %c0_i32_1 = arith.constant 0 : i32
    return %arg0, %c0_i32, %c0_i32_0 : i32, i32, i32
  }
  func.func @transform_4(%arg0: i32) -> (i32, i32, i32) {
    %c0_i32 = arith.constant 0 : i32
    %c0_i32_0 = arith.constant 0 : i32
    %c0_i32_1 = arith.constant 0 : i32
    return %arg0, %c0_i32, %c0_i32_0 : i32, i32, i32
  }
  func.func @transform_5(%arg0: i32) -> (i32, i32) {
    %c0_i32 = arith.constant 0 : i32
    %c0_i32_0 = arith.constant 0 : i32
    %c0_i32_1 = arith.constant 0 : i32
    return %c0_i32, %c0_i32_0 : i32, i32
  }
  func.func @transform_6(%arg0: i32) -> (i32, i32) {
    %c0_i32 = arith.constant 0 : i32
    %c0_i32_0 = arith.constant 0 : i32
    %c0_i32_1 = arith.constant 0 : i32
    return %c0_i32, %c0_i32_0 : i32, i32
  }
}

</mosaic_0001>

<sc_bundles>
// kernel: kernel.6.cloned.1.call-start
scs
__scs_entry_jumppad:
0x0: {  	(pc) =	sbr.rel $0x88, $3  }
0x1: {  	(tag) =	ssettag $0x0;
	lr =	simm.s32 $0x1  }
0x2: {  	[smem:$0x3F94] =	sst lr;
	_ =	strace $0xD0000000  }
0x3: {  	_ = 	snop  }
0x4: {  	_ = 	snop  }
0x5: {  	_ = 	snop  }
0x6: {  	_ = 	snop  }
0x7: {  	_ = 	snop  }
__scs_overlays_trampoline_lowered:
0x8: {  	[smem:$0x3FA3] =	sst s0  }
0x9: {  	[smem:$0x3FA4] =	sst s1  }
0xa: {  	[smem:$0x3FA5] =	sst s2  }
0xb: {  	[smem:$0x3FA6] =	sst s3  }
0xc: {  	[smem:$0x3FA7] =	sst s4  }
0xd: {  	[smem:$0x3FA8] =	sst s5  }
0xe: {  	[smem:$0x3FA9] =	sst s6  }
0xf: {  	[smem:$0x3FAA] =	sst s7  }
0x10: {  	[smem:$0x3FAB] =	sst s8  }
0x11: {  	[smem:$0x3FAC] =	sst s9;
	s0 =	simm.s32 @!p0 $0x0  }
0x12: {  	s1 =	sld [smem:$0x3F92];
	s0 =	simm.s32 @p0 $0x1  }
0x13: {  	[smem:$0x3FAD] =	sst s0;
	s0 =	simm.s32 @!p1 $0x0  }
0x14: {  	s2 =	sld [smem:$0x3F91];
	s0 =	simm.s32 @p1 $0x1  }
0x15: {  	[smem:$0x3FAE] =	sst s0;
	s0 =	simm.s32 @!p2 $0x0  }
0x16: {  	s3 =	sld [smem:$0x3FDB];
	s0 =	simm.s32 @p2 $0x1  }
0x17: {  	s4 =	simm.s32 $0x1BF5;
	[smem:$0x3FB0] =	sst s0  }
0x18: {  	s0 =	sld [smem:$0x3F93];
	_ =	swait.ge [sflag:s4], $0x0  }
0x19: {  	s7 =	sld [smem:$0x3F94]  }
0x1a: {  	s8 =	sadd.s32 $0xFFFFE003, lr  }
0x1b: {  	s9 =	sadd.s32 $0xFFFFFEF7, lr;
	s5 =	simm.s32 $0xFFFFFFFF;
	p2 =	slt.u32 s8, $0xFFFFF086  }
0x1c: {  	p1 =	slt.u32 s9, $0xF7A;
	s5 =	simm.s32 @!p2 $0x0  }
0x1d: {  	s5 =	simm.s32 @p1 $0x1;
	p0 =	seq.s32 s7, s2  }
0x1e: {  	s7 =	smul.u32 @!p0 $0xF7A, s2;
	p2 =	seq.s32 @!p0 s5, $0x0  }
0x1f: {  	s9 =	smul.u32 $0xF7A, s1;
	s8 =	simm.s32 @!p0 $0x1BF5;
	p2 =	por !p2, p0  }
0x20: {  	[sflag:s8] =	ssyncset.s32 @!p0 $0xFFFFF086;
	s6 =	sadd.s32 @!p0 s3, s7;
	s7 =	simm.s32 @!p0 $0x108  }
0x21: {  	s3 =	sadd.s32 s3, s9;
	s6 =	sadd.s32 @!p0 $0x88, s6;
	s7 =	simm.s32 @p2 $0x1082  }
0x22: {  	[simem:s7], [sflag:s8] =	dma.local @!p0 [hbm:s6], $0xF7A  }
0x23: {  	s9 =	sor.u32 $0xD0000000, s2;
	s6 =	simm.s32 $0x108;
	_ =	swait.ge @!p0 [sflag:s8], $0x0  }
0x24: {  	s3 =	sadd.s32 $0x88, s3;
	s6 =	simm.s32 @!p1 $0x1082;
	[sflag:s4] =	ssyncset.s32 $0xFFFFF086  }
0x25: {  	[simem:s6], [sflag:s4] =	dma.local [hbm:s3], $0xF7A  }
0x26: {  	[smem:$0x3F94] =	sst s1;
	(tag) =	ssettag s2;
	_ =	strace s9  }
0x27: {  	s1 =	sld [smem:$0x3FA4]  }
0x28: {  	s2 =	sld [smem:$0x3FA5]  }
0x29: {  	s4 =	sld [smem:$0x3FA7]  }
0x2a: {  	p0 =	seq.s32 s5, $0x0;
	s5 =	sld [smem:$0x3FA8]  }
0x2b: {  	s6 =	sld [smem:$0x3FA9]  }
0x2c: {  	s7 =	sld [smem:$0x3FAA]  }
0x2d: {  	s3 =	simm.s32 $0x108;
	s8 =	sld [smem:$0x3FAB]  }
0x2e: {  	s3 =	simm.s32 @!p0 $0x1082;
	s9 =	sld [smem:$0x3FAC]  }
0x2f: {  	lr =	sadd.s32 s0, s3;
	s0 =	sld [smem:$0x3FA3]  }
0x30: {  	s3 =	sld [smem:$0x3FA6]  }
0x31: {  	[smem:$0x3FAF] =	sst s10  }
0x32: {  	s10 =	sld [smem:$0x3FAD];
	_ =	sdelay $0x3  }
0x33: {  	p0 =	seq.s32 s10, $0x1;
	s10 =	sld [smem:$0x3FAF];
	_ =	sdelay $0x3  }
0x34: {  	[smem:$0x3FAF] =	sst s10  }
0x35: {  	s10 =	sld [smem:$0x3FAE];
	_ =	sdelay $0x3  }
0x36: {  	p1 =	seq.s32 s10, $0x1;
	s10 =	sld [smem:$0x3FAF];
	_ =	sdelay $0x3  }
0x37: {  	[smem:$0x3FAF] =	sst s10  }
0x38: {  	s10 =	sld [smem:$0x3FB0]  }
0x39: {  	_ = 	snop;
	(pc) =	sbr.ind lr, $3  }
0x3a: {  	_ = 	snop  }
0x3b: {  	_ = 	snop  }
0x3c: {  	p2 =	seq.s32 s10, $0x1;
	s10 =	sld [smem:$0x3FAF]  }
0x3d: {  	_ =	shalt  }
0x3e: {  	_ =	shalt  }
0x3f: {  	_ =	shalt  }
0x40: {  	_ =	shalt  }
0x41: {  	_ =	shalt  }
0x42: {  	_ =	shalt  }
0x43: {  	_ =	shalt  }
0x44: {  	_ =	shalt  }
0x45: {  	_ =	shalt  }
0x46: {  	_ =	shalt  }
0x47: {  	_ =	shalt  }
0x48: {  	_ =	shalt  }
0x49: {  	_ =	shalt  }
0x4a: {  	_ =	shalt  }
0x4b: {  	_ =	shalt  }
0x4c: {  	_ =	shalt  }
0x4d: {  	_ =	shalt  }
0x4e: {  	_ =	shalt  }
0x4f: {  	_ =	shalt  }
0x50: {  	_ =	shalt  }
0x51: {  	_ =	shalt  }
0x52: {  	_ =	shalt  }
0x53: {  	_ =	shalt  }
0x54: {  	_ =	shalt  }
0x55: {  	_ =	shalt  }
0x56: {  	_ =	shalt  }
0x57: {  	_ =	shalt  }
0x58: {  	_ =	shalt  }
0x59: {  	_ =	shalt  }
0x5a: {  	_ =	shalt  }
0x5b: {  	_ =	shalt  }
0x5c: {  	_ =	shalt  }
0x5d: {  	_ =	shalt  }
0x5e: {  	_ =	shalt  }
0x5f: {  	_ =	shalt  }
0x60: {  	_ =	shalt  }
0x61: {  	_ =	shalt  }
0x62: {  	_ =	shalt  }
0x63: {  	_ =	shalt  }
0x64: {  	_ =	shalt  }
0x65: {  	_ =	shalt  }
0x66: {  	_ =	shalt  }
0x67: {  	_ =	shalt  }
0x68: {  	_ =	shalt  }
0x69: {  	_ =	shalt  }
0x6a: {  	_ =	shalt  }
0x6b: {  	_ =	shalt  }
0x6c: {  	_ =	shalt  }
0x6d: {  	_ =	shalt  }
0x6e: {  	_ =	shalt  }
0x6f: {  	_ =	shalt  }
0x70: {  	_ =	shalt  }
0x71: {  	_ =	shalt  }
0x72: {  	_ =	shalt  }
0x73: {  	_ =	shalt  }
0x74: {  	_ =	shalt  }
0x75: {  	_ =	shalt  }
0x76: {  	_ =	shalt  }
0x77: {  	_ =	shalt  }
0x78: {  	_ =	shalt  }
0x79: {  	_ =	shalt  }
0x7a: {  	_ =	shalt  }
0x7b: {  	_ =	shalt  }
0x7c: {  	_ =	shalt  }
0x7d: {  	_ =	shalt  }
0x7e: {  	_ =	shalt  }
0x7f: {  	_ =	shalt  }
0x80: {  	_ =	shalt  }
0x81: {  	_ =	shalt  }
0x82: {  	_ =	shalt  }
0x83: {  	_ =	shalt  }
0x84: {  	_ =	shalt  }
0x85: {  	_ =	shalt  }
0x86: {  	_ =	shalt  }
0x87: {  	_ =	shalt  }
.Lfunc_end0:
.L_simem_size_0:
called_computation_lowered:
.L_overlay_start_0:
0x88: {  	s2 =	sld [smem:$0x3FD9]  }
0x89: {  	s3 =	sld [smem:$0x3FFE];
	_ =	sdelay $0x1  }
0x8a: {  	s1 =	srdreg.scid  }
0x8b: {  	s0 =	sand.u32 $0x1, s1  }
0x8c: {  	s16 =	sshll.u32 s0, $0xA;
	s2 =	sadd.s32 s3, s2  }
0x8d: {  	s2 =	sadd.s32 s2, s16  }
0x8e: {  	[smem:$0x3FBB] =	sst s2  }
0x8f: {  	_ = 	snop  }
0x90: {  	(tm) =	ssettm $0x1  }
0x91: {  	s17 =	sld [smem:$0x3FFB];
	_ =	sdelay $0x3  }
0x92: {  	_ =	strace s17  }
0x93: {  	s2 =	sld [smem:$0x3FFC];
	_ =	sdelay $0x3  }
0x94: {  	_ =	strace s2  }
0x95: {  	s2 =	sld [smem:$0x3FFD];
	_ =	sdelay $0x3  }
0x96: {  	_ =	strace s2  }
0x97: {  	_ =	strace $0x8FFFFFFF  }
0x98: {  	s18 =	sld [smem:$0x3FDB];
	_ =	sdelay $0x1  }
0x99: {  	s19 =	simm.s32 $_scs_section_size  }
0x9a: {  	s4 =	simm.s32 $_size__tile_overlayer_lowered;
	s5 =	simm.s32 $_tile_overlayer_lowered  }
0x9b: {  	s22 =	simm.s32 $0x1BFF;
	s21 =	sshll.u32 s5, $0x1;
	s2 =	sadd.s32 s19, s18  }
0x9c: {  	s6 =	simm.s32 $0x0;
	s20 =	sshll.u32 s4, $0x1;
	s4 =	sadd.s32 s21, s2  }
0x9d: {  	[timem:s6], [sflag:s22] =	dma.local [hbm:s4], s20  }
0x9e: {  	_ =	swait.ge [sflag:s22], s20  }
0x9f: {  	s3 =	ssub.s32 $0x0, s20;
	[sflag:s22] =	ssyncset.done $0x0  }
0xa0: {  	[sflag:s22] =	ssyncadd.s32 s3;
	_ =	sdelay $0x1  }
0xa1: {  	s23 =	simm.s32 $0x1B8B  }
0xa2: {  	_ =	swait.ge [sflag:s23], $0x1  }
0xa3: {  	[sflag:s23] =	ssyncset.done $0x0  }
0xa4: {  	s25 =	simm.s32 $0x1B8E;
	s24 =	sld [smem:$0x3FFE];
	[sflag:s23] =	ssyncadd.s32 $0xFFFFFFFF  }
0xa5: {  	s26 =	simm.s32 $execute0_lowered;
	[smem:$0x3FD2] =	sst s25  }
0xa6: {  	s4 =	sshll.u32 s26, $0x1;
	_ =	strace $0x80000046;
	[dreg:$0x1] =	wrdreg $0xFFFFFFFF  }
0xa7: {  	s28 =	simm.s32 $_size_execute0_lowered;
	s2 =	sadd.s32 s2, s4;
	[dreg:$0x0] =	wrdreg $0x0  }
0xa8: {  	s4 =	sshll.u32 s28, $0x1;
	[dreg:$0x2] =	wrdreg s2  }
0xa9: {  	[dreg:$0x3] =	wrdreg s4  }
0xaa: {  	[dreg:$0x4] =	wrdreg $0xC0  }
0xab: {  	_ =	task [dreg:s6], $0x5FFFF  }
0xac: {  	[dreg:$0x1] =	wrdreg $0xFFFFFFFF  }
0xad: {  	[dreg:$0x0] =	wrdreg $0x60  }
0xae: {  	[dreg:$0x2] =	wrdreg s24  }
0xaf: {  	[dreg:$0x3] =	wrdreg $0x0  }
0xb0: {  	[dreg:$0x4] =	wrdreg $0x9  }
0xb1: {  	_ =	task.clear_ibuf [dreg:s6], $0x5FFFF;
	_ =	strace $0x90000046  }
0xb2: {  	s29 =	simm.s32 $0x9;
	_ =	strace $0x80000048  }
0xb3: {  	_ =	swait.ge [sflag:s29], $0x1  }
0xb4: {  	[sflag:s29] =	ssyncadd.s32 $0xFFFFFFFF  }
0xb5: {  	_ =	strace $0x90000048  }
0xb6: {  	_ =	sfence  }
0xb7: {  	s30 =	sld [smem:$0x0];
	_ =	sdelay $0x2  }
0xb8: {  	s31 =	sshll.u32 s1, $0xD;
	s1 =	sshrl.u32 s1, $0x2  }
0xb9: {  	s3 =	sand.u32 $0x4000, s31;
	s1 =	sadd.s32 s1, s30  }
0xba: {  	s0 =	sor.u32 s3, s0;
	s1 =	sshll.u32 s1, $0x11  }
0xbb: {  	s0 =	sor.u32 s1, s0  }
0xbc: {  	s0 =	sadd.s32 $0x8F2B, s0  }
0xbd: {  	[sflag:s0] =	ssyncadd.remote.s32 $0x1  }
0xbe: {  	_ =	sfence.sel $0xFFFF  }
0xbf: {  	[dreg:$0x0] =	wrdreg $0xFFFFFFFF;
	(pc) =	sbr.abs _section_cstart, $3  }
0xc0: {  	[dreg:$0x1] =	wrdreg $0xFFFFFFFF  }
0xc1: {  	_ =	task.clear_ibuf [dreg:s6], $0x2FFFF;
	_ =	strace $0x9FFFFFFF  }
0xc2: {  	(tm) =	ssettm $0x7FFFFFFF  }
0xc3: {  	_ =	shalt  }
tec
execute0_lowered:
.L_overlay_start_1:
0x0: {  	(tag) =	ssettag $0x1  }
0x1: {  	s2 =	srdreg.scid;
	s29 =	stileid.u32  }
0x2: {  	s0 =	rddreg [dreg:$0x0];
	s4 =	sand.u32 $0x1, s2;
	s2 =	smul.u32 $0x18800, s29  }
0x3: {  	s1 =	rddreg [dreg:$0x1];
	s3 =	simm.s32 $0x0;
	s19 =	smul.u32 $0xC400, s29  }
0x4: {  	[smem:$0x7FF] =	sst s3;
	s13 =	sadd.s32 $0x93E00, s0;
	s14 =	smul.u32 $0x188000, s4  }
0x5: {  	_ =	strace $0x80000047;
	s5 =	ssub.s32 $0x2, s4;
	s30 =	smul.u32 $0xC4000, s4  }
0x6: {  	s4 =	sshll.u32 s4, $0x4;
	s6 =	sshrl.u32 s5, $0x1;
	s7 =	sadd.s32 $0x4980, s2  }
0x7: {  	s8 =	sadd.s32 $0x6200, s2;
	s9 =	sadd.s32 $0x7A80, s2;
	s11 =	sadd.s32 $0x9300, s2  }
0x8: {  	s28 =	sadd.s32 $0x16F80, s2;
	s10 =	ssub.s32 s5, s6;
	s5 =	sadd.s32 $0x1880, s2  }
0x9: {  	s6 =	sadd.s32 $0x3100, s2;
	s12 =	sadd.s32 s2, s14;
	s17 =	sadd.s32 s14, s7  }
0xa: {  	s25 =	sadd.s32 s14, s8;
	s26 =	sadd.s32 s14, s9;
	s18 =	sadd.s32 s14, s11  }
0xb: {  	s7 =	sadd.s32 s7, s1;
	s8 =	sadd.s32 s8, s1;
	s9 =	sadd.s32 s9, s1  }
0xc: {  	s15 =	sshrl.u32 s12, $0x3;
	s12 =	sadd.s32 $0xAB80, s2;
	s21 =	sadd.s32 s14, s5  }
0xd: {  	s16 =	sadd.s32 s14, s6;
	s23 =	sshrl.u32 s17, $0x3;
	[dreg:$0x14] =	wrdreg s7  }
0xe: {  	s17 =	sadd.s32 $0xC400, s2;
	s31 =	sadd.s32 s6, s1;
	[dreg:$0x15] =	wrdreg s8  }
0xf: {  	[dreg:$0x16] =	wrdreg s9;
	s9 =	sadd.s32 s28, s1;
	s15 =	sadd.s32 s13, s15  }
0x10: {  	s22 =	sshrl.u32 s16, $0x3;
	s24 =	sadd.s32 s13, s23;
	s16 =	sshrl.u32 s26, $0x3  }
0x11: {  	s23 =	sadd.s32 s14, s17;
	[dreg:$0x4] =	wrdreg s15;
	s15 =	sshrl.u32 s21, $0x3  }
0x12: {  	[dreg:$0x7] =	wrdreg s24;
	s20 =	sadd.s32 s13, s16;
	s15 =	sadd.s32 s13, s15  }
0x13: {  	s21 =	sshrl.u32 s18, $0x3;
	[dreg:$0x5] =	wrdreg s15;
	s15 =	sadd.s32 s13, s22  }
0x14: {  	s22 =	sadd.s32 s14, s12;
	[dreg:$0x6] =	wrdreg s15;
	s15 =	sshrl.u32 s25, $0x3  }
0x15: {  	[dreg:$0x9] =	wrdreg s20;
	s16 =	sshrl.u32 s22, $0x3;
	s15 =	sadd.s32 s13, s15  }
0x16: {  	s18 =	sadd.s32 $0xDC80, s2;
	s16 =	sadd.s32 s13, s16;
	[dreg:$0x8] =	wrdreg s15  }
0x17: {  	s24 =	sadd.s32 s14, s18;
	s15 =	sadd.s32 s13, s21;
	[dreg:$0xb] =	wrdreg s16  }
0x18: {  	s16 =	sshrl.u32 s23, $0x3;
	s23 =	sadd.s32 $0xF500, s2;
	[dreg:$0xa] =	wrdreg s15  }
0x19: {  	s15 =	sadd.s32 s19, s30;
	s19 =	sshrl.u32 s24, $0x3;
	s16 =	sadd.s32 s13, s16  }
0x1a: {  	s26 =	sadd.s32 s14, s23;
	s24 =	sadd.s32 $0x12600, s2;
	[dreg:$0xc] =	wrdreg s16  }
0x1b: {  	s25 =	sadd.s32 s13, s19;
	s16 =	sshrl.u32 s26, $0x3;
	s19 =	sadd.s32 $0x10D80, s2  }
0x1c: {  	s20 =	sadd.s32 s14, s24;
	s26 =	sadd.s32 $0x15700, s2;
	s15 =	sadd.s32 $0x400, s15  }
0x1d: {  	s24 =	sadd.s32 s24, s1;
	[dreg:$0xd] =	wrdreg s25;
	s16 =	sadd.s32 s13, s16  }
0x1e: {  	s30 =	sadd.s32 s14, s19;
	s20 =	sshrl.u32 s20, $0x3;
	s25 =	sadd.s32 $0x13E80, s2  }
0x1f: {  	s22 =	sadd.s32 s14, s26;
	[dreg:$0x3] =	wrdreg s15;
	s2 =	sadd.s32 s2, s1  }
0x20: {  	s15 =	sadd.s32 s12, s1;
	s19 =	sadd.s32 s19, s1;
	[dreg:$0x1d] =	wrdreg s24  }
0x21: {  	s8 =	sadd.s32 s26, s1;
	s12 =	simm.s32 $0x1C000;
	s24 =	simm.s32 $0x1D000  }
0x22: {  	[dreg:$0xe] =	wrdreg s16;
	s16 =	sshrl.u32 s30, $0x3;
	s20 =	sadd.s32 s13, s20  }
0x23: {  	s21 =	sadd.s32 s14, s25;
	s14 =	sadd.s32 s14, s28;
	[dreg:$0x18] =	wrdreg s15  }
0x24: {  	s30 =	sor.u32 s29, s4;
	s4 =	sadd.s32 s5, s1;
	[dreg:$0x1c] =	wrdreg s19  }
0x25: {  	s25 =	sadd.s32 s25, s1;
	s15 =	simm.s32 $0x1;
	s16 =	sadd.s32 s13, s16  }
0x26: {  	s19 =	simm.s32 $0x1A800;
	[dreg:$0xf] =	wrdreg s16;
	s16 =	sshrl.u32 s21, $0x3  }
0x27: {  	s28 =	simm.s32 $0x0;
	[dreg:$0x10] =	wrdreg s20;
	s16 =	sadd.s32 s13, s16  }
0x28: {  	s14 =	sshrl.u32 s14, $0x3;
	[dreg:$0x11] =	wrdreg s16;
	s16 =	sshrl.u32 s22, $0x3  }
0x29: {  	s20 =	sadd.s32 $0xE00, s0;
	[dreg:$0x1e] =	wrdreg s25;
	s16 =	sadd.s32 s13, s16  }
0x2a: {  	s25 =	simm.s32 $0x2;
	s13 =	sadd.s32 s13, s14;
	[dreg:$0x12] =	wrdreg s16  }
0x2b: {  	s21 =	sadd.s32 $0x62E00, s0;
	s14 =	sadd.s32 s11, s1;
	[dreg:$0x13] =	wrdreg s13  }
0x2c: {  	s22 =	sadd.s32 $0x31E00, s0;
	[dreg:$0x17] =	wrdreg s14;
	s16 =	sadd.s32 s17, s1  }
0x2d: {  	s11 =	simm.s32 $0x1B800;
	s17 =	sadd.s32 s18, s1;
	[dreg:$0x19] =	wrdreg s16  }
0x2e: {  	s18 =	sadd.s32 s23, s1;
	s23 =	smul.u32 $0x1880, s30;
	[dreg:$0x1a] =	wrdreg s17  }
0x2f: {  	s30 =	smax.u32 s10, $0x1;
	s13 =	simm.s32 $0x1D800;
	[dreg:$0x1b] =	wrdreg s18  }
0x30: {  	s14 =	simm.s32 $0x4;
	s10 =	simm.s32 $0x1B000;
	[smem:$0x7FD] =	sst s30  }
0x31: {  	s16 =	simm.s32 $0x80;
	s17 =	simm.s32 $0x19800;
	s26 =	sadd.s32 s21, s23  }
0x32: {  	s18 =	simm.s32 $0x1A000;
	s29 =	sadd.s32 s22, s23;
	[dreg:$0x1f] =	wrdreg s26  }
0x33: {  	v0 =	vimm.f32 $0.0e+00;
	s23 =	simm.s32 $0x1C800;
	[smem:$0x7FC] =	sst s29;
	s26 =	simm.s32 $0x3  }
.LBB2_1:
0x34: {  	s29 =	simm.s32 $0x40;
	s30 =	simm.s32 $0x0  }
.LBB2_2:
0x35: {  	p0 =	sne.s32 s29, $0x61C0;
	[tilespmem:s30+$0x1D800] =	vst v0;
	s30 =	smov.u32 s29;
	s29 =	sadd.s32 $0x40, s29  }
.Ltmp0:
0x36: {  	(pc) =	sbr.rel @p0 .LBB2_2-.Ltmp0, $2  }
0x37: {  	_ =	sdelay $0x2  }
0x38: {  	s30 =	sshra.s32 s30, $0x2  }
0x39: {  	[tilespmem:s30+$0x1D800] =	vst v0  }
0x3a: {  	[spmem:s2] =	stream.linear.scatter [tilespmem:s13], [sflag:$0x4], $0x1880, $0x38;
	[tilespmem:$0x1F080] =	vst v63  }
0x3b: {  	_ =	swait.ge [sflag:s14], $0x1880  }
0x3c: {  	[sflag:s14] =	ssyncset.done $0x0  }
0x3d: {  	[sflag:s14] =	ssyncadd.s32 $0xFFFFE780  }
0x3e: {  	[spmem:s4] =	stream.linear.scatter [tilespmem:s13], [sflag:$0x4], $0x1880, $0x38;
	[tilespmem:$0x1F080] =	vst v63  }
0x3f: {  	_ =	swait.ge [sflag:s14], $0x1880  }
0x40: {  	[sflag:s14] =	ssyncset.done $0x0  }
0x41: {  	[sflag:s14] =	ssyncadd.s32 $0xFFFFE780  }
0x42: {  	[spmem:s31] =	stream.linear.scatter [tilespmem:s13], [sflag:$0x4], $0x1880, $0x38;
	[tilespmem:$0x1F080] =	vst v63  }
0x43: {  	_ =	swait.ge [sflag:s14], $0x1880  }
0x44: {  	[sflag:s14] =	ssyncset.done $0x0  }
0x45: {  	s0 =	rddreg [dreg:$0x14];
	[sflag:s14] =	ssyncadd.s32 $0xFFFFE780  }
0x46: {  	[spmem:s0] =	stream.linear.scatter [tilespmem:s13], [sflag:$0x4], $0x1880, $0x38;
	[tilespmem:$0x1F080] =	vst v63  }
0x47: {  	_ =	swait.ge [sflag:s14], $0x1880  }
0x48: {  	[sflag:s14] =	ssyncset.done $0x0  }
0x49: {  	s30 =	rddreg [dreg:$0x15];
	[sflag:s14] =	ssyncadd.s32 $0xFFFFE780  }
0x4a: {  	[spmem:s30] =	stream.linear.scatter [tilespmem:s13], [sflag:$0x4], $0x1880, $0x38;
	[tilespmem:$0x1F080] =	vst v63  }
0x4b: {  	_ =	swait.ge [sflag:s14], $0x1880  }
0x4c: {  	[sflag:s14] =	ssyncset.done $0x0  }
0x4d: {  	s7 =	smov.u32 s31;
	s31 =	rddreg [dreg:$0x16];
	[sflag:s14] =	ssyncadd.s32 $0xFFFFE780  }
0x4e: {  	[spmem:s31] =	stream.linear.scatter [tilespmem:s13], [sflag:$0x4], $0x1880, $0x38;
	[tilespmem:$0x1F080] =	vst v63  }
0x4f: {  	_ =	swait.ge [sflag:s14], $0x1880  }
0x50: {  	[sflag:s14] =	ssyncset.done $0x0  }
0x51: {  	s5 =	smov.u32 s2;
	s2 =	rddreg [dreg:$0x17];
	[sflag:s14] =	ssyncadd.s32 $0xFFFFE780  }
0x52: {  	[spmem:s2] =	stream.linear.scatter [tilespmem:s13], [sflag:$0x4], $0x1880, $0x38;
	[tilespmem:$0x1F080] =	vst v63  }
0x53: {  	_ =	swait.ge [sflag:s14], $0x1880  }
0x54: {  	[sflag:s14] =	ssyncset.done $0x0  }
0x55: {  	s6 =	smov.u32 s4;
	s4 =	rddreg [dreg:$0x18];
	[sflag:s14] =	ssyncadd.s32 $0xFFFFE780  }
0x56: {  	[spmem:s4] =	stream.linear.scatter [tilespmem:s13], [sflag:$0x4], $0x1880, $0x38;
	[tilespmem:$0x1F080] =	vst v63  }
0x57: {  	_ =	swait.ge [sflag:s14], $0x1880  }
0x58: {  	[sflag:s14] =	ssyncset.done $0x0  }
0x59: {  	s30 =	rddreg [dreg:$0x19];
	[sflag:s14] =	ssyncadd.s32 $0xFFFFE780  }
0x5a: {  	[spmem:s30] =	stream.linear.scatter [tilespmem:s13], [sflag:$0x4], $0x1880, $0x38;
	[tilespmem:$0x1F080] =	vst v63  }
0x5b: {  	_ =	swait.ge [sflag:s14], $0x1880  }
0x5c: {  	[sflag:s14] =	ssyncset.done $0x0  }
0x5d: {  	s31 =	rddreg [dreg:$0x1a];
	[sflag:s14] =	ssyncadd.s32 $0xFFFFE780  }
0x5e: {  	[spmem:s31] =	stream.linear.scatter [tilespmem:s13], [sflag:$0x4], $0x1880, $0x38;
	[tilespmem:$0x1F080] =	vst v63  }
0x5f: {  	_ =	swait.ge [sflag:s14], $0x1880  }
0x60: {  	[sflag:s14] =	ssyncset.done $0x0  }
0x61: {  	s2 =	rddreg [dreg:$0x1b];
	[sflag:s14] =	ssyncadd.s32 $0xFFFFE780  }
0x62: {  	[spmem:s2] =	stream.linear.scatter [tilespmem:s13], [sflag:$0x4], $0x1880, $0x38;
	[tilespmem:$0x1F080] =	vst v63  }
0x63: {  	_ =	swait.ge [sflag:s14], $0x1880  }
0x64: {  	[sflag:s14] =	ssyncset.done $0x0  }
0x65: {  	s4 =	rddreg [dreg:$0x1c];
	[sflag:s14] =	ssyncadd.s32 $0xFFFFE780  }
0x66: {  	[spmem:s4] =	stream.linear.scatter [tilespmem:s13], [sflag:$0x4], $0x1880, $0x38;
	[tilespmem:$0x1F080] =	vst v63  }
0x67: {  	_ =	swait.ge [sflag:s14], $0x1880  }
0x68: {  	[sflag:s14] =	ssyncset.done $0x0  }
0x69: {  	s30 =	rddreg [dreg:$0x1d];
	[sflag:s14] =	ssyncadd.s32 $0xFFFFE780  }
0x6a: {  	[spmem:s30] =	stream.linear.scatter [tilespmem:s13], [sflag:$0x4], $0x1880, $0x38;
	[tilespmem:$0x1F080] =	vst v63  }
0x6b: {  	_ =	swait.ge [sflag:s14], $0x1880  }
0x6c: {  	[sflag:s14] =	ssyncset.done $0x0  }
0x6d: {  	s31 =	rddreg [dreg:$0x1e];
	[sflag:s14] =	ssyncadd.s32 $0xFFFFE780  }
0x6e: {  	[spmem:s31] =	stream.linear.scatter [tilespmem:s13], [sflag:$0x4], $0x1880, $0x38;
	[tilespmem:$0x1F080] =	vst v63  }
0x6f: {  	_ =	swait.ge [sflag:s14], $0x1880  }
0x70: {  	[sflag:s14] =	ssyncset.done $0x0  }
0x71: {  	[sflag:s14] =	ssyncadd.s32 $0xFFFFE780  }
0x72: {  	[spmem:s8] =	stream.linear.scatter [tilespmem:s13], [sflag:$0x4], $0x1880, $0x38;
	[tilespmem:$0x1F080] =	vst v63  }
0x73: {  	_ =	swait.ge [sflag:s14], $0x1880  }
0x74: {  	[sflag:s14] =	ssyncset.done $0x0  }
0x75: {  	[sflag:s14] =	ssyncadd.s32 $0xFFFFE780  }
0x76: {  	[spmem:s9] =	stream.linear.scatter [tilespmem:s13], [sflag:$0x4], $0x1880, $0x38;
	[tilespmem:$0x1F080] =	vst v63  }
0x77: {  	_ =	swait.ge [sflag:s14], $0x1880  }
0x78: {  	[sflag:s14] =	ssyncset.done $0x0  }
0x79: {  	[sflag:s14] =	ssyncadd.s32 $0xFFFFE780  }
0x7a: {  	[bflag:$0x0] =	sbarrier.arrive $0xFFFF  }
0x7b: {  	s2 =	rddreg [dreg:$0x1f]  }
0x7c: {  	s29 =	simm.s32 $0x0;
	s4 =	simm.s32 $0x18800;
	s30 =	sld [smem:$0x7FC]  }
0x7d: {  	[tilespmem:s4], [sflag:$0x1] =	stream.linear.gather [hbm4b:s2+s29], $0x400, $0x38;
	[tilespmem:$0x1F080] =	vst v63  }
0x7e: {  	s31 =	simm.s32 $0x19000  }
0x7f: {  	[tilespmem:s31], [sflag:$0x1] =	stream.linear.gather [hbm4b:s30+s29], $0x400, $0x38;
	[tilespmem:$0x1F080] =	vst v63  }
.LBB2_4:
0x80: {  	_ =	swait.ge [sflag:s15], $0x400  }
0x81: {  	[sflag:s15] =	ssyncset.done $0x0  }
0x82: {  	[sflag:s15] =	ssyncadd.s32 $0xFFFFFC00  }
0x83: {  	_ =	swait.ge [sflag:s15], $0x400  }
0x84: {  	p0 =	seq.s32 s29, $0xC000;
	s30 =	rddreg [dreg:$0x3]  }
0x85: {  	s4 =	simm.s32 @!p0 $0x0;
	s31 =	sadd.s32 @!p0 s29, s30  }
0x86: {  	[sflag:s15] =	ssyncset.done $0x0;
	s30 =	sand.u32 @!p0 $0x400, s29;
	s31 =	sshrl.u32 @!p0 s31, $0x3  }
0x87: {  	[sflag:s15] =	ssyncadd.s32 $0xFFFFFC00;
	s0 =	sxor.u32 @!p0 $0x18C00, s30;
	s2 =	sadd.s32 @!p0 s21, s31  }
0x88: {  	[tilespmem:s0], [sflag:$0x1] =	stream.linear.gather @!p0 [hbm4b:s2+s4], $0x400, $0x38;
	[tilespmem:$0x1F080] =	vst v63  }
0x89: {  	s0 =	sxor.u32 @!p0 $0x19400, s30;
	s2 =	sadd.s32 @!p0 s22, s31;
	s30 =	simm.s32 @p0 $0x0  }
0x8a: {  	[tilespmem:s0], [sflag:$0x1] =	stream.linear.gather @!p0 [hbm4b:s2+s4], $0x400, $0x38;
	[tilespmem:$0x1F080] =	vst v63  }
0x8b: {  	s31 =	sor.u32 $0x18800, s30  }
0x8c: {  	[tilespmem:s17], [sflag:$0x2] =	stream.indirect.gather [hbm4b:s20+s16], $0x10, s31, s16, $0xb8;
	[tilespmem:$0x1F080] =	vst v63  }
0x8d: {  	s2 =	sor.u32 $0x18880, s30  }
0x8e: {  	[tilespmem:s18], [sflag:$0x2] =	stream.indirect.gather [hbm4b:s20+s16], $0x10, s2, s16, $0xb8;
	[tilespmem:$0x1F080] =	vst v63  }
0x8f: {  	s4 =	sor.u32 $0x18900, s30  }
0x90: {  	[tilespmem:s19], [sflag:$0x2] =	stream.indirect.gather [hbm4b:s20+s16], $0x10, s4, s16, $0xb8;
	[tilespmem:$0x1F080] =	vst v63  }
0x91: {  	s31 =	sor.u32 $0x18980, s30  }
0x92: {  	[tilespmem:s10], [sflag:$0x2] =	stream.indirect.gather [hbm4b:s20+s16], $0x10, s31, s16, $0xb8;
	[tilespmem:$0x1F080] =	vst v63  }
0x93: {  	s2 =	sor.u32 $0x18A00, s30  }
0x94: {  	[tilespmem:s11], [sflag:$0x2] =	stream.indirect.gather [hbm4b:s20+s16], $0x10, s2, s16, $0xb8;
	[tilespmem:$0x1F080] =	vst v63  }
0x95: {  	s4 =	sor.u32 $0x18A80, s30  }
0x96: {  	[tilespmem:s12], [sflag:$0x2] =	stream.indirect.gather [hbm4b:s20+s16], $0x10, s4, s16, $0xb8;
	[tilespmem:$0x1F080] =	vst v63  }
0x97: {  	s31 =	sor.u32 $0x18B00, s30  }
0x98: {  	[tilespmem:s23], [sflag:$0x2] =	stream.indirect.gather [hbm4b:s20+s16], $0x10, s31, s16, $0xb8;
	[tilespmem:$0x1F080] =	vst v63  }
0x99: {  	s2 =	sor.u32 $0x18B80, s30  }
0x9a: {  	[tilespmem:s24], [sflag:$0x2] =	stream.indirect.gather [hbm4b:s20+s16], $0x10, s2, s16, $0xb8;
	[tilespmem:$0x1F080] =	vst v63  }
0x9b: {  	_ =	swait.ge [sflag:s25], $0x800  }
0x9c: {  	[sflag:s25] =	ssyncset.done $0x0  }
0x9d: {  	s4 =	sor.u32 $0x19000, s30;
	[sflag:s25] =	ssyncadd.s32 $0xFFFFF800;
	(ifvalue) =	ssetifvalue $0xFFFFFFFF  }
0x9e: {  	[spmem:s1] =	stream.indirect.scatter.add.f32 [tilespmem:s17], [sflag:$0x3], $0x10, s4, s16, $0x40b8;
	[tilespmem:$0x1F080] =	vst v63  }
0x9f: {  	_ =	swait.ge [sflag:s25], $0x800  }
0xa0: {  	[sflag:s25] =	ssyncset.done $0x0  }
0xa1: {  	s31 =	sor.u32 $0x19080, s30;
	[sflag:s25] =	ssyncadd.s32 $0xFFFFF800;
	(ifvalue) =	ssetifvalue $0xFFFFFFFF  }
0xa2: {  	[spmem:s1] =	stream.indirect.scatter.add.f32 [tilespmem:s18], [sflag:$0x3], $0x10, s31, s16, $0x40b8;
	[tilespmem:$0x1F080] =	vst v63  }
0xa3: {  	_ =	swait.ge [sflag:s25], $0x800  }
0xa4: {  	[sflag:s25] =	ssyncset.done $0x0  }
0xa5: {  	s2 =	sor.u32 $0x19100, s30;
	[sflag:s25] =	ssyncadd.s32 $0xFFFFF800;
	(ifvalue) =	ssetifvalue $0xFFFFFFFF  }
0xa6: {  	[spmem:s1] =	stream.indirect.scatter.add.f32 [tilespmem:s19], [sflag:$0x3], $0x10, s2, s16, $0x40b8;
	[tilespmem:$0x1F080] =	vst v63  }
0xa7: {  	_ =	swait.ge [sflag:s25], $0x800  }
0xa8: {  	[sflag:s25] =	ssyncset.done $0x0  }
0xa9: {  	s4 =	sor.u32 $0x19180, s30;
	[sflag:s25] =	ssyncadd.s32 $0xFFFFF800;
	(ifvalue) =	ssetifvalue $0xFFFFFFFF  }
0xaa: {  	[spmem:s1] =	stream.indirect.scatter.add.f32 [tilespmem:s10], [sflag:$0x3], $0x10, s4, s16, $0x40b8;
	[tilespmem:$0x1F080] =	vst v63  }
0xab: {  	_ =	swait.ge [sflag:s25], $0x800  }
0xac: {  	[sflag:s25] =	ssyncset.done $0x0  }
0xad: {  	s31 =	sor.u32 $0x19200, s30;
	[sflag:s25] =	ssyncadd.s32 $0xFFFFF800;
	(ifvalue) =	ssetifvalue $0xFFFFFFFF  }
0xae: {  	[spmem:s1] =	stream.indirect.scatter.add.f32 [tilespmem:s11], [sflag:$0x3], $0x10, s31, s16, $0x40b8;
	[tilespmem:$0x1F080] =	vst v63  }
0xaf: {  	_ =	swait.ge [sflag:s25], $0x800  }
0xb0: {  	[sflag:s25] =	ssyncset.done $0x0  }
0xb1: {  	s2 =	sor.u32 $0x19280, s30;
	[sflag:s25] =	ssyncadd.s32 $0xFFFFF800;
	(ifvalue) =	ssetifvalue $0xFFFFFFFF  }
0xb2: {  	[spmem:s1] =	stream.indirect.scatter.add.f32 [tilespmem:s12], [sflag:$0x3], $0x10, s2, s16, $0x40b8;
	[tilespmem:$0x1F080] =	vst v63  }
0xb3: {  	_ =	swait.ge [sflag:s25], $0x800  }
0xb4: {  	[sflag:s25] =	ssyncset.done $0x0  }
0xb5: {  	s4 =	sor.u32 $0x19300, s30;
	[sflag:s25] =	ssyncadd.s32 $0xFFFFF800;
	(ifvalue) =	ssetifvalue $0xFFFFFFFF  }
0xb6: {  	[spmem:s1] =	stream.indirect.scatter.add.f32 [tilespmem:s23], [sflag:$0x3], $0x10, s4, s16, $0x40b8;
	[tilespmem:$0x1F080] =	vst v63  }
0xb7: {  	_ =	swait.ge [sflag:s25], $0x800  }
0xb8: {  	[sflag:s25] =	ssyncset.done $0x0  }
0xb9: {  	s31 =	sor.u32 $0x19380, s30;
	[sflag:s25] =	ssyncadd.s32 $0xFFFFF800;
	(ifvalue) =	ssetifvalue $0xFFFFFFFF  }
0xba: {  	[spmem:s1] =	stream.indirect.scatter.add.f32 [tilespmem:s24], [sflag:$0x3], $0x10, s31, s16, $0x40b8;
	[tilespmem:$0x1F080] =	vst v63  }
0xbb: {  	_ =	swait.ge [sflag:s26], $0x800  }
0xbc: {  	[sflag:s26] =	ssyncset.done $0x0  }
0xbd: {  	[sflag:s26] =	ssyncadd.s32 $0xFFFFF800  }
0xbe: {  	_ =	swait.ge [sflag:s26], $0x800  }
0xbf: {  	[sflag:s26] =	ssyncset.done $0x0  }
0xc0: {  	[sflag:s26] =	ssyncadd.s32 $0xFFFFF800  }
0xc1: {  	_ =	swait.ge [sflag:s26], $0x800  }
0xc2: {  	[sflag:s26] =	ssyncset.done $0x0  }
0xc3: {  	[sflag:s26] =	ssyncadd.s32 $0xFFFFF800  }
0xc4: {  	_ =	swait.ge [sflag:s26], $0x800  }
0xc5: {  	[sflag:s26] =	ssyncset.done $0x0  }
0xc6: {  	[sflag:s26] =	ssyncadd.s32 $0xFFFFF800  }
0xc7: {  	_ =	swait.ge [sflag:s26], $0x800  }
0xc8: {  	[sflag:s26] =	ssyncset.done $0x0  }
0xc9: {  	[sflag:s26] =	ssyncadd.s32 $0xFFFFF800  }
0xca: {  	_ =	swait.ge [sflag:s26], $0x800  }
0xcb: {  	[sflag:s26] =	ssyncset.done $0x0  }
0xcc: {  	s29 =	sadd.s32 $0x400, s29;
	[sflag:s26] =	ssyncadd.s32 $0xFFFFF800  }
0xcd: {  	p0 =	sne.s32 s29, $0xC400;
	_ =	swait.ge [sflag:s26], $0x800  }
.Ltmp1:
0xce: {  	[sflag:s26] =	ssyncset.done $0x0;
	(pc) =	sbr.rel @p0 .LBB2_4-.Ltmp1, $4  }
0xcf: {  	[sflag:s26] =	ssyncadd.s32 $0xFFFFF800  }
0xd0: {  	_ =	swait.ge [sflag:s26], $0x800  }
0xd1: {  	[sflag:s26] =	ssyncset.done $0x0  }
0xd2: {  	[sflag:s26] =	ssyncadd.s32 $0xFFFFF800  }
0xd3: {  	[bflag:$0x0] =	sbarrier.arrive $0xFFFF  }
0xd4: {  	[tilespmem:s13], [sflag:$0x4] =	stream.linear.gather [spmem:s5], $0x1880, $0x38;
	[tilespmem:$0x1F080] =	vst v63  }
0xd5: {  	_ =	swait.ge [sflag:s14], $0x1880  }
0xd6: {  	[sflag:s14] =	ssyncset.done $0x0  }
0xd7: {  	s0 =	rddreg [dreg:$0x4];
	[sflag:s14] =	ssyncadd.s32 $0xFFFFE780  }
0xd8: {  	[hbm4b:s0+s3] =	stream.linear.scatter [tilespmem:s13], [sflag:$0x4], $0x1880, $0x38;
	[tilespmem:$0x1F080] =	vst v63  }
0xd9: {  	_ =	swait.ge [sflag:s14], $0x1880  }
0xda: {  	[sflag:s14] =	ssyncset.done $0x0  }
0xdb: {  	[sflag:s14] =	ssyncadd.s32 $0xFFFFE780  }
0xdc: {  	[tilespmem:s13], [sflag:$0x4] =	stream.linear.gather [spmem:s6], $0x1880, $0x38;
	[tilespmem:$0x1F080] =	vst v63  }
0xdd: {  	_ =	swait.ge [sflag:s14], $0x1880  }
0xde: {  	[sflag:s14] =	ssyncset.done $0x0  }
0xdf: {  	s29 =	rddreg [dreg:$0x5];
	[sflag:s14] =	ssyncadd.s32 $0xFFFFE780  }
0xe0: {  	[hbm4b:s29+s3] =	stream.linear.scatter [tilespmem:s13], [sflag:$0x4], $0x1880, $0x38;
	[tilespmem:$0x1F080] =	vst v63  }
0xe1: {  	_ =	swait.ge [sflag:s14], $0x1880  }
0xe2: {  	[sflag:s14] =	ssyncset.done $0x0  }
0xe3: {  	[sflag:s14] =	ssyncadd.s32 $0xFFFFE780  }
0xe4: {  	[tilespmem:s13], [sflag:$0x4] =	stream.linear.gather [spmem:s7], $0x1880, $0x38;
	[tilespmem:$0x1F080] =	vst v63  }
0xe5: {  	_ =	swait.ge [sflag:s14], $0x1880  }
0xe6: {  	[sflag:s14] =	ssyncset.done $0x0  }
0xe7: {  	s30 =	rddreg [dreg:$0x6];
	[sflag:s14] =	ssyncadd.s32 $0xFFFFE780  }
0xe8: {  	[hbm4b:s30+s3] =	stream.linear.scatter [tilespmem:s13], [sflag:$0x4], $0x1880, $0x38;
	[tilespmem:$0x1F080] =	vst v63  }
0xe9: {  	_ =	swait.ge [sflag:s14], $0x1880  }
0xea: {  	[sflag:s14] =	ssyncset.done $0x0  }
0xeb: {  	s2 =	smov.u32 s5;
	s5 =	rddreg [dreg:$0x14];
	[sflag:s14] =	ssyncadd.s32 $0xFFFFE780  }
0xec: {  	[tilespmem:s13], [sflag:$0x4] =	stream.linear.gather [spmem:s5], $0x1880, $0x38;
	[tilespmem:$0x1F080] =	vst v63  }
0xed: {  	_ =	swait.ge [sflag:s14], $0x1880  }
0xee: {  	[sflag:s14] =	ssyncset.done $0x0  }
0xef: {  	s4 =	smov.u32 s6;
	s6 =	rddreg [dreg:$0x7];
	[sflag:s14] =	ssyncadd.s32 $0xFFFFE780  }
0xf0: {  	[hbm4b:s6+s3] =	stream.linear.scatter [tilespmem:s13], [sflag:$0x4], $0x1880, $0x38;
	[tilespmem:$0x1F080] =	vst v63  }
0xf1: {  	_ =	swait.ge [sflag:s14], $0x1880  }
0xf2: {  	[sflag:s14] =	ssyncset.done $0x0  }
0xf3: {  	s31 =	smov.u32 s7;
	s7 =	rddreg [dreg:$0x15];
	[sflag:s14] =	ssyncadd.s32 $0xFFFFE780  }
0xf4: {  	[tilespmem:s13], [sflag:$0x4] =	stream.linear.gather [spmem:s7], $0x1880, $0x38;
	[tilespmem:$0x1F080] =	vst v63  }
0xf5: {  	_ =	swait.ge [sflag:s14], $0x1880  }
0xf6: {  	[sflag:s14] =	ssyncset.done $0x0  }
0xf7: {  	s29 =	rddreg [dreg:$0x8];
	[sflag:s14] =	ssyncadd.s32 $0xFFFFE780  }
0xf8: {  	[hbm4b:s29+s3] =	stream.linear.scatter [tilespmem:s13], [sflag:$0x4], $0x1880, $0x38;
	[tilespmem:$0x1F080] =	vst v63  }
0xf9: {  	_ =	swait.ge [sflag:s14], $0x1880  }
0xfa: {  	[sflag:s14] =	ssyncset.done $0x0  }
0xfb: {  	s30 =	rddreg [dreg:$0x16];
	[sflag:s14] =	ssyncadd.s32 $0xFFFFE780  }
0xfc: {  	[tilespmem:s13], [sflag:$0x4] =	stream.linear.gather [spmem:s30], $0x1880, $0x38;
	[tilespmem:$0x1F080] =	vst v63  }
0xfd: {  	_ =	swait.ge [sflag:s14], $0x1880  }
0xfe: {  	[sflag:s14] =	ssyncset.done $0x0  }
0xff: {  	s5 =	rddreg [dreg:$0x9];
	[sflag:s14] =	ssyncadd.s32 $0xFFFFE780  }
0x100: {  	[hbm4b:s5+s3] =	stream.linear.scatter [tilespmem:s13], [sflag:$0x4], $0x1880, $0x38;
	[tilespmem:$0x1F080] =	vst v63  }
0x101: {  	_ =	swait.ge [sflag:s14], $0x1880  }
0x102: {  	[sflag:s14] =	ssyncset.done $0x0  }
0x103: {  	s6 =	rddreg [dreg:$0x17];
	[sflag:s14] =	ssyncadd.s32 $0xFFFFE780  }
0x104: {  	[tilespmem:s13], [sflag:$0x4] =	stream.linear.gather [spmem:s6], $0x1880, $0x38;
	[tilespmem:$0x1F080] =	vst v63  }
0x105: {  	_ =	swait.ge [sflag:s14], $0x1880  }
0x106: {  	[sflag:s14] =	ssyncset.done $0x0  }
0x107: {  	s7 =	rddreg [dreg:$0xa];
	[sflag:s14] =	ssyncadd.s32 $0xFFFFE780  }
0x108: {  	[hbm4b:s7+s3] =	stream.linear.scatter [tilespmem:s13], [sflag:$0x4], $0x1880, $0x38;
	[tilespmem:$0x1F080] =	vst v63  }
0x109: {  	_ =	swait.ge [sflag:s14], $0x1880  }
0x10a: {  	[sflag:s14] =	ssyncset.done $0x0  }
0x10b: {  	s29 =	rddreg [dreg:$0x18];
	[sflag:s14] =	ssyncadd.s32 $0xFFFFE780  }
0x10c: {  	[tilespmem:s13], [sflag:$0x4] =	stream.linear.gather [spmem:s29], $0x1880, $0x38;
	[tilespmem:$0x1F080] =	vst v63  }
0x10d: {  	_ =	swait.ge [sflag:s14], $0x1880  }
0x10e: {  	[sflag:s14] =	ssyncset.done $0x0  }
0x10f: {  	s30 =	rddreg [dreg:$0xb];
	[sflag:s14] =	ssyncadd.s32 $0xFFFFE780  }
0x110: {  	[hbm4b:s30+s3] =	stream.linear.scatter [tilespmem:s13], [sflag:$0x4], $0x1880, $0x38;
	[tilespmem:$0x1F080] =	vst v63  }
0x111: {  	_ =	swait.ge [sflag:s14], $0x1880  }
0x112: {  	[sflag:s14] =	ssyncset.done $0x0  }
0x113: {  	s5 =	rddreg [dreg:$0x19];
	[sflag:s14] =	ssyncadd.s32 $0xFFFFE780  }
0x114: {  	[tilespmem:s13], [sflag:$0x4] =	stream.linear.gather [spmem:s5], $0x1880, $0x38;
	[tilespmem:$0x1F080] =	vst v63  }
0x115: {  	_ =	swait.ge [sflag:s14], $0x1880  }
0x116: {  	[sflag:s14] =	ssyncset.done $0x0  }
0x117: {  	s6 =	rddreg [dreg:$0xc];
	[sflag:s14] =	ssyncadd.s32 $0xFFFFE780  }
0x118: {  	[hbm4b:s6+s3] =	stream.linear.scatter [tilespmem:s13], [sflag:$0x4], $0x1880, $0x38;
	[tilespmem:$0x1F080] =	vst v63  }
0x119: {  	_ =	swait.ge [sflag:s14], $0x1880  }
0x11a: {  	[sflag:s14] =	ssyncset.done $0x0  }
0x11b: {  	s7 =	rddreg [dreg:$0x1a];
	[sflag:s14] =	ssyncadd.s32 $0xFFFFE780  }
0x11c: {  	[tilespmem:s13], [sflag:$0x4] =	stream.linear.gather [spmem:s7], $0x1880, $0x38;
	[tilespmem:$0x1F080] =	vst v63  }
0x11d: {  	_ =	swait.ge [sflag:s14], $0x1880  }
0x11e: {  	[sflag:s14] =	ssyncset.done $0x0  }
0x11f: {  	s29 =	rddreg [dreg:$0xd];
	[sflag:s14] =	ssyncadd.s32 $0xFFFFE780  }
0x120: {  	[hbm4b:s29+s3] =	stream.linear.scatter [tilespmem:s13], [sflag:$0x4], $0x1880, $0x38;
	[tilespmem:$0x1F080] =	vst v63  }
0x121: {  	_ =	swait.ge [sflag:s14], $0x1880  }
0x122: {  	[sflag:s14] =	ssyncset.done $0x0  }
0x123: {  	s30 =	rddreg [dreg:$0x1b];
	[sflag:s14] =	ssyncadd.s32 $0xFFFFE780  }
0x124: {  	[tilespmem:s13], [sflag:$0x4] =	stream.linear.gather [spmem:s30], $0x1880, $0x38;
	[tilespmem:$0x1F080] =	vst v63  }
0x125: {  	_ =	swait.ge [sflag:s14], $0x1880  }
0x126: {  	[sflag:s14] =	ssyncset.done $0x0  }
0x127: {  	s5 =	rddreg [dreg:$0xe];
	[sflag:s14] =	ssyncadd.s32 $0xFFFFE780  }
0x128: {  	[hbm4b:s5+s3] =	stream.linear.scatter [tilespmem:s13], [sflag:$0x4], $0x1880, $0x38;
	[tilespmem:$0x1F080] =	vst v63  }
0x129: {  	_ =	swait.ge [sflag:s14], $0x1880  }
0x12a: {  	[sflag:s14] =	ssyncset.done $0x0  }
0x12b: {  	s6 =	rddreg [dreg:$0x1c];
	[sflag:s14] =	ssyncadd.s32 $0xFFFFE780  }
0x12c: {  	[tilespmem:s13], [sflag:$0x4] =	stream.linear.gather [spmem:s6], $0x1880, $0x38;
	[tilespmem:$0x1F080] =	vst v63  }
0x12d: {  	_ =	swait.ge [sflag:s14], $0x1880  }
0x12e: {  	[sflag:s14] =	ssyncset.done $0x0  }
0x12f: {  	s7 =	rddreg [dreg:$0xf];
	[sflag:s14] =	ssyncadd.s32 $0xFFFFE780  }
0x130: {  	[hbm4b:s7+s3] =	stream.linear.scatter [tilespmem:s13], [sflag:$0x4], $0x1880, $0x38;
	[tilespmem:$0x1F080] =	vst v63  }
0x131: {  	_ =	swait.ge [sflag:s14], $0x1880  }
0x132: {  	[sflag:s14] =	ssyncset.done $0x0  }
0x133: {  	s29 =	rddreg [dreg:$0x1d];
	[sflag:s14] =	ssyncadd.s32 $0xFFFFE780  }
0x134: {  	[tilespmem:s13], [sflag:$0x4] =	stream.linear.gather [spmem:s29], $0x1880, $0x38;
	[tilespmem:$0x1F080] =	vst v63  }
0x135: {  	_ =	swait.ge [sflag:s14], $0x1880  }
0x136: {  	[sflag:s14] =	ssyncset.done $0x0  }
0x137: {  	s30 =	rddreg [dreg:$0x10];
	[sflag:s14] =	ssyncadd.s32 $0xFFFFE780  }
0x138: {  	[hbm4b:s30+s3] =	stream.linear.scatter [tilespmem:s13], [sflag:$0x4], $0x1880, $0x38;
	[tilespmem:$0x1F080] =	vst v63  }
0x139: {  	_ =	swait.ge [sflag:s14], $0x1880  }
0x13a: {  	[sflag:s14] =	ssyncset.done $0x0  }
0x13b: {  	s5 =	rddreg [dreg:$0x1e];
	[sflag:s14] =	ssyncadd.s32 $0xFFFFE780  }
0x13c: {  	[tilespmem:s13], [sflag:$0x4] =	stream.linear.gather [spmem:s5], $0x1880, $0x38;
	[tilespmem:$0x1F080] =	vst v63  }
0x13d: {  	_ =	swait.ge [sflag:s14], $0x1880  }
0x13e: {  	[sflag:s14] =	ssyncset.done $0x0  }
0x13f: {  	s6 =	rddreg [dreg:$0x11];
	[sflag:s14] =	ssyncadd.s32 $0xFFFFE780  }
0x140: {  	[hbm4b:s6+s3] =	stream.linear.scatter [tilespmem:s13], [sflag:$0x4], $0x1880, $0x38;
	[tilespmem:$0x1F080] =	vst v63  }
0x141: {  	_ =	swait.ge [sflag:s14], $0x1880  }
0x142: {  	[sflag:s14] =	ssyncset.done $0x0  }
0x143: {  	[sflag:s14] =	ssyncadd.s32 $0xFFFFE780  }
0x144: {  	[tilespmem:s13], [sflag:$0x4] =	stream.linear.gather [spmem:s8], $0x1880, $0x38;
	[tilespmem:$0x1F080] =	vst v63  }
0x145: {  	_ =	swait.ge [sflag:s14], $0x1880  }
0x146: {  	[sflag:s14] =	ssyncset.done $0x0  }
0x147: {  	s7 =	rddreg [dreg:$0x12];
	[sflag:s14] =	ssyncadd.s32 $0xFFFFE780  }
0x148: {  	[hbm4b:s7+s3] =	stream.linear.scatter [tilespmem:s13], [sflag:$0x4], $0x1880, $0x38;
	[tilespmem:$0x1F080] =	vst v63  }
0x149: {  	_ =	swait.ge [sflag:s14], $0x1880  }
0x14a: {  	[sflag:s14] =	ssyncset.done $0x0  }
0x14b: {  	[sflag:s14] =	ssyncadd.s32 $0xFFFFE780  }
0x14c: {  	[tilespmem:s13], [sflag:$0x4] =	stream.linear.gather [spmem:s9], $0x1880, $0x38;
	[tilespmem:$0x1F080] =	vst v63  }
0x14d: {  	_ =	swait.ge [sflag:s14], $0x1880  }
0x14e: {  	[sflag:s14] =	ssyncset.done $0x0  }
0x14f: {  	s29 =	rddreg [dreg:$0x13];
	[sflag:s14] =	ssyncadd.s32 $0xFFFFE780  }
0x150: {  	[hbm4b:s29+s3] =	stream.linear.scatter [tilespmem:s13], [sflag:$0x4], $0x1880, $0x38;
	[tilespmem:$0x1F080] =	vst v63  }
0x151: {  	_ =	swait.ge [sflag:s14], $0x1880  }
0x152: {  	s30 =	sld [smem:$0x7FD];
	_ =	sdelay $0x1  }
0x153: {  	s28 =	sadd.s32 $0x1, s28  }
0x154: {  	p0 =	sne.s32 s28, s30  }
.Ltmp2:
0x155: {  	_ = 	snop;
	(pc) =	sbr.rel @p0 .LBB2_1-.Ltmp2, $3  }
0x156: {  	_ =	sdelay $0x1  }
0x157: {  	[sflag:s14] =	ssyncset.done $0x0  }
0x158: {  	[sflag:s14] =	ssyncadd.s32 $0xFFFFE780  }
0x159: {  	_ =	sfence.sel $0x180000  }
0x15a: {  	[bflag:$0x0] =	sbarrier.arrive $0xFFFF  }
0x15b: {  	_ =	strace $0x90000047  }
0x15c: {  	s0 =	stileid.u32;
	[bflag:$0x2] =	sbarrier.arrive $0xFFFF  }
0x15d: {  	p0 =	sne.s32 s0, $0x0;
	s0 =	rddreg [dreg:$0x2]  }
0x15e: {  	s0 =	sadd.s32 @!p0 $0x100000, s0  }
0x15f: {  	[sflag:s0] =	ssyncadd.tile.s32 @!p0 $0x1;
	_ =	shalt  }
.Lfunc_end2:
_tile_overlayer_lowered:
.L_overlay_start_2:
0x160: {  	(tag) =	ssettag $0x2  }
0x161: {  	s0 =	rddreg [dreg:$0x0];
	s2 =	stileid.u32  }
0x162: {  	s1 =	rddreg [dreg:$0x1];
	p0 =	sne.s32 s2, $0x0  }
0x163: {  	s3 =	rddreg [dreg:$0x2];
	[bflag:$0x3] =	sbarrier.arrive $0xFFFF;
	s2 =	simm.s32 @!p0 $0x1C04  }
0x164: {  	[timem:s3], [sflag:s2] =	dma.local @!p0 [hbm:s0], s1  }
0x165: {  	s0 =	simm.s32 @!p0 $0x4  }
0x166: {  	_ =	swait.ge @!p0 [sflag:s0], s1  }
0x167: {  	s1 =	ssub.s32 @!p0 $0x0, s1;
	[sflag:s0] =	ssyncset.done @!p0 $0x0  }
0x168: {  	[sflag:s0] =	ssyncadd.s32 @!p0 s1  }
0x169: {  	[bflag:$0x3] =	sbarrier.arrive $0xFFFF  }
0x16a: {  	_ =	shalt  }

// kernel: kernel.9.cloned.1.call-start
scs
__scs_entry_jumppad:
0x0: {  	(pc) =	sbr.rel $0x88, $3  }
0x1: {  	(tag) =	ssettag $0x0;
	lr =	simm.s32 $0x1  }
0x2: {  	[smem:$0x3F94] =	sst lr;
	_ =	strace $0xD0000000  }
0x3: {  	_ = 	snop  }
0x4: {  	_ = 	snop  }
0x5: {  	_ = 	snop  }
0x6: {  	_ = 	snop  }
0x7: {  	_ = 	snop  }
__scs_overlays_trampoline_lowered:
0x8: {  	[smem:$0x3FA3] =	sst s0  }
0x9: {  	[smem:$0x3FA4] =	sst s1  }
0xa: {  	[smem:$0x3FA5] =	sst s2  }
0xb: {  	[smem:$0x3FA6] =	sst s3  }
0xc: {  	[smem:$0x3FA7] =	sst s4  }
0xd: {  	[smem:$0x3FA8] =	sst s5  }
0xe: {  	[smem:$0x3FA9] =	sst s6  }
0xf: {  	[smem:$0x3FAA] =	sst s7  }
0x10: {  	[smem:$0x3FAB] =	sst s8  }
0x11: {  	[smem:$0x3FAC] =	sst s9;
	s0 =	simm.s32 @!p0 $0x0  }
0x12: {  	s1 =	sld [smem:$0x3F92];
	s0 =	simm.s32 @p0 $0x1  }
0x13: {  	[smem:$0x3FAD] =	sst s0;
	s0 =	simm.s32 @!p1 $0x0  }
0x14: {  	s2 =	sld [smem:$0x3F91];
	s0 =	simm.s32 @p1 $0x1  }
0x15: {  	[smem:$0x3FAE] =	sst s0;
	s0 =	simm.s32 @!p2 $0x0  }
0x16: {  	s3 =	sld [smem:$0x3FDB];
	s0 =	simm.s32 @p2 $0x1  }
0x17: {  	s4 =	simm.s32 $0x1BF5;
	[smem:$0x3FB0] =	sst s0  }
0x18: {  	s0 =	sld [smem:$0x3F93];
	_ =	swait.ge [sflag:s4], $0x0  }
0x19: {  	s7 =	sld [smem:$0x3F94]  }
0x1a: {  	s8 =	sadd.s32 $0xFFFFE003, lr  }
0x1b: {  	s9 =	sadd.s32 $0xFFFFFEF7, lr;
	s5 =	simm.s32 $0xFFFFFFFF;
	p2 =	slt.u32 s8, $0xFFFFF086  }
0x1c: {  	p1 =	slt.u32 s9, $0xF7A;
	s5 =	simm.s32 @!p2 $0x0  }
0x1d: {  	s5 =	simm.s32 @p1 $0x1;
	p0 =	seq.s32 s7, s2  }
0x1e: {  	s7 =	smul.u32 @!p0 $0xF7A, s2;
	p2 =	seq.s32 @!p0 s5, $0x0  }
0x1f: {  	s9 =	smul.u32 $0xF7A, s1;
	s8 =	simm.s32 @!p0 $0x1BF5;
	p2 =	por !p2, p0  }
0x20: {  	[sflag:s8] =	ssyncset.s32 @!p0 $0xFFFFF086;
	s6 =	sadd.s32 @!p0 s3, s7;
	s7 =	simm.s32 @!p0 $0x108  }
0x21: {  	s3 =	sadd.s32 s3, s9;
	s6 =	sadd.s32 @!p0 $0x88, s6;
	s7 =	simm.s32 @p2 $0x1082  }
0x22: {  	[simem:s7], [sflag:s8] =	dma.local @!p0 [hbm:s6], $0xF7A  }
0x23: {  	s9 =	sor.u32 $0xD0000000, s2;
	s6 =	simm.s32 $0x108;
	_ =	swait.ge @!p0 [sflag:s8], $0x0  }
0x24: {  	s3 =	sadd.s32 $0x88, s3;
	s6 =	simm.s32 @!p1 $0x1082;
	[sflag:s4] =	ssyncset.s32 $0xFFFFF086  }
0x25: {  	[simem:s6], [sflag:s4] =	dma.local [hbm:s3], $0xF7A  }
0x26: {  	[smem:$0x3F94] =	sst s1;
	(tag) =	ssettag s2;
	_ =	strace s9  }
0x27: {  	s1 =	sld [smem:$0x3FA4]  }
0x28: {  	s2 =	sld [smem:$0x3FA5]  }
0x29: {  	s4 =	sld [smem:$0x3FA7]  }
0x2a: {  	p0 =	seq.s32 s5, $0x0;
	s5 =	sld [smem:$0x3FA8]  }
0x2b: {  	s6 =	sld [smem:$0x3FA9]  }
0x2c: {  	s7 =	sld [smem:$0x3FAA]  }
0x2d: {  	s3 =	simm.s32 $0x108;
	s8 =	sld [smem:$0x3FAB]  }
0x2e: {  	s3 =	simm.s32 @!p0 $0x1082;
	s9 =	sld [smem:$0x3FAC]  }
0x2f: {  	lr =	sadd.s32 s0, s3;
	s0 =	sld [smem:$0x3FA3]  }
0x30: {  	s3 =	sld [smem:$0x3FA6]  }
0x31: {  	[smem:$0x3FAF] =	sst s10  }
0x32: {  	s10 =	sld [smem:$0x3FAD];
	_ =	sdelay $0x3  }
0x33: {  	p0 =	seq.s32 s10, $0x1;
	s10 =	sld [smem:$0x3FAF];
	_ =	sdelay $0x3  }
0x34: {  	[smem:$0x3FAF] =	sst s10  }
0x35: {  	s10 =	sld [smem:$0x3FAE];
	_ =	sdelay $0x3  }
0x36: {  	p1 =	seq.s32 s10, $0x1;
	s10 =	sld [smem:$0x3FAF];
	_ =	sdelay $0x3  }
0x37: {  	[smem:$0x3FAF] =	sst s10  }
0x38: {  	s10 =	sld [smem:$0x3FB0]  }
0x39: {  	_ = 	snop;
	(pc) =	sbr.ind lr, $3  }
0x3a: {  	_ = 	snop  }
0x3b: {  	_ = 	snop  }
0x3c: {  	p2 =	seq.s32 s10, $0x1;
	s10 =	sld [smem:$0x3FAF]  }
0x3d: {  	_ =	shalt  }
0x3e: {  	_ =	shalt  }
0x3f: {  	_ =	shalt  }
0x40: {  	_ =	shalt  }
0x41: {  	_ =	shalt  }
0x42: {  	_ =	shalt  }
0x43: {  	_ =	shalt  }
0x44: {  	_ =	shalt  }
0x45: {  	_ =	shalt  }
0x46: {  	_ =	shalt  }
0x47: {  	_ =	shalt  }
0x48: {  	_ =	shalt  }
0x49: {  	_ =	shalt  }
0x4a: {  	_ =	shalt  }
0x4b: {  	_ =	shalt  }
0x4c: {  	_ =	shalt  }
0x4d: {  	_ =	shalt  }
0x4e: {  	_ =	shalt  }
0x4f: {  	_ =	shalt  }
0x50: {  	_ =	shalt  }
0x51: {  	_ =	shalt  }
0x52: {  	_ =	shalt  }
0x53: {  	_ =	shalt  }
0x54: {  	_ =	shalt  }
0x55: {  	_ =	shalt  }
0x56: {  	_ =	shalt  }
0x57: {  	_ =	shalt  }
0x58: {  	_ =	shalt  }
0x59: {  	_ =	shalt  }
0x5a: {  	_ =	shalt  }
0x5b: {  	_ =	shalt  }
0x5c: {  	_ =	shalt  }
0x5d: {  	_ =	shalt  }
0x5e: {  	_ =	shalt  }
0x5f: {  	_ =	shalt  }
0x60: {  	_ =	shalt  }
0x61: {  	_ =	shalt  }
0x62: {  	_ =	shalt  }
0x63: {  	_ =	shalt  }
0x64: {  	_ =	shalt  }
0x65: {  	_ =	shalt  }
0x66: {  	_ =	shalt  }
0x67: {  	_ =	shalt  }
0x68: {  	_ =	shalt  }
0x69: {  	_ =	shalt  }
0x6a: {  	_ =	shalt  }
0x6b: {  	_ =	shalt  }
0x6c: {  	_ =	shalt  }
0x6d: {  	_ =	shalt  }
0x6e: {  	_ =	shalt  }
0x6f: {  	_ =	shalt  }
0x70: {  	_ =	shalt  }
0x71: {  	_ =	shalt  }
0x72: {  	_ =	shalt  }
0x73: {  	_ =	shalt  }
0x74: {  	_ =	shalt  }
0x75: {  	_ =	shalt  }
0x76: {  	_ =	shalt  }
0x77: {  	_ =	shalt  }
0x78: {  	_ =	shalt  }
0x79: {  	_ =	shalt  }
0x7a: {  	_ =	shalt  }
0x7b: {  	_ =	shalt  }
0x7c: {  	_ =	shalt  }
0x7d: {  	_ =	shalt  }
0x7e: {  	_ =	shalt  }
0x7f: {  	_ =	shalt  }
0x80: {  	_ =	shalt  }
0x81: {  	_ =	shalt  }
0x82: {  	_ =	shalt  }
0x83: {  	_ =	shalt  }
0x84: {  	_ =	shalt  }
0x85: {  	_ =	shalt  }
0x86: {  	_ =	shalt  }
0x87: {  	_ =	shalt  }
.Lfunc_end0:
.L_simem_size_0:
called_computation.1_lowered:
.L_overlay_start_0:
0x88: {  	s2 =	sld [smem:$0x3FD9]  }
0x89: {  	s3 =	sld [smem:$0x3FFE];
	_ =	sdelay $0x1  }
0x8a: {  	s1 =	srdreg.scid  }
0x8b: {  	s0 =	sand.u32 $0x1, s1  }
0x8c: {  	s16 =	sshll.u32 s0, $0xA;
	s2 =	sadd.s32 s3, s2  }
0x8d: {  	s2 =	sadd.s32 s2, s16  }
0x8e: {  	[smem:$0x3FBB] =	sst s2  }
0x8f: {  	_ = 	snop  }
0x90: {  	(tm) =	ssettm $0x1  }
0x91: {  	s17 =	sld [smem:$0x3FFB];
	_ =	sdelay $0x3  }
0x92: {  	_ =	strace s17  }
0x93: {  	s2 =	sld [smem:$0x3FFC];
	_ =	sdelay $0x3  }
0x94: {  	_ =	strace s2  }
0x95: {  	s2 =	sld [smem:$0x3FFD];
	_ =	sdelay $0x3  }
0x96: {  	_ =	strace s2  }
0x97: {  	_ =	strace $0x8FFFFFFF  }
0x98: {  	s18 =	sld [smem:$0x3FDB];
	_ =	sdelay $0x1  }
0x99: {  	s19 =	simm.s32 $_scs_section_size  }
0x9a: {  	s4 =	simm.s32 $_size__tile_overlayer_lowered;
	s5 =	simm.s32 $_tile_overlayer_lowered  }
0x9b: {  	s22 =	simm.s32 $0x1BFF;
	s21 =	sshll.u32 s5, $0x1;
	s2 =	sadd.s32 s19, s18  }
0x9c: {  	s6 =	simm.s32 $0x0;
	s20 =	sshll.u32 s4, $0x1;
	s4 =	sadd.s32 s21, s2  }
0x9d: {  	[timem:s6], [sflag:s22] =	dma.local [hbm:s4], s20  }
0x9e: {  	_ =	swait.ge [sflag:s22], s20  }
0x9f: {  	s3 =	ssub.s32 $0x0, s20;
	[sflag:s22] =	ssyncset.done $0x0  }
0xa0: {  	[sflag:s22] =	ssyncadd.s32 s3;
	_ =	sdelay $0x1  }
0xa1: {  	s23 =	simm.s32 $0x1B8B  }
0xa2: {  	_ =	swait.ge [sflag:s23], $0x1  }
0xa3: {  	[sflag:s23] =	ssyncset.done $0x0  }
0xa4: {  	s25 =	simm.s32 $0x1B8E;
	s24 =	sld [smem:$0x3FFE];
	[sflag:s23] =	ssyncadd.s32 $0xFFFFFFFF  }
0xa5: {  	s26 =	simm.s32 $execute0_lowered;
	[smem:$0x3FD2] =	sst s25  }
0xa6: {  	s4 =	sshll.u32 s26, $0x1;
	_ =	strace $0x80000049;
	[dreg:$0x1] =	wrdreg $0xFFFFFFFF  }
0xa7: {  	s28 =	simm.s32 $_size_execute0_lowered;
	s2 =	sadd.s32 s2, s4;
	[dreg:$0x0] =	wrdreg $0x0  }
0xa8: {  	s4 =	sshll.u32 s28, $0x1;
	[dreg:$0x2] =	wrdreg s2  }
0xa9: {  	[dreg:$0x3] =	wrdreg s4  }
0xaa: {  	[dreg:$0x4] =	wrdreg $0xC0  }
0xab: {  	_ =	task [dreg:s6], $0x5FFFF  }
0xac: {  	[dreg:$0x1] =	wrdreg $0xFFFFFFFF  }
0xad: {  	[dreg:$0x0] =	wrdreg $0x60  }
0xae: {  	[dreg:$0x2] =	wrdreg s24  }
0xaf: {  	[dreg:$0x3] =	wrdreg $0x0  }
0xb0: {  	[dreg:$0x4] =	wrdreg $0x9  }
0xb1: {  	_ =	task.clear_ibuf [dreg:s6], $0x5FFFF;
	_ =	strace $0x90000049  }
0xb2: {  	s29 =	simm.s32 $0x9;
	_ =	strace $0x8000004B  }
0xb3: {  	_ =	swait.ge [sflag:s29], $0x1  }
0xb4: {  	[sflag:s29] =	ssyncadd.s32 $0xFFFFFFFF  }
0xb5: {  	_ =	strace $0x9000004B  }
0xb6: {  	_ =	sfence  }
0xb7: {  	s30 =	sld [smem:$0x0];
	_ =	sdelay $0x2  }
0xb8: {  	s31 =	sshll.u32 s1, $0xD;
	s1 =	sshrl.u32 s1, $0x2  }
0xb9: {  	s3 =	sand.u32 $0x4000, s31;
	s1 =	sadd.s32 s1, s30  }
0xba: {  	s0 =	sor.u32 s3, s0;
	s1 =	sshll.u32 s1, $0x11  }
0xbb: {  	s0 =	sor.u32 s1, s0  }
0xbc: {  	s0 =	sadd.s32 $0x8F2B, s0  }
0xbd: {  	[sflag:s0] =	ssyncadd.remote.s32 $0x1  }
0xbe: {  	_ =	sfence.sel $0xFFFF  }
0xbf: {  	[dreg:$0x0] =	wrdreg $0xFFFFFFFF;
	(pc) =	sbr.abs _section_cstart, $3  }
0xc0: {  	[dreg:$0x1] =	wrdreg $0xFFFFFFFF  }
0xc1: {  	_ =	task.clear_ibuf [dreg:s6], $0x2FFFF;
	_ =	strace $0x9FFFFFFF  }
0xc2: {  	(tm) =	ssettm $0x7FFFFFFF  }
0xc3: {  	_ =	shalt  }
tec
execute0_lowered:
.L_overlay_start_1:
0x0: {  	(tag) =	ssettag $0x1  }
0x1: {  	s1 =	rddreg [dreg:$0x0]  }
0x2: {  	s3 =	rddreg [dreg:$0x1]  }
0x3: {  	s0 =	srdreg.scid;
	s4 =	simm.s32 $0x0;
	s17 =	stileid.u32  }
0x4: {  	s28 =	simm.s32 $0x4;
	s31 =	simm.s32 $0x1;
	s29 =	simm.s32 $0x2900  }
0x5: {  	s30 =	simm.s32 $0x2980;
	s0 =	sand.u32 $0x1, s0;
	s5 =	smul.u32 $0x1880, s17  }
0x6: {  	[smem:$0x7FF] =	sst s4;
	s7 =	sadd.s32 $0x3200, s1;
	s10 =	smul.u32 $0x18800, s0  }
0x7: {  	s2 =	ssub.s32 $0x2, s0;
	_ =	strace $0x8000004A;
	s26 =	smul.u32 $0xC4000, s0  }
0x8: {  	s0 =	sshll.u32 s0, $0x4;
	s6 =	sshrl.u32 s2, $0x1;
	s8 =	sadd.s32 $0x620, s5  }
0x9: {  	s9 =	sadd.s32 $0x930, s5;
	s11 =	sadd.s32 $0xC40, s5;
	s12 =	sadd.s32 $0xF50, s5  }
0xa: {  	s21 =	sadd.s32 $0x1260, s5;
	s22 =	sadd.s32 $0x1570, s5;
	s0 =	sor.u32 s17, s0  }
0xb: {  	s2 =	ssub.s32 s2, s6;
	s6 =	sadd.s32 $0x310, s5;
	s13 =	sadd.s32 s5, s10  }
0xc: {  	s15 =	sadd.s32 s10, s8;
	s18 =	sadd.s32 s10, s9;
	s19 =	sadd.s32 s10, s11  }
0xd: {  	s20 =	sadd.s32 s10, s12;
	s25 =	sadd.s32 s10, s21;
	s0 =	smul.u32 $0x1880, s0  }
0xe: {  	s14 =	sadd.s32 s10, s6;
	s13 =	sshrl.u32 s13, $0x3;
	s16 =	sshrl.u32 s15, $0x3  }
0xf: {  	s24 =	sshrl.u32 s20, $0x3;
	s10 =	sadd.s32 s10, s22;
	s15 =	sadd.s32 s12, s3  }
0x10: {  	s20 =	sadd.s32 s22, s3;
	s12 =	simm.s32 $0x0;
	[dreg:$0xc] =	wrdreg s15  }
0x11: {  	s14 =	sshrl.u32 s14, $0x3;
	s13 =	sadd.s32 s7, s13;
	[dreg:$0xe] =	wrdreg s20  }
0x12: {  	s10 =	sshrl.u32 s10, $0x3;
	[dreg:$0x4] =	wrdreg s13;
	s14 =	sadd.s32 s7, s14  }
0x13: {  	s13 =	sadd.s32 s7, s16;
	s16 =	smul.u32 $0xC400, s17;
	[dreg:$0x5] =	wrdreg s14  }
0x14: {  	s17 =	sadd.s32 s6, s3;
	s6 =	simm.s32 $0x2A80;
	[dreg:$0x6] =	wrdreg s13  }
0x15: {  	s13 =	sshrl.u32 s18, $0x3;
	s14 =	sshrl.u32 s19, $0x3;
	s19 =	sadd.s32 s21, s3  }
0x16: {  	s13 =	sadd.s32 s7, s13;
	s23 =	sadd.s32 s7, s14;
	s14 =	sshrl.u32 s25, $0x3  }
0x17: {  	s18 =	sadd.s32 s16, s26;
	s16 =	sadd.s32 s5, s3;
	s25 =	sadd.s32 s11, s3  }
0x18: {  	s26 =	smax.u32 s2, $0x1;
	s2 =	simm.s32 $0x2880;
	[dreg:$0xd] =	wrdreg s19  }
0x19: {  	s5 =	simm.s32 $0x2A00;
	s11 =	simm.s32 $0x3;
	[dreg:$0x7] =	wrdreg s13  }
0x1a: {  	[dreg:$0x8] =	wrdreg s23;
	s13 =	sadd.s32 s7, s24;
	s14 =	sadd.s32 s7, s14  }
0x1b: {  	s7 =	sadd.s32 s7, s10;
	s23 =	sadd.s32 s8, s3;
	[dreg:$0x11] =	wrdreg s26  }
0x1c: {  	s24 =	sadd.s32 s9, s3;
	s21 =	sadd.s32 $0x400, s18;
	[dreg:$0x9] =	wrdreg s13  }
0x1d: {  	s26 =	simm.s32 $0x2C80;
	s8 =	simm.s32 $0x2B80;
	[dreg:$0xa] =	wrdreg s14  }
0x1e: {  	s9 =	simm.s32 $0x2C00;
	[dreg:$0xb] =	wrdreg s7;
	s13 =	sadd.s32 $0x62E00, s1  }
0x1f: {  	s14 =	sadd.s32 $0x31E00, s1;
	[dreg:$0x3] =	wrdreg s21;
	s22 =	sadd.s32 s13, s0  }
0x20: {  	s10 =	simm.s32 $0x2;
	s0 =	sadd.s32 s14, s0;
	[dreg:$0xf] =	wrdreg s22  }
0x21: {  	v0 =	vimm.f32 $0.0e+00;
	s7 =	simm.s32 $0x2B00;
	[dreg:$0x10] =	wrdreg s0;
	s0 =	simm.s32 $0x80  }
.LBB2_1:
0x22: {  	[tilespmem:$0x2C80] =	vst v0  }
0x23: {  	[tilespmem:$0x2C90] =	vst v0  }
0x24: {  	[tilespmem:$0x2CA0] =	vst v0  }
0x25: {  	[tilespmem:$0x2CB0] =	vst v0  }
0x26: {  	[tilespmem:$0x2CC0] =	vst v0  }
0x27: {  	[tilespmem:$0x2CD0] =	vst v0  }
0x28: {  	[tilespmem:$0x2CE0] =	vst v0  }
0x29: {  	[tilespmem:$0x2CF0] =	vst v0  }
0x2a: {  	[tilespmem:$0x2D00] =	vst v0  }
0x2b: {  	[tilespmem:$0x2D10] =	vst v0  }
0x2c: {  	[tilespmem:$0x2D20] =	vst v0  }
0x2d: {  	[tilespmem:$0x2D30] =	vst v0  }
0x2e: {  	[tilespmem:$0x2D40] =	vst v0  }
0x2f: {  	[tilespmem:$0x2D50] =	vst v0  }
0x30: {  	[tilespmem:$0x2D60] =	vst v0  }
0x31: {  	[tilespmem:$0x2D70] =	vst v0  }
0x32: {  	[tilespmem:$0x2D80] =	vst v0  }
0x33: {  	[tilespmem:$0x2D90] =	vst v0  }
0x34: {  	[tilespmem:$0x2DA0] =	vst v0  }
0x35: {  	[tilespmem:$0x2DB0] =	vst v0  }
0x36: {  	[tilespmem:$0x2DC0] =	vst v0  }
0x37: {  	[tilespmem:$0x2DD0] =	vst v0  }
0x38: {  	[tilespmem:$0x2DE0] =	vst v0  }
0x39: {  	[tilespmem:$0x2DF0] =	vst v0  }
0x3a: {  	[tilespmem:$0x2E00] =	vst v0  }
0x3b: {  	[tilespmem:$0x2E10] =	vst v0  }
0x3c: {  	[tilespmem:$0x2E20] =	vst v0  }
0x3d: {  	[tilespmem:$0x2E30] =	vst v0  }
0x3e: {  	[tilespmem:$0x2E40] =	vst v0  }
0x3f: {  	[tilespmem:$0x2E50] =	vst v0  }
0x40: {  	[tilespmem:$0x2E60] =	vst v0  }
0x41: {  	[tilespmem:$0x2E70] =	vst v0  }
0x42: {  	[tilespmem:$0x2E80] =	vst v0  }
0x43: {  	[tilespmem:$0x2E90] =	vst v0  }
0x44: {  	[tilespmem:$0x2EA0] =	vst v0  }
0x45: {  	[tilespmem:$0x2EB0] =	vst v0  }
0x46: {  	[tilespmem:$0x2EC0] =	vst v0  }
0x47: {  	[tilespmem:$0x2ED0] =	vst v0  }
0x48: {  	[tilespmem:$0x2EE0] =	vst v0  }
0x49: {  	[tilespmem:$0x2EF0] =	vst v0  }
0x4a: {  	[tilespmem:$0x2F00] =	vst v0  }
0x4b: {  	[tilespmem:$0x2F10] =	vst v0  }
0x4c: {  	[tilespmem:$0x2F20] =	vst v0  }
0x4d: {  	[tilespmem:$0x2F30] =	vst v0  }
0x4e: {  	[tilespmem:$0x2F40] =	vst v0  }
0x4f: {  	[tilespmem:$0x2F50] =	vst v0  }
0x50: {  	[tilespmem:$0x2F60] =	vst v0  }
0x51: {  	[tilespmem:$0x2F70] =	vst v0  }
0x52: {  	[tilespmem:$0x2F80] =	vst v0  }
0x53: {  	[spmem:s16] =	stream.linear.scatter [tilespmem:s26], [sflag:$0x4], $0x310, $0x38;
	[tilespmem:$0x2F90] =	vst v63  }
0x54: {  	_ =	swait.ge [sflag:s28], $0x310  }
0x55: {  	[sflag:s28] =	ssyncset.done $0x0  }
0x56: {  	[sflag:s28] =	ssyncadd.s32 $0xFFFFFCF0  }
0x57: {  	[spmem:s17] =	stream.linear.scatter [tilespmem:s26], [sflag:$0x4], $0x310, $0x38;
	[tilespmem:$0x2F90] =	vst v63  }
0x58: {  	_ =	swait.ge [sflag:s28], $0x310  }
0x59: {  	[sflag:s28] =	ssyncset.done $0x0  }
0x5a: {  	[sflag:s28] =	ssyncadd.s32 $0xFFFFFCF0  }
0x5b: {  	[spmem:s23] =	stream.linear.scatter [tilespmem:s26], [sflag:$0x4], $0x310, $0x38;
	[tilespmem:$0x2F90] =	vst v63  }
0x5c: {  	_ =	swait.ge [sflag:s28], $0x310  }
0x5d: {  	[sflag:s28] =	ssyncset.done $0x0  }
0x5e: {  	[sflag:s28] =	ssyncadd.s32 $0xFFFFFCF0  }
0x5f: {  	[spmem:s24] =	stream.linear.scatter [tilespmem:s26], [sflag:$0x4], $0x310, $0x38;
	[tilespmem:$0x2F90] =	vst v63  }
0x60: {  	_ =	swait.ge [sflag:s28], $0x310  }
0x61: {  	[sflag:s28] =	ssyncset.done $0x0  }
0x62: {  	[sflag:s28] =	ssyncadd.s32 $0xFFFFFCF0  }
0x63: {  	[spmem:s25] =	stream.linear.scatter [tilespmem:s26], [sflag:$0x4], $0x310, $0x38;
	[tilespmem:$0x2F90] =	vst v63  }
0x64: {  	_ =	swait.ge [sflag:s28], $0x310  }
0x65: {  	[sflag:s28] =	ssyncset.done $0x0  }
0x66: {  	[sflag:s28] =	ssyncadd.s32 $0xFFFFFCF0  }
0x67: {  	[spmem:s15] =	stream.linear.scatter [tilespmem:s26], [sflag:$0x4], $0x310, $0x38;
	[tilespmem:$0x2F90] =	vst v63  }
0x68: {  	_ =	swait.ge [sflag:s28], $0x310  }
0x69: {  	[sflag:s28] =	ssyncset.done $0x0  }
0x6a: {  	s18 =	smov.u32 s16;
	s16 =	smov.u32 s19;
	[sflag:s28] =	ssyncadd.s32 $0xFFFFFCF0  }
0x6b: {  	[spmem:s16] =	stream.linear.scatter [tilespmem:s26], [sflag:$0x4], $0x310, $0x38;
	[tilespmem:$0x2F90] =	vst v63  }
0x6c: {  	_ =	swait.ge [sflag:s28], $0x310  }
0x6d: {  	[sflag:s28] =	ssyncset.done $0x0  }
0x6e: {  	s19 =	smov.u32 s17;
	s17 =	smov.u32 s20;
	[sflag:s28] =	ssyncadd.s32 $0xFFFFFCF0  }
0x6f: {  	[spmem:s17] =	stream.linear.scatter [tilespmem:s26], [sflag:$0x4], $0x310, $0x38;
	[tilespmem:$0x2F90] =	vst v63  }
0x70: {  	_ =	swait.ge [sflag:s28], $0x310  }
0x71: {  	[sflag:s28] =	ssyncset.done $0x0  }
0x72: {  	[sflag:s28] =	ssyncadd.s32 $0xFFFFFCF0  }
0x73: {  	s21 =	smov.u32 s24;
	s22 =	smov.u32 s25;
	[bflag:$0x0] =	sbarrier.arrive $0xFFFF  }
0x74: {  	s20 =	smov.u32 s23;
	s23 =	simm.s32 $0x1880;
	s17 =	rddreg [dreg:$0xf]  }
0x75: {  	[tilespmem:s23], [sflag:$0x1] =	stream.linear.gather [hbm4b:s17+s4], $0x400, $0x38;
	[tilespmem:$0x2F90] =	vst v63  }
0x76: {  	s25 =	simm.s32 $0x2080;
	s24 =	rddreg [dreg:$0x10];
	s23 =	simm.s32 $0x0  }
0x77: {  	[tilespmem:s25], [sflag:$0x1] =	stream.linear.gather [hbm4b:s24+s4], $0x400, $0x38;
	[tilespmem:$0x2F90] =	vst v63  }
.LBB2_2:
0x78: {  	_ =	swait.ge [sflag:s31], $0x400  }
0x79: {  	[sflag:s31] =	ssyncset.done $0x0  }
0x7a: {  	[sflag:s31] =	ssyncadd.s32 $0xFFFFFC00  }
0x7b: {  	_ =	swait.ge [sflag:s31], $0x400  }
0x7c: {  	p0 =	seq.s32 s23, $0xC000;
	s24 =	rddreg [dreg:$0x3]  }
0x7d: {  	s17 =	simm.s32 @!p0 $0x0;
	s25 =	sadd.s32 @!p0 s23, s24  }
0x7e: {  	[sflag:s31] =	ssyncset.done $0x0;
	s24 =	sand.u32 @!p0 $0x400, s23;
	s25 =	sshrl.u32 @!p0 s25, $0x3  }
0x7f: {  	[sflag:s31] =	ssyncadd.s32 $0xFFFFFC00;
	s15 =	sxor.u32 @!p0 $0x1C80, s24;
	s16 =	sadd.s32 @!p0 s13, s25  }
0x80: {  	[tilespmem:s15], [sflag:$0x1] =	stream.linear.gather @!p0 [hbm4b:s16+s17], $0x400, $0x38;
	[tilespmem:$0x2F90] =	vst v63  }
0x81: {  	s15 =	sxor.u32 @!p0 $0x2480, s24;
	s16 =	sadd.s32 @!p0 s14, s25;
	s24 =	simm.s32 @p0 $0x0  }
0x82: {  	[tilespmem:s15], [sflag:$0x1] =	stream.linear.gather @!p0 [hbm4b:s16+s17], $0x400, $0x38;
	[tilespmem:$0x2F90] =	vst v63  }
0x83: {  	s25 =	sadd.s32 $0x1880, s24  }
0x84: {  	[tilespmem:s2], [sflag:$0x2] =	stream.indirect.gather [hbm4b:s1+s0], $0x1, s25, s0, $0xb8;
	[tilespmem:$0x2F90] =	vst v63  }
0x85: {  	s16 =	sadd.s32 $0x1900, s24  }
0x86: {  	[tilespmem:s29], [sflag:$0x2] =	stream.indirect.gather [hbm4b:s1+s0], $0x1, s16, s0, $0xb8;
	[tilespmem:$0x2F90] =	vst v63  }
0x87: {  	s17 =	sadd.s32 $0x1980, s24  }
0x88: {  	[tilespmem:s30], [sflag:$0x2] =	stream.indirect.gather [hbm4b:s1+s0], $0x1, s17, s0, $0xb8;
	[tilespmem:$0x2F90] =	vst v63  }
0x89: {  	s25 =	sadd.s32 $0x1A00, s24  }
0x8a: {  	[tilespmem:s5], [sflag:$0x2] =	stream.indirect.gather [hbm4b:s1+s0], $0x1, s25, s0, $0xb8;
	[tilespmem:$0x2F90] =	vst v63  }
0x8b: {  	s16 =	sadd.s32 $0x1A80, s24  }
0x8c: {  	[tilespmem:s6], [sflag:$0x2] =	stream.indirect.gather [hbm4b:s1+s0], $0x1, s16, s0, $0xb8;
	[tilespmem:$0x2F90] =	vst v63  }
0x8d: {  	s17 =	sadd.s32 $0x1B00, s24  }
0x8e: {  	[tilespmem:s7], [sflag:$0x2] =	stream.indirect.gather [hbm4b:s1+s0], $0x1, s17, s0, $0xb8;
	[tilespmem:$0x2F90] =	vst v63  }
0x8f: {  	s25 =	sadd.s32 $0x1B80, s24  }
0x90: {  	[tilespmem:s8], [sflag:$0x2] =	stream.indirect.gather [hbm4b:s1+s0], $0x1, s25, s0, $0xb8;
	[tilespmem:$0x2F90] =	vst v63  }
0x91: {  	s16 =	sadd.s32 $0x1C00, s24  }
0x92: {  	[tilespmem:s9], [sflag:$0x2] =	stream.indirect.gather [hbm4b:s1+s0], $0x1, s16, s0, $0xb8;
	[tilespmem:$0x2F90] =	vst v63  }
0x93: {  	_ =	swait.ge [sflag:s10], $0x80  }
0x94: {  	[sflag:s10] =	ssyncset.done $0x0  }
0x95: {  	s17 =	sadd.s32 $0x2080, s24;
	[sflag:s10] =	ssyncadd.s32 $0xFFFFFF80;
	(ifvalue) =	ssetifvalue $0xFFFFFFFF  }
0x96: {  	[spmem:s3] =	stream.indirect.scatter.add.f32 [tilespmem:s2], [sflag:$0x3], $0x1, s17, s0, $0x40b8;
	[tilespmem:$0x2F90] =	vst v63  }
0x97: {  	_ =	swait.ge [sflag:s10], $0x80  }
0x98: {  	[sflag:s10] =	ssyncset.done $0x0  }
0x99: {  	s25 =	sadd.s32 $0x2100, s24;
	[sflag:s10] =	ssyncadd.s32 $0xFFFFFF80;
	(ifvalue) =	ssetifvalue $0xFFFFFFFF  }
0x9a: {  	[spmem:s3] =	stream.indirect.scatter.add.f32 [tilespmem:s29], [sflag:$0x3], $0x1, s25, s0, $0x40b8;
	[tilespmem:$0x2F90] =	vst v63  }
0x9b: {  	_ =	swait.ge [sflag:s10], $0x80  }
0x9c: {  	[sflag:s10] =	ssyncset.done $0x0  }
0x9d: {  	s16 =	sadd.s32 $0x2180, s24;
	[sflag:s10] =	ssyncadd.s32 $0xFFFFFF80;
	(ifvalue) =	ssetifvalue $0xFFFFFFFF  }
0x9e: {  	[spmem:s3] =	stream.indirect.scatter.add.f32 [tilespmem:s30], [sflag:$0x3], $0x1, s16, s0, $0x40b8;
	[tilespmem:$0x2F90] =	vst v63  }
0x9f: {  	_ =	swait.ge [sflag:s10], $0x80  }
0xa0: {  	[sflag:s10] =	ssyncset.done $0x0  }
0xa1: {  	s17 =	sadd.s32 $0x2200, s24;
	[sflag:s10] =	ssyncadd.s32 $0xFFFFFF80;
	(ifvalue) =	ssetifvalue $0xFFFFFFFF  }
0xa2: {  	[spmem:s3] =	stream.indirect.scatter.add.f32 [tilespmem:s5], [sflag:$0x3], $0x1, s17, s0, $0x40b8;
	[tilespmem:$0x2F90] =	vst v63  }
0xa3: {  	_ =	swait.ge [sflag:s10], $0x80  }
0xa4: {  	[sflag:s10] =	ssyncset.done $0x0  }
0xa5: {  	s25 =	sadd.s32 $0x2280, s24;
	[sflag:s10] =	ssyncadd.s32 $0xFFFFFF80;
	(ifvalue) =	ssetifvalue $0xFFFFFFFF  }
0xa6: {  	[spmem:s3] =	stream.indirect.scatter.add.f32 [tilespmem:s6], [sflag:$0x3], $0x1, s25, s0, $0x40b8;
	[tilespmem:$0x2F90] =	vst v63  }
0xa7: {  	_ =	swait.ge [sflag:s10], $0x80  }
0xa8: {  	[sflag:s10] =	ssyncset.done $0x0  }
0xa9: {  	s16 =	sadd.s32 $0x2300, s24;
	[sflag:s10] =	ssyncadd.s32 $0xFFFFFF80;
	(ifvalue) =	ssetifvalue $0xFFFFFFFF  }
0xaa: {  	[spmem:s3] =	stream.indirect.scatter.add.f32 [tilespmem:s7], [sflag:$0x3], $0x1, s16, s0, $0x40b8;
	[tilespmem:$0x2F90] =	vst v63  }
0xab: {  	_ =	swait.ge [sflag:s10], $0x80  }
0xac: {  	[sflag:s10] =	ssyncset.done $0x0  }
0xad: {  	s17 =	sadd.s32 $0x2380, s24;
	[sflag:s10] =	ssyncadd.s32 $0xFFFFFF80;
	(ifvalue) =	ssetifvalue $0xFFFFFFFF  }
0xae: {  	[spmem:s3] =	stream.indirect.scatter.add.f32 [tilespmem:s8], [sflag:$0x3], $0x1, s17, s0, $0x40b8;
	[tilespmem:$0x2F90] =	vst v63  }
0xaf: {  	_ =	swait.ge [sflag:s10], $0x80  }
0xb0: {  	[sflag:s10] =	ssyncset.done $0x0  }
0xb1: {  	s25 =	sadd.s32 $0x2400, s24;
	[sflag:s10] =	ssyncadd.s32 $0xFFFFFF80;
	(ifvalue) =	ssetifvalue $0xFFFFFFFF  }
0xb2: {  	[spmem:s3] =	stream.indirect.scatter.add.f32 [tilespmem:s9], [sflag:$0x3], $0x1, s25, s0, $0x40b8;
	[tilespmem:$0x2F90] =	vst v63  }
0xb3: {  	_ =	swait.ge [sflag:s11], $0x80  }
0xb4: {  	[sflag:s11] =	ssyncset.done $0x0  }
0xb5: {  	[sflag:s11] =	ssyncadd.s32 $0xFFFFFF80  }
0xb6: {  	_ =	swait.ge [sflag:s11], $0x80  }
0xb7: {  	[sflag:s11] =	ssyncset.done $0x0  }
0xb8: {  	[sflag:s11] =	ssyncadd.s32 $0xFFFFFF80  }
0xb9: {  	_ =	swait.ge [sflag:s11], $0x80  }
0xba: {  	[sflag:s11] =	ssyncset.done $0x0  }
0xbb: {  	[sflag:s11] =	ssyncadd.s32 $0xFFFFFF80  }
0xbc: {  	_ =	swait.ge [sflag:s11], $0x80  }
0xbd: {  	[sflag:s11] =	ssyncset.done $0x0  }
0xbe: {  	[sflag:s11] =	ssyncadd.s32 $0xFFFFFF80  }
0xbf: {  	_ =	swait.ge [sflag:s11], $0x80  }
0xc0: {  	[sflag:s11] =	ssyncset.done $0x0  }
0xc1: {  	[sflag:s11] =	ssyncadd.s32 $0xFFFFFF80  }
0xc2: {  	_ =	swait.ge [sflag:s11], $0x80  }
0xc3: {  	[sflag:s11] =	ssyncset.done $0x0  }
0xc4: {  	s23 =	sadd.s32 $0x400, s23;
	[sflag:s11] =	ssyncadd.s32 $0xFFFFFF80  }
0xc5: {  	p0 =	sne.s32 s23, $0xC400;
	_ =	swait.ge [sflag:s11], $0x80  }
.Ltmp0:
0xc6: {  	[sflag:s11] =	ssyncset.done $0x0;
	(pc) =	sbr.rel @p0 .LBB2_2-.Ltmp0, $4  }
0xc7: {  	[sflag:s11] =	ssyncadd.s32 $0xFFFFFF80  }
0xc8: {  	_ =	swait.ge [sflag:s11], $0x80  }
0xc9: {  	[sflag:s11] =	ssyncset.done $0x0  }
0xca: {  	[sflag:s11] =	ssyncadd.s32 $0xFFFFFF80  }
0xcb: {  	[bflag:$0x0] =	sbarrier.arrive $0xFFFF  }
0xcc: {  	[tilespmem:s26], [sflag:$0x4] =	stream.linear.gather [spmem:s18], $0x310, $0x38;
	[tilespmem:$0x2F90] =	vst v63  }
0xcd: {  	_ =	swait.ge [sflag:s28], $0x310  }
0xce: {  	[sflag:s28] =	ssyncset.done $0x0  }
0xcf: {  	s15 =	rddreg [dreg:$0x4];
	[sflag:s28] =	ssyncadd.s32 $0xFFFFFCF0  }
0xd0: {  	[hbm4b:s15+s4] =	stream.linear.scatter [tilespmem:s26], [sflag:$0x4], $0x310, $0x38;
	[tilespmem:$0x2F90] =	vst v63  }
0xd1: {  	_ =	swait.ge [sflag:s28], $0x310  }
0xd2: {  	[sflag:s28] =	ssyncset.done $0x0  }
0xd3: {  	[sflag:s28] =	ssyncadd.s32 $0xFFFFFCF0  }
0xd4: {  	[tilespmem:s26], [sflag:$0x4] =	stream.linear.gather [spmem:s19], $0x310, $0x38;
	[tilespmem:$0x2F90] =	vst v63  }
0xd5: {  	_ =	swait.ge [sflag:s28], $0x310  }
0xd6: {  	[sflag:s28] =	ssyncset.done $0x0  }
0xd7: {  	s16 =	smov.u32 s18;
	s18 =	rddreg [dreg:$0x5];
	[sflag:s28] =	ssyncadd.s32 $0xFFFFFCF0  }
0xd8: {  	[hbm4b:s18+s4] =	stream.linear.scatter [tilespmem:s26], [sflag:$0x4], $0x310, $0x38;
	[tilespmem:$0x2F90] =	vst v63  }
0xd9: {  	_ =	swait.ge [sflag:s28], $0x310  }
0xda: {  	[sflag:s28] =	ssyncset.done $0x0  }
0xdb: {  	[sflag:s28] =	ssyncadd.s32 $0xFFFFFCF0  }
0xdc: {  	[tilespmem:s26], [sflag:$0x4] =	stream.linear.gather [spmem:s20], $0x310, $0x38;
	[tilespmem:$0x2F90] =	vst v63  }
0xdd: {  	_ =	swait.ge [sflag:s28], $0x310  }
0xde: {  	[sflag:s28] =	ssyncset.done $0x0  }
0xdf: {  	s17 =	smov.u32 s19;
	s19 =	rddreg [dreg:$0x6];
	[sflag:s28] =	ssyncadd.s32 $0xFFFFFCF0  }
0xe0: {  	[hbm4b:s19+s4] =	stream.linear.scatter [tilespmem:s26], [sflag:$0x4], $0x310, $0x38;
	[tilespmem:$0x2F90] =	vst v63  }
0xe1: {  	_ =	swait.ge [sflag:s28], $0x310  }
0xe2: {  	[sflag:s28] =	ssyncset.done $0x0  }
0xe3: {  	[sflag:s28] =	ssyncadd.s32 $0xFFFFFCF0  }
0xe4: {  	[tilespmem:s26], [sflag:$0x4] =	stream.linear.gather [spmem:s21], $0x310, $0x38;
	[tilespmem:$0x2F90] =	vst v63  }
0xe5: {  	_ =	swait.ge [sflag:s28], $0x310  }
0xe6: {  	[sflag:s28] =	ssyncset.done $0x0  }
0xe7: {  	s23 =	smov.u32 s20;
	s20 =	rddreg [dreg:$0x7];
	[sflag:s28] =	ssyncadd.s32 $0xFFFFFCF0  }
0xe8: {  	[hbm4b:s20+s4] =	stream.linear.scatter [tilespmem:s26], [sflag:$0x4], $0x310, $0x38;
	[tilespmem:$0x2F90] =	vst v63  }
0xe9: {  	_ =	swait.ge [sflag:s28], $0x310  }
0xea: {  	[sflag:s28] =	ssyncset.done $0x0  }
0xeb: {  	[sflag:s28] =	ssyncadd.s32 $0xFFFFFCF0  }
0xec: {  	[tilespmem:s26], [sflag:$0x4] =	stream.linear.gather [spmem:s22], $0x310, $0x38;
	[tilespmem:$0x2F90] =	vst v63  }
0xed: {  	_ =	swait.ge [sflag:s28], $0x310  }
0xee: {  	[sflag:s28] =	ssyncset.done $0x0  }
0xef: {  	s24 =	smov.u32 s21;
	s21 =	rddreg [dreg:$0x8];
	[sflag:s28] =	ssyncadd.s32 $0xFFFFFCF0  }
0xf0: {  	[hbm4b:s21+s4] =	stream.linear.scatter [tilespmem:s26], [sflag:$0x4], $0x310, $0x38;
	[tilespmem:$0x2F90] =	vst v63  }
0xf1: {  	_ =	swait.ge [sflag:s28], $0x310  }
0xf2: {  	[sflag:s28] =	ssyncset.done $0x0  }
0xf3: {  	s25 =	smov.u32 s22;
	s22 =	rddreg [dreg:$0xc];
	[sflag:s28] =	ssyncadd.s32 $0xFFFFFCF0  }
0xf4: {  	[tilespmem:s26], [sflag:$0x4] =	stream.linear.gather [spmem:s22], $0x310, $0x38;
	[tilespmem:$0x2F90] =	vst v63  }
0xf5: {  	_ =	swait.ge [sflag:s28], $0x310  }
0xf6: {  	[sflag:s28] =	ssyncset.done $0x0  }
0xf7: {  	s19 =	rddreg [dreg:$0x9];
	[sflag:s28] =	ssyncadd.s32 $0xFFFFFCF0  }
0xf8: {  	[hbm4b:s19+s4] =	stream.linear.scatter [tilespmem:s26], [sflag:$0x4], $0x310, $0x38;
	[tilespmem:$0x2F90] =	vst v63  }
0xf9: {  	_ =	swait.ge [sflag:s28], $0x310  }
0xfa: {  	[sflag:s28] =	ssyncset.done $0x0  }
0xfb: {  	s19 =	rddreg [dreg:$0xd];
	[sflag:s28] =	ssyncadd.s32 $0xFFFFFCF0  }
0xfc: {  	[tilespmem:s26], [sflag:$0x4] =	stream.linear.gather [spmem:s19], $0x310, $0x38;
	[tilespmem:$0x2F90] =	vst v63  }
0xfd: {  	_ =	swait.ge [sflag:s28], $0x310  }
0xfe: {  	[sflag:s28] =	ssyncset.done $0x0  }
0xff: {  	s20 =	rddreg [dreg:$0xa];
	[sflag:s28] =	ssyncadd.s32 $0xFFFFFCF0  }
0x100: {  	[hbm4b:s20+s4] =	stream.linear.scatter [tilespmem:s26], [sflag:$0x4], $0x310, $0x38;
	[tilespmem:$0x2F90] =	vst v63  }
0x101: {  	_ =	swait.ge [sflag:s28], $0x310  }
0x102: {  	[sflag:s28] =	ssyncset.done $0x0  }
0x103: {  	s20 =	rddreg [dreg:$0xe];
	[sflag:s28] =	ssyncadd.s32 $0xFFFFFCF0  }
0x104: {  	[tilespmem:s26], [sflag:$0x4] =	stream.linear.gather [spmem:s20], $0x310, $0x38;
	[tilespmem:$0x2F90] =	vst v63  }
0x105: {  	_ =	swait.ge [sflag:s28], $0x310  }
0x106: {  	[sflag:s28] =	ssyncset.done $0x0  }
0x107: {  	s21 =	rddreg [dreg:$0xb];
	[sflag:s28] =	ssyncadd.s32 $0xFFFFFCF0  }
0x108: {  	[hbm4b:s21+s4] =	stream.linear.scatter [tilespmem:s26], [sflag:$0x4], $0x310, $0x38;
	[tilespmem:$0x2F90] =	vst v63  }
0x109: {  	_ =	swait.ge [sflag:s28], $0x310  }
0x10a: {  	s12 =	sadd.s32 $0x1, s12;
	s15 =	smov.u32 s22;
	s22 =	rddreg [dreg:$0x11]  }
0x10b: {  	p0 =	sne.s32 s12, s22  }
.Ltmp1:
0x10c: {  	_ = 	snop;
	(pc) =	sbr.rel @p0 .LBB2_1-.Ltmp1, $3  }
0x10d: {  	_ =	sdelay $0x1  }
0x10e: {  	[sflag:s28] =	ssyncset.done $0x0  }
0x10f: {  	[sflag:s28] =	ssyncadd.s32 $0xFFFFFCF0  }
0x110: {  	_ =	sfence.sel $0x180000  }
0x111: {  	[bflag:$0x0] =	sbarrier.arrive $0xFFFF  }
0x112: {  	_ =	strace $0x9000004A  }
0x113: {  	s0 =	stileid.u32;
	[bflag:$0x2] =	sbarrier.arrive $0xFFFF  }
0x114: {  	p0 =	sne.s32 s0, $0x0;
	s0 =	rddreg [dreg:$0x2]  }
0x115: {  	s0 =	sadd.s32 @!p0 $0x100000, s0  }
0x116: {  	[sflag:s0] =	ssyncadd.tile.s32 @!p0 $0x1;
	_ =	shalt  }
.Lfunc_end2:
_tile_overlayer_lowered:
.L_overlay_start_2:
0x117: {  	(tag) =	ssettag $0x2  }
0x118: {  	s0 =	rddreg [dreg:$0x0];
	s2 =	stileid.u32  }
0x119: {  	s1 =	rddreg [dreg:$0x1];
	p0 =	sne.s32 s2, $0x0  }
0x11a: {  	s3 =	rddreg [dreg:$0x2];
	[bflag:$0x3] =	sbarrier.arrive $0xFFFF;
	s2 =	simm.s32 @!p0 $0x1C04  }
0x11b: {  	[timem:s3], [sflag:s2] =	dma.local @!p0 [hbm:s0], s1  }
0x11c: {  	s0 =	simm.s32 @!p0 $0x4  }
0x11d: {  	_ =	swait.ge @!p0 [sflag:s0], s1  }
0x11e: {  	s1 =	ssub.s32 @!p0 $0x0, s1;
	[sflag:s0] =	ssyncset.done @!p0 $0x0  }
0x11f: {  	[sflag:s0] =	ssyncadd.s32 @!p0 s1  }
0x120: {  	[bflag:$0x3] =	sbarrier.arrive $0xFFFF  }
0x121: {  	_ =	shalt  }

</sc_bundles>
